<compile_context>
chip_gen: v7x
topology: tpu7x:2x2x1
jax: 0.10.2.dev20260603
libtpu: 0.0.44.dev20260713+nightly
codegen_flags: <defaults>
</compile_context>

<pallas_src>
import functools

import jax
import jax.numpy as jnp
from jax import lax
from jax.experimental import pallas as pl
from jax.experimental.pallas import tpu as pltpu
from jax.experimental.pallas import tpu_sc as plsc

_TOKENS = 32
_VOCAB = 1_000_000
_EPS = 1e-10

_NC = 2
_NS = 16
_L = 16

_G = 4
_TPG = 8
_P = 8
_CT = 16
_CHUNK = _CT * 128
_SHARD = 124928
_NCH = _SHARD // _CHUNK
_EPI_OFF = _P * _SHARD
_EPI_FULL = 4
_EPI_REM = 4
_BIG = 2**31 - 1


def _noise_table_body(exp_ref, out_ref):
    out_ref[...] = jnp.log(exp_ref[0, :] + _EPS)


def _make_noise_table(exponential):
    blk = 131072
    grid = (_VOCAB + blk - 1) // blk
    return pl.pallas_call(
        _noise_table_body,
        grid=(grid,),
        in_specs=[pl.BlockSpec((1, blk), lambda i: (0, i))],
        out_specs=pl.BlockSpec((blk,), lambda i: (i,)),
        out_shape=jax.ShapeDtypeStruct((_VOCAB,), jnp.float32),
    )(exponential)


def _update(accs, lbuf, nv, ivk, invts, c):
    for r in range(_TPG):
        m, ix = accs[2 * r], accs[2 * r + 1]
        for k in range(8):
            s = lbuf[r, pl.ds(c * 128 + 16 * k, _L)] * invts[r] - nv[k]
            upd = s > m
            m = jnp.where(upd, s, m)
            ix = jnp.where(upd, ivk[k], ix)
        accs[2 * r], accs[2 * r + 1] = m, ix
    return accs


def _scan_chunk(lbuf, nbuf, invts, base_idx, ntiles, iota, accs):

    def body(c, carry):
        accs = list(carry)
        nv = [nbuf[pl.ds(c * 128 + 16 * k, _L)] for k in range(8)]
        iv0 = iota + (base_idx + c * 128)
        ivk = [iv0 + 16 * k for k in range(8)]
        return tuple(_update(accs, lbuf, nv, ivk, invts, c))

    return list(lax.fori_loop(0, ntiles, body, tuple(accs)))


def _sampler_body(logits, invt, ntab, pval, pidx,
                  lbufA, lbufB, nbufA, nbufB,
                  invt_v, sval, sidx,
                  semLA, semLB, semNA, semNB):
    wid = lax.axis_index("s") * _NC + lax.axis_index("c")
    g = lax.rem(wid, _G)
    p = lax.div(wid, _G)
    rows0 = pl.multiple_of(g * _TPG, _TPG)
    base = p * _SHARD
    iota = lax.iota(jnp.int32, _L)

    pltpu.sync_copy(invt, invt_v)
    invts = [
        plsc.load_gather(invt_v, [jnp.full((_L,), rows0 + r, jnp.int32)])
        for r in range(_TPG)
    ]

    def start(ch, lbuf, nbuf, semL, semN):
        off = pl.multiple_of(base + ch * _CHUNK, 1024)
        pltpu.async_copy(
            logits.at[pl.ds(rows0, _TPG), pl.ds(off, _CHUNK)], lbuf, semL)
        pltpu.async_copy(ntab.at[pl.ds(off, _CHUNK)], nbuf, semN)

    def wait(lbuf, nbuf, semL, semN):
        pltpu.make_async_copy(
            logits.at[pl.ds(0, _TPG), pl.ds(0, _CHUNK)], lbuf, semL).wait()
        pltpu.make_async_copy(ntab.at[pl.ds(0, _CHUNK)], nbuf, semN).wait()

    start(0, lbufA, nbufA, semLA, semNA)
    start(1, lbufB, nbufB, semLB, semNB)

    accs0 = ()
    for _ in range(_TPG):
        accs0 += (jnp.full((_L,), -jnp.inf, jnp.float32),
                  jnp.zeros((_L,), jnp.int32))

    def pair(i, carry):
        accs = list(carry)
        c0 = 2 * i
        wait(lbufA, nbufA, semLA, semNA)
        accs = _scan_chunk(lbufA, nbufA, invts, base + c0 * _CHUNK, _CT,
                           iota, accs)

        @pl.when(c0 + 2 < _NCH)
        def _():
            start(c0 + 2, lbufA, nbufA, semLA, semNA)

        wait(lbufB, nbufB, semLB, semNB)
        accs = _scan_chunk(lbufB, nbufB, invts, base + (c0 + 1) * _CHUNK, _CT,
                           iota, accs)

        @pl.when(c0 + 3 < _NCH)
        def _():
            start(c0 + 3, lbufB, nbufB, semLB, semNB)

        return tuple(accs)

    accs = list(lax.fori_loop(0, _NCH // 2, pair, accs0))

    wait(lbufA, nbufA, semLA, semNA)
    accs = _scan_chunk(lbufA, nbufA, invts, base + (_NCH - 1) * _CHUNK, _CT,
                       iota, accs)

    for r in range(_TPG):
        sval[r, :] = accs[2 * r]
        sidx[r, :] = accs[2 * r + 1]
    pltpu.sync_copy(sval, pval.at[wid])
    pltpu.sync_copy(sidx, pidx.at[wid])


_sampler = functools.partial(
    pl.kernel,
    out_type=(
        jax.ShapeDtypeStruct((_NC * _NS, _TPG, _L), jnp.float32),
        jax.ShapeDtypeStruct((_NC * _NS, _TPG, _L), jnp.int32),
    ),
    mesh=plsc.VectorSubcoreMesh(
        core_axis_name="c", subcore_axis_name="s",
        num_cores=_NC, num_subcores=_NS),
    compiler_params=pltpu.CompilerParams(needs_layout_passes=False),
    scratch_types=[
        pltpu.VMEM((_TPG, _CHUNK), jnp.float32),
        pltpu.VMEM((_TPG, _CHUNK), jnp.float32),
        pltpu.VMEM((_CHUNK,), jnp.float32),
        pltpu.VMEM((_CHUNK,), jnp.float32),
        pltpu.VMEM((_TOKENS,), jnp.float32),
        pltpu.VMEM((_TPG, _L), jnp.float32),
        pltpu.VMEM((_TPG, _L), jnp.int32),
        pltpu.SemaphoreType.DMA,
        pltpu.SemaphoreType.DMA,
        pltpu.SemaphoreType.DMA,
        pltpu.SemaphoreType.DMA,
    ],
)(_sampler_body)


def _merge_body(pv_ref, pi_ref, lt_ref, nt_ref, invt_ref, out_ref):
    v = pv_ref[...].reshape(_P, _G, _TPG, _L)
    ix = pi_ref[...].reshape(_P, _G, _TPG, _L)
    best = jnp.max(v, axis=(0, 3))
    tie = v == best[None, :, :, None]
    cand = jnp.where(tie, ix, _BIG)
    m = best.reshape(_TOKENS)
    i = jnp.min(cand, axis=(0, 3)).reshape(_TOKENS)

    lane = jax.lax.broadcasted_iota(jnp.int32, (_TOKENS, 1024), 1)
    valid = lane < _VOCAB - _EPI_OFF
    score = lt_ref[...] * invt_ref[...][:, None] - nt_ref[...][None, :]
    s = jnp.where(valid, score, -jnp.inf)
    tmax = jnp.max(s, axis=1)
    tcand = jnp.where((s == tmax[:, None]) & valid, _EPI_OFF + lane, _BIG)
    tidx = jnp.min(tcand, axis=1)

    take_tail = tmax > m
    out_ref[...] = jnp.where(take_tail, tidx, i).astype(jnp.int32)


def _merge(pv, pi, logits, ntab, invt):
    nw = _NC * _NS
    return pl.pallas_call(
        _merge_body,
        grid=(1,),
        in_specs=[
            pl.BlockSpec((nw, _TPG, _L), lambda i: (0, 0, 0)),
            pl.BlockSpec((nw, _TPG, _L), lambda i: (0, 0, 0)),
            pl.BlockSpec((_TOKENS, 1024), lambda i: (0, _EPI_OFF // 1024)),
            pl.BlockSpec((1024,), lambda i: (_EPI_OFF // 1024,)),
            pl.BlockSpec((_TOKENS,), lambda i: (0,)),
        ],
        out_specs=pl.BlockSpec((_TOKENS,), lambda i: (0,)),
        out_shape=jax.ShapeDtypeStruct((_TOKENS,), jnp.int32),
    )(pv, pi, logits, ntab, invt)


@jax.jit
def kernel(logits, temperatures, exponential):
    ntab = _make_noise_table(exponential)
    pos = temperatures > 0
    invt = jnp.where(pos, 1.0 / jnp.where(pos, temperatures, 1.0), 1e30)
    pv, pi = _sampler(logits, invt, ntab)
    return _merge(pv, pi, logits, ntab, invt)

# --- scband reference (transcript-rebuilt; emitter-appended) ---
"""Pipeline reference for scband-sampler-1632087573248 (READ-ONLY COPY).

The authoritative reference and input builder live on the scoring server;
editing this copy changes nothing except your own understanding.
"""

import jax, jax.numpy as jnp
import numpy as np

TOKENS = 32
VOCAB = 1000000
EPS = 1e-10


def setup_inputs(seed: int = 0) -> dict:
    key = jax.random.key(seed)
    k1, k2, k3 = jax.random.split(key, 3)
    logits = jax.random.normal(k1, (TOKENS, VOCAB), dtype=jnp.float32)
    temperatures = jax.random.uniform(k2, (TOKENS,), dtype=jnp.float32)
    # cached per-token exponential noise (shape (1, vocab)), as in get_per_token_exponential
    exponential = jax.random.exponential(k3, (1, VOCAB), dtype=jnp.float32)
    return {"logits": logits, "temperatures": temperatures, "exponential": exponential}


def reference(logits, temperatures, exponential):
    token_num, vocab_size = logits.shape
    exp_full = jnp.broadcast_to(exponential, (token_num, vocab_size))
    # mixed sampling: temperature == 0 -> greedy argmax; temperature > 0 ->
    # probs = softmax(logits / T); sample = argmax(probs / (exponential + eps))
    # (exponential-race / Gumbel-trick sampling with cached noise)
    safe_t = jnp.where(temperatures > 0, temperatures, jnp.ones_like(temperatures))
    probs = jax.nn.softmax(logits / safe_t[:, None], axis=-1)
    scores = probs / (exp_full + EPS)
    random_tokens = jnp.argmax(scores, axis=-1)
    greedy_tokens = jnp.argmax(logits, axis=-1)
    sampled_tokens = jnp.where(temperatures > 0, random_tokens, greedy_tokens).astype(jnp.int32)
    return sampled_tokens

if __name__ == "__main__":
    import jax
    _d = setup_inputs()
    print(jax.jit(kernel)(*tuple(_d.values())))

</pallas_src>

<mosaic_0001>
#map = affine_map<(d0, d1) -> (0, 0)>
#map1 = affine_map<(d0, d1) -> (0)>
#map2 = affine_map<(d0, d1) -> (0, 0, 0)>
module attributes {stable_mosaic.version = 14 : i64} {
  func.func @_sampler_body(%arg0: i32, %arg1: i32, %arg2: memref<32x1000000xf32, #tpu.memory_space<hbm>>, %arg3: memref<32xf32, #tpu.memory_space<hbm>>, %arg4: memref<1000000xf32, #tpu.memory_space<hbm>>, %arg5: memref<32x8x16xf32, #tpu.memory_space<hbm>>, %arg6: memref<32x8x16xi32, #tpu.memory_space<hbm>>, %arg7: memref<8x2048xf32, #tpu.memory_space<vmem>>, %arg8: memref<8x2048xf32, #tpu.memory_space<vmem>>, %arg9: memref<2048xf32, #tpu.memory_space<vmem>>, %arg10: memref<2048xf32, #tpu.memory_space<vmem>>, %arg11: memref<32xf32, #tpu.memory_space<vmem>>, %arg12: memref<8x16xf32, #tpu.memory_space<vmem>>, %arg13: memref<8x16xi32, #tpu.memory_space<vmem>>, %arg14: memref<!tpu.dma_semaphore, #tpu.memory_space<semaphore_mem>>, %arg15: memref<!tpu.dma_semaphore, #tpu.memory_space<semaphore_mem>>, %arg16: memref<!tpu.dma_semaphore, #tpu.memory_space<semaphore_mem>>, %arg17: memref<!tpu.dma_semaphore, #tpu.memory_space<semaphore_mem>>) attributes {dimension_semantics = [#tpu.dimension_semantics<core_parallel>, #tpu.dimension_semantics<subcore_parallel>], iteration_bounds = array<i64: 2, 16>, scalar_prefetch = 0 : i64, scratch_operands = 11 : i64, tpu.core_type = #tpu.core_type<sc_vector_subcore>, window_params = [{transform_indices = #map}, {transform_indices = #map1}, {transform_indices = #map1}, {transform_indices = #map2}, {transform_indices = #map2}]} {
    %mul3A = arith.constant 2 : i32
    %mul3A_0 = arith.muli %arg1, %mul3A : i32
    %add3A = arith.addi %mul3A_0, %arg0 : i32
    %rem3A = arith.constant 4 : i32
    %rem3A_1 = arith.remsi %add3A, %rem3A : i32
    %div3A = arith.constant 4 : i32
    %div3A_2 = arith.divsi %add3A, %div3A : i32
    %mul3A_3 = arith.constant 8 : i32
    %mul3A_4 = arith.muli %rem3A_1, %mul3A_3 : i32
    %multiple_of3A = tpu.assume_multiple %mul3A_4, 8 : i32
    %mul3A_5 = arith.constant 124928 : i32
    %mul3A_6 = arith.muli %div3A_2, %mul3A_5 : i32
    %iota3A = tpu.iota {dimensions = array<i32: 0>} : vector<16xi32>
    "tpu.region"() ({
      %run_scoped3A = tpu.sem_alloc : memref<!tpu.dma_semaphore, #tpu.memory_space<semaphore_mem>>
      tpu.enqueue_dma source(%arg3 : memref<32xf32, #tpu.memory_space<hbm>>) target(%arg11 : memref<32xf32, #tpu.memory_space<vmem>>) target_semaphore(%run_scoped3A : memref<!tpu.dma_semaphore, #tpu.memory_space<semaphore_mem>>)
      tpu.wait_dma2 semaphore(%run_scoped3A : memref<!tpu.dma_semaphore, #tpu.memory_space<semaphore_mem>>) src(%arg3 : memref<32xf32, #tpu.memory_space<hbm>>) dst(%arg11 : memref<32xf32, #tpu.memory_space<vmem>>)
      tpu.yield
    }) : () -> ()
    %add3A_7 = arith.constant 0 : i32
    %add3A_8 = arith.addi %multiple_of3A, %add3A_7 : i32
    %broadcast_in_dim3A = vector.broadcast %add3A_8 : i32 to vector<16xi32>
    %gather3A = tpu.vector_load_idx %arg11[%broadcast_in_dim3A] : memref<32xf32, #tpu.memory_space<vmem>>[vector<16xi32>], vector<16xf32>,
    %add3A_9 = arith.constant 1 : i32
    %add3A_10 = arith.addi %multiple_of3A, %add3A_9 : i32
    %broadcast_in_dim3A_11 = vector.broadcast %add3A_10 : i32 to vector<16xi32>
    %gather3A_12 = tpu.vector_load_idx %arg11[%broadcast_in_dim3A_11] : memref<32xf32, #tpu.memory_space<vmem>>[vector<16xi32>], vector<16xf32>,
    %add3A_13 = arith.constant 2 : i32
    %add3A_14 = arith.addi %multiple_of3A, %add3A_13 : i32
    %broadcast_in_dim3A_15 = vector.broadcast %add3A_14 : i32 to vector<16xi32>
    %gather3A_16 = tpu.vector_load_idx %arg11[%broadcast_in_dim3A_15] : memref<32xf32, #tpu.memory_space<vmem>>[vector<16xi32>], vector<16xf32>,
    %add3A_17 = arith.constant 3 : i32
    %add3A_18 = arith.addi %multiple_of3A, %add3A_17 : i32
    %broadcast_in_dim3A_19 = vector.broadcast %add3A_18 : i32 to vector<16xi32>
    %gather3A_20 = tpu.vector_load_idx %arg11[%broadcast_in_dim3A_19] : memref<32xf32, #tpu.memory_space<vmem>>[vector<16xi32>], vector<16xf32>,
    %add3A_21 = arith.constant 4 : i32
    %add3A_22 = arith.addi %multiple_of3A, %add3A_21 : i32
    %broadcast_in_dim3A_23 = vector.broadcast %add3A_22 : i32 to vector<16xi32>
    %gather3A_24 = tpu.vector_load_idx %arg11[%broadcast_in_dim3A_23] : memref<32xf32, #tpu.memory_space<vmem>>[vector<16xi32>], vector<16xf32>,
    %add3A_25 = arith.constant 5 : i32
    %add3A_26 = arith.addi %multiple_of3A, %add3A_25 : i32
    %broadcast_in_dim3A_27 = vector.broadcast %add3A_26 : i32 to vector<16xi32>
    %gather3A_28 = tpu.vector_load_idx %arg11[%broadcast_in_dim3A_27] : memref<32xf32, #tpu.memory_space<vmem>>[vector<16xi32>], vector<16xf32>,
    %add3A_29 = arith.constant 6 : i32
    %add3A_30 = arith.addi %multiple_of3A, %add3A_29 : i32
    %broadcast_in_dim3A_31 = vector.broadcast %add3A_30 : i32 to vector<16xi32>
    %gather3A_32 = tpu.vector_load_idx %arg11[%broadcast_in_dim3A_31] : memref<32xf32, #tpu.memory_space<vmem>>[vector<16xi32>], vector<16xf32>,
    %add3A_33 = arith.constant 7 : i32
    %add3A_34 = arith.addi %multiple_of3A, %add3A_33 : i32
    %broadcast_in_dim3A_35 = vector.broadcast %add3A_34 : i32 to vector<16xi32>
    %gather3A_36 = tpu.vector_load_idx %arg11[%broadcast_in_dim3A_35] : memref<32xf32, #tpu.memory_space<vmem>>[vector<16xi32>], vector<16xf32>,
    %add3A_37 = arith.constant 0 : i32
    %add3A_38 = arith.addi %mul3A_6, %add3A_37 : i32
    %multiple_of3A_39 = tpu.assume_multiple %add3A_38, 1024 : i32
    %dma_start3A = tpu.memref_slice %arg2[%multiple_of3A, %multiple_of3A_39] : memref<32x1000000xf32, #tpu.memory_space<hbm>> -> memref<8x2048xf32, #tpu.memory_space<hbm>>
    %dma_start3A_40 = tpu.memref_slice %arg2[%multiple_of3A, %multiple_of3A_39] : memref<32x1000000xf32, #tpu.memory_space<hbm>> -> memref<8x2048xf32, #tpu.memory_space<hbm>>
    tpu.enqueue_dma source(%dma_start3A_40 : memref<8x2048xf32, #tpu.memory_space<hbm>>) target(%arg7 : memref<8x2048xf32, #tpu.memory_space<vmem>>) target_semaphore(%arg14 : memref<!tpu.dma_semaphore, #tpu.memory_space<semaphore_mem>>)
    %dma_start3A_41 = tpu.memref_slice %arg4[%multiple_of3A_39] : memref<1000000xf32, #tpu.memory_space<hbm>> -> memref<2048xf32, #tpu.memory_space<hbm>>
    %dma_start3A_42 = tpu.memref_slice %arg4[%multiple_of3A_39] : memref<1000000xf32, #tpu.memory_space<hbm>> -> memref<2048xf32, #tpu.memory_space<hbm>>
    tpu.enqueue_dma source(%dma_start3A_42 : memref<2048xf32, #tpu.memory_space<hbm>>) target(%arg9 : memref<2048xf32, #tpu.memory_space<vmem>>) target_semaphore(%arg16 : memref<!tpu.dma_semaphore, #tpu.memory_space<semaphore_mem>>)
    %add3A_43 = arith.constant 2048 : i32
    %add3A_44 = arith.addi %mul3A_6, %add3A_43 : i32
    %multiple_of3A_45 = tpu.assume_multiple %add3A_44, 1024 : i32
    %dma_start3A_46 = tpu.memref_slice %arg2[%multiple_of3A, %multiple_of3A_45] : memref<32x1000000xf32, #tpu.memory_space<hbm>> -> memref<8x2048xf32, #tpu.memory_space<hbm>>
    %dma_start3A_47 = tpu.memref_slice %arg2[%multiple_of3A, %multiple_of3A_45] : memref<32x1000000xf32, #tpu.memory_space<hbm>> -> memref<8x2048xf32, #tpu.memory_space<hbm>>
    tpu.enqueue_dma source(%dma_start3A_47 : memref<8x2048xf32, #tpu.memory_space<hbm>>) target(%arg8 : memref<8x2048xf32, #tpu.memory_space<vmem>>) target_semaphore(%arg15 : memref<!tpu.dma_semaphore, #tpu.memory_space<semaphore_mem>>)
    %dma_start3A_48 = tpu.memref_slice %arg4[%multiple_of3A_45] : memref<1000000xf32, #tpu.memory_space<hbm>> -> memref<2048xf32, #tpu.memory_space<hbm>>
    %dma_start3A_49 = tpu.memref_slice %arg4[%multiple_of3A_45] : memref<1000000xf32, #tpu.memory_space<hbm>> -> memref<2048xf32, #tpu.memory_space<hbm>>
    tpu.enqueue_dma source(%dma_start3A_49 : memref<2048xf32, #tpu.memory_space<hbm>>) target(%arg10 : memref<2048xf32, #tpu.memory_space<vmem>>) target_semaphore(%arg17 : memref<!tpu.dma_semaphore, #tpu.memory_space<semaphore_mem>>)
    %broadcast_in_dim3A_50 = arith.constant 0xFF800000 : f32
    %broadcast_in_dim3A_51 = vector.broadcast %broadcast_in_dim3A_50 : f32 to vector<16xf32>
    %broadcast_in_dim3A_52 = arith.constant 0 : i32
    %broadcast_in_dim3A_53 = vector.broadcast %broadcast_in_dim3A_52 : i32 to vector<16xi32>
    %broadcast_in_dim3A_54 = arith.constant 0xFF800000 : f32
    %broadcast_in_dim3A_55 = vector.broadcast %broadcast_in_dim3A_54 : f32 to vector<16xf32>
    %broadcast_in_dim3A_56 = arith.constant 0 : i32
    %broadcast_in_dim3A_57 = vector.broadcast %broadcast_in_dim3A_56 : i32 to vector<16xi32>
    %broadcast_in_dim3A_58 = arith.constant 0xFF800000 : f32
    %broadcast_in_dim3A_59 = vector.broadcast %broadcast_in_dim3A_58 : f32 to vector<16xf32>
    %broadcast_in_dim3A_60 = arith.constant 0 : i32
    %broadcast_in_dim3A_61 = vector.broadcast %broadcast_in_dim3A_60 : i32 to vector<16xi32>
    %broadcast_in_dim3A_62 = arith.constant 0xFF800000 : f32
    %broadcast_in_dim3A_63 = vector.broadcast %broadcast_in_dim3A_62 : f32 to vector<16xf32>
    %broadcast_in_dim3A_64 = arith.constant 0 : i32
    %broadcast_in_dim3A_65 = vector.broadcast %broadcast_in_dim3A_64 : i32 to vector<16xi32>
    %broadcast_in_dim3A_66 = arith.constant 0xFF800000 : f32
    %broadcast_in_dim3A_67 = vector.broadcast %broadcast_in_dim3A_66 : f32 to vector<16xf32>
    %broadcast_in_dim3A_68 = arith.constant 0 : i32
    %broadcast_in_dim3A_69 = vector.broadcast %broadcast_in_dim3A_68 : i32 to vector<16xi32>
    %broadcast_in_dim3A_70 = arith.constant 0xFF800000 : f32
    %broadcast_in_dim3A_71 = vector.broadcast %broadcast_in_dim3A_70 : f32 to vector<16xf32>
    %broadcast_in_dim3A_72 = arith.constant 0 : i32
    %broadcast_in_dim3A_73 = vector.broadcast %broadcast_in_dim3A_72 : i32 to vector<16xi32>
    %broadcast_in_dim3A_74 = arith.constant 0xFF800000 : f32
    %broadcast_in_dim3A_75 = vector.broadcast %broadcast_in_dim3A_74 : f32 to vector<16xf32>
    %broadcast_in_dim3A_76 = arith.constant 0 : i32
    %broadcast_in_dim3A_77 = vector.broadcast %broadcast_in_dim3A_76 : i32 to vector<16xi32>
    %broadcast_in_dim3A_78 = arith.constant 0xFF800000 : f32
    %broadcast_in_dim3A_79 = vector.broadcast %broadcast_in_dim3A_78 : f32 to vector<16xf32>
    %broadcast_in_dim3A_80 = arith.constant 0 : i32
    %broadcast_in_dim3A_81 = vector.broadcast %broadcast_in_dim3A_80 : i32 to vector<16xi32>
    %scan3A = arith.constant 0 : i32
    %scan3A_82 = arith.constant 30 : i32
    %scan3A_83 = arith.addi %scan3A, %scan3A_82 : i32
    %scan3A_84 = arith.constant 1 : i32
    %scan3A_85:16 = scf.for %scan3A_167 = %scan3A to %scan3A_83 step %scan3A_84 iter_args(%scan3A_168 = %broadcast_in_dim3A_51, %scan3A_169 = %broadcast_in_dim3A_53, %scan3A_170 = %broadcast_in_dim3A_55, %scan3A_171 = %broadcast_in_dim3A_57, %scan3A_172 = %broadcast_in_dim3A_59, %scan3A_173 = %broadcast_in_dim3A_61, %scan3A_174 = %broadcast_in_dim3A_63, %scan3A_175 = %broadcast_in_dim3A_65, %scan3A_176 = %broadcast_in_dim3A_67, %scan3A_177 = %broadcast_in_dim3A_69, %scan3A_178 = %broadcast_in_dim3A_71, %scan3A_179 = %broadcast_in_dim3A_73, %scan3A_180 = %broadcast_in_dim3A_75, %scan3A_181 = %broadcast_in_dim3A_77, %scan3A_182 = %broadcast_in_dim3A_79, %scan3A_183 = %broadcast_in_dim3A_81) -> (vector<16xf32>, vector<16xi32>, vector<16xf32>, vector<16xi32>, vector<16xf32>, vector<16xi32>, vector<16xf32>, vector<16xi32>, vector<16xf32>, vector<16xi32>, vector<16xf32>, vector<16xi32>, vector<16xf32>, vector<16xi32>, vector<16xf32>, vector<16xi32>)  : i32 {
      %mul3A_184 = arith.constant 2 : i32
      %mul3A_185 = arith.muli %mul3A_184, %scan3A_167 : i32
      %dma_wait3A_186 = arith.constant 0 : i32
      %dma_wait3A_187 = arith.constant 0 : i32
      %dma_wait3A_188 = tpu.memref_slice %arg2[%dma_wait3A_186, %dma_wait3A_187] : memref<32x1000000xf32, #tpu.memory_space<hbm>> -> memref<8x2048xf32, #tpu.memory_space<hbm>>
      %dma_wait3A_189 = arith.constant 0 : i32
      %dma_wait3A_190 = arith.constant 0 : i32
      %dma_wait3A_191 = tpu.memref_slice %arg2[%dma_wait3A_189, %dma_wait3A_190] : memref<32x1000000xf32, #tpu.memory_space<hbm>> -> memref<8x2048xf32, #tpu.memory_space<hbm>>
      tpu.wait_dma2 semaphore(%arg14 : memref<!tpu.dma_semaphore, #tpu.memory_space<semaphore_mem>>) src(%dma_wait3A_191 : memref<8x2048xf32, #tpu.memory_space<hbm>>) dst(%arg7 : memref<8x2048xf32, #tpu.memory_space<vmem>>)
      %dma_wait3A_192 = arith.constant 0 : i32
      %dma_wait3A_193 = tpu.memref_slice %arg4[%dma_wait3A_192] : memref<1000000xf32, #tpu.memory_space<hbm>> -> memref<2048xf32, #tpu.memory_space<hbm>>
      %dma_wait3A_194 = arith.constant 0 : i32
      %dma_wait3A_195 = tpu.memref_slice %arg4[%dma_wait3A_194] : memref<1000000xf32, #tpu.memory_space<hbm>> -> memref<2048xf32, #tpu.memory_space<hbm>>
      tpu.wait_dma2 semaphore(%arg16 : memref<!tpu.dma_semaphore, #tpu.memory_space<semaphore_mem>>) src(%dma_wait3A_195 : memref<2048xf32, #tpu.memory_space<hbm>>) dst(%arg9 : memref<2048xf32, #tpu.memory_space<vmem>>)
      %mul3A_196 = arith.constant 2048 : i32
      %mul3A_197 = arith.muli %mul3A_185, %mul3A_196 : i32
      %add3A_198 = arith.addi %mul3A_6, %mul3A_197 : i32
      %scan3A_199 = arith.constant 0 : i32
      %scan3A_200 = arith.constant 16 : i32
      %scan3A_201 = arith.addi %scan3A_199, %scan3A_200 : i32
      %scan3A_202 = arith.constant 1 : i32
      %scan3A_203:16 = scf.for %scan3A_237 = %scan3A_199 to %scan3A_201 step %scan3A_202 iter_args(%scan3A_238 = %scan3A_168, %scan3A_239 = %scan3A_169, %scan3A_240 = %scan3A_170, %scan3A_241 = %scan3A_171, %scan3A_242 = %scan3A_172, %scan3A_243 = %scan3A_173, %scan3A_244 = %scan3A_174, %scan3A_245 = %scan3A_175, %scan3A_246 = %scan3A_176, %scan3A_247 = %scan3A_177, %scan3A_248 = %scan3A_178, %scan3A_249 = %scan3A_179, %scan3A_250 = %scan3A_180, %scan3A_251 = %scan3A_181, %scan3A_252 = %scan3A_182, %scan3A_253 = %scan3A_183) -> (vector<16xf32>, vector<16xi32>, vector<16xf32>, vector<16xi32>, vector<16xf32>, vector<16xi32>, vector<16xf32>, vector<16xi32>, vector<16xf32>, vector<16xi32>, vector<16xf32>, vector<16xi32>, vector<16xf32>, vector<16xi32>, vector<16xf32>, vector<16xi32>)  : i32 {
        %mul3A_254 = arith.constant 128 : i32
        %mul3A_255 = arith.muli %scan3A_237, %mul3A_254 : i32
        %add3A_256 = arith.constant 0 : i32
        %add3A_257 = arith.addi %mul3A_255, %add3A_256 : i32
        %get3A = arith.index_cast %add3A_257 : i32 to index
        %get3A_258 = tpu.vector_load %arg9[%get3A] {strides = array<i32>} : memref<2048xf32, #tpu.memory_space<vmem>>, vector<16xf32>,
        %mul3A_259 = arith.constant 128 : i32
        %mul3A_260 = arith.muli %scan3A_237, %mul3A_259 : i32
        %add3A_261 = arith.constant 16 : i32
        %add3A_262 = arith.addi %mul3A_260, %add3A_261 : i32
        %get3A_263 = arith.index_cast %add3A_262 : i32 to index
        %get3A_264 = tpu.vector_load %arg9[%get3A_263] {strides = array<i32>} : memref<2048xf32, #tpu.memory_space<vmem>>, vector<16xf32>,
        %mul3A_265 = arith.constant 128 : i32
        %mul3A_266 = arith.muli %scan3A_237, %mul3A_265 : i32
        %add3A_267 = arith.constant 32 : i32
        %add3A_268 = arith.addi %mul3A_266, %add3A_267 : i32
        %get3A_269 = arith.index_cast %add3A_268 : i32 to index
        %get3A_270 = tpu.vector_load %arg9[%get3A_269] {strides = array<i32>} : memref<2048xf32, #tpu.memory_space<vmem>>, vector<16xf32>,
        %mul3A_271 = arith.constant 128 : i32
        %mul3A_272 = arith.muli %scan3A_237, %mul3A_271 : i32
        %add3A_273 = arith.constant 48 : i32
        %add3A_274 = arith.addi %mul3A_272, %add3A_273 : i32
        %get3A_275 = arith.index_cast %add3A_274 : i32 to index
        %get3A_276 = tpu.vector_load %arg9[%get3A_275] {strides = array<i32>} : memref<2048xf32, #tpu.memory_space<vmem>>, vector<16xf32>,
        %mul3A_277 = arith.constant 128 : i32
        %mul3A_278 = arith.muli %scan3A_237, %mul3A_277 : i32
        %add3A_279 = arith.constant 64 : i32
        %add3A_280 = arith.addi %mul3A_278, %add3A_279 : i32
        %get3A_281 = arith.index_cast %add3A_280 : i32 to index
        %get3A_282 = tpu.vector_load %arg9[%get3A_281] {strides = array<i32>} : memref<2048xf32, #tpu.memory_space<vmem>>, vector<16xf32>,
        %mul3A_283 = arith.constant 128 : i32
        %mul3A_284 = arith.muli %scan3A_237, %mul3A_283 : i32
        %add3A_285 = arith.constant 80 : i32
        %add3A_286 = arith.addi %mul3A_284, %add3A_285 : i32
        %get3A_287 = arith.index_cast %add3A_286 : i32 to index
        %get3A_288 = tpu.vector_load %arg9[%get3A_287] {strides = array<i32>} : memref<2048xf32, #tpu.memory_space<vmem>>, vector<16xf32>,
        %mul3A_289 = arith.constant 128 : i32
        %mul3A_290 = arith.muli %scan3A_237, %mul3A_289 : i32
        %add3A_291 = arith.constant 96 : i32
        %add3A_292 = arith.addi %mul3A_290, %add3A_291 : i32
        %get3A_293 = arith.index_cast %add3A_292 : i32 to index
        %get3A_294 = tpu.vector_load %arg9[%get3A_293] {strides = array<i32>} : memref<2048xf32, #tpu.memory_space<vmem>>, vector<16xf32>,
        %mul3A_295 = arith.constant 128 : i32
        %mul3A_296 = arith.muli %scan3A_237, %mul3A_295 : i32
        %add3A_297 = arith.constant 112 : i32
        %add3A_298 = arith.addi %mul3A_296, %add3A_297 : i32
        %get3A_299 = arith.index_cast %add3A_298 : i32 to index
        %get3A_300 = tpu.vector_load %arg9[%get3A_299] {strides = array<i32>} : memref<2048xf32, #tpu.memory_space<vmem>>, vector<16xf32>,
        %mul3A_301 = arith.constant 128 : i32
        %mul3A_302 = arith.muli %scan3A_237, %mul3A_301 : i32
        %add3A_303 = arith.addi %add3A_198, %mul3A_302 : i32
        %add3A_304 = vector.broadcast %add3A_303 : i32 to vector<16xi32>
        %add3A_305 = arith.addi %iota3A, %add3A_304 : vector<16xi32>
        %add3A_306 = arith.constant 0 : i32
        %add3A_307 = vector.broadcast %add3A_306 : i32 to vector<16xi32>
        %add3A_308 = arith.addi %add3A_305, %add3A_307 : vector<16xi32>
        %add3A_309 = arith.constant 16 : i32
        %add3A_310 = vector.broadcast %add3A_309 : i32 to vector<16xi32>
        %add3A_311 = arith.addi %add3A_305, %add3A_310 : vector<16xi32>
        %add3A_312 = arith.constant 32 : i32
        %add3A_313 = vector.broadcast %add3A_312 : i32 to vector<16xi32>
        %add3A_314 = arith.addi %add3A_305, %add3A_313 : vector<16xi32>
        %add3A_315 = arith.constant 48 : i32
        %add3A_316 = vector.broadcast %add3A_315 : i32 to vector<16xi32>
        %add3A_317 = arith.addi %add3A_305, %add3A_316 : vector<16xi32>
        %add3A_318 = arith.constant 64 : i32
        %add3A_319 = vector.broadcast %add3A_318 : i32 to vector<16xi32>
        %add3A_320 = arith.addi %add3A_305, %add3A_319 : vector<16xi32>
        %add3A_321 = arith.constant 80 : i32
        %add3A_322 = vector.broadcast %add3A_321 : i32 to vector<16xi32>
        %add3A_323 = arith.addi %add3A_305, %add3A_322 : vector<16xi32>
        %add3A_324 = arith.constant 96 : i32
        %add3A_325 = vector.broadcast %add3A_324 : i32 to vector<16xi32>
        %add3A_326 = arith.addi %add3A_305, %add3A_325 : vector<16xi32>
        %add3A_327 = arith.constant 112 : i32
        %add3A_328 = vector.broadcast %add3A_327 : i32 to vector<16xi32>
        %add3A_329 = arith.addi %add3A_305, %add3A_328 : vector<16xi32>
        %mul3A_330 = arith.constant 128 : i32
        %mul3A_331 = arith.muli %scan3A_237, %mul3A_330 : i32
        %add3A_332 = arith.constant 0 : i32
        %add3A_333 = arith.addi %mul3A_331, %add3A_332 : i32
        %get3A_334 = arith.constant 0 : i32
        %get3A_335 = arith.index_cast %get3A_334 : i32 to index
        %get3A_336 = arith.index_cast %add3A_333 : i32 to index
        %get3A_337 = tpu.vector_load %arg7[%get3A_335, %get3A_336] {strides = array<i32>} : memref<8x2048xf32, #tpu.memory_space<vmem>>, vector<16xf32>,
        %mul3A_338 = arith.mulf %get3A_337, %gather3A : vector<16xf32>
        %sub3A = arith.subf %mul3A_338, %get3A_258 : vector<16xf32>
        %gt3A = arith.cmpf ogt, %sub3A, %scan3A_238 : vector<16xf32>
        %select_n3A = arith.select %gt3A, %sub3A, %scan3A_238 : vector<16xi1>, vector<16xf32>
        %select_n3A_339 = arith.select %gt3A, %add3A_308, %scan3A_239 : vector<16xi1>, vector<16xi32>
        %mul3A_340 = arith.constant 128 : i32
        %mul3A_341 = arith.muli %scan3A_237, %mul3A_340 : i32
        %add3A_342 = arith.constant 16 : i32
        %add3A_343 = arith.addi %mul3A_341, %add3A_342 : i32
        %get3A_344 = arith.constant 0 : i32
        %get3A_345 = arith.index_cast %get3A_344 : i32 to index
        %get3A_346 = arith.index_cast %add3A_343 : i32 to index
        %get3A_347 = tpu.vector_load %arg7[%get3A_345, %get3A_346] {strides = array<i32>} : memref<8x2048xf32, #tpu.memory_space<vmem>>, vector<16xf32>,
        %mul3A_348 = arith.mulf %get3A_347, %gather3A : vector<16xf32>
        %sub3A_349 = arith.subf %mul3A_348, %get3A_264 : vector<16xf32>
        %gt3A_350 = arith.cmpf ogt, %sub3A_349, %select_n3A : vector<16xf32>
        %select_n3A_351 = arith.select %gt3A_350, %sub3A_349, %select_n3A : vector<16xi1>, vector<16xf32>
        %select_n3A_352 = arith.select %gt3A_350, %add3A_311, %select_n3A_339 : vector<16xi1>, vector<16xi32>
        %mul3A_353 = arith.constant 128 : i32
        %mul3A_354 = arith.muli %scan3A_237, %mul3A_353 : i32
        %add3A_355 = arith.constant 32 : i32
        %add3A_356 = arith.addi %mul3A_354, %add3A_355 : i32
        %get3A_357 = arith.constant 0 : i32
        %get3A_358 = arith.index_cast %get3A_357 : i32 to index
        %get3A_359 = arith.index_cast %add3A_356 : i32 to index
        %get3A_360 = tpu.vector_load %arg7[%get3A_358, %get3A_359] {strides = array<i32>} : memref<8x2048xf32, #tpu.memory_space<vmem>>, vector<16xf32>,
        %mul3A_361 = arith.mulf %get3A_360, %gather3A : vector<16xf32>
        %sub3A_362 = arith.subf %mul3A_361, %get3A_270 : vector<16xf32>
        %gt3A_363 = arith.cmpf ogt, %sub3A_362, %select_n3A_351 : vector<16xf32>
        %select_n3A_364 = arith.select %gt3A_363, %sub3A_362, %select_n3A_351 : vector<16xi1>, vector<16xf32>
        %select_n3A_365 = arith.select %gt3A_363, %add3A_314, %select_n3A_352 : vector<16xi1>, vector<16xi32>
        %mul3A_366 = arith.constant 128 : i32
        %mul3A_367 = arith.muli %scan3A_237, %mul3A_366 : i32
        %add3A_368 = arith.constant 48 : i32
        %add3A_369 = arith.addi %mul3A_367, %add3A_368 : i32
        %get3A_370 = arith.constant 0 : i32
        %get3A_371 = arith.index_cast %get3A_370 : i32 to index
        %get3A_372 = arith.index_cast %add3A_369 : i32 to index
        %get3A_373 = tpu.vector_load %arg7[%get3A_371, %get3A_372] {strides = array<i32>} : memref<8x2048xf32, #tpu.memory_space<vmem>>, vector<16xf32>,
        %mul3A_374 = arith.mulf %get3A_373, %gather3A : vector<16xf32>
        %sub3A_375 = arith.subf %mul3A_374, %get3A_276 : vector<16xf32>
        %gt3A_376 = arith.cmpf ogt, %sub3A_375, %select_n3A_364 : vector<16xf32>
        %select_n3A_377 = arith.select %gt3A_376, %sub3A_375, %select_n3A_364 : vector<16xi1>, vector<16xf32>
        %select_n3A_378 = arith.select %gt3A_376, %add3A_317, %select_n3A_365 : vector<16xi1>, vector<16xi32>
        %mul3A_379 = arith.constant 128 : i32
        %mul3A_380 = arith.muli %scan3A_237, %mul3A_379 : i32
        %add3A_381 = arith.constant 64 : i32
        %add3A_382 = arith.addi %mul3A_380, %add3A_381 : i32
        %get3A_383 = arith.constant 0 : i32
        %get3A_384 = arith.index_cast %get3A_383 : i32 to index
        %get3A_385 = arith.index_cast %add3A_382 : i32 to index
        %get3A_386 = tpu.vector_load %arg7[%get3A_384, %get3A_385] {strides = array<i32>} : memref<8x2048xf32, #tpu.memory_space<vmem>>, vector<16xf32>,
        %mul3A_387 = arith.mulf %get3A_386, %gather3A : vector<16xf32>
        %sub3A_388 = arith.subf %mul3A_387, %get3A_282 : vector<16xf32>
        %gt3A_389 = arith.cmpf ogt, %sub3A_388, %select_n3A_377 : vector<16xf32>
        %select_n3A_390 = arith.select %gt3A_389, %sub3A_388, %select_n3A_377 : vector<16xi1>, vector<16xf32>
        %select_n3A_391 = arith.select %gt3A_389, %add3A_320, %select_n3A_378 : vector<16xi1>, vector<16xi32>
        %mul3A_392 = arith.constant 128 : i32
        %mul3A_393 = arith.muli %scan3A_237, %mul3A_392 : i32
        %add3A_394 = arith.constant 80 : i32
        %add3A_395 = arith.addi %mul3A_393, %add3A_394 : i32
        %get3A_396 = arith.constant 0 : i32
        %get3A_397 = arith.index_cast %get3A_396 : i32 to index
        %get3A_398 = arith.index_cast %add3A_395 : i32 to index
        %get3A_399 = tpu.vector_load %arg7[%get3A_397, %get3A_398] {strides = array<i32>} : memref<8x2048xf32, #tpu.memory_space<vmem>>, vector<16xf32>,
        %mul3A_400 = arith.mulf %get3A_399, %gather3A : vector<16xf32>
        %sub3A_401 = arith.subf %mul3A_400, %get3A_288 : vector<16xf32>
        %gt3A_402 = arith.cmpf ogt, %sub3A_401, %select_n3A_390 : vector<16xf32>
        %select_n3A_403 = arith.select %gt3A_402, %sub3A_401, %select_n3A_390 : vector<16xi1>, vector<16xf32>
        %select_n3A_404 = arith.select %gt3A_402, %add3A_323, %select_n3A_391 : vector<16xi1>, vector<16xi32>
        %mul3A_405 = arith.constant 128 : i32
        %mul3A_406 = arith.muli %scan3A_237, %mul3A_405 : i32
        %add3A_407 = arith.constant 96 : i32
        %add3A_408 = arith.addi %mul3A_406, %add3A_407 : i32
        %get3A_409 = arith.constant 0 : i32
        %get3A_410 = arith.index_cast %get3A_409 : i32 to index
        %get3A_411 = arith.index_cast %add3A_408 : i32 to index
        %get3A_412 = tpu.vector_load %arg7[%get3A_410, %get3A_411] {strides = array<i32>} : memref<8x2048xf32, #tpu.memory_space<vmem>>, vector<16xf32>,
        %mul3A_413 = arith.mulf %get3A_412, %gather3A : vector<16xf32>
        %sub3A_414 = arith.subf %mul3A_413, %get3A_294 : vector<16xf32>
        %gt3A_415 = arith.cmpf ogt, %sub3A_414, %select_n3A_403 : vector<16xf32>
        %select_n3A_416 = arith.select %gt3A_415, %sub3A_414, %select_n3A_403 : vector<16xi1>, vector<16xf32>
        %select_n3A_417 = arith.select %gt3A_415, %add3A_326, %select_n3A_404 : vector<16xi1>, vector<16xi32>
        %mul3A_418 = arith.constant 128 : i32
        %mul3A_419 = arith.muli %scan3A_237, %mul3A_418 : i32
        %add3A_420 = arith.constant 112 : i32
        %add3A_421 = arith.addi %mul3A_419, %add3A_420 : i32
        %get3A_422 = arith.constant 0 : i32
        %get3A_423 = arith.index_cast %get3A_422 : i32 to index
        %get3A_424 = arith.index_cast %add3A_421 : i32 to index
        %get3A_425 = tpu.vector_load %arg7[%get3A_423, %get3A_424] {strides = array<i32>} : memref<8x2048xf32, #tpu.memory_space<vmem>>, vector<16xf32>,
        %mul3A_426 = arith.mulf %get3A_425, %gather3A : vector<16xf32>
        %sub3A_427 = arith.subf %mul3A_426, %get3A_300 : vector<16xf32>
        %gt3A_428 = arith.cmpf ogt, %sub3A_427, %select_n3A_416 : vector<16xf32>
        %select_n3A_429 = arith.select %gt3A_428, %sub3A_427, %select_n3A_416 : vector<16xi1>, vector<16xf32>
        %select_n3A_430 = arith.select %gt3A_428, %add3A_329, %select_n3A_417 : vector<16xi1>, vector<16xi32>
        %mul3A_431 = arith.constant 128 : i32
        %mul3A_432 = arith.muli %scan3A_237, %mul3A_431 : i32
        %add3A_433 = arith.constant 0 : i32
        %add3A_434 = arith.addi %mul3A_432, %add3A_433 : i32
        %get3A_435 = arith.constant 1 : i32
        %get3A_436 = arith.index_cast %get3A_435 : i32 to index
        %get3A_437 = arith.index_cast %add3A_434 : i32 to index
        %get3A_438 = tpu.vector_load %arg7[%get3A_436, %get3A_437] {strides = array<i32>} : memref<8x2048xf32, #tpu.memory_space<vmem>>, vector<16xf32>,
        %mul3A_439 = arith.mulf %get3A_438, %gather3A_12 : vector<16xf32>
        %sub3A_440 = arith.subf %mul3A_439, %get3A_258 : vector<16xf32>
        %gt3A_441 = arith.cmpf ogt, %sub3A_440, %scan3A_240 : vector<16xf32>
        %select_n3A_442 = arith.select %gt3A_441, %sub3A_440, %scan3A_240 : vector<16xi1>, vector<16xf32>
        %select_n3A_443 = arith.select %gt3A_441, %add3A_308, %scan3A_241 : vector<16xi1>, vector<16xi32>
        %mul3A_444 = arith.constant 128 : i32
        %mul3A_445 = arith.muli %scan3A_237, %mul3A_444 : i32
        %add3A_446 = arith.constant 16 : i32
        %add3A_447 = arith.addi %mul3A_445, %add3A_446 : i32
        %get3A_448 = arith.constant 1 : i32
        %get3A_449 = arith.index_cast %get3A_448 : i32 to index
        %get3A_450 = arith.index_cast %add3A_447 : i32 to index
        %get3A_451 = tpu.vector_load %arg7[%get3A_449, %get3A_450] {strides = array<i32>} : memref<8x2048xf32, #tpu.memory_space<vmem>>, vector<16xf32>,
        %mul3A_452 = arith.mulf %get3A_451, %gather3A_12 : vector<16xf32>
        %sub3A_453 = arith.subf %mul3A_452, %get3A_264 : vector<16xf32>
        %gt3A_454 = arith.cmpf ogt, %sub3A_453, %select_n3A_442 : vector<16xf32>
        %select_n3A_455 = arith.select %gt3A_454, %sub3A_453, %select_n3A_442 : vector<16xi1>, vector<16xf32>
        %select_n3A_456 = arith.select %gt3A_454, %add3A_311, %select_n3A_443 : vector<16xi1>, vector<16xi32>
        %mul3A_457 = arith.constant 128 : i32
        %mul3A_458 = arith.muli %scan3A_237, %mul3A_457 : i32
        %add3A_459 = arith.constant 32 : i32
        %add3A_460 = arith.addi %mul3A_458, %add3A_459 : i32
        %get3A_461 = arith.constant 1 : i32
        %get3A_462 = arith.index_cast %get3A_461 : i32 to index
        %get3A_463 = arith.index_cast %add3A_460 : i32 to index
        %get3A_464 = tpu.vector_load %arg7[%get3A_462, %get3A_463] {strides = array<i32>} : memref<8x2048xf32, #tpu.memory_space<vmem>>, vector<16xf32>,
        %mul3A_465 = arith.mulf %get3A_464, %gather3A_12 : vector<16xf32>
        %sub3A_466 = arith.subf %mul3A_465, %get3A_270 : vector<16xf32>
        %gt3A_467 = arith.cmpf ogt, %sub3A_466, %select_n3A_455 : vector<16xf32>
        %select_n3A_468 = arith.select %gt3A_467, %sub3A_466, %select_n3A_455 : vector<16xi1>, vector<16xf32>
        %select_n3A_469 = arith.select %gt3A_467, %add3A_314, %select_n3A_456 : vector<16xi1>, vector<16xi32>
        %mul3A_470 = arith.constant 128 : i32
        %mul3A_471 = arith.muli %scan3A_237, %mul3A_470 : i32
        %add3A_472 = arith.constant 48 : i32
        %add3A_473 = arith.addi %mul3A_471, %add3A_472 : i32
        %get3A_474 = arith.constant 1 : i32
        %get3A_475 = arith.index_cast %get3A_474 : i32 to index
        %get3A_476 = arith.index_cast %add3A_473 : i32 to index
        %get3A_477 = tpu.vector_load %arg7[%get3A_475, %get3A_476] {strides = array<i32>} : memref<8x2048xf32, #tpu.memory_space<vmem>>, vector<16xf32>,
        %mul3A_478 = arith.mulf %get3A_477, %gather3A_12 : vector<16xf32>
        %sub3A_479 = arith.subf %mul3A_478, %get3A_276 : vector<16xf32>
        %gt3A_480 = arith.cmpf ogt, %sub3A_479, %select_n3A_468 : vector<16xf32>
        %select_n3A_481 = arith.select %gt3A_480, %sub3A_479, %select_n3A_468 : vector<16xi1>, vector<16xf32>
        %select_n3A_482 = arith.select %gt3A_480, %add3A_317, %select_n3A_469 : vector<16xi1>, vector<16xi32>
        %mul3A_483 = arith.constant 128 : i32
        %mul3A_484 = arith.muli %scan3A_237, %mul3A_483 : i32
        %add3A_485 = arith.constant 64 : i32
        %add3A_486 = arith.addi %mul3A_484, %add3A_485 : i32
        %get3A_487 = arith.constant 1 : i32
        %get3A_488 = arith.index_cast %get3A_487 : i32 to index
        %get3A_489 = arith.index_cast %add3A_486 : i32 to index
        %get3A_490 = tpu.vector_load %arg7[%get3A_488, %get3A_489] {strides = array<i32>} : memref<8x2048xf32, #tpu.memory_space<vmem>>, vector<16xf32>,
        %mul3A_491 = arith.mulf %get3A_490, %gather3A_12 : vector<16xf32>
        %sub3A_492 = arith.subf %mul3A_491, %get3A_282 : vector<16xf32>
        %gt3A_493 = arith.cmpf ogt, %sub3A_492, %select_n3A_481 : vector<16xf32>
        %select_n3A_494 = arith.select %gt3A_493, %sub3A_492, %select_n3A_481 : vector<16xi1>, vector<16xf32>
        %select_n3A_495 = arith.select %gt3A_493, %add3A_320, %select_n3A_482 : vector<16xi1>, vector<16xi32>
        %mul3A_496 = arith.constant 128 : i32
        %mul3A_497 = arith.muli %scan3A_237, %mul3A_496 : i32
        %add3A_498 = arith.constant 80 : i32
        %add3A_499 = arith.addi %mul3A_497, %add3A_498 : i32
        %get3A_500 = arith.constant 1 : i32
        %get3A_501 = arith.index_cast %get3A_500 : i32 to index
        %get3A_502 = arith.index_cast %add3A_499 : i32 to index
        %get3A_503 = tpu.vector_load %arg7[%get3A_501, %get3A_502] {strides = array<i32>} : memref<8x2048xf32, #tpu.memory_space<vmem>>, vector<16xf32>,
        %mul3A_504 = arith.mulf %get3A_503, %gather3A_12 : vector<16xf32>
        %sub3A_505 = arith.subf %mul3A_504, %get3A_288 : vector<16xf32>
        %gt3A_506 = arith.cmpf ogt, %sub3A_505, %select_n3A_494 : vector<16xf32>
        %select_n3A_507 = arith.select %gt3A_506, %sub3A_505, %select_n3A_494 : vector<16xi1>, vector<16xf32>
        %select_n3A_508 = arith.select %gt3A_506, %add3A_323, %select_n3A_495 : vector<16xi1>, vector<16xi32>
        %mul3A_509 = arith.constant 128 : i32
        %mul3A_510 = arith.muli %scan3A_237, %mul3A_509 : i32
        %add3A_511 = arith.constant 96 : i32
        %add3A_512 = arith.addi %mul3A_510, %add3A_511 : i32
        %get3A_513 = arith.constant 1 : i32
        %get3A_514 = arith.index_cast %get3A_513 : i32 to index
        %get3A_515 = arith.index_cast %add3A_512 : i32 to index
        %get3A_516 = tpu.vector_load %arg7[%get3A_514, %get3A_515] {strides = array<i32>} : memref<8x2048xf32, #tpu.memory_space<vmem>>, vector<16xf32>,
        %mul3A_517 = arith.mulf %get3A_516, %gather3A_12 : vector<16xf32>
        %sub3A_518 = arith.subf %mul3A_517, %get3A_294 : vector<16xf32>
        %gt3A_519 = arith.cmpf ogt, %sub3A_518, %select_n3A_507 : vector<16xf32>
        %select_n3A_520 = arith.select %gt3A_519, %sub3A_518, %select_n3A_507 : vector<16xi1>, vector<16xf32>
        %select_n3A_521 = arith.select %gt3A_519, %add3A_326, %select_n3A_508 : vector<16xi1>, vector<16xi32>
        %mul3A_522 = arith.constant 128 : i32
        %mul3A_523 = arith.muli %scan3A_237, %mul3A_522 : i32
        %add3A_524 = arith.constant 112 : i32
        %add3A_525 = arith.addi %mul3A_523, %add3A_524 : i32
        %get3A_526 = arith.constant 1 : i32
        %get3A_527 = arith.index_cast %get3A_526 : i32 to index
        %get3A_528 = arith.index_cast %add3A_525 : i32 to index
        %get3A_529 = tpu.vector_load %arg7[%get3A_527, %get3A_528] {strides = array<i32>} : memref<8x2048xf32, #tpu.memory_space<vmem>>, vector<16xf32>,
        %mul3A_530 = arith.mulf %get3A_529, %gather3A_12 : vector<16xf32>
        %sub3A_531 = arith.subf %mul3A_530, %get3A_300 : vector<16xf32>
        %gt3A_532 = arith.cmpf ogt, %sub3A_531, %select_n3A_520 : vector<16xf32>
        %select_n3A_533 = arith.select %gt3A_532, %sub3A_531, %select_n3A_520 : vector<16xi1>, vector<16xf32>
        %select_n3A_534 = arith.select %gt3A_532, %add3A_329, %select_n3A_521 : vector<16xi1>, vector<16xi32>
        %mul3A_535 = arith.constant 128 : i32
        %mul3A_536 = arith.muli %scan3A_237, %mul3A_535 : i32
        %add3A_537 = arith.constant 0 : i32
        %add3A_538 = arith.addi %mul3A_536, %add3A_537 : i32
        %get3A_539 = arith.constant 2 : i32
        %get3A_540 = arith.index_cast %get3A_539 : i32 to index
        %get3A_541 = arith.index_cast %add3A_538 : i32 to index
        %get3A_542 = tpu.vector_load %arg7[%get3A_540, %get3A_541] {strides = array<i32>} : memref<8x2048xf32, #tpu.memory_space<vmem>>, vector<16xf32>,
        %mul3A_543 = arith.mulf %get3A_542, %gather3A_16 : vector<16xf32>
        %sub3A_544 = arith.subf %mul3A_543, %get3A_258 : vector<16xf32>
        %gt3A_545 = arith.cmpf ogt, %sub3A_544, %scan3A_242 : vector<16xf32>
        %select_n3A_546 = arith.select %gt3A_545, %sub3A_544, %scan3A_242 : vector<16xi1>, vector<16xf32>
        %select_n3A_547 = arith.select %gt3A_545, %add3A_308, %scan3A_243 : vector<16xi1>, vector<16xi32>
        %mul3A_548 = arith.constant 128 : i32
        %mul3A_549 = arith.muli %scan3A_237, %mul3A_548 : i32
        %add3A_550 = arith.constant 16 : i32
        %add3A_551 = arith.addi %mul3A_549, %add3A_550 : i32
        %get3A_552 = arith.constant 2 : i32
        %get3A_553 = arith.index_cast %get3A_552 : i32 to index
        %get3A_554 = arith.index_cast %add3A_551 : i32 to index
        %get3A_555 = tpu.vector_load %arg7[%get3A_553, %get3A_554] {strides = array<i32>} : memref<8x2048xf32, #tpu.memory_space<vmem>>, vector<16xf32>,
        %mul3A_556 = arith.mulf %get3A_555, %gather3A_16 : vector<16xf32>
        %sub3A_557 = arith.subf %mul3A_556, %get3A_264 : vector<16xf32>
        %gt3A_558 = arith.cmpf ogt, %sub3A_557, %select_n3A_546 : vector<16xf32>
        %select_n3A_559 = arith.select %gt3A_558, %sub3A_557, %select_n3A_546 : vector<16xi1>, vector<16xf32>
        %select_n3A_560 = arith.select %gt3A_558, %add3A_311, %select_n3A_547 : vector<16xi1>, vector<16xi32>
        %mul3A_561 = arith.constant 128 : i32
        %mul3A_562 = arith.muli %scan3A_237, %mul3A_561 : i32
        %add3A_563 = arith.constant 32 : i32
        %add3A_564 = arith.addi %mul3A_562, %add3A_563 : i32
        %get3A_565 = arith.constant 2 : i32
        %get3A_566 = arith.index_cast %get3A_565 : i32 to index
        %get3A_567 = arith.index_cast %add3A_564 : i32 to index
        %get3A_568 = tpu.vector_load %arg7[%get3A_566, %get3A_567] {strides = array<i32>} : memref<8x2048xf32, #tpu.memory_space<vmem>>, vector<16xf32>,
        %mul3A_569 = arith.mulf %get3A_568, %gather3A_16 : vector<16xf32>
        %sub3A_570 = arith.subf %mul3A_569, %get3A_270 : vector<16xf32>
        %gt3A_571 = arith.cmpf ogt, %sub3A_570, %select_n3A_559 : vector<16xf32>
        %select_n3A_572 = arith.select %gt3A_571, %sub3A_570, %select_n3A_559 : vector<16xi1>, vector<16xf32>
        %select_n3A_573 = arith.select %gt3A_571, %add3A_314, %select_n3A_560 : vector<16xi1>, vector<16xi32>
        %mul3A_574 = arith.constant 128 : i32
        %mul3A_575 = arith.muli %scan3A_237, %mul3A_574 : i32
        %add3A_576 = arith.constant 48 : i32
        %add3A_577 = arith.addi %mul3A_575, %add3A_576 : i32
        %get3A_578 = arith.constant 2 : i32
        %get3A_579 = arith.index_cast %get3A_578 : i32 to index
        %get3A_580 = arith.index_cast %add3A_577 : i32 to index
        %get3A_581 = tpu.vector_load %arg7[%get3A_579, %get3A_580] {strides = array<i32>} : memref<8x2048xf32, #tpu.memory_space<vmem>>, vector<16xf32>,
        %mul3A_582 = arith.mulf %get3A_581, %gather3A_16 : vector<16xf32>
        %sub3A_583 = arith.subf %mul3A_582, %get3A_276 : vector<16xf32>
        %gt3A_584 = arith.cmpf ogt, %sub3A_583, %select_n3A_572 : vector<16xf32>
        %select_n3A_585 = arith.select %gt3A_584, %sub3A_583, %select_n3A_572 : vector<16xi1>, vector<16xf32>
        %select_n3A_586 = arith.select %gt3A_584, %add3A_317, %select_n3A_573 : vector<16xi1>, vector<16xi32>
        %mul3A_587 = arith.constant 128 : i32
        %mul3A_588 = arith.muli %scan3A_237, %mul3A_587 : i32
        %add3A_589 = arith.constant 64 : i32
        %add3A_590 = arith.addi %mul3A_588, %add3A_589 : i32
        %get3A_591 = arith.constant 2 : i32
        %get3A_592 = arith.index_cast %get3A_591 : i32 to index
        %get3A_593 = arith.index_cast %add3A_590 : i32 to index
        %get3A_594 = tpu.vector_load %arg7[%get3A_592, %get3A_593] {strides = array<i32>} : memref<8x2048xf32, #tpu.memory_space<vmem>>, vector<16xf32>,
        %mul3A_595 = arith.mulf %get3A_594, %gather3A_16 : vector<16xf32>
        %sub3A_596 = arith.subf %mul3A_595, %get3A_282 : vector<16xf32>
        %gt3A_597 = arith.cmpf ogt, %sub3A_596, %select_n3A_585 : vector<16xf32>
        %select_n3A_598 = arith.select %gt3A_597, %sub3A_596, %select_n3A_585 : vector<16xi1>, vector<16xf32>
        %select_n3A_599 = arith.select %gt3A_597, %add3A_320, %select_n3A_586 : vector<16xi1>, vector<16xi32>
        %mul3A_600 = arith.constant 128 : i32
        %mul3A_601 = arith.muli %scan3A_237, %mul3A_600 : i32
        %add3A_602 = arith.constant 80 : i32
        %add3A_603 = arith.addi %mul3A_601, %add3A_602 : i32
        %get3A_604 = arith.constant 2 : i32
        %get3A_605 = arith.index_cast %get3A_604 : i32 to index
        %get3A_606 = arith.index_cast %add3A_603 : i32 to index
        %get3A_607 = tpu.vector_load %arg7[%get3A_605, %get3A_606] {strides = array<i32>} : memref<8x2048xf32, #tpu.memory_space<vmem>>, vector<16xf32>,
        %mul3A_608 = arith.mulf %get3A_607, %gather3A_16 : vector<16xf32>
        %sub3A_609 = arith.subf %mul3A_608, %get3A_288 : vector<16xf32>
        %gt3A_610 = arith.cmpf ogt, %sub3A_609, %select_n3A_598 : vector<16xf32>
        %select_n3A_611 = arith.select %gt3A_610, %sub3A_609, %select_n3A_598 : vector<16xi1>, vector<16xf32>
        %select_n3A_612 = arith.select %gt3A_610, %add3A_323, %select_n3A_599 : vector<16xi1>, vector<16xi32>
        %mul3A_613 = arith.constant 128 : i32
        %mul3A_614 = arith.muli %scan3A_237, %mul3A_613 : i32
        %add3A_615 = arith.constant 96 : i32
        %add3A_616 = arith.addi %mul3A_614, %add3A_615 : i32
        %get3A_617 = arith.constant 2 : i32
        %get3A_618 = arith.index_cast %get3A_617 : i32 to index
        %get3A_619 = arith.index_cast %add3A_616 : i32 to index
        %get3A_620 = tpu.vector_load %arg7[%get3A_618, %get3A_619] {strides = array<i32>} : memref<8x2048xf32, #tpu.memory_space<vmem>>, vector<16xf32>,
        %mul3A_621 = arith.mulf %get3A_620, %gather3A_16 : vector<16xf32>
        %sub3A_622 = arith.subf %mul3A_621, %get3A_294 : vector<16xf32>
        %gt3A_623 = arith.cmpf ogt, %sub3A_622, %select_n3A_611 : vector<16xf32>
        %select_n3A_624 = arith.select %gt3A_623, %sub3A_622, %select_n3A_611 : vector<16xi1>, vector<16xf32>
        %select_n3A_625 = arith.select %gt3A_623, %add3A_326, %select_n3A_612 : vector<16xi1>, vector<16xi32>
        %mul3A_626 = arith.constant 128 : i32
        %mul3A_627 = arith.muli %scan3A_237, %mul3A_626 : i32
        %add3A_628 = arith.constant 112 : i32
        %add3A_629 = arith.addi %mul3A_627, %add3A_628 : i32
        %get3A_630 = arith.constant 2 : i32
        %get3A_631 = arith.index_cast %get3A_630 : i32 to index
        %get3A_632 = arith.index_cast %add3A_629 : i32 to index
        %get3A_633 = tpu.vector_load %arg7[%get3A_631, %get3A_632] {strides = array<i32>} : memref<8x2048xf32, #tpu.memory_space<vmem>>, vector<16xf32>,
        %mul3A_634 = arith.mulf %get3A_633, %gather3A_16 : vector<16xf32>
        %sub3A_635 = arith.subf %mul3A_634, %get3A_300 : vector<16xf32>
        %gt3A_636 = arith.cmpf ogt, %sub3A_635, %select_n3A_624 : vector<16xf32>
        %select_n3A_637 = arith.select %gt3A_636, %sub3A_635, %select_n3A_624 : vector<16xi1>, vector<16xf32>
        %select_n3A_638 = arith.select %gt3A_636, %add3A_329, %select_n3A_625 : vector<16xi1>, vector<16xi32>
        %mul3A_639 = arith.constant 128 : i32
        %mul3A_640 = arith.muli %scan3A_237, %mul3A_639 : i32
        %add3A_641 = arith.constant 0 : i32
        %add3A_642 = arith.addi %mul3A_640, %add3A_641 : i32
        %get3A_643 = arith.constant 3 : i32
        %get3A_644 = arith.index_cast %get3A_643 : i32 to index
        %get3A_645 = arith.index_cast %add3A_642 : i32 to index
        %get3A_646 = tpu.vector_load %arg7[%get3A_644, %get3A_645] {strides = array<i32>} : memref<8x2048xf32, #tpu.memory_space<vmem>>, vector<16xf32>,
        %mul3A_647 = arith.mulf %get3A_646, %gather3A_20 : vector<16xf32>
        %sub3A_648 = arith.subf %mul3A_647, %get3A_258 : vector<16xf32>
        %gt3A_649 = arith.cmpf ogt, %sub3A_648, %scan3A_244 : vector<16xf32>
        %select_n3A_650 = arith.select %gt3A_649, %sub3A_648, %scan3A_244 : vector<16xi1>, vector<16xf32>
        %select_n3A_651 = arith.select %gt3A_649, %add3A_308, %scan3A_245 : vector<16xi1>, vector<16xi32>
        %mul3A_652 = arith.constant 128 : i32
        %mul3A_653 = arith.muli %scan3A_237, %mul3A_652 : i32
        %add3A_654 = arith.constant 16 : i32
        %add3A_655 = arith.addi %mul3A_653, %add3A_654 : i32
        %get3A_656 = arith.constant 3 : i32
        %get3A_657 = arith.index_cast %get3A_656 : i32 to index
        %get3A_658 = arith.index_cast %add3A_655 : i32 to index
        %get3A_659 = tpu.vector_load %arg7[%get3A_657, %get3A_658] {strides = array<i32>} : memref<8x2048xf32, #tpu.memory_space<vmem>>, vector<16xf32>,
        %mul3A_660 = arith.mulf %get3A_659, %gather3A_20 : vector<16xf32>
        %sub3A_661 = arith.subf %mul3A_660, %get3A_264 : vector<16xf32>
        %gt3A_662 = arith.cmpf ogt, %sub3A_661, %select_n3A_650 : vector<16xf32>
        %select_n3A_663 = arith.select %gt3A_662, %sub3A_661, %select_n3A_650 : vector<16xi1>, vector<16xf32>
        %select_n3A_664 = arith.select %gt3A_662, %add3A_311, %select_n3A_651 : vector<16xi1>, vector<16xi32>
        %mul3A_665 = arith.constant 128 : i32
        %mul3A_666 = arith.muli %scan3A_237, %mul3A_665 : i32
        %add3A_667 = arith.constant 32 : i32
        %add3A_668 = arith.addi %mul3A_666, %add3A_667 : i32
        %get3A_669 = arith.constant 3 : i32
        %get3A_670 = arith.index_cast %get3A_669 : i32 to index
        %get3A_671 = arith.index_cast %add3A_668 : i32 to index
        %get3A_672 = tpu.vector_load %arg7[%get3A_670, %get3A_671] {strides = array<i32>} : memref<8x2048xf32, #tpu.memory_space<vmem>>, vector<16xf32>,
        %mul3A_673 = arith.mulf %get3A_672, %gather3A_20 : vector<16xf32>
        %sub3A_674 = arith.subf %mul3A_673, %get3A_270 : vector<16xf32>
        %gt3A_675 = arith.cmpf ogt, %sub3A_674, %select_n3A_663 : vector<16xf32>
        %select_n3A_676 = arith.select %gt3A_675, %sub3A_674, %select_n3A_663 : vector<16xi1>, vector<16xf32>
        %select_n3A_677 = arith.select %gt3A_675, %add3A_314, %select_n3A_664 : vector<16xi1>, vector<16xi32>
        %mul3A_678 = arith.constant 128 : i32
        %mul3A_679 = arith.muli %scan3A_237, %mul3A_678 : i32
        %add3A_680 = arith.constant 48 : i32
        %add3A_681 = arith.addi %mul3A_679, %add3A_680 : i32
        %get3A_682 = arith.constant 3 : i32
        %get3A_683 = arith.index_cast %get3A_682 : i32 to index
        %get3A_684 = arith.index_cast %add3A_681 : i32 to index
        %get3A_685 = tpu.vector_load %arg7[%get3A_683, %get3A_684] {strides = array<i32>} : memref<8x2048xf32, #tpu.memory_space<vmem>>, vector<16xf32>,
        %mul3A_686 = arith.mulf %get3A_685, %gather3A_20 : vector<16xf32>
        %sub3A_687 = arith.subf %mul3A_686, %get3A_276 : vector<16xf32>
        %gt3A_688 = arith.cmpf ogt, %sub3A_687, %select_n3A_676 : vector<16xf32>
        %select_n3A_689 = arith.select %gt3A_688, %sub3A_687, %select_n3A_676 : vector<16xi1>, vector<16xf32>
        %select_n3A_690 = arith.select %gt3A_688, %add3A_317, %select_n3A_677 : vector<16xi1>, vector<16xi32>
        %mul3A_691 = arith.constant 128 : i32
        %mul3A_692 = arith.muli %scan3A_237, %mul3A_691 : i32
        %add3A_693 = arith.constant 64 : i32
        %add3A_694 = arith.addi %mul3A_692, %add3A_693 : i32
        %get3A_695 = arith.constant 3 : i32
        %get3A_696 = arith.index_cast %get3A_695 : i32 to index
        %get3A_697 = arith.index_cast %add3A_694 : i32 to index
        %get3A_698 = tpu.vector_load %arg7[%get3A_696, %get3A_697] {strides = array<i32>} : memref<8x2048xf32, #tpu.memory_space<vmem>>, vector<16xf32>,
        %mul3A_699 = arith.mulf %get3A_698, %gather3A_20 : vector<16xf32>
        %sub3A_700 = arith.subf %mul3A_699, %get3A_282 : vector<16xf32>
        %gt3A_701 = arith.cmpf ogt, %sub3A_700, %select_n3A_689 : vector<16xf32>
        %select_n3A_702 = arith.select %gt3A_701, %sub3A_700, %select_n3A_689 : vector<16xi1>, vector<16xf32>
        %select_n3A_703 = arith.select %gt3A_701, %add3A_320, %select_n3A_690 : vector<16xi1>, vector<16xi32>
        %mul3A_704 = arith.constant 128 : i32
        %mul3A_705 = arith.muli %scan3A_237, %mul3A_704 : i32
        %add3A_706 = arith.constant 80 : i32
        %add3A_707 = arith.addi %mul3A_705, %add3A_706 : i32
        %get3A_708 = arith.constant 3 : i32
        %get3A_709 = arith.index_cast %get3A_708 : i32 to index
        %get3A_710 = arith.index_cast %add3A_707 : i32 to index
        %get3A_711 = tpu.vector_load %arg7[%get3A_709, %get3A_710] {strides = array<i32>} : memref<8x2048xf32, #tpu.memory_space<vmem>>, vector<16xf32>,
        %mul3A_712 = arith.mulf %get3A_711, %gather3A_20 : vector<16xf32>
        %sub3A_713 = arith.subf %mul3A_712, %get3A_288 : vector<16xf32>
        %gt3A_714 = arith.cmpf ogt, %sub3A_713, %select_n3A_702 : vector<16xf32>
        %select_n3A_715 = arith.select %gt3A_714, %sub3A_713, %select_n3A_702 : vector<16xi1>, vector<16xf32>
        %select_n3A_716 = arith.select %gt3A_714, %add3A_323, %select_n3A_703 : vector<16xi1>, vector<16xi32>
        %mul3A_717 = arith.constant 128 : i32
        %mul3A_718 = arith.muli %scan3A_237, %mul3A_717 : i32
        %add3A_719 = arith.constant 96 : i32
        %add3A_720 = arith.addi %mul3A_718, %add3A_719 : i32
        %get3A_721 = arith.constant 3 : i32
        %get3A_722 = arith.index_cast %get3A_721 : i32 to index
        %get3A_723 = arith.index_cast %add3A_720 : i32 to index
        %get3A_724 = tpu.vector_load %arg7[%get3A_722, %get3A_723] {strides = array<i32>} : memref<8x2048xf32, #tpu.memory_space<vmem>>, vector<16xf32>,
        %mul3A_725 = arith.mulf %get3A_724, %gather3A_20 : vector<16xf32>
        %sub3A_726 = arith.subf %mul3A_725, %get3A_294 : vector<16xf32>
        %gt3A_727 = arith.cmpf ogt, %sub3A_726, %select_n3A_715 : vector<16xf32>
        %select_n3A_728 = arith.select %gt3A_727, %sub3A_726, %select_n3A_715 : vector<16xi1>, vector<16xf32>
        %select_n3A_729 = arith.select %gt3A_727, %add3A_326, %select_n3A_716 : vector<16xi1>, vector<16xi32>
        %mul3A_730 = arith.constant 128 : i32
        %mul3A_731 = arith.muli %scan3A_237, %mul3A_730 : i32
        %add3A_732 = arith.constant 112 : i32
        %add3A_733 = arith.addi %mul3A_731, %add3A_732 : i32
        %get3A_734 = arith.constant 3 : i32
        %get3A_735 = arith.index_cast %get3A_734 : i32 to index
        %get3A_736 = arith.index_cast %add3A_733 : i32 to index
        %get3A_737 = tpu.vector_load %arg7[%get3A_735, %get3A_736] {strides = array<i32>} : memref<8x2048xf32, #tpu.memory_space<vmem>>, vector<16xf32>,
        %mul3A_738 = arith.mulf %get3A_737, %gather3A_20 : vector<16xf32>
        %sub3A_739 = arith.subf %mul3A_738, %get3A_300 : vector<16xf32>
        %gt3A_740 = arith.cmpf ogt, %sub3A_739, %select_n3A_728 : vector<16xf32>
        %select_n3A_741 = arith.select %gt3A_740, %sub3A_739, %select_n3A_728 : vector<16xi1>, vector<16xf32>
        %select_n3A_742 = arith.select %gt3A_740, %add3A_329, %select_n3A_729 : vector<16xi1>, vector<16xi32>
        %mul3A_743 = arith.constant 128 : i32
        %mul3A_744 = arith.muli %scan3A_237, %mul3A_743 : i32
        %add3A_745 = arith.constant 0 : i32
        %add3A_746 = arith.addi %mul3A_744, %add3A_745 : i32
        %get3A_747 = arith.constant 4 : i32
        %get3A_748 = arith.index_cast %get3A_747 : i32 to index
        %get3A_749 = arith.index_cast %add3A_746 : i32 to index
        %get3A_750 = tpu.vector_load %arg7[%get3A_748, %get3A_749] {strides = array<i32>} : memref<8x2048xf32, #tpu.memory_space<vmem>>, vector<16xf32>,
        %mul3A_751 = arith.mulf %get3A_750, %gather3A_24 : vector<16xf32>
        %sub3A_752 = arith.subf %mul3A_751, %get3A_258 : vector<16xf32>
        %gt3A_753 = arith.cmpf ogt, %sub3A_752, %scan3A_246 : vector<16xf32>
        %select_n3A_754 = arith.select %gt3A_753, %sub3A_752, %scan3A_246 : vector<16xi1>, vector<16xf32>
        %select_n3A_755 = arith.select %gt3A_753, %add3A_308, %scan3A_247 : vector<16xi1>, vector<16xi32>
        %mul3A_756 = arith.constant 128 : i32
        %mul3A_757 = arith.muli %scan3A_237, %mul3A_756 : i32
        %add3A_758 = arith.constant 16 : i32
        %add3A_759 = arith.addi %mul3A_757, %add3A_758 : i32
        %get3A_760 = arith.constant 4 : i32
        %get3A_761 = arith.index_cast %get3A_760 : i32 to index
        %get3A_762 = arith.index_cast %add3A_759 : i32 to index
        %get3A_763 = tpu.vector_load %arg7[%get3A_761, %get3A_762] {strides = array<i32>} : memref<8x2048xf32, #tpu.memory_space<vmem>>, vector<16xf32>,
        %mul3A_764 = arith.mulf %get3A_763, %gather3A_24 : vector<16xf32>
        %sub3A_765 = arith.subf %mul3A_764, %get3A_264 : vector<16xf32>
        %gt3A_766 = arith.cmpf ogt, %sub3A_765, %select_n3A_754 : vector<16xf32>
        %select_n3A_767 = arith.select %gt3A_766, %sub3A_765, %select_n3A_754 : vector<16xi1>, vector<16xf32>
        %select_n3A_768 = arith.select %gt3A_766, %add3A_311, %select_n3A_755 : vector<16xi1>, vector<16xi32>
        %mul3A_769 = arith.constant 128 : i32
        %mul3A_770 = arith.muli %scan3A_237, %mul3A_769 : i32
        %add3A_771 = arith.constant 32 : i32
        %add3A_772 = arith.addi %mul3A_770, %add3A_771 : i32
        %get3A_773 = arith.constant 4 : i32
        %get3A_774 = arith.index_cast %get3A_773 : i32 to index
        %get3A_775 = arith.index_cast %add3A_772 : i32 to index
        %get3A_776 = tpu.vector_load %arg7[%get3A_774, %get3A_775] {strides = array<i32>} : memref<8x2048xf32, #tpu.memory_space<vmem>>, vector<16xf32>,
        %mul3A_777 = arith.mulf %get3A_776, %gather3A_24 : vector<16xf32>
        %sub3A_778 = arith.subf %mul3A_777, %get3A_270 : vector<16xf32>
        %gt3A_779 = arith.cmpf ogt, %sub3A_778, %select_n3A_767 : vector<16xf32>
        %select_n3A_780 = arith.select %gt3A_779, %sub3A_778, %select_n3A_767 : vector<16xi1>, vector<16xf32>
        %select_n3A_781 = arith.select %gt3A_779, %add3A_314, %select_n3A_768 : vector<16xi1>, vector<16xi32>
        %mul3A_782 = arith.constant 128 : i32
        %mul3A_783 = arith.muli %scan3A_237, %mul3A_782 : i32
        %add3A_784 = arith.constant 48 : i32
        %add3A_785 = arith.addi %mul3A_783, %add3A_784 : i32
        %get3A_786 = arith.constant 4 : i32
        %get3A_787 = arith.index_cast %get3A_786 : i32 to index
        %get3A_788 = arith.index_cast %add3A_785 : i32 to index
        %get3A_789 = tpu.vector_load %arg7[%get3A_787, %get3A_788] {strides = array<i32>} : memref<8x2048xf32, #tpu.memory_space<vmem>>, vector<16xf32>,
        %mul3A_790 = arith.mulf %get3A_789, %gather3A_24 : vector<16xf32>
        %sub3A_791 = arith.subf %mul3A_790, %get3A_276 : vector<16xf32>
        %gt3A_792 = arith.cmpf ogt, %sub3A_791, %select_n3A_780 : vector<16xf32>
        %select_n3A_793 = arith.select %gt3A_792, %sub3A_791, %select_n3A_780 : vector<16xi1>, vector<16xf32>
        %select_n3A_794 = arith.select %gt3A_792, %add3A_317, %select_n3A_781 : vector<16xi1>, vector<16xi32>
        %mul3A_795 = arith.constant 128 : i32
        %mul3A_796 = arith.muli %scan3A_237, %mul3A_795 : i32
        %add3A_797 = arith.constant 64 : i32
        %add3A_798 = arith.addi %mul3A_796, %add3A_797 : i32
        %get3A_799 = arith.constant 4 : i32
        %get3A_800 = arith.index_cast %get3A_799 : i32 to index
        %get3A_801 = arith.index_cast %add3A_798 : i32 to index
        %get3A_802 = tpu.vector_load %arg7[%get3A_800, %get3A_801] {strides = array<i32>} : memref<8x2048xf32, #tpu.memory_space<vmem>>, vector<16xf32>,
        %mul3A_803 = arith.mulf %get3A_802, %gather3A_24 : vector<16xf32>
        %sub3A_804 = arith.subf %mul3A_803, %get3A_282 : vector<16xf32>
        %gt3A_805 = arith.cmpf ogt, %sub3A_804, %select_n3A_793 : vector<16xf32>
        %select_n3A_806 = arith.select %gt3A_805, %sub3A_804, %select_n3A_793 : vector<16xi1>, vector<16xf32>
        %select_n3A_807 = arith.select %gt3A_805, %add3A_320, %select_n3A_794 : vector<16xi1>, vector<16xi32>
        %mul3A_808 = arith.constant 128 : i32
        %mul3A_809 = arith.muli %scan3A_237, %mul3A_808 : i32
        %add3A_810 = arith.constant 80 : i32
        %add3A_811 = arith.addi %mul3A_809, %add3A_810 : i32
        %get3A_812 = arith.constant 4 : i32
        %get3A_813 = arith.index_cast %get3A_812 : i32 to index
        %get3A_814 = arith.index_cast %add3A_811 : i32 to index
        %get3A_815 = tpu.vector_load %arg7[%get3A_813, %get3A_814] {strides = array<i32>} : memref<8x2048xf32, #tpu.memory_space<vmem>>, vector<16xf32>,
        %mul3A_816 = arith.mulf %get3A_815, %gather3A_24 : vector<16xf32>
        %sub3A_817 = arith.subf %mul3A_816, %get3A_288 : vector<16xf32>
        %gt3A_818 = arith.cmpf ogt, %sub3A_817, %select_n3A_806 : vector<16xf32>
        %select_n3A_819 = arith.select %gt3A_818, %sub3A_817, %select_n3A_806 : vector<16xi1>, vector<16xf32>
        %select_n3A_820 = arith.select %gt3A_818, %add3A_323, %select_n3A_807 : vector<16xi1>, vector<16xi32>
        %mul3A_821 = arith.constant 128 : i32
        %mul3A_822 = arith.muli %scan3A_237, %mul3A_821 : i32
        %add3A_823 = arith.constant 96 : i32
        %add3A_824 = arith.addi %mul3A_822, %add3A_823 : i32
        %get3A_825 = arith.constant 4 : i32
        %get3A_826 = arith.index_cast %get3A_825 : i32 to index
        %get3A_827 = arith.index_cast %add3A_824 : i32 to index
        %get3A_828 = tpu.vector_load %arg7[%get3A_826, %get3A_827] {strides = array<i32>} : memref<8x2048xf32, #tpu.memory_space<vmem>>, vector<16xf32>,
        %mul3A_829 = arith.mulf %get3A_828, %gather3A_24 : vector<16xf32>
        %sub3A_830 = arith.subf %mul3A_829, %get3A_294 : vector<16xf32>
        %gt3A_831 = arith.cmpf ogt, %sub3A_830, %select_n3A_819 : vector<16xf32>
        %select_n3A_832 = arith.select %gt3A_831, %sub3A_830, %select_n3A_819 : vector<16xi1>, vector<16xf32>
        %select_n3A_833 = arith.select %gt3A_831, %add3A_326, %select_n3A_820 : vector<16xi1>, vector<16xi32>
        %mul3A_834 = arith.constant 128 : i32
        %mul3A_835 = arith.muli %scan3A_237, %mul3A_834 : i32
        %add3A_836 = arith.constant 112 : i32
        %add3A_837 = arith.addi %mul3A_835, %add3A_836 : i32
        %get3A_838 = arith.constant 4 : i32
        %get3A_839 = arith.index_cast %get3A_838 : i32 to index
        %get3A_840 = arith.index_cast %add3A_837 : i32 to index
        %get3A_841 = tpu.vector_load %arg7[%get3A_839, %get3A_840] {strides = array<i32>} : memref<8x2048xf32, #tpu.memory_space<vmem>>, vector<16xf32>,
        %mul3A_842 = arith.mulf %get3A_841, %gather3A_24 : vector<16xf32>
        %sub3A_843 = arith.subf %mul3A_842, %get3A_300 : vector<16xf32>
        %gt3A_844 = arith.cmpf ogt, %sub3A_843, %select_n3A_832 : vector<16xf32>
        %select_n3A_845 = arith.select %gt3A_844, %sub3A_843, %select_n3A_832 : vector<16xi1>, vector<16xf32>
        %select_n3A_846 = arith.select %gt3A_844, %add3A_329, %select_n3A_833 : vector<16xi1>, vector<16xi32>
        %mul3A_847 = arith.constant 128 : i32
        %mul3A_848 = arith.muli %scan3A_237, %mul3A_847 : i32
        %add3A_849 = arith.constant 0 : i32
        %add3A_850 = arith.addi %mul3A_848, %add3A_849 : i32
        %get3A_851 = arith.constant 5 : i32
        %get3A_852 = arith.index_cast %get3A_851 : i32 to index
        %get3A_853 = arith.index_cast %add3A_850 : i32 to index
        %get3A_854 = tpu.vector_load %arg7[%get3A_852, %get3A_853] {strides = array<i32>} : memref<8x2048xf32, #tpu.memory_space<vmem>>, vector<16xf32>,
        %mul3A_855 = arith.mulf %get3A_854, %gather3A_28 : vector<16xf32>
        %sub3A_856 = arith.subf %mul3A_855, %get3A_258 : vector<16xf32>
        %gt3A_857 = arith.cmpf ogt, %sub3A_856, %scan3A_248 : vector<16xf32>
        %select_n3A_858 = arith.select %gt3A_857, %sub3A_856, %scan3A_248 : vector<16xi1>, vector<16xf32>
        %select_n3A_859 = arith.select %gt3A_857, %add3A_308, %scan3A_249 : vector<16xi1>, vector<16xi32>
        %mul3A_860 = arith.constant 128 : i32
        %mul3A_861 = arith.muli %scan3A_237, %mul3A_860 : i32
        %add3A_862 = arith.constant 16 : i32
        %add3A_863 = arith.addi %mul3A_861, %add3A_862 : i32
        %get3A_864 = arith.constant 5 : i32
        %get3A_865 = arith.index_cast %get3A_864 : i32 to index
        %get3A_866 = arith.index_cast %add3A_863 : i32 to index
        %get3A_867 = tpu.vector_load %arg7[%get3A_865, %get3A_866] {strides = array<i32>} : memref<8x2048xf32, #tpu.memory_space<vmem>>, vector<16xf32>,
        %mul3A_868 = arith.mulf %get3A_867, %gather3A_28 : vector<16xf32>
        %sub3A_869 = arith.subf %mul3A_868, %get3A_264 : vector<16xf32>
        %gt3A_870 = arith.cmpf ogt, %sub3A_869, %select_n3A_858 : vector<16xf32>
        %select_n3A_871 = arith.select %gt3A_870, %sub3A_869, %select_n3A_858 : vector<16xi1>, vector<16xf32>
        %select_n3A_872 = arith.select %gt3A_870, %add3A_311, %select_n3A_859 : vector<16xi1>, vector<16xi32>
        %mul3A_873 = arith.constant 128 : i32
        %mul3A_874 = arith.muli %scan3A_237, %mul3A_873 : i32
        %add3A_875 = arith.constant 32 : i32
        %add3A_876 = arith.addi %mul3A_874, %add3A_875 : i32
        %get3A_877 = arith.constant 5 : i32
        %get3A_878 = arith.index_cast %get3A_877 : i32 to index
        %get3A_879 = arith.index_cast %add3A_876 : i32 to index
        %get3A_880 = tpu.vector_load %arg7[%get3A_878, %get3A_879] {strides = array<i32>} : memref<8x2048xf32, #tpu.memory_space<vmem>>, vector<16xf32>,
        %mul3A_881 = arith.mulf %get3A_880, %gather3A_28 : vector<16xf32>
        %sub3A_882 = arith.subf %mul3A_881, %get3A_270 : vector<16xf32>
        %gt3A_883 = arith.cmpf ogt, %sub3A_882, %select_n3A_871 : vector<16xf32>
        %select_n3A_884 = arith.select %gt3A_883, %sub3A_882, %select_n3A_871 : vector<16xi1>, vector<16xf32>
        %select_n3A_885 = arith.select %gt3A_883, %add3A_314, %select_n3A_872 : vector<16xi1>, vector<16xi32>
        %mul3A_886 = arith.constant 128 : i32
        %mul3A_887 = arith.muli %scan3A_237, %mul3A_886 : i32
        %add3A_888 = arith.constant 48 : i32
        %add3A_889 = arith.addi %mul3A_887, %add3A_888 : i32
        %get3A_890 = arith.constant 5 : i32
        %get3A_891 = arith.index_cast %get3A_890 : i32 to index
        %get3A_892 = arith.index_cast %add3A_889 : i32 to index
        %get3A_893 = tpu.vector_load %arg7[%get3A_891, %get3A_892] {strides = array<i32>} : memref<8x2048xf32, #tpu.memory_space<vmem>>, vector<16xf32>,
        %mul3A_894 = arith.mulf %get3A_893, %gather3A_28 : vector<16xf32>
        %sub3A_895 = arith.subf %mul3A_894, %get3A_276 : vector<16xf32>
        %gt3A_896 = arith.cmpf ogt, %sub3A_895, %select_n3A_884 : vector<16xf32>
        %select_n3A_897 = arith.select %gt3A_896, %sub3A_895, %select_n3A_884 : vector<16xi1>, vector<16xf32>
        %select_n3A_898 = arith.select %gt3A_896, %add3A_317, %select_n3A_885 : vector<16xi1>, vector<16xi32>
        %mul3A_899 = arith.constant 128 : i32
        %mul3A_900 = arith.muli %scan3A_237, %mul3A_899 : i32
        %add3A_901 = arith.constant 64 : i32
        %add3A_902 = arith.addi %mul3A_900, %add3A_901 : i32
        %get3A_903 = arith.constant 5 : i32
        %get3A_904 = arith.index_cast %get3A_903 : i32 to index
        %get3A_905 = arith.index_cast %add3A_902 : i32 to index
        %get3A_906 = tpu.vector_load %arg7[%get3A_904, %get3A_905] {strides = array<i32>} : memref<8x2048xf32, #tpu.memory_space<vmem>>, vector<16xf32>,
        %mul3A_907 = arith.mulf %get3A_906, %gather3A_28 : vector<16xf32>
        %sub3A_908 = arith.subf %mul3A_907, %get3A_282 : vector<16xf32>
        %gt3A_909 = arith.cmpf ogt, %sub3A_908, %select_n3A_897 : vector<16xf32>
        %select_n3A_910 = arith.select %gt3A_909, %sub3A_908, %select_n3A_897 : vector<16xi1>, vector<16xf32>
        %select_n3A_911 = arith.select %gt3A_909, %add3A_320, %select_n3A_898 : vector<16xi1>, vector<16xi32>
        %mul3A_912 = arith.constant 128 : i32
        %mul3A_913 = arith.muli %scan3A_237, %mul3A_912 : i32
        %add3A_914 = arith.constant 80 : i32
        %add3A_915 = arith.addi %mul3A_913, %add3A_914 : i32
        %get3A_916 = arith.constant 5 : i32
        %get3A_917 = arith.index_cast %get3A_916 : i32 to index
        %get3A_918 = arith.index_cast %add3A_915 : i32 to index
        %get3A_919 = tpu.vector_load %arg7[%get3A_917, %get3A_918] {strides = array<i32>} : memref<8x2048xf32, #tpu.memory_space<vmem>>, vector<16xf32>,
        %mul3A_920 = arith.mulf %get3A_919, %gather3A_28 : vector<16xf32>
        %sub3A_921 = arith.subf %mul3A_920, %get3A_288 : vector<16xf32>
        %gt3A_922 = arith.cmpf ogt, %sub3A_921, %select_n3A_910 : vector<16xf32>
        %select_n3A_923 = arith.select %gt3A_922, %sub3A_921, %select_n3A_910 : vector<16xi1>, vector<16xf32>
        %select_n3A_924 = arith.select %gt3A_922, %add3A_323, %select_n3A_911 : vector<16xi1>, vector<16xi32>
        %mul3A_925 = arith.constant 128 : i32
        %mul3A_926 = arith.muli %scan3A_237, %mul3A_925 : i32
        %add3A_927 = arith.constant 96 : i32
        %add3A_928 = arith.addi %mul3A_926, %add3A_927 : i32
        %get3A_929 = arith.constant 5 : i32
        %get3A_930 = arith.index_cast %get3A_929 : i32 to index
        %get3A_931 = arith.index_cast %add3A_928 : i32 to index
        %get3A_932 = tpu.vector_load %arg7[%get3A_930, %get3A_931] {strides = array<i32>} : memref<8x2048xf32, #tpu.memory_space<vmem>>, vector<16xf32>,
        %mul3A_933 = arith.mulf %get3A_932, %gather3A_28 : vector<16xf32>
        %sub3A_934 = arith.subf %mul3A_933, %get3A_294 : vector<16xf32>
        %gt3A_935 = arith.cmpf ogt, %sub3A_934, %select_n3A_923 : vector<16xf32>
        %select_n3A_936 = arith.select %gt3A_935, %sub3A_934, %select_n3A_923 : vector<16xi1>, vector<16xf32>
        %select_n3A_937 = arith.select %gt3A_935, %add3A_326, %select_n3A_924 : vector<16xi1>, vector<16xi32>
        %mul3A_938 = arith.constant 128 : i32
        %mul3A_939 = arith.muli %scan3A_237, %mul3A_938 : i32
        %add3A_940 = arith.constant 112 : i32
        %add3A_941 = arith.addi %mul3A_939, %add3A_940 : i32
        %get3A_942 = arith.constant 5 : i32
        %get3A_943 = arith.index_cast %get3A_942 : i32 to index
        %get3A_944 = arith.index_cast %add3A_941 : i32 to index
        %get3A_945 = tpu.vector_load %arg7[%get3A_943, %get3A_944] {strides = array<i32>} : memref<8x2048xf32, #tpu.memory_space<vmem>>, vector<16xf32>,
        %mul3A_946 = arith.mulf %get3A_945, %gather3A_28 : vector<16xf32>
        %sub3A_947 = arith.subf %mul3A_946, %get3A_300 : vector<16xf32>
        %gt3A_948 = arith.cmpf ogt, %sub3A_947, %select_n3A_936 : vector<16xf32>
        %select_n3A_949 = arith.select %gt3A_948, %sub3A_947, %select_n3A_936 : vector<16xi1>, vector<16xf32>
        %select_n3A_950 = arith.select %gt3A_948, %add3A_329, %select_n3A_937 : vector<16xi1>, vector<16xi32>
        %mul3A_951 = arith.constant 128 : i32
        %mul3A_952 = arith.muli %scan3A_237, %mul3A_951 : i32
        %add3A_953 = arith.constant 0 : i32
        %add3A_954 = arith.addi %mul3A_952, %add3A_953 : i32
        %get3A_955 = arith.constant 6 : i32
        %get3A_956 = arith.index_cast %get3A_955 : i32 to index
        %get3A_957 = arith.index_cast %add3A_954 : i32 to index
        %get3A_958 = tpu.vector_load %arg7[%get3A_956, %get3A_957] {strides = array<i32>} : memref<8x2048xf32, #tpu.memory_space<vmem>>, vector<16xf32>,
        %mul3A_959 = arith.mulf %get3A_958, %gather3A_32 : vector<16xf32>
        %sub3A_960 = arith.subf %mul3A_959, %get3A_258 : vector<16xf32>
        %gt3A_961 = arith.cmpf ogt, %sub3A_960, %scan3A_250 : vector<16xf32>
        %select_n3A_962 = arith.select %gt3A_961, %sub3A_960, %scan3A_250 : vector<16xi1>, vector<16xf32>
        %select_n3A_963 = arith.select %gt3A_961, %add3A_308, %scan3A_251 : vector<16xi1>, vector<16xi32>
        %mul3A_964 = arith.constant 128 : i32
        %mul3A_965 = arith.muli %scan3A_237, %mul3A_964 : i32
        %add3A_966 = arith.constant 16 : i32
        %add3A_967 = arith.addi %mul3A_965, %add3A_966 : i32
        %get3A_968 = arith.constant 6 : i32
        %get3A_969 = arith.index_cast %get3A_968 : i32 to index
        %get3A_970 = arith.index_cast %add3A_967 : i32 to index
        %get3A_971 = tpu.vector_load %arg7[%get3A_969, %get3A_970] {strides = array<i32>} : memref<8x2048xf32, #tpu.memory_space<vmem>>, vector<16xf32>,
        %mul3A_972 = arith.mulf %get3A_971, %gather3A_32 : vector<16xf32>
        %sub3A_973 = arith.subf %mul3A_972, %get3A_264 : vector<16xf32>
        %gt3A_974 = arith.cmpf ogt, %sub3A_973, %select_n3A_962 : vector<16xf32>
        %select_n3A_975 = arith.select %gt3A_974, %sub3A_973, %select_n3A_962 : vector<16xi1>, vector<16xf32>
        %select_n3A_976 = arith.select %gt3A_974, %add3A_311, %select_n3A_963 : vector<16xi1>, vector<16xi32>
        %mul3A_977 = arith.constant 128 : i32
        %mul3A_978 = arith.muli %scan3A_237, %mul3A_977 : i32
        %add3A_979 = arith.constant 32 : i32
        %add3A_980 = arith.addi %mul3A_978, %add3A_979 : i32
        %get3A_981 = arith.constant 6 : i32
        %get3A_982 = arith.index_cast %get3A_981 : i32 to index
        %get3A_983 = arith.index_cast %add3A_980 : i32 to index
        %get3A_984 = tpu.vector_load %arg7[%get3A_982, %get3A_983] {strides = array<i32>} : memref<8x2048xf32, #tpu.memory_space<vmem>>, vector<16xf32>,
        %mul3A_985 = arith.mulf %get3A_984, %gather3A_32 : vector<16xf32>
        %sub3A_986 = arith.subf %mul3A_985, %get3A_270 : vector<16xf32>
        %gt3A_987 = arith.cmpf ogt, %sub3A_986, %select_n3A_975 : vector<16xf32>
        %select_n3A_988 = arith.select %gt3A_987, %sub3A_986, %select_n3A_975 : vector<16xi1>, vector<16xf32>
        %select_n3A_989 = arith.select %gt3A_987, %add3A_314, %select_n3A_976 : vector<16xi1>, vector<16xi32>
        %mul3A_990 = arith.constant 128 : i32
        %mul3A_991 = arith.muli %scan3A_237, %mul3A_990 : i32
        %add3A_992 = arith.constant 48 : i32
        %add3A_993 = arith.addi %mul3A_991, %add3A_992 : i32
        %get3A_994 = arith.constant 6 : i32
        %get3A_995 = arith.index_cast %get3A_994 : i32 to index
        %get3A_996 = arith.index_cast %add3A_993 : i32 to index
        %get3A_997 = tpu.vector_load %arg7[%get3A_995, %get3A_996] {strides = array<i32>} : memref<8x2048xf32, #tpu.memory_space<vmem>>, vector<16xf32>,
        %mul3A_998 = arith.mulf %get3A_997, %gather3A_32 : vector<16xf32>
        %sub3A_999 = arith.subf %mul3A_998, %get3A_276 : vector<16xf32>
        %gt3A_1000 = arith.cmpf ogt, %sub3A_999, %select_n3A_988 : vector<16xf32>
        %select_n3A_1001 = arith.select %gt3A_1000, %sub3A_999, %select_n3A_988 : vector<16xi1>, vector<16xf32>
        %select_n3A_1002 = arith.select %gt3A_1000, %add3A_317, %select_n3A_989 : vector<16xi1>, vector<16xi32>
        %mul3A_1003 = arith.constant 128 : i32
        %mul3A_1004 = arith.muli %scan3A_237, %mul3A_1003 : i32
        %add3A_1005 = arith.constant 64 : i32
        %add3A_1006 = arith.addi %mul3A_1004, %add3A_1005 : i32
        %get3A_1007 = arith.constant 6 : i32
        %get3A_1008 = arith.index_cast %get3A_1007 : i32 to index
        %get3A_1009 = arith.index_cast %add3A_1006 : i32 to index
        %get3A_1010 = tpu.vector_load %arg7[%get3A_1008, %get3A_1009] {strides = array<i32>} : memref<8x2048xf32, #tpu.memory_space<vmem>>, vector<16xf32>,
        %mul3A_1011 = arith.mulf %get3A_1010, %gather3A_32 : vector<16xf32>
        %sub3A_1012 = arith.subf %mul3A_1011, %get3A_282 : vector<16xf32>
        %gt3A_1013 = arith.cmpf ogt, %sub3A_1012, %select_n3A_1001 : vector<16xf32>
        %select_n3A_1014 = arith.select %gt3A_1013, %sub3A_1012, %select_n3A_1001 : vector<16xi1>, vector<16xf32>
        %select_n3A_1015 = arith.select %gt3A_1013, %add3A_320, %select_n3A_1002 : vector<16xi1>, vector<16xi32>
        %mul3A_1016 = arith.constant 128 : i32
        %mul3A_1017 = arith.muli %scan3A_237, %mul3A_1016 : i32
        %add3A_1018 = arith.constant 80 : i32
        %add3A_1019 = arith.addi %mul3A_1017, %add3A_1018 : i32
        %get3A_1020 = arith.constant 6 : i32
        %get3A_1021 = arith.index_cast %get3A_1020 : i32 to index
        %get3A_1022 = arith.index_cast %add3A_1019 : i32 to index
        %get3A_1023 = tpu.vector_load %arg7[%get3A_1021, %get3A_1022] {strides = array<i32>} : memref<8x2048xf32, #tpu.memory_space<vmem>>, vector<16xf32>,
        %mul3A_1024 = arith.mulf %get3A_1023, %gather3A_32 : vector<16xf32>
        %sub3A_1025 = arith.subf %mul3A_1024, %get3A_288 : vector<16xf32>
        %gt3A_1026 = arith.cmpf ogt, %sub3A_1025, %select_n3A_1014 : vector<16xf32>
        %select_n3A_1027 = arith.select %gt3A_1026, %sub3A_1025, %select_n3A_1014 : vector<16xi1>, vector<16xf32>
        %select_n3A_1028 = arith.select %gt3A_1026, %add3A_323, %select_n3A_1015 : vector<16xi1>, vector<16xi32>
        %mul3A_1029 = arith.constant 128 : i32
        %mul3A_1030 = arith.muli %scan3A_237, %mul3A_1029 : i32
        %add3A_1031 = arith.constant 96 : i32
        %add3A_1032 = arith.addi %mul3A_1030, %add3A_1031 : i32
        %get3A_1033 = arith.constant 6 : i32
        %get3A_1034 = arith.index_cast %get3A_1033 : i32 to index
        %get3A_1035 = arith.index_cast %add3A_1032 : i32 to index
        %get3A_1036 = tpu.vector_load %arg7[%get3A_1034, %get3A_1035] {strides = array<i32>} : memref<8x2048xf32, #tpu.memory_space<vmem>>, vector<16xf32>,
        %mul3A_1037 = arith.mulf %get3A_1036, %gather3A_32 : vector<16xf32>
        %sub3A_1038 = arith.subf %mul3A_1037, %get3A_294 : vector<16xf32>
        %gt3A_1039 = arith.cmpf ogt, %sub3A_1038, %select_n3A_1027 : vector<16xf32>
        %select_n3A_1040 = arith.select %gt3A_1039, %sub3A_1038, %select_n3A_1027 : vector<16xi1>, vector<16xf32>
        %select_n3A_1041 = arith.select %gt3A_1039, %add3A_326, %select_n3A_1028 : vector<16xi1>, vector<16xi32>
        %mul3A_1042 = arith.constant 128 : i32
        %mul3A_1043 = arith.muli %scan3A_237, %mul3A_1042 : i32
        %add3A_1044 = arith.constant 112 : i32
        %add3A_1045 = arith.addi %mul3A_1043, %add3A_1044 : i32
        %get3A_1046 = arith.constant 6 : i32
        %get3A_1047 = arith.index_cast %get3A_1046 : i32 to index
        %get3A_1048 = arith.index_cast %add3A_1045 : i32 to index
        %get3A_1049 = tpu.vector_load %arg7[%get3A_1047, %get3A_1048] {strides = array<i32>} : memref<8x2048xf32, #tpu.memory_space<vmem>>, vector<16xf32>,
        %mul3A_1050 = arith.mulf %get3A_1049, %gather3A_32 : vector<16xf32>
        %sub3A_1051 = arith.subf %mul3A_1050, %get3A_300 : vector<16xf32>
        %gt3A_1052 = arith.cmpf ogt, %sub3A_1051, %select_n3A_1040 : vector<16xf32>
        %select_n3A_1053 = arith.select %gt3A_1052, %sub3A_1051, %select_n3A_1040 : vector<16xi1>, vector<16xf32>
        %select_n3A_1054 = arith.select %gt3A_1052, %add3A_329, %select_n3A_1041 : vector<16xi1>, vector<16xi32>
        %mul3A_1055 = arith.constant 128 : i32
        %mul3A_1056 = arith.muli %scan3A_237, %mul3A_1055 : i32
        %add3A_1057 = arith.constant 0 : i32
        %add3A_1058 = arith.addi %mul3A_1056, %add3A_1057 : i32
        %get3A_1059 = arith.constant 7 : i32
        %get3A_1060 = arith.index_cast %get3A_1059 : i32 to index
        %get3A_1061 = arith.index_cast %add3A_1058 : i32 to index
        %get3A_1062 = tpu.vector_load %arg7[%get3A_1060, %get3A_1061] {strides = array<i32>} : memref<8x2048xf32, #tpu.memory_space<vmem>>, vector<16xf32>,
        %mul3A_1063 = arith.mulf %get3A_1062, %gather3A_36 : vector<16xf32>
        %sub3A_1064 = arith.subf %mul3A_1063, %get3A_258 : vector<16xf32>
        %gt3A_1065 = arith.cmpf ogt, %sub3A_1064, %scan3A_252 : vector<16xf32>
        %select_n3A_1066 = arith.select %gt3A_1065, %sub3A_1064, %scan3A_252 : vector<16xi1>, vector<16xf32>
        %select_n3A_1067 = arith.select %gt3A_1065, %add3A_308, %scan3A_253 : vector<16xi1>, vector<16xi32>
        %mul3A_1068 = arith.constant 128 : i32
        %mul3A_1069 = arith.muli %scan3A_237, %mul3A_1068 : i32
        %add3A_1070 = arith.constant 16 : i32
        %add3A_1071 = arith.addi %mul3A_1069, %add3A_1070 : i32
        %get3A_1072 = arith.constant 7 : i32
        %get3A_1073 = arith.index_cast %get3A_1072 : i32 to index
        %get3A_1074 = arith.index_cast %add3A_1071 : i32 to index
        %get3A_1075 = tpu.vector_load %arg7[%get3A_1073, %get3A_1074] {strides = array<i32>} : memref<8x2048xf32, #tpu.memory_space<vmem>>, vector<16xf32>,
        %mul3A_1076 = arith.mulf %get3A_1075, %gather3A_36 : vector<16xf32>
        %sub3A_1077 = arith.subf %mul3A_1076, %get3A_264 : vector<16xf32>
        %gt3A_1078 = arith.cmpf ogt, %sub3A_1077, %select_n3A_1066 : vector<16xf32>
        %select_n3A_1079 = arith.select %gt3A_1078, %sub3A_1077, %select_n3A_1066 : vector<16xi1>, vector<16xf32>
        %select_n3A_1080 = arith.select %gt3A_1078, %add3A_311, %select_n3A_1067 : vector<16xi1>, vector<16xi32>
        %mul3A_1081 = arith.constant 128 : i32
        %mul3A_1082 = arith.muli %scan3A_237, %mul3A_1081 : i32
        %add3A_1083 = arith.constant 32 : i32
        %add3A_1084 = arith.addi %mul3A_1082, %add3A_1083 : i32
        %get3A_1085 = arith.constant 7 : i32
        %get3A_1086 = arith.index_cast %get3A_1085 : i32 to index
        %get3A_1087 = arith.index_cast %add3A_1084 : i32 to index
        %get3A_1088 = tpu.vector_load %arg7[%get3A_1086, %get3A_1087] {strides = array<i32>} : memref<8x2048xf32, #tpu.memory_space<vmem>>, vector<16xf32>,
        %mul3A_1089 = arith.mulf %get3A_1088, %gather3A_36 : vector<16xf32>
        %sub3A_1090 = arith.subf %mul3A_1089, %get3A_270 : vector<16xf32>
        %gt3A_1091 = arith.cmpf ogt, %sub3A_1090, %select_n3A_1079 : vector<16xf32>
        %select_n3A_1092 = arith.select %gt3A_1091, %sub3A_1090, %select_n3A_1079 : vector<16xi1>, vector<16xf32>
        %select_n3A_1093 = arith.select %gt3A_1091, %add3A_314, %select_n3A_1080 : vector<16xi1>, vector<16xi32>
        %mul3A_1094 = arith.constant 128 : i32
        %mul3A_1095 = arith.muli %scan3A_237, %mul3A_1094 : i32
        %add3A_1096 = arith.constant 48 : i32
        %add3A_1097 = arith.addi %mul3A_1095, %add3A_1096 : i32
        %get3A_1098 = arith.constant 7 : i32
        %get3A_1099 = arith.index_cast %get3A_1098 : i32 to index
        %get3A_1100 = arith.index_cast %add3A_1097 : i32 to index
        %get3A_1101 = tpu.vector_load %arg7[%get3A_1099, %get3A_1100] {strides = array<i32>} : memref<8x2048xf32, #tpu.memory_space<vmem>>, vector<16xf32>,
        %mul3A_1102 = arith.mulf %get3A_1101, %gather3A_36 : vector<16xf32>
        %sub3A_1103 = arith.subf %mul3A_1102, %get3A_276 : vector<16xf32>
        %gt3A_1104 = arith.cmpf ogt, %sub3A_1103, %select_n3A_1092 : vector<16xf32>
        %select_n3A_1105 = arith.select %gt3A_1104, %sub3A_1103, %select_n3A_1092 : vector<16xi1>, vector<16xf32>
        %select_n3A_1106 = arith.select %gt3A_1104, %add3A_317, %select_n3A_1093 : vector<16xi1>, vector<16xi32>
        %mul3A_1107 = arith.constant 128 : i32
        %mul3A_1108 = arith.muli %scan3A_237, %mul3A_1107 : i32
        %add3A_1109 = arith.constant 64 : i32
        %add3A_1110 = arith.addi %mul3A_1108, %add3A_1109 : i32
        %get3A_1111 = arith.constant 7 : i32
        %get3A_1112 = arith.index_cast %get3A_1111 : i32 to index
        %get3A_1113 = arith.index_cast %add3A_1110 : i32 to index
        %get3A_1114 = tpu.vector_load %arg7[%get3A_1112, %get3A_1113] {strides = array<i32>} : memref<8x2048xf32, #tpu.memory_space<vmem>>, vector<16xf32>,
        %mul3A_1115 = arith.mulf %get3A_1114, %gather3A_36 : vector<16xf32>
        %sub3A_1116 = arith.subf %mul3A_1115, %get3A_282 : vector<16xf32>
        %gt3A_1117 = arith.cmpf ogt, %sub3A_1116, %select_n3A_1105 : vector<16xf32>
        %select_n3A_1118 = arith.select %gt3A_1117, %sub3A_1116, %select_n3A_1105 : vector<16xi1>, vector<16xf32>
        %select_n3A_1119 = arith.select %gt3A_1117, %add3A_320, %select_n3A_1106 : vector<16xi1>, vector<16xi32>
        %mul3A_1120 = arith.constant 128 : i32
        %mul3A_1121 = arith.muli %scan3A_237, %mul3A_1120 : i32
        %add3A_1122 = arith.constant 80 : i32
        %add3A_1123 = arith.addi %mul3A_1121, %add3A_1122 : i32
        %get3A_1124 = arith.constant 7 : i32
        %get3A_1125 = arith.index_cast %get3A_1124 : i32 to index
        %get3A_1126 = arith.index_cast %add3A_1123 : i32 to index
        %get3A_1127 = tpu.vector_load %arg7[%get3A_1125, %get3A_1126] {strides = array<i32>} : memref<8x2048xf32, #tpu.memory_space<vmem>>, vector<16xf32>,
        %mul3A_1128 = arith.mulf %get3A_1127, %gather3A_36 : vector<16xf32>
        %sub3A_1129 = arith.subf %mul3A_1128, %get3A_288 : vector<16xf32>
        %gt3A_1130 = arith.cmpf ogt, %sub3A_1129, %select_n3A_1118 : vector<16xf32>
        %select_n3A_1131 = arith.select %gt3A_1130, %sub3A_1129, %select_n3A_1118 : vector<16xi1>, vector<16xf32>
        %select_n3A_1132 = arith.select %gt3A_1130, %add3A_323, %select_n3A_1119 : vector<16xi1>, vector<16xi32>
        %mul3A_1133 = arith.constant 128 : i32
        %mul3A_1134 = arith.muli %scan3A_237, %mul3A_1133 : i32
        %add3A_1135 = arith.constant 96 : i32
        %add3A_1136 = arith.addi %mul3A_1134, %add3A_1135 : i32
        %get3A_1137 = arith.constant 7 : i32
        %get3A_1138 = arith.index_cast %get3A_1137 : i32 to index
        %get3A_1139 = arith.index_cast %add3A_1136 : i32 to index
        %get3A_1140 = tpu.vector_load %arg7[%get3A_1138, %get3A_1139] {strides = array<i32>} : memref<8x2048xf32, #tpu.memory_space<vmem>>, vector<16xf32>,
        %mul3A_1141 = arith.mulf %get3A_1140, %gather3A_36 : vector<16xf32>
        %sub3A_1142 = arith.subf %mul3A_1141, %get3A_294 : vector<16xf32>
        %gt3A_1143 = arith.cmpf ogt, %sub3A_1142, %select_n3A_1131 : vector<16xf32>
        %select_n3A_1144 = arith.select %gt3A_1143, %sub3A_1142, %select_n3A_1131 : vector<16xi1>, vector<16xf32>
        %select_n3A_1145 = arith.select %gt3A_1143, %add3A_326, %select_n3A_1132 : vector<16xi1>, vector<16xi32>
        %mul3A_1146 = arith.constant 128 : i32
        %mul3A_1147 = arith.muli %scan3A_237, %mul3A_1146 : i32
        %add3A_1148 = arith.constant 112 : i32
        %add3A_1149 = arith.addi %mul3A_1147, %add3A_1148 : i32
        %get3A_1150 = arith.constant 7 : i32
        %get3A_1151 = arith.index_cast %get3A_1150 : i32 to index
        %get3A_1152 = arith.index_cast %add3A_1149 : i32 to index
        %get3A_1153 = tpu.vector_load %arg7[%get3A_1151, %get3A_1152] {strides = array<i32>} : memref<8x2048xf32, #tpu.memory_space<vmem>>, vector<16xf32>,
        %mul3A_1154 = arith.mulf %get3A_1153, %gather3A_36 : vector<16xf32>
        %sub3A_1155 = arith.subf %mul3A_1154, %get3A_300 : vector<16xf32>
        %gt3A_1156 = arith.cmpf ogt, %sub3A_1155, %select_n3A_1144 : vector<16xf32>
        %select_n3A_1157 = arith.select %gt3A_1156, %sub3A_1155, %select_n3A_1144 : vector<16xi1>, vector<16xf32>
        %select_n3A_1158 = arith.select %gt3A_1156, %add3A_329, %select_n3A_1145 : vector<16xi1>, vector<16xi32>
        scf.yield %select_n3A_429, %select_n3A_430, %select_n3A_533, %select_n3A_534, %select_n3A_637, %select_n3A_638, %select_n3A_741, %select_n3A_742, %select_n3A_845, %select_n3A_846, %select_n3A_949, %select_n3A_950, %select_n3A_1053, %select_n3A_1054, %select_n3A_1157, %select_n3A_1158 : vector<16xf32>, vector<16xi32>, vector<16xf32>, vector<16xi32>, vector<16xf32>, vector<16xi32>, vector<16xf32>, vector<16xi32>, vector<16xf32>, vector<16xi32>, vector<16xf32>, vector<16xi32>, vector<16xf32>, vector<16xi32>, vector<16xf32>, vector<16xi32>
      }
      %scan3A_204 = arith.constant 16 : i32
      %add3A_205 = arith.constant 2 : i32
      %add3A_206 = arith.addi %mul3A_185, %add3A_205 : i32
      %lt3A = arith.constant 61 : i32
      %lt3A_207 = arith.cmpi slt, %add3A_206, %lt3A : i32
      %convert_element_type3A = arith.extui %lt3A_207 : i1 to i32
      %cond3A = arith.constant 0 : i32
      %cond3A_208 = arith.cmpi ne, %convert_element_type3A, %cond3A : i32
      scf.if %cond3A_208 {
        %add3A_237 = arith.constant 2 : i32
        %add3A_238 = arith.addi %mul3A_185, %add3A_237 : i32
        %mul3A_239 = arith.constant 2048 : i32
        %mul3A_240 = arith.muli %add3A_238, %mul3A_239 : i32
        %add3A_241 = arith.addi %mul3A_6, %mul3A_240 : i32
        %multiple_of3A_242 = tpu.assume_multiple %add3A_241, 1024 : i32
        %dma_start3A_243 = tpu.memref_slice %arg2[%multiple_of3A, %multiple_of3A_242] : memref<32x1000000xf32, #tpu.memory_space<hbm>> -> memref<8x2048xf32, #tpu.memory_space<hbm>>
        %dma_start3A_244 = tpu.memref_slice %arg2[%multiple_of3A, %multiple_of3A_242] : memref<32x1000000xf32, #tpu.memory_space<hbm>> -> memref<8x2048xf32, #tpu.memory_space<hbm>>
        tpu.enqueue_dma source(%dma_start3A_244 : memref<8x2048xf32, #tpu.memory_space<hbm>>) target(%arg7 : memref<8x2048xf32, #tpu.memory_space<vmem>>) target_semaphore(%arg14 : memref<!tpu.dma_semaphore, #tpu.memory_space<semaphore_mem>>)
        %dma_start3A_245 = tpu.memref_slice %arg4[%multiple_of3A_242] : memref<1000000xf32, #tpu.memory_space<hbm>> -> memref<2048xf32, #tpu.memory_space<hbm>>
        %dma_start3A_246 = tpu.memref_slice %arg4[%multiple_of3A_242] : memref<1000000xf32, #tpu.memory_space<hbm>> -> memref<2048xf32, #tpu.memory_space<hbm>>
        tpu.enqueue_dma source(%dma_start3A_246 : memref<2048xf32, #tpu.memory_space<hbm>>) target(%arg9 : memref<2048xf32, #tpu.memory_space<vmem>>) target_semaphore(%arg16 : memref<!tpu.dma_semaphore, #tpu.memory_space<semaphore_mem>>)
      } else {
      }
      %dma_wait3A_209 = arith.constant 0 : i32
      %dma_wait3A_210 = arith.constant 0 : i32
      %dma_wait3A_211 = tpu.memref_slice %arg2[%dma_wait3A_209, %dma_wait3A_210] : memref<32x1000000xf32, #tpu.memory_space<hbm>> -> memref<8x2048xf32, #tpu.memory_space<hbm>>
      %dma_wait3A_212 = arith.constant 0 : i32
      %dma_wait3A_213 = arith.constant 0 : i32
      %dma_wait3A_214 = tpu.memref_slice %arg2[%dma_wait3A_212, %dma_wait3A_213] : memref<32x1000000xf32, #tpu.memory_space<hbm>> -> memref<8x2048xf32, #tpu.memory_space<hbm>>
      tpu.wait_dma2 semaphore(%arg15 : memref<!tpu.dma_semaphore, #tpu.memory_space<semaphore_mem>>) src(%dma_wait3A_214 : memref<8x2048xf32, #tpu.memory_space<hbm>>) dst(%arg8 : memref<8x2048xf32, #tpu.memory_space<vmem>>)
      %dma_wait3A_215 = arith.constant 0 : i32
      %dma_wait3A_216 = tpu.memref_slice %arg4[%dma_wait3A_215] : memref<1000000xf32, #tpu.memory_space<hbm>> -> memref<2048xf32, #tpu.memory_space<hbm>>
      %dma_wait3A_217 = arith.constant 0 : i32
      %dma_wait3A_218 = tpu.memref_slice %arg4[%dma_wait3A_217] : memref<1000000xf32, #tpu.memory_space<hbm>> -> memref<2048xf32, #tpu.memory_space<hbm>>
      tpu.wait_dma2 semaphore(%arg17 : memref<!tpu.dma_semaphore, #tpu.memory_space<semaphore_mem>>) src(%dma_wait3A_218 : memref<2048xf32, #tpu.memory_space<hbm>>) dst(%arg10 : memref<2048xf32, #tpu.memory_space<vmem>>)
      %add3A_219 = arith.constant 1 : i32
      %add3A_220 = arith.addi %mul3A_185, %add3A_219 : i32
      %mul3A_221 = arith.constant 2048 : i32
      %mul3A_222 = arith.muli %add3A_220, %mul3A_221 : i32
      %add3A_223 = arith.addi %mul3A_6, %mul3A_222 : i32
      %scan3A_224 = arith.constant 0 : i32
      %scan3A_225 = arith.constant 16 : i32
      %scan3A_226 = arith.addi %scan3A_224, %scan3A_225 : i32
      %scan3A_227 = arith.constant 1 : i32
      %scan3A_228:16 = scf.for %scan3A_237 = %scan3A_224 to %scan3A_226 step %scan3A_227 iter_args(%scan3A_238 = %scan3A_203#0, %scan3A_239 = %scan3A_203#1, %scan3A_240 = %scan3A_203#2, %scan3A_241 = %scan3A_203#3, %scan3A_242 = %scan3A_203#4, %scan3A_243 = %scan3A_203#5, %scan3A_244 = %scan3A_203#6, %scan3A_245 = %scan3A_203#7, %scan3A_246 = %scan3A_203#8, %scan3A_247 = %scan3A_203#9, %scan3A_248 = %scan3A_203#10, %scan3A_249 = %scan3A_203#11, %scan3A_250 = %scan3A_203#12, %scan3A_251 = %scan3A_203#13, %scan3A_252 = %scan3A_203#14, %scan3A_253 = %scan3A_203#15) -> (vector<16xf32>, vector<16xi32>, vector<16xf32>, vector<16xi32>, vector<16xf32>, vector<16xi32>, vector<16xf32>, vector<16xi32>, vector<16xf32>, vector<16xi32>, vector<16xf32>, vector<16xi32>, vector<16xf32>, vector<16xi32>, vector<16xf32>, vector<16xi32>)  : i32 {
        %mul3A_254 = arith.constant 128 : i32
        %mul3A_255 = arith.muli %scan3A_237, %mul3A_254 : i32
        %add3A_256 = arith.constant 0 : i32
        %add3A_257 = arith.addi %mul3A_255, %add3A_256 : i32
        %get3A = arith.index_cast %add3A_257 : i32 to index
        %get3A_258 = tpu.vector_load %arg10[%get3A] {strides = array<i32>} : memref<2048xf32, #tpu.memory_space<vmem>>, vector<16xf32>,
        %mul3A_259 = arith.constant 128 : i32
        %mul3A_260 = arith.muli %scan3A_237, %mul3A_259 : i32
        %add3A_261 = arith.constant 16 : i32
        %add3A_262 = arith.addi %mul3A_260, %add3A_261 : i32
        %get3A_263 = arith.index_cast %add3A_262 : i32 to index
        %get3A_264 = tpu.vector_load %arg10[%get3A_263] {strides = array<i32>} : memref<2048xf32, #tpu.memory_space<vmem>>, vector<16xf32>,
        %mul3A_265 = arith.constant 128 : i32
        %mul3A_266 = arith.muli %scan3A_237, %mul3A_265 : i32
        %add3A_267 = arith.constant 32 : i32
        %add3A_268 = arith.addi %mul3A_266, %add3A_267 : i32
        %get3A_269 = arith.index_cast %add3A_268 : i32 to index
        %get3A_270 = tpu.vector_load %arg10[%get3A_269] {strides = array<i32>} : memref<2048xf32, #tpu.memory_space<vmem>>, vector<16xf32>,
        %mul3A_271 = arith.constant 128 : i32
        %mul3A_272 = arith.muli %scan3A_237, %mul3A_271 : i32
        %add3A_273 = arith.constant 48 : i32
        %add3A_274 = arith.addi %mul3A_272, %add3A_273 : i32
        %get3A_275 = arith.index_cast %add3A_274 : i32 to index
        %get3A_276 = tpu.vector_load %arg10[%get3A_275] {strides = array<i32>} : memref<2048xf32, #tpu.memory_space<vmem>>, vector<16xf32>,
        %mul3A_277 = arith.constant 128 : i32
        %mul3A_278 = arith.muli %scan3A_237, %mul3A_277 : i32
        %add3A_279 = arith.constant 64 : i32
        %add3A_280 = arith.addi %mul3A_278, %add3A_279 : i32
        %get3A_281 = arith.index_cast %add3A_280 : i32 to index
        %get3A_282 = tpu.vector_load %arg10[%get3A_281] {strides = array<i32>} : memref<2048xf32, #tpu.memory_space<vmem>>, vector<16xf32>,
        %mul3A_283 = arith.constant 128 : i32
        %mul3A_284 = arith.muli %scan3A_237, %mul3A_283 : i32
        %add3A_285 = arith.constant 80 : i32
        %add3A_286 = arith.addi %mul3A_284, %add3A_285 : i32
        %get3A_287 = arith.index_cast %add3A_286 : i32 to index
        %get3A_288 = tpu.vector_load %arg10[%get3A_287] {strides = array<i32>} : memref<2048xf32, #tpu.memory_space<vmem>>, vector<16xf32>,
        %mul3A_289 = arith.constant 128 : i32
        %mul3A_290 = arith.muli %scan3A_237, %mul3A_289 : i32
        %add3A_291 = arith.constant 96 : i32
        %add3A_292 = arith.addi %mul3A_290, %add3A_291 : i32
        %get3A_293 = arith.index_cast %add3A_292 : i32 to index
        %get3A_294 = tpu.vector_load %arg10[%get3A_293] {strides = array<i32>} : memref<2048xf32, #tpu.memory_space<vmem>>, vector<16xf32>,
        %mul3A_295 = arith.constant 128 : i32
        %mul3A_296 = arith.muli %scan3A_237, %mul3A_295 : i32
        %add3A_297 = arith.constant 112 : i32
        %add3A_298 = arith.addi %mul3A_296, %add3A_297 : i32
        %get3A_299 = arith.index_cast %add3A_298 : i32 to index
        %get3A_300 = tpu.vector_load %arg10[%get3A_299] {strides = array<i32>} : memref<2048xf32, #tpu.memory_space<vmem>>, vector<16xf32>,
        %mul3A_301 = arith.constant 128 : i32
        %mul3A_302 = arith.muli %scan3A_237, %mul3A_301 : i32
        %add3A_303 = arith.addi %add3A_223, %mul3A_302 : i32
        %add3A_304 = vector.broadcast %add3A_303 : i32 to vector<16xi32>
        %add3A_305 = arith.addi %iota3A, %add3A_304 : vector<16xi32>
        %add3A_306 = arith.constant 0 : i32
        %add3A_307 = vector.broadcast %add3A_306 : i32 to vector<16xi32>
        %add3A_308 = arith.addi %add3A_305, %add3A_307 : vector<16xi32>
        %add3A_309 = arith.constant 16 : i32
        %add3A_310 = vector.broadcast %add3A_309 : i32 to vector<16xi32>
        %add3A_311 = arith.addi %add3A_305, %add3A_310 : vector<16xi32>
        %add3A_312 = arith.constant 32 : i32
        %add3A_313 = vector.broadcast %add3A_312 : i32 to vector<16xi32>
        %add3A_314 = arith.addi %add3A_305, %add3A_313 : vector<16xi32>
        %add3A_315 = arith.constant 48 : i32
        %add3A_316 = vector.broadcast %add3A_315 : i32 to vector<16xi32>
        %add3A_317 = arith.addi %add3A_305, %add3A_316 : vector<16xi32>
        %add3A_318 = arith.constant 64 : i32
        %add3A_319 = vector.broadcast %add3A_318 : i32 to vector<16xi32>
        %add3A_320 = arith.addi %add3A_305, %add3A_319 : vector<16xi32>
        %add3A_321 = arith.constant 80 : i32
        %add3A_322 = vector.broadcast %add3A_321 : i32 to vector<16xi32>
        %add3A_323 = arith.addi %add3A_305, %add3A_322 : vector<16xi32>
        %add3A_324 = arith.constant 96 : i32
        %add3A_325 = vector.broadcast %add3A_324 : i32 to vector<16xi32>
        %add3A_326 = arith.addi %add3A_305, %add3A_325 : vector<16xi32>
        %add3A_327 = arith.constant 112 : i32
        %add3A_328 = vector.broadcast %add3A_327 : i32 to vector<16xi32>
        %add3A_329 = arith.addi %add3A_305, %add3A_328 : vector<16xi32>
        %mul3A_330 = arith.constant 128 : i32
        %mul3A_331 = arith.muli %scan3A_237, %mul3A_330 : i32
        %add3A_332 = arith.constant 0 : i32
        %add3A_333 = arith.addi %mul3A_331, %add3A_332 : i32
        %get3A_334 = arith.constant 0 : i32
        %get3A_335 = arith.index_cast %get3A_334 : i32 to index
        %get3A_336 = arith.index_cast %add3A_333 : i32 to index
        %get3A_337 = tpu.vector_load %arg8[%get3A_335, %get3A_336] {strides = array<i32>} : memref<8x2048xf32, #tpu.memory_space<vmem>>, vector<16xf32>,
        %mul3A_338 = arith.mulf %get3A_337, %gather3A : vector<16xf32>
        %sub3A = arith.subf %mul3A_338, %get3A_258 : vector<16xf32>
        %gt3A = arith.cmpf ogt, %sub3A, %scan3A_238 : vector<16xf32>
        %select_n3A = arith.select %gt3A, %sub3A, %scan3A_238 : vector<16xi1>, vector<16xf32>
        %select_n3A_339 = arith.select %gt3A, %add3A_308, %scan3A_239 : vector<16xi1>, vector<16xi32>
        %mul3A_340 = arith.constant 128 : i32
        %mul3A_341 = arith.muli %scan3A_237, %mul3A_340 : i32
        %add3A_342 = arith.constant 16 : i32
        %add3A_343 = arith.addi %mul3A_341, %add3A_342 : i32
        %get3A_344 = arith.constant 0 : i32
        %get3A_345 = arith.index_cast %get3A_344 : i32 to index
        %get3A_346 = arith.index_cast %add3A_343 : i32 to index
        %get3A_347 = tpu.vector_load %arg8[%get3A_345, %get3A_346] {strides = array<i32>} : memref<8x2048xf32, #tpu.memory_space<vmem>>, vector<16xf32>,
        %mul3A_348 = arith.mulf %get3A_347, %gather3A : vector<16xf32>
        %sub3A_349 = arith.subf %mul3A_348, %get3A_264 : vector<16xf32>
        %gt3A_350 = arith.cmpf ogt, %sub3A_349, %select_n3A : vector<16xf32>
        %select_n3A_351 = arith.select %gt3A_350, %sub3A_349, %select_n3A : vector<16xi1>, vector<16xf32>
        %select_n3A_352 = arith.select %gt3A_350, %add3A_311, %select_n3A_339 : vector<16xi1>, vector<16xi32>
        %mul3A_353 = arith.constant 128 : i32
        %mul3A_354 = arith.muli %scan3A_237, %mul3A_353 : i32
        %add3A_355 = arith.constant 32 : i32
        %add3A_356 = arith.addi %mul3A_354, %add3A_355 : i32
        %get3A_357 = arith.constant 0 : i32
        %get3A_358 = arith.index_cast %get3A_357 : i32 to index
        %get3A_359 = arith.index_cast %add3A_356 : i32 to index
        %get3A_360 = tpu.vector_load %arg8[%get3A_358, %get3A_359] {strides = array<i32>} : memref<8x2048xf32, #tpu.memory_space<vmem>>, vector<16xf32>,
        %mul3A_361 = arith.mulf %get3A_360, %gather3A : vector<16xf32>
        %sub3A_362 = arith.subf %mul3A_361, %get3A_270 : vector<16xf32>
        %gt3A_363 = arith.cmpf ogt, %sub3A_362, %select_n3A_351 : vector<16xf32>
        %select_n3A_364 = arith.select %gt3A_363, %sub3A_362, %select_n3A_351 : vector<16xi1>, vector<16xf32>
        %select_n3A_365 = arith.select %gt3A_363, %add3A_314, %select_n3A_352 : vector<16xi1>, vector<16xi32>
        %mul3A_366 = arith.constant 128 : i32
        %mul3A_367 = arith.muli %scan3A_237, %mul3A_366 : i32
        %add3A_368 = arith.constant 48 : i32
        %add3A_369 = arith.addi %mul3A_367, %add3A_368 : i32
        %get3A_370 = arith.constant 0 : i32
        %get3A_371 = arith.index_cast %get3A_370 : i32 to index
        %get3A_372 = arith.index_cast %add3A_369 : i32 to index
        %get3A_373 = tpu.vector_load %arg8[%get3A_371, %get3A_372] {strides = array<i32>} : memref<8x2048xf32, #tpu.memory_space<vmem>>, vector<16xf32>,
        %mul3A_374 = arith.mulf %get3A_373, %gather3A : vector<16xf32>
        %sub3A_375 = arith.subf %mul3A_374, %get3A_276 : vector<16xf32>
        %gt3A_376 = arith.cmpf ogt, %sub3A_375, %select_n3A_364 : vector<16xf32>
        %select_n3A_377 = arith.select %gt3A_376, %sub3A_375, %select_n3A_364 : vector<16xi1>, vector<16xf32>
        %select_n3A_378 = arith.select %gt3A_376, %add3A_317, %select_n3A_365 : vector<16xi1>, vector<16xi32>
        %mul3A_379 = arith.constant 128 : i32
        %mul3A_380 = arith.muli %scan3A_237, %mul3A_379 : i32
        %add3A_381 = arith.constant 64 : i32
        %add3A_382 = arith.addi %mul3A_380, %add3A_381 : i32
        %get3A_383 = arith.constant 0 : i32
        %get3A_384 = arith.index_cast %get3A_383 : i32 to index
        %get3A_385 = arith.index_cast %add3A_382 : i32 to index
        %get3A_386 = tpu.vector_load %arg8[%get3A_384, %get3A_385] {strides = array<i32>} : memref<8x2048xf32, #tpu.memory_space<vmem>>, vector<16xf32>,
        %mul3A_387 = arith.mulf %get3A_386, %gather3A : vector<16xf32>
        %sub3A_388 = arith.subf %mul3A_387, %get3A_282 : vector<16xf32>
        %gt3A_389 = arith.cmpf ogt, %sub3A_388, %select_n3A_377 : vector<16xf32>
        %select_n3A_390 = arith.select %gt3A_389, %sub3A_388, %select_n3A_377 : vector<16xi1>, vector<16xf32>
        %select_n3A_391 = arith.select %gt3A_389, %add3A_320, %select_n3A_378 : vector<16xi1>, vector<16xi32>
        %mul3A_392 = arith.constant 128 : i32
        %mul3A_393 = arith.muli %scan3A_237, %mul3A_392 : i32
        %add3A_394 = arith.constant 80 : i32
        %add3A_395 = arith.addi %mul3A_393, %add3A_394 : i32
        %get3A_396 = arith.constant 0 : i32
        %get3A_397 = arith.index_cast %get3A_396 : i32 to index
        %get3A_398 = arith.index_cast %add3A_395 : i32 to index
        %get3A_399 = tpu.vector_load %arg8[%get3A_397, %get3A_398] {strides = array<i32>} : memref<8x2048xf32, #tpu.memory_space<vmem>>, vector<16xf32>,
        %mul3A_400 = arith.mulf %get3A_399, %gather3A : vector<16xf32>
        %sub3A_401 = arith.subf %mul3A_400, %get3A_288 : vector<16xf32>
        %gt3A_402 = arith.cmpf ogt, %sub3A_401, %select_n3A_390 : vector<16xf32>
        %select_n3A_403 = arith.select %gt3A_402, %sub3A_401, %select_n3A_390 : vector<16xi1>, vector<16xf32>
        %select_n3A_404 = arith.select %gt3A_402, %add3A_323, %select_n3A_391 : vector<16xi1>, vector<16xi32>
        %mul3A_405 = arith.constant 128 : i32
        %mul3A_406 = arith.muli %scan3A_237, %mul3A_405 : i32
        %add3A_407 = arith.constant 96 : i32
        %add3A_408 = arith.addi %mul3A_406, %add3A_407 : i32
        %get3A_409 = arith.constant 0 : i32
        %get3A_410 = arith.index_cast %get3A_409 : i32 to index
        %get3A_411 = arith.index_cast %add3A_408 : i32 to index
        %get3A_412 = tpu.vector_load %arg8[%get3A_410, %get3A_411] {strides = array<i32>} : memref<8x2048xf32, #tpu.memory_space<vmem>>, vector<16xf32>,
        %mul3A_413 = arith.mulf %get3A_412, %gather3A : vector<16xf32>
        %sub3A_414 = arith.subf %mul3A_413, %get3A_294 : vector<16xf32>
        %gt3A_415 = arith.cmpf ogt, %sub3A_414, %select_n3A_403 : vector<16xf32>
        %select_n3A_416 = arith.select %gt3A_415, %sub3A_414, %select_n3A_403 : vector<16xi1>, vector<16xf32>
        %select_n3A_417 = arith.select %gt3A_415, %add3A_326, %select_n3A_404 : vector<16xi1>, vector<16xi32>
        %mul3A_418 = arith.constant 128 : i32
        %mul3A_419 = arith.muli %scan3A_237, %mul3A_418 : i32
        %add3A_420 = arith.constant 112 : i32
        %add3A_421 = arith.addi %mul3A_419, %add3A_420 : i32
        %get3A_422 = arith.constant 0 : i32
        %get3A_423 = arith.index_cast %get3A_422 : i32 to index
        %get3A_424 = arith.index_cast %add3A_421 : i32 to index
        %get3A_425 = tpu.vector_load %arg8[%get3A_423, %get3A_424] {strides = array<i32>} : memref<8x2048xf32, #tpu.memory_space<vmem>>, vector<16xf32>,
        %mul3A_426 = arith.mulf %get3A_425, %gather3A : vector<16xf32>
        %sub3A_427 = arith.subf %mul3A_426, %get3A_300 : vector<16xf32>
        %gt3A_428 = arith.cmpf ogt, %sub3A_427, %select_n3A_416 : vector<16xf32>
        %select_n3A_429 = arith.select %gt3A_428, %sub3A_427, %select_n3A_416 : vector<16xi1>, vector<16xf32>
        %select_n3A_430 = arith.select %gt3A_428, %add3A_329, %select_n3A_417 : vector<16xi1>, vector<16xi32>
        %mul3A_431 = arith.constant 128 : i32
        %mul3A_432 = arith.muli %scan3A_237, %mul3A_431 : i32
        %add3A_433 = arith.constant 0 : i32
        %add3A_434 = arith.addi %mul3A_432, %add3A_433 : i32
        %get3A_435 = arith.constant 1 : i32
        %get3A_436 = arith.index_cast %get3A_435 : i32 to index
        %get3A_437 = arith.index_cast %add3A_434 : i32 to index
        %get3A_438 = tpu.vector_load %arg8[%get3A_436, %get3A_437] {strides = array<i32>} : memref<8x2048xf32, #tpu.memory_space<vmem>>, vector<16xf32>,
        %mul3A_439 = arith.mulf %get3A_438, %gather3A_12 : vector<16xf32>
        %sub3A_440 = arith.subf %mul3A_439, %get3A_258 : vector<16xf32>
        %gt3A_441 = arith.cmpf ogt, %sub3A_440, %scan3A_240 : vector<16xf32>
        %select_n3A_442 = arith.select %gt3A_441, %sub3A_440, %scan3A_240 : vector<16xi1>, vector<16xf32>
        %select_n3A_443 = arith.select %gt3A_441, %add3A_308, %scan3A_241 : vector<16xi1>, vector<16xi32>
        %mul3A_444 = arith.constant 128 : i32
        %mul3A_445 = arith.muli %scan3A_237, %mul3A_444 : i32
        %add3A_446 = arith.constant 16 : i32
        %add3A_447 = arith.addi %mul3A_445, %add3A_446 : i32
        %get3A_448 = arith.constant 1 : i32
        %get3A_449 = arith.index_cast %get3A_448 : i32 to index
        %get3A_450 = arith.index_cast %add3A_447 : i32 to index
        %get3A_451 = tpu.vector_load %arg8[%get3A_449, %get3A_450] {strides = array<i32>} : memref<8x2048xf32, #tpu.memory_space<vmem>>, vector<16xf32>,
        %mul3A_452 = arith.mulf %get3A_451, %gather3A_12 : vector<16xf32>
        %sub3A_453 = arith.subf %mul3A_452, %get3A_264 : vector<16xf32>
        %gt3A_454 = arith.cmpf ogt, %sub3A_453, %select_n3A_442 : vector<16xf32>
        %select_n3A_455 = arith.select %gt3A_454, %sub3A_453, %select_n3A_442 : vector<16xi1>, vector<16xf32>
        %select_n3A_456 = arith.select %gt3A_454, %add3A_311, %select_n3A_443 : vector<16xi1>, vector<16xi32>
        %mul3A_457 = arith.constant 128 : i32
        %mul3A_458 = arith.muli %scan3A_237, %mul3A_457 : i32
        %add3A_459 = arith.constant 32 : i32
        %add3A_460 = arith.addi %mul3A_458, %add3A_459 : i32
        %get3A_461 = arith.constant 1 : i32
        %get3A_462 = arith.index_cast %get3A_461 : i32 to index
        %get3A_463 = arith.index_cast %add3A_460 : i32 to index
        %get3A_464 = tpu.vector_load %arg8[%get3A_462, %get3A_463] {strides = array<i32>} : memref<8x2048xf32, #tpu.memory_space<vmem>>, vector<16xf32>,
        %mul3A_465 = arith.mulf %get3A_464, %gather3A_12 : vector<16xf32>
        %sub3A_466 = arith.subf %mul3A_465, %get3A_270 : vector<16xf32>
        %gt3A_467 = arith.cmpf ogt, %sub3A_466, %select_n3A_455 : vector<16xf32>
        %select_n3A_468 = arith.select %gt3A_467, %sub3A_466, %select_n3A_455 : vector<16xi1>, vector<16xf32>
        %select_n3A_469 = arith.select %gt3A_467, %add3A_314, %select_n3A_456 : vector<16xi1>, vector<16xi32>
        %mul3A_470 = arith.constant 128 : i32
        %mul3A_471 = arith.muli %scan3A_237, %mul3A_470 : i32
        %add3A_472 = arith.constant 48 : i32
        %add3A_473 = arith.addi %mul3A_471, %add3A_472 : i32
        %get3A_474 = arith.constant 1 : i32
        %get3A_475 = arith.index_cast %get3A_474 : i32 to index
        %get3A_476 = arith.index_cast %add3A_473 : i32 to index
        %get3A_477 = tpu.vector_load %arg8[%get3A_475, %get3A_476] {strides = array<i32>} : memref<8x2048xf32, #tpu.memory_space<vmem>>, vector<16xf32>,
        %mul3A_478 = arith.mulf %get3A_477, %gather3A_12 : vector<16xf32>
        %sub3A_479 = arith.subf %mul3A_478, %get3A_276 : vector<16xf32>
        %gt3A_480 = arith.cmpf ogt, %sub3A_479, %select_n3A_468 : vector<16xf32>
        %select_n3A_481 = arith.select %gt3A_480, %sub3A_479, %select_n3A_468 : vector<16xi1>, vector<16xf32>
        %select_n3A_482 = arith.select %gt3A_480, %add3A_317, %select_n3A_469 : vector<16xi1>, vector<16xi32>
        %mul3A_483 = arith.constant 128 : i32
        %mul3A_484 = arith.muli %scan3A_237, %mul3A_483 : i32
        %add3A_485 = arith.constant 64 : i32
        %add3A_486 = arith.addi %mul3A_484, %add3A_485 : i32
        %get3A_487 = arith.constant 1 : i32
        %get3A_488 = arith.index_cast %get3A_487 : i32 to index
        %get3A_489 = arith.index_cast %add3A_486 : i32 to index
        %get3A_490 = tpu.vector_load %arg8[%get3A_488, %get3A_489] {strides = array<i32>} : memref<8x2048xf32, #tpu.memory_space<vmem>>, vector<16xf32>,
        %mul3A_491 = arith.mulf %get3A_490, %gather3A_12 : vector<16xf32>
        %sub3A_492 = arith.subf %mul3A_491, %get3A_282 : vector<16xf32>
        %gt3A_493 = arith.cmpf ogt, %sub3A_492, %select_n3A_481 : vector<16xf32>
        %select_n3A_494 = arith.select %gt3A_493, %sub3A_492, %select_n3A_481 : vector<16xi1>, vector<16xf32>
        %select_n3A_495 = arith.select %gt3A_493, %add3A_320, %select_n3A_482 : vector<16xi1>, vector<16xi32>
        %mul3A_496 = arith.constant 128 : i32
        %mul3A_497 = arith.muli %scan3A_237, %mul3A_496 : i32
        %add3A_498 = arith.constant 80 : i32
        %add3A_499 = arith.addi %mul3A_497, %add3A_498 : i32
        %get3A_500 = arith.constant 1 : i32
        %get3A_501 = arith.index_cast %get3A_500 : i32 to index
        %get3A_502 = arith.index_cast %add3A_499 : i32 to index
        %get3A_503 = tpu.vector_load %arg8[%get3A_501, %get3A_502] {strides = array<i32>} : memref<8x2048xf32, #tpu.memory_space<vmem>>, vector<16xf32>,
        %mul3A_504 = arith.mulf %get3A_503, %gather3A_12 : vector<16xf32>
        %sub3A_505 = arith.subf %mul3A_504, %get3A_288 : vector<16xf32>
        %gt3A_506 = arith.cmpf ogt, %sub3A_505, %select_n3A_494 : vector<16xf32>
        %select_n3A_507 = arith.select %gt3A_506, %sub3A_505, %select_n3A_494 : vector<16xi1>, vector<16xf32>
        %select_n3A_508 = arith.select %gt3A_506, %add3A_323, %select_n3A_495 : vector<16xi1>, vector<16xi32>
        %mul3A_509 = arith.constant 128 : i32
        %mul3A_510 = arith.muli %scan3A_237, %mul3A_509 : i32
        %add3A_511 = arith.constant 96 : i32
        %add3A_512 = arith.addi %mul3A_510, %add3A_511 : i32
        %get3A_513 = arith.constant 1 : i32
        %get3A_514 = arith.index_cast %get3A_513 : i32 to index
        %get3A_515 = arith.index_cast %add3A_512 : i32 to index
        %get3A_516 = tpu.vector_load %arg8[%get3A_514, %get3A_515] {strides = array<i32>} : memref<8x2048xf32, #tpu.memory_space<vmem>>, vector<16xf32>,
        %mul3A_517 = arith.mulf %get3A_516, %gather3A_12 : vector<16xf32>
        %sub3A_518 = arith.subf %mul3A_517, %get3A_294 : vector<16xf32>
        %gt3A_519 = arith.cmpf ogt, %sub3A_518, %select_n3A_507 : vector<16xf32>
        %select_n3A_520 = arith.select %gt3A_519, %sub3A_518, %select_n3A_507 : vector<16xi1>, vector<16xf32>
        %select_n3A_521 = arith.select %gt3A_519, %add3A_326, %select_n3A_508 : vector<16xi1>, vector<16xi32>
        %mul3A_522 = arith.constant 128 : i32
        %mul3A_523 = arith.muli %scan3A_237, %mul3A_522 : i32
        %add3A_524 = arith.constant 112 : i32
        %add3A_525 = arith.addi %mul3A_523, %add3A_524 : i32
        %get3A_526 = arith.constant 1 : i32
        %get3A_527 = arith.index_cast %get3A_526 : i32 to index
        %get3A_528 = arith.index_cast %add3A_525 : i32 to index
        %get3A_529 = tpu.vector_load %arg8[%get3A_527, %get3A_528] {strides = array<i32>} : memref<8x2048xf32, #tpu.memory_space<vmem>>, vector<16xf32>,
        %mul3A_530 = arith.mulf %get3A_529, %gather3A_12 : vector<16xf32>
        %sub3A_531 = arith.subf %mul3A_530, %get3A_300 : vector<16xf32>
        %gt3A_532 = arith.cmpf ogt, %sub3A_531, %select_n3A_520 : vector<16xf32>
        %select_n3A_533 = arith.select %gt3A_532, %sub3A_531, %select_n3A_520 : vector<16xi1>, vector<16xf32>
        %select_n3A_534 = arith.select %gt3A_532, %add3A_329, %select_n3A_521 : vector<16xi1>, vector<16xi32>
        %mul3A_535 = arith.constant 128 : i32
        %mul3A_536 = arith.muli %scan3A_237, %mul3A_535 : i32
        %add3A_537 = arith.constant 0 : i32
        %add3A_538 = arith.addi %mul3A_536, %add3A_537 : i32
        %get3A_539 = arith.constant 2 : i32
        %get3A_540 = arith.index_cast %get3A_539 : i32 to index
        %get3A_541 = arith.index_cast %add3A_538 : i32 to index
        %get3A_542 = tpu.vector_load %arg8[%get3A_540, %get3A_541] {strides = array<i32>} : memref<8x2048xf32, #tpu.memory_space<vmem>>, vector<16xf32>,
        %mul3A_543 = arith.mulf %get3A_542, %gather3A_16 : vector<16xf32>
        %sub3A_544 = arith.subf %mul3A_543, %get3A_258 : vector<16xf32>
        %gt3A_545 = arith.cmpf ogt, %sub3A_544, %scan3A_242 : vector<16xf32>
        %select_n3A_546 = arith.select %gt3A_545, %sub3A_544, %scan3A_242 : vector<16xi1>, vector<16xf32>
        %select_n3A_547 = arith.select %gt3A_545, %add3A_308, %scan3A_243 : vector<16xi1>, vector<16xi32>
        %mul3A_548 = arith.constant 128 : i32
        %mul3A_549 = arith.muli %scan3A_237, %mul3A_548 : i32
        %add3A_550 = arith.constant 16 : i32
        %add3A_551 = arith.addi %mul3A_549, %add3A_550 : i32
        %get3A_552 = arith.constant 2 : i32
        %get3A_553 = arith.index_cast %get3A_552 : i32 to index
        %get3A_554 = arith.index_cast %add3A_551 : i32 to index
        %get3A_555 = tpu.vector_load %arg8[%get3A_553, %get3A_554] {strides = array<i32>} : memref<8x2048xf32, #tpu.memory_space<vmem>>, vector<16xf32>,
        %mul3A_556 = arith.mulf %get3A_555, %gather3A_16 : vector<16xf32>
        %sub3A_557 = arith.subf %mul3A_556, %get3A_264 : vector<16xf32>
        %gt3A_558 = arith.cmpf ogt, %sub3A_557, %select_n3A_546 : vector<16xf32>
        %select_n3A_559 = arith.select %gt3A_558, %sub3A_557, %select_n3A_546 : vector<16xi1>, vector<16xf32>
        %select_n3A_560 = arith.select %gt3A_558, %add3A_311, %select_n3A_547 : vector<16xi1>, vector<16xi32>
        %mul3A_561 = arith.constant 128 : i32
        %mul3A_562 = arith.muli %scan3A_237, %mul3A_561 : i32
        %add3A_563 = arith.constant 32 : i32
        %add3A_564 = arith.addi %mul3A_562, %add3A_563 : i32
        %get3A_565 = arith.constant 2 : i32
        %get3A_566 = arith.index_cast %get3A_565 : i32 to index
        %get3A_567 = arith.index_cast %add3A_564 : i32 to index
        %get3A_568 = tpu.vector_load %arg8[%get3A_566, %get3A_567] {strides = array<i32>} : memref<8x2048xf32, #tpu.memory_space<vmem>>, vector<16xf32>,
        %mul3A_569 = arith.mulf %get3A_568, %gather3A_16 : vector<16xf32>
        %sub3A_570 = arith.subf %mul3A_569, %get3A_270 : vector<16xf32>
        %gt3A_571 = arith.cmpf ogt, %sub3A_570, %select_n3A_559 : vector<16xf32>
        %select_n3A_572 = arith.select %gt3A_571, %sub3A_570, %select_n3A_559 : vector<16xi1>, vector<16xf32>
        %select_n3A_573 = arith.select %gt3A_571, %add3A_314, %select_n3A_560 : vector<16xi1>, vector<16xi32>
        %mul3A_574 = arith.constant 128 : i32
        %mul3A_575 = arith.muli %scan3A_237, %mul3A_574 : i32
        %add3A_576 = arith.constant 48 : i32
        %add3A_577 = arith.addi %mul3A_575, %add3A_576 : i32
        %get3A_578 = arith.constant 2 : i32
        %get3A_579 = arith.index_cast %get3A_578 : i32 to index
        %get3A_580 = arith.index_cast %add3A_577 : i32 to index
        %get3A_581 = tpu.vector_load %arg8[%get3A_579, %get3A_580] {strides = array<i32>} : memref<8x2048xf32, #tpu.memory_space<vmem>>, vector<16xf32>,
        %mul3A_582 = arith.mulf %get3A_581, %gather3A_16 : vector<16xf32>
        %sub3A_583 = arith.subf %mul3A_582, %get3A_276 : vector<16xf32>
        %gt3A_584 = arith.cmpf ogt, %sub3A_583, %select_n3A_572 : vector<16xf32>
        %select_n3A_585 = arith.select %gt3A_584, %sub3A_583, %select_n3A_572 : vector<16xi1>, vector<16xf32>
        %select_n3A_586 = arith.select %gt3A_584, %add3A_317, %select_n3A_573 : vector<16xi1>, vector<16xi32>
        %mul3A_587 = arith.constant 128 : i32
        %mul3A_588 = arith.muli %scan3A_237, %mul3A_587 : i32
        %add3A_589 = arith.constant 64 : i32
        %add3A_590 = arith.addi %mul3A_588, %add3A_589 : i32
        %get3A_591 = arith.constant 2 : i32
        %get3A_592 = arith.index_cast %get3A_591 : i32 to index
        %get3A_593 = arith.index_cast %add3A_590 : i32 to index
        %get3A_594 = tpu.vector_load %arg8[%get3A_592, %get3A_593] {strides = array<i32>} : memref<8x2048xf32, #tpu.memory_space<vmem>>, vector<16xf32>,
        %mul3A_595 = arith.mulf %get3A_594, %gather3A_16 : vector<16xf32>
        %sub3A_596 = arith.subf %mul3A_595, %get3A_282 : vector<16xf32>
        %gt3A_597 = arith.cmpf ogt, %sub3A_596, %select_n3A_585 : vector<16xf32>
        %select_n3A_598 = arith.select %gt3A_597, %sub3A_596, %select_n3A_585 : vector<16xi1>, vector<16xf32>
        %select_n3A_599 = arith.select %gt3A_597, %add3A_320, %select_n3A_586 : vector<16xi1>, vector<16xi32>
        %mul3A_600 = arith.constant 128 : i32
        %mul3A_601 = arith.muli %scan3A_237, %mul3A_600 : i32
        %add3A_602 = arith.constant 80 : i32
        %add3A_603 = arith.addi %mul3A_601, %add3A_602 : i32
        %get3A_604 = arith.constant 2 : i32
        %get3A_605 = arith.index_cast %get3A_604 : i32 to index
        %get3A_606 = arith.index_cast %add3A_603 : i32 to index
        %get3A_607 = tpu.vector_load %arg8[%get3A_605, %get3A_606] {strides = array<i32>} : memref<8x2048xf32, #tpu.memory_space<vmem>>, vector<16xf32>,
        %mul3A_608 = arith.mulf %get3A_607, %gather3A_16 : vector<16xf32>
        %sub3A_609 = arith.subf %mul3A_608, %get3A_288 : vector<16xf32>
        %gt3A_610 = arith.cmpf ogt, %sub3A_609, %select_n3A_598 : vector<16xf32>
        %select_n3A_611 = arith.select %gt3A_610, %sub3A_609, %select_n3A_598 : vector<16xi1>, vector<16xf32>
        %select_n3A_612 = arith.select %gt3A_610, %add3A_323, %select_n3A_599 : vector<16xi1>, vector<16xi32>
        %mul3A_613 = arith.constant 128 : i32
        %mul3A_614 = arith.muli %scan3A_237, %mul3A_613 : i32
        %add3A_615 = arith.constant 96 : i32
        %add3A_616 = arith.addi %mul3A_614, %add3A_615 : i32
        %get3A_617 = arith.constant 2 : i32
        %get3A_618 = arith.index_cast %get3A_617 : i32 to index
        %get3A_619 = arith.index_cast %add3A_616 : i32 to index
        %get3A_620 = tpu.vector_load %arg8[%get3A_618, %get3A_619] {strides = array<i32>} : memref<8x2048xf32, #tpu.memory_space<vmem>>, vector<16xf32>,
        %mul3A_621 = arith.mulf %get3A_620, %gather3A_16 : vector<16xf32>
        %sub3A_622 = arith.subf %mul3A_621, %get3A_294 : vector<16xf32>
        %gt3A_623 = arith.cmpf ogt, %sub3A_622, %select_n3A_611 : vector<16xf32>
        %select_n3A_624 = arith.select %gt3A_623, %sub3A_622, %select_n3A_611 : vector<16xi1>, vector<16xf32>
        %select_n3A_625 = arith.select %gt3A_623, %add3A_326, %select_n3A_612 : vector<16xi1>, vector<16xi32>
        %mul3A_626 = arith.constant 128 : i32
        %mul3A_627 = arith.muli %scan3A_237, %mul3A_626 : i32
        %add3A_628 = arith.constant 112 : i32
        %add3A_629 = arith.addi %mul3A_627, %add3A_628 : i32
        %get3A_630 = arith.constant 2 : i32
        %get3A_631 = arith.index_cast %get3A_630 : i32 to index
        %get3A_632 = arith.index_cast %add3A_629 : i32 to index
        %get3A_633 = tpu.vector_load %arg8[%get3A_631, %get3A_632] {strides = array<i32>} : memref<8x2048xf32, #tpu.memory_space<vmem>>, vector<16xf32>,
        %mul3A_634 = arith.mulf %get3A_633, %gather3A_16 : vector<16xf32>
        %sub3A_635 = arith.subf %mul3A_634, %get3A_300 : vector<16xf32>
        %gt3A_636 = arith.cmpf ogt, %sub3A_635, %select_n3A_624 : vector<16xf32>
        %select_n3A_637 = arith.select %gt3A_636, %sub3A_635, %select_n3A_624 : vector<16xi1>, vector<16xf32>
        %select_n3A_638 = arith.select %gt3A_636, %add3A_329, %select_n3A_625 : vector<16xi1>, vector<16xi32>
        %mul3A_639 = arith.constant 128 : i32
        %mul3A_640 = arith.muli %scan3A_237, %mul3A_639 : i32
        %add3A_641 = arith.constant 0 : i32
        %add3A_642 = arith.addi %mul3A_640, %add3A_641 : i32
        %get3A_643 = arith.constant 3 : i32
        %get3A_644 = arith.index_cast %get3A_643 : i32 to index
        %get3A_645 = arith.index_cast %add3A_642 : i32 to index
        %get3A_646 = tpu.vector_load %arg8[%get3A_644, %get3A_645] {strides = array<i32>} : memref<8x2048xf32, #tpu.memory_space<vmem>>, vector<16xf32>,
        %mul3A_647 = arith.mulf %get3A_646, %gather3A_20 : vector<16xf32>
        %sub3A_648 = arith.subf %mul3A_647, %get3A_258 : vector<16xf32>
        %gt3A_649 = arith.cmpf ogt, %sub3A_648, %scan3A_244 : vector<16xf32>
        %select_n3A_650 = arith.select %gt3A_649, %sub3A_648, %scan3A_244 : vector<16xi1>, vector<16xf32>
        %select_n3A_651 = arith.select %gt3A_649, %add3A_308, %scan3A_245 : vector<16xi1>, vector<16xi32>
        %mul3A_652 = arith.constant 128 : i32
        %mul3A_653 = arith.muli %scan3A_237, %mul3A_652 : i32
        %add3A_654 = arith.constant 16 : i32
        %add3A_655 = arith.addi %mul3A_653, %add3A_654 : i32
        %get3A_656 = arith.constant 3 : i32
        %get3A_657 = arith.index_cast %get3A_656 : i32 to index
        %get3A_658 = arith.index_cast %add3A_655 : i32 to index
        %get3A_659 = tpu.vector_load %arg8[%get3A_657, %get3A_658] {strides = array<i32>} : memref<8x2048xf32, #tpu.memory_space<vmem>>, vector<16xf32>,
        %mul3A_660 = arith.mulf %get3A_659, %gather3A_20 : vector<16xf32>
        %sub3A_661 = arith.subf %mul3A_660, %get3A_264 : vector<16xf32>
        %gt3A_662 = arith.cmpf ogt, %sub3A_661, %select_n3A_650 : vector<16xf32>
        %select_n3A_663 = arith.select %gt3A_662, %sub3A_661, %select_n3A_650 : vector<16xi1>, vector<16xf32>
        %select_n3A_664 = arith.select %gt3A_662, %add3A_311, %select_n3A_651 : vector<16xi1>, vector<16xi32>
        %mul3A_665 = arith.constant 128 : i32
        %mul3A_666 = arith.muli %scan3A_237, %mul3A_665 : i32
        %add3A_667 = arith.constant 32 : i32
        %add3A_668 = arith.addi %mul3A_666, %add3A_667 : i32
        %get3A_669 = arith.constant 3 : i32
        %get3A_670 = arith.index_cast %get3A_669 : i32 to index
        %get3A_671 = arith.index_cast %add3A_668 : i32 to index
        %get3A_672 = tpu.vector_load %arg8[%get3A_670, %get3A_671] {strides = array<i32>} : memref<8x2048xf32, #tpu.memory_space<vmem>>, vector<16xf32>,
        %mul3A_673 = arith.mulf %get3A_672, %gather3A_20 : vector<16xf32>
        %sub3A_674 = arith.subf %mul3A_673, %get3A_270 : vector<16xf32>
        %gt3A_675 = arith.cmpf ogt, %sub3A_674, %select_n3A_663 : vector<16xf32>
        %select_n3A_676 = arith.select %gt3A_675, %sub3A_674, %select_n3A_663 : vector<16xi1>, vector<16xf32>
        %select_n3A_677 = arith.select %gt3A_675, %add3A_314, %select_n3A_664 : vector<16xi1>, vector<16xi32>
        %mul3A_678 = arith.constant 128 : i32
        %mul3A_679 = arith.muli %scan3A_237, %mul3A_678 : i32
        %add3A_680 = arith.constant 48 : i32
        %add3A_681 = arith.addi %mul3A_679, %add3A_680 : i32
        %get3A_682 = arith.constant 3 : i32
        %get3A_683 = arith.index_cast %get3A_682 : i32 to index
        %get3A_684 = arith.index_cast %add3A_681 : i32 to index
        %get3A_685 = tpu.vector_load %arg8[%get3A_683, %get3A_684] {strides = array<i32>} : memref<8x2048xf32, #tpu.memory_space<vmem>>, vector<16xf32>,
        %mul3A_686 = arith.mulf %get3A_685, %gather3A_20 : vector<16xf32>
        %sub3A_687 = arith.subf %mul3A_686, %get3A_276 : vector<16xf32>
        %gt3A_688 = arith.cmpf ogt, %sub3A_687, %select_n3A_676 : vector<16xf32>
        %select_n3A_689 = arith.select %gt3A_688, %sub3A_687, %select_n3A_676 : vector<16xi1>, vector<16xf32>
        %select_n3A_690 = arith.select %gt3A_688, %add3A_317, %select_n3A_677 : vector<16xi1>, vector<16xi32>
        %mul3A_691 = arith.constant 128 : i32
        %mul3A_692 = arith.muli %scan3A_237, %mul3A_691 : i32
        %add3A_693 = arith.constant 64 : i32
        %add3A_694 = arith.addi %mul3A_692, %add3A_693 : i32
        %get3A_695 = arith.constant 3 : i32
        %get3A_696 = arith.index_cast %get3A_695 : i32 to index
        %get3A_697 = arith.index_cast %add3A_694 : i32 to index
        %get3A_698 = tpu.vector_load %arg8[%get3A_696, %get3A_697] {strides = array<i32>} : memref<8x2048xf32, #tpu.memory_space<vmem>>, vector<16xf32>,
        %mul3A_699 = arith.mulf %get3A_698, %gather3A_20 : vector<16xf32>
        %sub3A_700 = arith.subf %mul3A_699, %get3A_282 : vector<16xf32>
        %gt3A_701 = arith.cmpf ogt, %sub3A_700, %select_n3A_689 : vector<16xf32>
        %select_n3A_702 = arith.select %gt3A_701, %sub3A_700, %select_n3A_689 : vector<16xi1>, vector<16xf32>
        %select_n3A_703 = arith.select %gt3A_701, %add3A_320, %select_n3A_690 : vector<16xi1>, vector<16xi32>
        %mul3A_704 = arith.constant 128 : i32
        %mul3A_705 = arith.muli %scan3A_237, %mul3A_704 : i32
        %add3A_706 = arith.constant 80 : i32
        %add3A_707 = arith.addi %mul3A_705, %add3A_706 : i32
        %get3A_708 = arith.constant 3 : i32
        %get3A_709 = arith.index_cast %get3A_708 : i32 to index
        %get3A_710 = arith.index_cast %add3A_707 : i32 to index
        %get3A_711 = tpu.vector_load %arg8[%get3A_709, %get3A_710] {strides = array<i32>} : memref<8x2048xf32, #tpu.memory_space<vmem>>, vector<16xf32>,
        %mul3A_712 = arith.mulf %get3A_711, %gather3A_20 : vector<16xf32>
        %sub3A_713 = arith.subf %mul3A_712, %get3A_288 : vector<16xf32>
        %gt3A_714 = arith.cmpf ogt, %sub3A_713, %select_n3A_702 : vector<16xf32>
        %select_n3A_715 = arith.select %gt3A_714, %sub3A_713, %select_n3A_702 : vector<16xi1>, vector<16xf32>
        %select_n3A_716 = arith.select %gt3A_714, %add3A_323, %select_n3A_703 : vector<16xi1>, vector<16xi32>
        %mul3A_717 = arith.constant 128 : i32
        %mul3A_718 = arith.muli %scan3A_237, %mul3A_717 : i32
        %add3A_719 = arith.constant 96 : i32
        %add3A_720 = arith.addi %mul3A_718, %add3A_719 : i32
        %get3A_721 = arith.constant 3 : i32
        %get3A_722 = arith.index_cast %get3A_721 : i32 to index
        %get3A_723 = arith.index_cast %add3A_720 : i32 to index
        %get3A_724 = tpu.vector_load %arg8[%get3A_722, %get3A_723] {strides = array<i32>} : memref<8x2048xf32, #tpu.memory_space<vmem>>, vector<16xf32>,
        %mul3A_725 = arith.mulf %get3A_724, %gather3A_20 : vector<16xf32>
        %sub3A_726 = arith.subf %mul3A_725, %get3A_294 : vector<16xf32>
        %gt3A_727 = arith.cmpf ogt, %sub3A_726, %select_n3A_715 : vector<16xf32>
        %select_n3A_728 = arith.select %gt3A_727, %sub3A_726, %select_n3A_715 : vector<16xi1>, vector<16xf32>
        %select_n3A_729 = arith.select %gt3A_727, %add3A_326, %select_n3A_716 : vector<16xi1>, vector<16xi32>
        %mul3A_730 = arith.constant 128 : i32
        %mul3A_731 = arith.muli %scan3A_237, %mul3A_730 : i32
        %add3A_732 = arith.constant 112 : i32
        %add3A_733 = arith.addi %mul3A_731, %add3A_732 : i32
        %get3A_734 = arith.constant 3 : i32
        %get3A_735 = arith.index_cast %get3A_734 : i32 to index
        %get3A_736 = arith.index_cast %add3A_733 : i32 to index
        %get3A_737 = tpu.vector_load %arg8[%get3A_735, %get3A_736] {strides = array<i32>} : memref<8x2048xf32, #tpu.memory_space<vmem>>, vector<16xf32>,
        %mul3A_738 = arith.mulf %get3A_737, %gather3A_20 : vector<16xf32>
        %sub3A_739 = arith.subf %mul3A_738, %get3A_300 : vector<16xf32>
        %gt3A_740 = arith.cmpf ogt, %sub3A_739, %select_n3A_728 : vector<16xf32>
        %select_n3A_741 = arith.select %gt3A_740, %sub3A_739, %select_n3A_728 : vector<16xi1>, vector<16xf32>
        %select_n3A_742 = arith.select %gt3A_740, %add3A_329, %select_n3A_729 : vector<16xi1>, vector<16xi32>
        %mul3A_743 = arith.constant 128 : i32
        %mul3A_744 = arith.muli %scan3A_237, %mul3A_743 : i32
        %add3A_745 = arith.constant 0 : i32
        %add3A_746 = arith.addi %mul3A_744, %add3A_745 : i32
        %get3A_747 = arith.constant 4 : i32
        %get3A_748 = arith.index_cast %get3A_747 : i32 to index
        %get3A_749 = arith.index_cast %add3A_746 : i32 to index
        %get3A_750 = tpu.vector_load %arg8[%get3A_748, %get3A_749] {strides = array<i32>} : memref<8x2048xf32, #tpu.memory_space<vmem>>, vector<16xf32>,
        %mul3A_751 = arith.mulf %get3A_750, %gather3A_24 : vector<16xf32>
        %sub3A_752 = arith.subf %mul3A_751, %get3A_258 : vector<16xf32>
        %gt3A_753 = arith.cmpf ogt, %sub3A_752, %scan3A_246 : vector<16xf32>
        %select_n3A_754 = arith.select %gt3A_753, %sub3A_752, %scan3A_246 : vector<16xi1>, vector<16xf32>
        %select_n3A_755 = arith.select %gt3A_753, %add3A_308, %scan3A_247 : vector<16xi1>, vector<16xi32>
        %mul3A_756 = arith.constant 128 : i32
        %mul3A_757 = arith.muli %scan3A_237, %mul3A_756 : i32
        %add3A_758 = arith.constant 16 : i32
        %add3A_759 = arith.addi %mul3A_757, %add3A_758 : i32
        %get3A_760 = arith.constant 4 : i32
        %get3A_761 = arith.index_cast %get3A_760 : i32 to index
        %get3A_762 = arith.index_cast %add3A_759 : i32 to index
        %get3A_763 = tpu.vector_load %arg8[%get3A_761, %get3A_762] {strides = array<i32>} : memref<8x2048xf32, #tpu.memory_space<vmem>>, vector<16xf32>,
        %mul3A_764 = arith.mulf %get3A_763, %gather3A_24 : vector<16xf32>
        %sub3A_765 = arith.subf %mul3A_764, %get3A_264 : vector<16xf32>
        %gt3A_766 = arith.cmpf ogt, %sub3A_765, %select_n3A_754 : vector<16xf32>
        %select_n3A_767 = arith.select %gt3A_766, %sub3A_765, %select_n3A_754 : vector<16xi1>, vector<16xf32>
        %select_n3A_768 = arith.select %gt3A_766, %add3A_311, %select_n3A_755 : vector<16xi1>, vector<16xi32>
        %mul3A_769 = arith.constant 128 : i32
        %mul3A_770 = arith.muli %scan3A_237, %mul3A_769 : i32
        %add3A_771 = arith.constant 32 : i32
        %add3A_772 = arith.addi %mul3A_770, %add3A_771 : i32
        %get3A_773 = arith.constant 4 : i32
        %get3A_774 = arith.index_cast %get3A_773 : i32 to index
        %get3A_775 = arith.index_cast %add3A_772 : i32 to index
        %get3A_776 = tpu.vector_load %arg8[%get3A_774, %get3A_775] {strides = array<i32>} : memref<8x2048xf32, #tpu.memory_space<vmem>>, vector<16xf32>,
        %mul3A_777 = arith.mulf %get3A_776, %gather3A_24 : vector<16xf32>
        %sub3A_778 = arith.subf %mul3A_777, %get3A_270 : vector<16xf32>
        %gt3A_779 = arith.cmpf ogt, %sub3A_778, %select_n3A_767 : vector<16xf32>
        %select_n3A_780 = arith.select %gt3A_779, %sub3A_778, %select_n3A_767 : vector<16xi1>, vector<16xf32>
        %select_n3A_781 = arith.select %gt3A_779, %add3A_314, %select_n3A_768 : vector<16xi1>, vector<16xi32>
        %mul3A_782 = arith.constant 128 : i32
        %mul3A_783 = arith.muli %scan3A_237, %mul3A_782 : i32
        %add3A_784 = arith.constant 48 : i32
        %add3A_785 = arith.addi %mul3A_783, %add3A_784 : i32
        %get3A_786 = arith.constant 4 : i32
        %get3A_787 = arith.index_cast %get3A_786 : i32 to index
        %get3A_788 = arith.index_cast %add3A_785 : i32 to index
        %get3A_789 = tpu.vector_load %arg8[%get3A_787, %get3A_788] {strides = array<i32>} : memref<8x2048xf32, #tpu.memory_space<vmem>>, vector<16xf32>,
        %mul3A_790 = arith.mulf %get3A_789, %gather3A_24 : vector<16xf32>
        %sub3A_791 = arith.subf %mul3A_790, %get3A_276 : vector<16xf32>
        %gt3A_792 = arith.cmpf ogt, %sub3A_791, %select_n3A_780 : vector<16xf32>
        %select_n3A_793 = arith.select %gt3A_792, %sub3A_791, %select_n3A_780 : vector<16xi1>, vector<16xf32>
        %select_n3A_794 = arith.select %gt3A_792, %add3A_317, %select_n3A_781 : vector<16xi1>, vector<16xi32>
        %mul3A_795 = arith.constant 128 : i32
        %mul3A_796 = arith.muli %scan3A_237, %mul3A_795 : i32
        %add3A_797 = arith.constant 64 : i32
        %add3A_798 = arith.addi %mul3A_796, %add3A_797 : i32
        %get3A_799 = arith.constant 4 : i32
        %get3A_800 = arith.index_cast %get3A_799 : i32 to index
        %get3A_801 = arith.index_cast %add3A_798 : i32 to index
        %get3A_802 = tpu.vector_load %arg8[%get3A_800, %get3A_801] {strides = array<i32>} : memref<8x2048xf32, #tpu.memory_space<vmem>>, vector<16xf32>,
        %mul3A_803 = arith.mulf %get3A_802, %gather3A_24 : vector<16xf32>
        %sub3A_804 = arith.subf %mul3A_803, %get3A_282 : vector<16xf32>
        %gt3A_805 = arith.cmpf ogt, %sub3A_804, %select_n3A_793 : vector<16xf32>
        %select_n3A_806 = arith.select %gt3A_805, %sub3A_804, %select_n3A_793 : vector<16xi1>, vector<16xf32>
        %select_n3A_807 = arith.select %gt3A_805, %add3A_320, %select_n3A_794 : vector<16xi1>, vector<16xi32>
        %mul3A_808 = arith.constant 128 : i32
        %mul3A_809 = arith.muli %scan3A_237, %mul3A_808 : i32
        %add3A_810 = arith.constant 80 : i32
        %add3A_811 = arith.addi %mul3A_809, %add3A_810 : i32
        %get3A_812 = arith.constant 4 : i32
        %get3A_813 = arith.index_cast %get3A_812 : i32 to index
        %get3A_814 = arith.index_cast %add3A_811 : i32 to index
        %get3A_815 = tpu.vector_load %arg8[%get3A_813, %get3A_814] {strides = array<i32>} : memref<8x2048xf32, #tpu.memory_space<vmem>>, vector<16xf32>,
        %mul3A_816 = arith.mulf %get3A_815, %gather3A_24 : vector<16xf32>
        %sub3A_817 = arith.subf %mul3A_816, %get3A_288 : vector<16xf32>
        %gt3A_818 = arith.cmpf ogt, %sub3A_817, %select_n3A_806 : vector<16xf32>
        %select_n3A_819 = arith.select %gt3A_818, %sub3A_817, %select_n3A_806 : vector<16xi1>, vector<16xf32>
        %select_n3A_820 = arith.select %gt3A_818, %add3A_323, %select_n3A_807 : vector<16xi1>, vector<16xi32>
        %mul3A_821 = arith.constant 128 : i32
        %mul3A_822 = arith.muli %scan3A_237, %mul3A_821 : i32
        %add3A_823 = arith.constant 96 : i32
        %add3A_824 = arith.addi %mul3A_822, %add3A_823 : i32
        %get3A_825 = arith.constant 4 : i32
        %get3A_826 = arith.index_cast %get3A_825 : i32 to index
        %get3A_827 = arith.index_cast %add3A_824 : i32 to index
        %get3A_828 = tpu.vector_load %arg8[%get3A_826, %get3A_827] {strides = array<i32>} : memref<8x2048xf32, #tpu.memory_space<vmem>>, vector<16xf32>,
        %mul3A_829 = arith.mulf %get3A_828, %gather3A_24 : vector<16xf32>
        %sub3A_830 = arith.subf %mul3A_829, %get3A_294 : vector<16xf32>
        %gt3A_831 = arith.cmpf ogt, %sub3A_830, %select_n3A_819 : vector<16xf32>
        %select_n3A_832 = arith.select %gt3A_831, %sub3A_830, %select_n3A_819 : vector<16xi1>, vector<16xf32>
        %select_n3A_833 = arith.select %gt3A_831, %add3A_326, %select_n3A_820 : vector<16xi1>, vector<16xi32>
        %mul3A_834 = arith.constant 128 : i32
        %mul3A_835 = arith.muli %scan3A_237, %mul3A_834 : i32
        %add3A_836 = arith.constant 112 : i32
        %add3A_837 = arith.addi %mul3A_835, %add3A_836 : i32
        %get3A_838 = arith.constant 4 : i32
        %get3A_839 = arith.index_cast %get3A_838 : i32 to index
        %get3A_840 = arith.index_cast %add3A_837 : i32 to index
        %get3A_841 = tpu.vector_load %arg8[%get3A_839, %get3A_840] {strides = array<i32>} : memref<8x2048xf32, #tpu.memory_space<vmem>>, vector<16xf32>,
        %mul3A_842 = arith.mulf %get3A_841, %gather3A_24 : vector<16xf32>
        %sub3A_843 = arith.subf %mul3A_842, %get3A_300 : vector<16xf32>
        %gt3A_844 = arith.cmpf ogt, %sub3A_843, %select_n3A_832 : vector<16xf32>
        %select_n3A_845 = arith.select %gt3A_844, %sub3A_843, %select_n3A_832 : vector<16xi1>, vector<16xf32>
        %select_n3A_846 = arith.select %gt3A_844, %add3A_329, %select_n3A_833 : vector<16xi1>, vector<16xi32>
        %mul3A_847 = arith.constant 128 : i32
        %mul3A_848 = arith.muli %scan3A_237, %mul3A_847 : i32
        %add3A_849 = arith.constant 0 : i32
        %add3A_850 = arith.addi %mul3A_848, %add3A_849 : i32
        %get3A_851 = arith.constant 5 : i32
        %get3A_852 = arith.index_cast %get3A_851 : i32 to index
        %get3A_853 = arith.index_cast %add3A_850 : i32 to index
        %get3A_854 = tpu.vector_load %arg8[%get3A_852, %get3A_853] {strides = array<i32>} : memref<8x2048xf32, #tpu.memory_space<vmem>>, vector<16xf32>,
        %mul3A_855 = arith.mulf %get3A_854, %gather3A_28 : vector<16xf32>
        %sub3A_856 = arith.subf %mul3A_855, %get3A_258 : vector<16xf32>
        %gt3A_857 = arith.cmpf ogt, %sub3A_856, %scan3A_248 : vector<16xf32>
        %select_n3A_858 = arith.select %gt3A_857, %sub3A_856, %scan3A_248 : vector<16xi1>, vector<16xf32>
        %select_n3A_859 = arith.select %gt3A_857, %add3A_308, %scan3A_249 : vector<16xi1>, vector<16xi32>
        %mul3A_860 = arith.constant 128 : i32
        %mul3A_861 = arith.muli %scan3A_237, %mul3A_860 : i32
        %add3A_862 = arith.constant 16 : i32
        %add3A_863 = arith.addi %mul3A_861, %add3A_862 : i32
        %get3A_864 = arith.constant 5 : i32
        %get3A_865 = arith.index_cast %get3A_864 : i32 to index
        %get3A_866 = arith.index_cast %add3A_863 : i32 to index
        %get3A_867 = tpu.vector_load %arg8[%get3A_865, %get3A_866] {strides = array<i32>} : memref<8x2048xf32, #tpu.memory_space<vmem>>, vector<16xf32>,
        %mul3A_868 = arith.mulf %get3A_867, %gather3A_28 : vector<16xf32>
        %sub3A_869 = arith.subf %mul3A_868, %get3A_264 : vector<16xf32>
        %gt3A_870 = arith.cmpf ogt, %sub3A_869, %select_n3A_858 : vector<16xf32>
        %select_n3A_871 = arith.select %gt3A_870, %sub3A_869, %select_n3A_858 : vector<16xi1>, vector<16xf32>
        %select_n3A_872 = arith.select %gt3A_870, %add3A_311, %select_n3A_859 : vector<16xi1>, vector<16xi32>
        %mul3A_873 = arith.constant 128 : i32
        %mul3A_874 = arith.muli %scan3A_237, %mul3A_873 : i32
        %add3A_875 = arith.constant 32 : i32
        %add3A_876 = arith.addi %mul3A_874, %add3A_875 : i32
        %get3A_877 = arith.constant 5 : i32
        %get3A_878 = arith.index_cast %get3A_877 : i32 to index
        %get3A_879 = arith.index_cast %add3A_876 : i32 to index
        %get3A_880 = tpu.vector_load %arg8[%get3A_878, %get3A_879] {strides = array<i32>} : memref<8x2048xf32, #tpu.memory_space<vmem>>, vector<16xf32>,
        %mul3A_881 = arith.mulf %get3A_880, %gather3A_28 : vector<16xf32>
        %sub3A_882 = arith.subf %mul3A_881, %get3A_270 : vector<16xf32>
        %gt3A_883 = arith.cmpf ogt, %sub3A_882, %select_n3A_871 : vector<16xf32>
        %select_n3A_884 = arith.select %gt3A_883, %sub3A_882, %select_n3A_871 : vector<16xi1>, vector<16xf32>
        %select_n3A_885 = arith.select %gt3A_883, %add3A_314, %select_n3A_872 : vector<16xi1>, vector<16xi32>
        %mul3A_886 = arith.constant 128 : i32
        %mul3A_887 = arith.muli %scan3A_237, %mul3A_886 : i32
        %add3A_888 = arith.constant 48 : i32
        %add3A_889 = arith.addi %mul3A_887, %add3A_888 : i32
        %get3A_890 = arith.constant 5 : i32
        %get3A_891 = arith.index_cast %get3A_890 : i32 to index
        %get3A_892 = arith.index_cast %add3A_889 : i32 to index
        %get3A_893 = tpu.vector_load %arg8[%get3A_891, %get3A_892] {strides = array<i32>} : memref<8x2048xf32, #tpu.memory_space<vmem>>, vector<16xf32>,
        %mul3A_894 = arith.mulf %get3A_893, %gather3A_28 : vector<16xf32>
        %sub3A_895 = arith.subf %mul3A_894, %get3A_276 : vector<16xf32>
        %gt3A_896 = arith.cmpf ogt, %sub3A_895, %select_n3A_884 : vector<16xf32>
        %select_n3A_897 = arith.select %gt3A_896, %sub3A_895, %select_n3A_884 : vector<16xi1>, vector<16xf32>
        %select_n3A_898 = arith.select %gt3A_896, %add3A_317, %select_n3A_885 : vector<16xi1>, vector<16xi32>
        %mul3A_899 = arith.constant 128 : i32
        %mul3A_900 = arith.muli %scan3A_237, %mul3A_899 : i32
        %add3A_901 = arith.constant 64 : i32
        %add3A_902 = arith.addi %mul3A_900, %add3A_901 : i32
        %get3A_903 = arith.constant 5 : i32
        %get3A_904 = arith.index_cast %get3A_903 : i32 to index
        %get3A_905 = arith.index_cast %add3A_902 : i32 to index
        %get3A_906 = tpu.vector_load %arg8[%get3A_904, %get3A_905] {strides = array<i32>} : memref<8x2048xf32, #tpu.memory_space<vmem>>, vector<16xf32>,
        %mul3A_907 = arith.mulf %get3A_906, %gather3A_28 : vector<16xf32>
        %sub3A_908 = arith.subf %mul3A_907, %get3A_282 : vector<16xf32>
        %gt3A_909 = arith.cmpf ogt, %sub3A_908, %select_n3A_897 : vector<16xf32>
        %select_n3A_910 = arith.select %gt3A_909, %sub3A_908, %select_n3A_897 : vector<16xi1>, vector<16xf32>
        %select_n3A_911 = arith.select %gt3A_909, %add3A_320, %select_n3A_898 : vector<16xi1>, vector<16xi32>
        %mul3A_912 = arith.constant 128 : i32
        %mul3A_913 = arith.muli %scan3A_237, %mul3A_912 : i32
        %add3A_914 = arith.constant 80 : i32
        %add3A_915 = arith.addi %mul3A_913, %add3A_914 : i32
        %get3A_916 = arith.constant 5 : i32
        %get3A_917 = arith.index_cast %get3A_916 : i32 to index
        %get3A_918 = arith.index_cast %add3A_915 : i32 to index
        %get3A_919 = tpu.vector_load %arg8[%get3A_917, %get3A_918] {strides = array<i32>} : memref<8x2048xf32, #tpu.memory_space<vmem>>, vector<16xf32>,
        %mul3A_920 = arith.mulf %get3A_919, %gather3A_28 : vector<16xf32>
        %sub3A_921 = arith.subf %mul3A_920, %get3A_288 : vector<16xf32>
        %gt3A_922 = arith.cmpf ogt, %sub3A_921, %select_n3A_910 : vector<16xf32>
        %select_n3A_923 = arith.select %gt3A_922, %sub3A_921, %select_n3A_910 : vector<16xi1>, vector<16xf32>
        %select_n3A_924 = arith.select %gt3A_922, %add3A_323, %select_n3A_911 : vector<16xi1>, vector<16xi32>
        %mul3A_925 = arith.constant 128 : i32
        %mul3A_926 = arith.muli %scan3A_237, %mul3A_925 : i32
        %add3A_927 = arith.constant 96 : i32
        %add3A_928 = arith.addi %mul3A_926, %add3A_927 : i32
        %get3A_929 = arith.constant 5 : i32
        %get3A_930 = arith.index_cast %get3A_929 : i32 to index
        %get3A_931 = arith.index_cast %add3A_928 : i32 to index
        %get3A_932 = tpu.vector_load %arg8[%get3A_930, %get3A_931] {strides = array<i32>} : memref<8x2048xf32, #tpu.memory_space<vmem>>, vector<16xf32>,
        %mul3A_933 = arith.mulf %get3A_932, %gather3A_28 : vector<16xf32>
        %sub3A_934 = arith.subf %mul3A_933, %get3A_294 : vector<16xf32>
        %gt3A_935 = arith.cmpf ogt, %sub3A_934, %select_n3A_923 : vector<16xf32>
        %select_n3A_936 = arith.select %gt3A_935, %sub3A_934, %select_n3A_923 : vector<16xi1>, vector<16xf32>
        %select_n3A_937 = arith.select %gt3A_935, %add3A_326, %select_n3A_924 : vector<16xi1>, vector<16xi32>
        %mul3A_938 = arith.constant 128 : i32
        %mul3A_939 = arith.muli %scan3A_237, %mul3A_938 : i32
        %add3A_940 = arith.constant 112 : i32
        %add3A_941 = arith.addi %mul3A_939, %add3A_940 : i32
        %get3A_942 = arith.constant 5 : i32
        %get3A_943 = arith.index_cast %get3A_942 : i32 to index
        %get3A_944 = arith.index_cast %add3A_941 : i32 to index
        %get3A_945 = tpu.vector_load %arg8[%get3A_943, %get3A_944] {strides = array<i32>} : memref<8x2048xf32, #tpu.memory_space<vmem>>, vector<16xf32>,
        %mul3A_946 = arith.mulf %get3A_945, %gather3A_28 : vector<16xf32>
        %sub3A_947 = arith.subf %mul3A_946, %get3A_300 : vector<16xf32>
        %gt3A_948 = arith.cmpf ogt, %sub3A_947, %select_n3A_936 : vector<16xf32>
        %select_n3A_949 = arith.select %gt3A_948, %sub3A_947, %select_n3A_936 : vector<16xi1>, vector<16xf32>
        %select_n3A_950 = arith.select %gt3A_948, %add3A_329, %select_n3A_937 : vector<16xi1>, vector<16xi32>
        %mul3A_951 = arith.constant 128 : i32
        %mul3A_952 = arith.muli %scan3A_237, %mul3A_951 : i32
        %add3A_953 = arith.constant 0 : i32
        %add3A_954 = arith.addi %mul3A_952, %add3A_953 : i32
        %get3A_955 = arith.constant 6 : i32
        %get3A_956 = arith.index_cast %get3A_955 : i32 to index
        %get3A_957 = arith.index_cast %add3A_954 : i32 to index
        %get3A_958 = tpu.vector_load %arg8[%get3A_956, %get3A_957] {strides = array<i32>} : memref<8x2048xf32, #tpu.memory_space<vmem>>, vector<16xf32>,
        %mul3A_959 = arith.mulf %get3A_958, %gather3A_32 : vector<16xf32>
        %sub3A_960 = arith.subf %mul3A_959, %get3A_258 : vector<16xf32>
        %gt3A_961 = arith.cmpf ogt, %sub3A_960, %scan3A_250 : vector<16xf32>
        %select_n3A_962 = arith.select %gt3A_961, %sub3A_960, %scan3A_250 : vector<16xi1>, vector<16xf32>
        %select_n3A_963 = arith.select %gt3A_961, %add3A_308, %scan3A_251 : vector<16xi1>, vector<16xi32>
        %mul3A_964 = arith.constant 128 : i32
        %mul3A_965 = arith.muli %scan3A_237, %mul3A_964 : i32
        %add3A_966 = arith.constant 16 : i32
        %add3A_967 = arith.addi %mul3A_965, %add3A_966 : i32
        %get3A_968 = arith.constant 6 : i32
        %get3A_969 = arith.index_cast %get3A_968 : i32 to index
        %get3A_970 = arith.index_cast %add3A_967 : i32 to index
        %get3A_971 = tpu.vector_load %arg8[%get3A_969, %get3A_970] {strides = array<i32>} : memref<8x2048xf32, #tpu.memory_space<vmem>>, vector<16xf32>,
        %mul3A_972 = arith.mulf %get3A_971, %gather3A_32 : vector<16xf32>
        %sub3A_973 = arith.subf %mul3A_972, %get3A_264 : vector<16xf32>
        %gt3A_974 = arith.cmpf ogt, %sub3A_973, %select_n3A_962 : vector<16xf32>
        %select_n3A_975 = arith.select %gt3A_974, %sub3A_973, %select_n3A_962 : vector<16xi1>, vector<16xf32>
        %select_n3A_976 = arith.select %gt3A_974, %add3A_311, %select_n3A_963 : vector<16xi1>, vector<16xi32>
        %mul3A_977 = arith.constant 128 : i32
        %mul3A_978 = arith.muli %scan3A_237, %mul3A_977 : i32
        %add3A_979 = arith.constant 32 : i32
        %add3A_980 = arith.addi %mul3A_978, %add3A_979 : i32
        %get3A_981 = arith.constant 6 : i32
        %get3A_982 = arith.index_cast %get3A_981 : i32 to index
        %get3A_983 = arith.index_cast %add3A_980 : i32 to index
        %get3A_984 = tpu.vector_load %arg8[%get3A_982, %get3A_983] {strides = array<i32>} : memref<8x2048xf32, #tpu.memory_space<vmem>>, vector<16xf32>,
        %mul3A_985 = arith.mulf %get3A_984, %gather3A_32 : vector<16xf32>
        %sub3A_986 = arith.subf %mul3A_985, %get3A_270 : vector<16xf32>
        %gt3A_987 = arith.cmpf ogt, %sub3A_986, %select_n3A_975 : vector<16xf32>
        %select_n3A_988 = arith.select %gt3A_987, %sub3A_986, %select_n3A_975 : vector<16xi1>, vector<16xf32>
        %select_n3A_989 = arith.select %gt3A_987, %add3A_314, %select_n3A_976 : vector<16xi1>, vector<16xi32>
        %mul3A_990 = arith.constant 128 : i32
        %mul3A_991 = arith.muli %scan3A_237, %mul3A_990 : i32
        %add3A_992 = arith.constant 48 : i32
        %add3A_993 = arith.addi %mul3A_991, %add3A_992 : i32
        %get3A_994 = arith.constant 6 : i32
        %get3A_995 = arith.index_cast %get3A_994 : i32 to index
        %get3A_996 = arith.index_cast %add3A_993 : i32 to index
        %get3A_997 = tpu.vector_load %arg8[%get3A_995, %get3A_996] {strides = array<i32>} : memref<8x2048xf32, #tpu.memory_space<vmem>>, vector<16xf32>,
        %mul3A_998 = arith.mulf %get3A_997, %gather3A_32 : vector<16xf32>
        %sub3A_999 = arith.subf %mul3A_998, %get3A_276 : vector<16xf32>
        %gt3A_1000 = arith.cmpf ogt, %sub3A_999, %select_n3A_988 : vector<16xf32>
        %select_n3A_1001 = arith.select %gt3A_1000, %sub3A_999, %select_n3A_988 : vector<16xi1>, vector<16xf32>
        %select_n3A_1002 = arith.select %gt3A_1000, %add3A_317, %select_n3A_989 : vector<16xi1>, vector<16xi32>
        %mul3A_1003 = arith.constant 128 : i32
        %mul3A_1004 = arith.muli %scan3A_237, %mul3A_1003 : i32
        %add3A_1005 = arith.constant 64 : i32
        %add3A_1006 = arith.addi %mul3A_1004, %add3A_1005 : i32
        %get3A_1007 = arith.constant 6 : i32
        %get3A_1008 = arith.index_cast %get3A_1007 : i32 to index
        %get3A_1009 = arith.index_cast %add3A_1006 : i32 to index
        %get3A_1010 = tpu.vector_load %arg8[%get3A_1008, %get3A_1009] {strides = array<i32>} : memref<8x2048xf32, #tpu.memory_space<vmem>>, vector<16xf32>,
        %mul3A_1011 = arith.mulf %get3A_1010, %gather3A_32 : vector<16xf32>
        %sub3A_1012 = arith.subf %mul3A_1011, %get3A_282 : vector<16xf32>
        %gt3A_1013 = arith.cmpf ogt, %sub3A_1012, %select_n3A_1001 : vector<16xf32>
        %select_n3A_1014 = arith.select %gt3A_1013, %sub3A_1012, %select_n3A_1001 : vector<16xi1>, vector<16xf32>
        %select_n3A_1015 = arith.select %gt3A_1013, %add3A_320, %select_n3A_1002 : vector<16xi1>, vector<16xi32>
        %mul3A_1016 = arith.constant 128 : i32
        %mul3A_1017 = arith.muli %scan3A_237, %mul3A_1016 : i32
        %add3A_1018 = arith.constant 80 : i32
        %add3A_1019 = arith.addi %mul3A_1017, %add3A_1018 : i32
        %get3A_1020 = arith.constant 6 : i32
        %get3A_1021 = arith.index_cast %get3A_1020 : i32 to index
        %get3A_1022 = arith.index_cast %add3A_1019 : i32 to index
        %get3A_1023 = tpu.vector_load %arg8[%get3A_1021, %get3A_1022] {strides = array<i32>} : memref<8x2048xf32, #tpu.memory_space<vmem>>, vector<16xf32>,
        %mul3A_1024 = arith.mulf %get3A_1023, %gather3A_32 : vector<16xf32>
        %sub3A_1025 = arith.subf %mul3A_1024, %get3A_288 : vector<16xf32>
        %gt3A_1026 = arith.cmpf ogt, %sub3A_1025, %select_n3A_1014 : vector<16xf32>
        %select_n3A_1027 = arith.select %gt3A_1026, %sub3A_1025, %select_n3A_1014 : vector<16xi1>, vector<16xf32>
        %select_n3A_1028 = arith.select %gt3A_1026, %add3A_323, %select_n3A_1015 : vector<16xi1>, vector<16xi32>
        %mul3A_1029 = arith.constant 128 : i32
        %mul3A_1030 = arith.muli %scan3A_237, %mul3A_1029 : i32
        %add3A_1031 = arith.constant 96 : i32
        %add3A_1032 = arith.addi %mul3A_1030, %add3A_1031 : i32
        %get3A_1033 = arith.constant 6 : i32
        %get3A_1034 = arith.index_cast %get3A_1033 : i32 to index
        %get3A_1035 = arith.index_cast %add3A_1032 : i32 to index
        %get3A_1036 = tpu.vector_load %arg8[%get3A_1034, %get3A_1035] {strides = array<i32>} : memref<8x2048xf32, #tpu.memory_space<vmem>>, vector<16xf32>,
        %mul3A_1037 = arith.mulf %get3A_1036, %gather3A_32 : vector<16xf32>
        %sub3A_1038 = arith.subf %mul3A_1037, %get3A_294 : vector<16xf32>
        %gt3A_1039 = arith.cmpf ogt, %sub3A_1038, %select_n3A_1027 : vector<16xf32>
        %select_n3A_1040 = arith.select %gt3A_1039, %sub3A_1038, %select_n3A_1027 : vector<16xi1>, vector<16xf32>
        %select_n3A_1041 = arith.select %gt3A_1039, %add3A_326, %select_n3A_1028 : vector<16xi1>, vector<16xi32>
        %mul3A_1042 = arith.constant 128 : i32
        %mul3A_1043 = arith.muli %scan3A_237, %mul3A_1042 : i32
        %add3A_1044 = arith.constant 112 : i32
        %add3A_1045 = arith.addi %mul3A_1043, %add3A_1044 : i32
        %get3A_1046 = arith.constant 6 : i32
        %get3A_1047 = arith.index_cast %get3A_1046 : i32 to index
        %get3A_1048 = arith.index_cast %add3A_1045 : i32 to index
        %get3A_1049 = tpu.vector_load %arg8[%get3A_1047, %get3A_1048] {strides = array<i32>} : memref<8x2048xf32, #tpu.memory_space<vmem>>, vector<16xf32>,
        %mul3A_1050 = arith.mulf %get3A_1049, %gather3A_32 : vector<16xf32>
        %sub3A_1051 = arith.subf %mul3A_1050, %get3A_300 : vector<16xf32>
        %gt3A_1052 = arith.cmpf ogt, %sub3A_1051, %select_n3A_1040 : vector<16xf32>
        %select_n3A_1053 = arith.select %gt3A_1052, %sub3A_1051, %select_n3A_1040 : vector<16xi1>, vector<16xf32>
        %select_n3A_1054 = arith.select %gt3A_1052, %add3A_329, %select_n3A_1041 : vector<16xi1>, vector<16xi32>
        %mul3A_1055 = arith.constant 128 : i32
        %mul3A_1056 = arith.muli %scan3A_237, %mul3A_1055 : i32
        %add3A_1057 = arith.constant 0 : i32
        %add3A_1058 = arith.addi %mul3A_1056, %add3A_1057 : i32
        %get3A_1059 = arith.constant 7 : i32
        %get3A_1060 = arith.index_cast %get3A_1059 : i32 to index
        %get3A_1061 = arith.index_cast %add3A_1058 : i32 to index
        %get3A_1062 = tpu.vector_load %arg8[%get3A_1060, %get3A_1061] {strides = array<i32>} : memref<8x2048xf32, #tpu.memory_space<vmem>>, vector<16xf32>,
        %mul3A_1063 = arith.mulf %get3A_1062, %gather3A_36 : vector<16xf32>
        %sub3A_1064 = arith.subf %mul3A_1063, %get3A_258 : vector<16xf32>
        %gt3A_1065 = arith.cmpf ogt, %sub3A_1064, %scan3A_252 : vector<16xf32>
        %select_n3A_1066 = arith.select %gt3A_1065, %sub3A_1064, %scan3A_252 : vector<16xi1>, vector<16xf32>
        %select_n3A_1067 = arith.select %gt3A_1065, %add3A_308, %scan3A_253 : vector<16xi1>, vector<16xi32>
        %mul3A_1068 = arith.constant 128 : i32
        %mul3A_1069 = arith.muli %scan3A_237, %mul3A_1068 : i32
        %add3A_1070 = arith.constant 16 : i32
        %add3A_1071 = arith.addi %mul3A_1069, %add3A_1070 : i32
        %get3A_1072 = arith.constant 7 : i32
        %get3A_1073 = arith.index_cast %get3A_1072 : i32 to index
        %get3A_1074 = arith.index_cast %add3A_1071 : i32 to index
        %get3A_1075 = tpu.vector_load %arg8[%get3A_1073, %get3A_1074] {strides = array<i32>} : memref<8x2048xf32, #tpu.memory_space<vmem>>, vector<16xf32>,
        %mul3A_1076 = arith.mulf %get3A_1075, %gather3A_36 : vector<16xf32>
        %sub3A_1077 = arith.subf %mul3A_1076, %get3A_264 : vector<16xf32>
        %gt3A_1078 = arith.cmpf ogt, %sub3A_1077, %select_n3A_1066 : vector<16xf32>
        %select_n3A_1079 = arith.select %gt3A_1078, %sub3A_1077, %select_n3A_1066 : vector<16xi1>, vector<16xf32>
        %select_n3A_1080 = arith.select %gt3A_1078, %add3A_311, %select_n3A_1067 : vector<16xi1>, vector<16xi32>
        %mul3A_1081 = arith.constant 128 : i32
        %mul3A_1082 = arith.muli %scan3A_237, %mul3A_1081 : i32
        %add3A_1083 = arith.constant 32 : i32
        %add3A_1084 = arith.addi %mul3A_1082, %add3A_1083 : i32
        %get3A_1085 = arith.constant 7 : i32
        %get3A_1086 = arith.index_cast %get3A_1085 : i32 to index
        %get3A_1087 = arith.index_cast %add3A_1084 : i32 to index
        %get3A_1088 = tpu.vector_load %arg8[%get3A_1086, %get3A_1087] {strides = array<i32>} : memref<8x2048xf32, #tpu.memory_space<vmem>>, vector<16xf32>,
        %mul3A_1089 = arith.mulf %get3A_1088, %gather3A_36 : vector<16xf32>
        %sub3A_1090 = arith.subf %mul3A_1089, %get3A_270 : vector<16xf32>
        %gt3A_1091 = arith.cmpf ogt, %sub3A_1090, %select_n3A_1079 : vector<16xf32>
        %select_n3A_1092 = arith.select %gt3A_1091, %sub3A_1090, %select_n3A_1079 : vector<16xi1>, vector<16xf32>
        %select_n3A_1093 = arith.select %gt3A_1091, %add3A_314, %select_n3A_1080 : vector<16xi1>, vector<16xi32>
        %mul3A_1094 = arith.constant 128 : i32
        %mul3A_1095 = arith.muli %scan3A_237, %mul3A_1094 : i32
        %add3A_1096 = arith.constant 48 : i32
        %add3A_1097 = arith.addi %mul3A_1095, %add3A_1096 : i32
        %get3A_1098 = arith.constant 7 : i32
        %get3A_1099 = arith.index_cast %get3A_1098 : i32 to index
        %get3A_1100 = arith.index_cast %add3A_1097 : i32 to index
        %get3A_1101 = tpu.vector_load %arg8[%get3A_1099, %get3A_1100] {strides = array<i32>} : memref<8x2048xf32, #tpu.memory_space<vmem>>, vector<16xf32>,
        %mul3A_1102 = arith.mulf %get3A_1101, %gather3A_36 : vector<16xf32>
        %sub3A_1103 = arith.subf %mul3A_1102, %get3A_276 : vector<16xf32>
        %gt3A_1104 = arith.cmpf ogt, %sub3A_1103, %select_n3A_1092 : vector<16xf32>
        %select_n3A_1105 = arith.select %gt3A_1104, %sub3A_1103, %select_n3A_1092 : vector<16xi1>, vector<16xf32>
        %select_n3A_1106 = arith.select %gt3A_1104, %add3A_317, %select_n3A_1093 : vector<16xi1>, vector<16xi32>
        %mul3A_1107 = arith.constant 128 : i32
        %mul3A_1108 = arith.muli %scan3A_237, %mul3A_1107 : i32
        %add3A_1109 = arith.constant 64 : i32
        %add3A_1110 = arith.addi %mul3A_1108, %add3A_1109 : i32
        %get3A_1111 = arith.constant 7 : i32
        %get3A_1112 = arith.index_cast %get3A_1111 : i32 to index
        %get3A_1113 = arith.index_cast %add3A_1110 : i32 to index
        %get3A_1114 = tpu.vector_load %arg8[%get3A_1112, %get3A_1113] {strides = array<i32>} : memref<8x2048xf32, #tpu.memory_space<vmem>>, vector<16xf32>,
        %mul3A_1115 = arith.mulf %get3A_1114, %gather3A_36 : vector<16xf32>
        %sub3A_1116 = arith.subf %mul3A_1115, %get3A_282 : vector<16xf32>
        %gt3A_1117 = arith.cmpf ogt, %sub3A_1116, %select_n3A_1105 : vector<16xf32>
        %select_n3A_1118 = arith.select %gt3A_1117, %sub3A_1116, %select_n3A_1105 : vector<16xi1>, vector<16xf32>
        %select_n3A_1119 = arith.select %gt3A_1117, %add3A_320, %select_n3A_1106 : vector<16xi1>, vector<16xi32>
        %mul3A_1120 = arith.constant 128 : i32
        %mul3A_1121 = arith.muli %scan3A_237, %mul3A_1120 : i32
        %add3A_1122 = arith.constant 80 : i32
        %add3A_1123 = arith.addi %mul3A_1121, %add3A_1122 : i32
        %get3A_1124 = arith.constant 7 : i32
        %get3A_1125 = arith.index_cast %get3A_1124 : i32 to index
        %get3A_1126 = arith.index_cast %add3A_1123 : i32 to index
        %get3A_1127 = tpu.vector_load %arg8[%get3A_1125, %get3A_1126] {strides = array<i32>} : memref<8x2048xf32, #tpu.memory_space<vmem>>, vector<16xf32>,
        %mul3A_1128 = arith.mulf %get3A_1127, %gather3A_36 : vector<16xf32>
        %sub3A_1129 = arith.subf %mul3A_1128, %get3A_288 : vector<16xf32>
        %gt3A_1130 = arith.cmpf ogt, %sub3A_1129, %select_n3A_1118 : vector<16xf32>
        %select_n3A_1131 = arith.select %gt3A_1130, %sub3A_1129, %select_n3A_1118 : vector<16xi1>, vector<16xf32>
        %select_n3A_1132 = arith.select %gt3A_1130, %add3A_323, %select_n3A_1119 : vector<16xi1>, vector<16xi32>
        %mul3A_1133 = arith.constant 128 : i32
        %mul3A_1134 = arith.muli %scan3A_237, %mul3A_1133 : i32
        %add3A_1135 = arith.constant 96 : i32
        %add3A_1136 = arith.addi %mul3A_1134, %add3A_1135 : i32
        %get3A_1137 = arith.constant 7 : i32
        %get3A_1138 = arith.index_cast %get3A_1137 : i32 to index
        %get3A_1139 = arith.index_cast %add3A_1136 : i32 to index
        %get3A_1140 = tpu.vector_load %arg8[%get3A_1138, %get3A_1139] {strides = array<i32>} : memref<8x2048xf32, #tpu.memory_space<vmem>>, vector<16xf32>,
        %mul3A_1141 = arith.mulf %get3A_1140, %gather3A_36 : vector<16xf32>
        %sub3A_1142 = arith.subf %mul3A_1141, %get3A_294 : vector<16xf32>
        %gt3A_1143 = arith.cmpf ogt, %sub3A_1142, %select_n3A_1131 : vector<16xf32>
        %select_n3A_1144 = arith.select %gt3A_1143, %sub3A_1142, %select_n3A_1131 : vector<16xi1>, vector<16xf32>
        %select_n3A_1145 = arith.select %gt3A_1143, %add3A_326, %select_n3A_1132 : vector<16xi1>, vector<16xi32>
        %mul3A_1146 = arith.constant 128 : i32
        %mul3A_1147 = arith.muli %scan3A_237, %mul3A_1146 : i32
        %add3A_1148 = arith.constant 112 : i32
        %add3A_1149 = arith.addi %mul3A_1147, %add3A_1148 : i32
        %get3A_1150 = arith.constant 7 : i32
        %get3A_1151 = arith.index_cast %get3A_1150 : i32 to index
        %get3A_1152 = arith.index_cast %add3A_1149 : i32 to index
        %get3A_1153 = tpu.vector_load %arg8[%get3A_1151, %get3A_1152] {strides = array<i32>} : memref<8x2048xf32, #tpu.memory_space<vmem>>, vector<16xf32>,
        %mul3A_1154 = arith.mulf %get3A_1153, %gather3A_36 : vector<16xf32>
        %sub3A_1155 = arith.subf %mul3A_1154, %get3A_300 : vector<16xf32>
        %gt3A_1156 = arith.cmpf ogt, %sub3A_1155, %select_n3A_1144 : vector<16xf32>
        %select_n3A_1157 = arith.select %gt3A_1156, %sub3A_1155, %select_n3A_1144 : vector<16xi1>, vector<16xf32>
        %select_n3A_1158 = arith.select %gt3A_1156, %add3A_329, %select_n3A_1145 : vector<16xi1>, vector<16xi32>
        scf.yield %select_n3A_429, %select_n3A_430, %select_n3A_533, %select_n3A_534, %select_n3A_637, %select_n3A_638, %select_n3A_741, %select_n3A_742, %select_n3A_845, %select_n3A_846, %select_n3A_949, %select_n3A_950, %select_n3A_1053, %select_n3A_1054, %select_n3A_1157, %select_n3A_1158 : vector<16xf32>, vector<16xi32>, vector<16xf32>, vector<16xi32>, vector<16xf32>, vector<16xi32>, vector<16xf32>, vector<16xi32>, vector<16xf32>, vector<16xi32>, vector<16xf32>, vector<16xi32>, vector<16xf32>, vector<16xi32>, vector<16xf32>, vector<16xi32>
      }
      %scan3A_229 = arith.constant 16 : i32
      %add3A_230 = arith.constant 3 : i32
      %add3A_231 = arith.addi %mul3A_185, %add3A_230 : i32
      %lt3A_232 = arith.constant 61 : i32
      %lt3A_233 = arith.cmpi slt, %add3A_231, %lt3A_232 : i32
      %convert_element_type3A_234 = arith.extui %lt3A_233 : i1 to i32
      %cond3A_235 = arith.constant 0 : i32
      %cond3A_236 = arith.cmpi ne, %convert_element_type3A_234, %cond3A_235 : i32
      scf.if %cond3A_236 {
        %add3A_237 = arith.constant 3 : i32
        %add3A_238 = arith.addi %mul3A_185, %add3A_237 : i32
        %mul3A_239 = arith.constant 2048 : i32
        %mul3A_240 = arith.muli %add3A_238, %mul3A_239 : i32
        %add3A_241 = arith.addi %mul3A_6, %mul3A_240 : i32
        %multiple_of3A_242 = tpu.assume_multiple %add3A_241, 1024 : i32
        %dma_start3A_243 = tpu.memref_slice %arg2[%multiple_of3A, %multiple_of3A_242] : memref<32x1000000xf32, #tpu.memory_space<hbm>> -> memref<8x2048xf32, #tpu.memory_space<hbm>>
        %dma_start3A_244 = tpu.memref_slice %arg2[%multiple_of3A, %multiple_of3A_242] : memref<32x1000000xf32, #tpu.memory_space<hbm>> -> memref<8x2048xf32, #tpu.memory_space<hbm>>
        tpu.enqueue_dma source(%dma_start3A_244 : memref<8x2048xf32, #tpu.memory_space<hbm>>) target(%arg8 : memref<8x2048xf32, #tpu.memory_space<vmem>>) target_semaphore(%arg15 : memref<!tpu.dma_semaphore, #tpu.memory_space<semaphore_mem>>)
        %dma_start3A_245 = tpu.memref_slice %arg4[%multiple_of3A_242] : memref<1000000xf32, #tpu.memory_space<hbm>> -> memref<2048xf32, #tpu.memory_space<hbm>>
        %dma_start3A_246 = tpu.memref_slice %arg4[%multiple_of3A_242] : memref<1000000xf32, #tpu.memory_space<hbm>> -> memref<2048xf32, #tpu.memory_space<hbm>>
        tpu.enqueue_dma source(%dma_start3A_246 : memref<2048xf32, #tpu.memory_space<hbm>>) target(%arg10 : memref<2048xf32, #tpu.memory_space<vmem>>) target_semaphore(%arg17 : memref<!tpu.dma_semaphore, #tpu.memory_space<semaphore_mem>>)
      } else {
      }
      scf.yield %scan3A_228#0, %scan3A_228#1, %scan3A_228#2, %scan3A_228#3, %scan3A_228#4, %scan3A_228#5, %scan3A_228#6, %scan3A_228#7, %scan3A_228#8, %scan3A_228#9, %scan3A_228#10, %scan3A_228#11, %scan3A_228#12, %scan3A_228#13, %scan3A_228#14, %scan3A_228#15 : vector<16xf32>, vector<16xi32>, vector<16xf32>, vector<16xi32>, vector<16xf32>, vector<16xi32>, vector<16xf32>, vector<16xi32>, vector<16xf32>, vector<16xi32>, vector<16xf32>, vector<16xi32>, vector<16xf32>, vector<16xi32>, vector<16xf32>, vector<16xi32>
    }
    %scan3A_86 = arith.constant 30 : i32
    %dma_wait3A = arith.constant 0 : i32
    %dma_wait3A_87 = arith.constant 0 : i32
    %dma_wait3A_88 = tpu.memref_slice %arg2[%dma_wait3A, %dma_wait3A_87] : memref<32x1000000xf32, #tpu.memory_space<hbm>> -> memref<8x2048xf32, #tpu.memory_space<hbm>>
    %dma_wait3A_89 = arith.constant 0 : i32
    %dma_wait3A_90 = arith.constant 0 : i32
    %dma_wait3A_91 = tpu.memref_slice %arg2[%dma_wait3A_89, %dma_wait3A_90] : memref<32x1000000xf32, #tpu.memory_space<hbm>> -> memref<8x2048xf32, #tpu.memory_space<hbm>>
    tpu.wait_dma2 semaphore(%arg14 : memref<!tpu.dma_semaphore, #tpu.memory_space<semaphore_mem>>) src(%dma_wait3A_91 : memref<8x2048xf32, #tpu.memory_space<hbm>>) dst(%arg7 : memref<8x2048xf32, #tpu.memory_space<vmem>>)
    %dma_wait3A_92 = arith.constant 0 : i32
    %dma_wait3A_93 = tpu.memref_slice %arg4[%dma_wait3A_92] : memref<1000000xf32, #tpu.memory_space<hbm>> -> memref<2048xf32, #tpu.memory_space<hbm>>
    %dma_wait3A_94 = arith.constant 0 : i32
    %dma_wait3A_95 = tpu.memref_slice %arg4[%dma_wait3A_94] : memref<1000000xf32, #tpu.memory_space<hbm>> -> memref<2048xf32, #tpu.memory_space<hbm>>
    tpu.wait_dma2 semaphore(%arg16 : memref<!tpu.dma_semaphore, #tpu.memory_space<semaphore_mem>>) src(%dma_wait3A_95 : memref<2048xf32, #tpu.memory_space<hbm>>) dst(%arg9 : memref<2048xf32, #tpu.memory_space<vmem>>)
    %add3A_96 = arith.constant 122880 : i32
    %add3A_97 = arith.addi %mul3A_6, %add3A_96 : i32
    %scan3A_98 = arith.constant 0 : i32
    %scan3A_99 = arith.constant 16 : i32
    %scan3A_100 = arith.addi %scan3A_98, %scan3A_99 : i32
    %scan3A_101 = arith.constant 1 : i32
    %scan3A_102:16 = scf.for %scan3A_167 = %scan3A_98 to %scan3A_100 step %scan3A_101 iter_args(%scan3A_168 = %scan3A_85#0, %scan3A_169 = %scan3A_85#1, %scan3A_170 = %scan3A_85#2, %scan3A_171 = %scan3A_85#3, %scan3A_172 = %scan3A_85#4, %scan3A_173 = %scan3A_85#5, %scan3A_174 = %scan3A_85#6, %scan3A_175 = %scan3A_85#7, %scan3A_176 = %scan3A_85#8, %scan3A_177 = %scan3A_85#9, %scan3A_178 = %scan3A_85#10, %scan3A_179 = %scan3A_85#11, %scan3A_180 = %scan3A_85#12, %scan3A_181 = %scan3A_85#13, %scan3A_182 = %scan3A_85#14, %scan3A_183 = %scan3A_85#15) -> (vector<16xf32>, vector<16xi32>, vector<16xf32>, vector<16xi32>, vector<16xf32>, vector<16xi32>, vector<16xf32>, vector<16xi32>, vector<16xf32>, vector<16xi32>, vector<16xf32>, vector<16xi32>, vector<16xf32>, vector<16xi32>, vector<16xf32>, vector<16xi32>)  : i32 {
      %mul3A_184 = arith.constant 128 : i32
      %mul3A_185 = arith.muli %scan3A_167, %mul3A_184 : i32
      %add3A_186 = arith.constant 0 : i32
      %add3A_187 = arith.addi %mul3A_185, %add3A_186 : i32
      %get3A = arith.index_cast %add3A_187 : i32 to index
      %get3A_188 = tpu.vector_load %arg9[%get3A] {strides = array<i32>} : memref<2048xf32, #tpu.memory_space<vmem>>, vector<16xf32>,
      %mul3A_189 = arith.constant 128 : i32
      %mul3A_190 = arith.muli %scan3A_167, %mul3A_189 : i32
      %add3A_191 = arith.constant 16 : i32
      %add3A_192 = arith.addi %mul3A_190, %add3A_191 : i32
      %get3A_193 = arith.index_cast %add3A_192 : i32 to index
      %get3A_194 = tpu.vector_load %arg9[%get3A_193] {strides = array<i32>} : memref<2048xf32, #tpu.memory_space<vmem>>, vector<16xf32>,
      %mul3A_195 = arith.constant 128 : i32
      %mul3A_196 = arith.muli %scan3A_167, %mul3A_195 : i32
      %add3A_197 = arith.constant 32 : i32
      %add3A_198 = arith.addi %mul3A_196, %add3A_197 : i32
      %get3A_199 = arith.index_cast %add3A_198 : i32 to index
      %get3A_200 = tpu.vector_load %arg9[%get3A_199] {strides = array<i32>} : memref<2048xf32, #tpu.memory_space<vmem>>, vector<16xf32>,
      %mul3A_201 = arith.constant 128 : i32
      %mul3A_202 = arith.muli %scan3A_167, %mul3A_201 : i32
      %add3A_203 = arith.constant 48 : i32
      %add3A_204 = arith.addi %mul3A_202, %add3A_203 : i32
      %get3A_205 = arith.index_cast %add3A_204 : i32 to index
      %get3A_206 = tpu.vector_load %arg9[%get3A_205] {strides = array<i32>} : memref<2048xf32, #tpu.memory_space<vmem>>, vector<16xf32>,
      %mul3A_207 = arith.constant 128 : i32
      %mul3A_208 = arith.muli %scan3A_167, %mul3A_207 : i32
      %add3A_209 = arith.constant 64 : i32
      %add3A_210 = arith.addi %mul3A_208, %add3A_209 : i32
      %get3A_211 = arith.index_cast %add3A_210 : i32 to index
      %get3A_212 = tpu.vector_load %arg9[%get3A_211] {strides = array<i32>} : memref<2048xf32, #tpu.memory_space<vmem>>, vector<16xf32>,
      %mul3A_213 = arith.constant 128 : i32
      %mul3A_214 = arith.muli %scan3A_167, %mul3A_213 : i32
      %add3A_215 = arith.constant 80 : i32
      %add3A_216 = arith.addi %mul3A_214, %add3A_215 : i32
      %get3A_217 = arith.index_cast %add3A_216 : i32 to index
      %get3A_218 = tpu.vector_load %arg9[%get3A_217] {strides = array<i32>} : memref<2048xf32, #tpu.memory_space<vmem>>, vector<16xf32>,
      %mul3A_219 = arith.constant 128 : i32
      %mul3A_220 = arith.muli %scan3A_167, %mul3A_219 : i32
      %add3A_221 = arith.constant 96 : i32
      %add3A_222 = arith.addi %mul3A_220, %add3A_221 : i32
      %get3A_223 = arith.index_cast %add3A_222 : i32 to index
      %get3A_224 = tpu.vector_load %arg9[%get3A_223] {strides = array<i32>} : memref<2048xf32, #tpu.memory_space<vmem>>, vector<16xf32>,
      %mul3A_225 = arith.constant 128 : i32
      %mul3A_226 = arith.muli %scan3A_167, %mul3A_225 : i32
      %add3A_227 = arith.constant 112 : i32
      %add3A_228 = arith.addi %mul3A_226, %add3A_227 : i32
      %get3A_229 = arith.index_cast %add3A_228 : i32 to index
      %get3A_230 = tpu.vector_load %arg9[%get3A_229] {strides = array<i32>} : memref<2048xf32, #tpu.memory_space<vmem>>, vector<16xf32>,
      %mul3A_231 = arith.constant 128 : i32
      %mul3A_232 = arith.muli %scan3A_167, %mul3A_231 : i32
      %add3A_233 = arith.addi %add3A_97, %mul3A_232 : i32
      %add3A_234 = vector.broadcast %add3A_233 : i32 to vector<16xi32>
      %add3A_235 = arith.addi %iota3A, %add3A_234 : vector<16xi32>
      %add3A_236 = arith.constant 0 : i32
      %add3A_237 = vector.broadcast %add3A_236 : i32 to vector<16xi32>
      %add3A_238 = arith.addi %add3A_235, %add3A_237 : vector<16xi32>
      %add3A_239 = arith.constant 16 : i32
      %add3A_240 = vector.broadcast %add3A_239 : i32 to vector<16xi32>
      %add3A_241 = arith.addi %add3A_235, %add3A_240 : vector<16xi32>
      %add3A_242 = arith.constant 32 : i32
      %add3A_243 = vector.broadcast %add3A_242 : i32 to vector<16xi32>
      %add3A_244 = arith.addi %add3A_235, %add3A_243 : vector<16xi32>
      %add3A_245 = arith.constant 48 : i32
      %add3A_246 = vector.broadcast %add3A_245 : i32 to vector<16xi32>
      %add3A_247 = arith.addi %add3A_235, %add3A_246 : vector<16xi32>
      %add3A_248 = arith.constant 64 : i32
      %add3A_249 = vector.broadcast %add3A_248 : i32 to vector<16xi32>
      %add3A_250 = arith.addi %add3A_235, %add3A_249 : vector<16xi32>
      %add3A_251 = arith.constant 80 : i32
      %add3A_252 = vector.broadcast %add3A_251 : i32 to vector<16xi32>
      %add3A_253 = arith.addi %add3A_235, %add3A_252 : vector<16xi32>
      %add3A_254 = arith.constant 96 : i32
      %add3A_255 = vector.broadcast %add3A_254 : i32 to vector<16xi32>
      %add3A_256 = arith.addi %add3A_235, %add3A_255 : vector<16xi32>
      %add3A_257 = arith.constant 112 : i32
      %add3A_258 = vector.broadcast %add3A_257 : i32 to vector<16xi32>
      %add3A_259 = arith.addi %add3A_235, %add3A_258 : vector<16xi32>
      %mul3A_260 = arith.constant 128 : i32
      %mul3A_261 = arith.muli %scan3A_167, %mul3A_260 : i32
      %add3A_262 = arith.constant 0 : i32
      %add3A_263 = arith.addi %mul3A_261, %add3A_262 : i32
      %get3A_264 = arith.constant 0 : i32
      %get3A_265 = arith.index_cast %get3A_264 : i32 to index
      %get3A_266 = arith.index_cast %add3A_263 : i32 to index
      %get3A_267 = tpu.vector_load %arg7[%get3A_265, %get3A_266] {strides = array<i32>} : memref<8x2048xf32, #tpu.memory_space<vmem>>, vector<16xf32>,
      %mul3A_268 = arith.mulf %get3A_267, %gather3A : vector<16xf32>
      %sub3A = arith.subf %mul3A_268, %get3A_188 : vector<16xf32>
      %gt3A = arith.cmpf ogt, %sub3A, %scan3A_168 : vector<16xf32>
      %select_n3A = arith.select %gt3A, %sub3A, %scan3A_168 : vector<16xi1>, vector<16xf32>
      %select_n3A_269 = arith.select %gt3A, %add3A_238, %scan3A_169 : vector<16xi1>, vector<16xi32>
      %mul3A_270 = arith.constant 128 : i32
      %mul3A_271 = arith.muli %scan3A_167, %mul3A_270 : i32
      %add3A_272 = arith.constant 16 : i32
      %add3A_273 = arith.addi %mul3A_271, %add3A_272 : i32
      %get3A_274 = arith.constant 0 : i32
      %get3A_275 = arith.index_cast %get3A_274 : i32 to index
      %get3A_276 = arith.index_cast %add3A_273 : i32 to index
      %get3A_277 = tpu.vector_load %arg7[%get3A_275, %get3A_276] {strides = array<i32>} : memref<8x2048xf32, #tpu.memory_space<vmem>>, vector<16xf32>,
      %mul3A_278 = arith.mulf %get3A_277, %gather3A : vector<16xf32>
      %sub3A_279 = arith.subf %mul3A_278, %get3A_194 : vector<16xf32>
      %gt3A_280 = arith.cmpf ogt, %sub3A_279, %select_n3A : vector<16xf32>
      %select_n3A_281 = arith.select %gt3A_280, %sub3A_279, %select_n3A : vector<16xi1>, vector<16xf32>
      %select_n3A_282 = arith.select %gt3A_280, %add3A_241, %select_n3A_269 : vector<16xi1>, vector<16xi32>
      %mul3A_283 = arith.constant 128 : i32
      %mul3A_284 = arith.muli %scan3A_167, %mul3A_283 : i32
      %add3A_285 = arith.constant 32 : i32
      %add3A_286 = arith.addi %mul3A_284, %add3A_285 : i32
      %get3A_287 = arith.constant 0 : i32
      %get3A_288 = arith.index_cast %get3A_287 : i32 to index
      %get3A_289 = arith.index_cast %add3A_286 : i32 to index
      %get3A_290 = tpu.vector_load %arg7[%get3A_288, %get3A_289] {strides = array<i32>} : memref<8x2048xf32, #tpu.memory_space<vmem>>, vector<16xf32>,
      %mul3A_291 = arith.mulf %get3A_290, %gather3A : vector<16xf32>
      %sub3A_292 = arith.subf %mul3A_291, %get3A_200 : vector<16xf32>
      %gt3A_293 = arith.cmpf ogt, %sub3A_292, %select_n3A_281 : vector<16xf32>
      %select_n3A_294 = arith.select %gt3A_293, %sub3A_292, %select_n3A_281 : vector<16xi1>, vector<16xf32>
      %select_n3A_295 = arith.select %gt3A_293, %add3A_244, %select_n3A_282 : vector<16xi1>, vector<16xi32>
      %mul3A_296 = arith.constant 128 : i32
      %mul3A_297 = arith.muli %scan3A_167, %mul3A_296 : i32
      %add3A_298 = arith.constant 48 : i32
      %add3A_299 = arith.addi %mul3A_297, %add3A_298 : i32
      %get3A_300 = arith.constant 0 : i32
      %get3A_301 = arith.index_cast %get3A_300 : i32 to index
      %get3A_302 = arith.index_cast %add3A_299 : i32 to index
      %get3A_303 = tpu.vector_load %arg7[%get3A_301, %get3A_302] {strides = array<i32>} : memref<8x2048xf32, #tpu.memory_space<vmem>>, vector<16xf32>,
      %mul3A_304 = arith.mulf %get3A_303, %gather3A : vector<16xf32>
      %sub3A_305 = arith.subf %mul3A_304, %get3A_206 : vector<16xf32>
      %gt3A_306 = arith.cmpf ogt, %sub3A_305, %select_n3A_294 : vector<16xf32>
      %select_n3A_307 = arith.select %gt3A_306, %sub3A_305, %select_n3A_294 : vector<16xi1>, vector<16xf32>
      %select_n3A_308 = arith.select %gt3A_306, %add3A_247, %select_n3A_295 : vector<16xi1>, vector<16xi32>
      %mul3A_309 = arith.constant 128 : i32
      %mul3A_310 = arith.muli %scan3A_167, %mul3A_309 : i32
      %add3A_311 = arith.constant 64 : i32
      %add3A_312 = arith.addi %mul3A_310, %add3A_311 : i32
      %get3A_313 = arith.constant 0 : i32
      %get3A_314 = arith.index_cast %get3A_313 : i32 to index
      %get3A_315 = arith.index_cast %add3A_312 : i32 to index
      %get3A_316 = tpu.vector_load %arg7[%get3A_314, %get3A_315] {strides = array<i32>} : memref<8x2048xf32, #tpu.memory_space<vmem>>, vector<16xf32>,
      %mul3A_317 = arith.mulf %get3A_316, %gather3A : vector<16xf32>
      %sub3A_318 = arith.subf %mul3A_317, %get3A_212 : vector<16xf32>
      %gt3A_319 = arith.cmpf ogt, %sub3A_318, %select_n3A_307 : vector<16xf32>
      %select_n3A_320 = arith.select %gt3A_319, %sub3A_318, %select_n3A_307 : vector<16xi1>, vector<16xf32>
      %select_n3A_321 = arith.select %gt3A_319, %add3A_250, %select_n3A_308 : vector<16xi1>, vector<16xi32>
      %mul3A_322 = arith.constant 128 : i32
      %mul3A_323 = arith.muli %scan3A_167, %mul3A_322 : i32
      %add3A_324 = arith.constant 80 : i32
      %add3A_325 = arith.addi %mul3A_323, %add3A_324 : i32
      %get3A_326 = arith.constant 0 : i32
      %get3A_327 = arith.index_cast %get3A_326 : i32 to index
      %get3A_328 = arith.index_cast %add3A_325 : i32 to index
      %get3A_329 = tpu.vector_load %arg7[%get3A_327, %get3A_328] {strides = array<i32>} : memref<8x2048xf32, #tpu.memory_space<vmem>>, vector<16xf32>,
      %mul3A_330 = arith.mulf %get3A_329, %gather3A : vector<16xf32>
      %sub3A_331 = arith.subf %mul3A_330, %get3A_218 : vector<16xf32>
      %gt3A_332 = arith.cmpf ogt, %sub3A_331, %select_n3A_320 : vector<16xf32>
      %select_n3A_333 = arith.select %gt3A_332, %sub3A_331, %select_n3A_320 : vector<16xi1>, vector<16xf32>
      %select_n3A_334 = arith.select %gt3A_332, %add3A_253, %select_n3A_321 : vector<16xi1>, vector<16xi32>
      %mul3A_335 = arith.constant 128 : i32
      %mul3A_336 = arith.muli %scan3A_167, %mul3A_335 : i32
      %add3A_337 = arith.constant 96 : i32
      %add3A_338 = arith.addi %mul3A_336, %add3A_337 : i32
      %get3A_339 = arith.constant 0 : i32
      %get3A_340 = arith.index_cast %get3A_339 : i32 to index
      %get3A_341 = arith.index_cast %add3A_338 : i32 to index
      %get3A_342 = tpu.vector_load %arg7[%get3A_340, %get3A_341] {strides = array<i32>} : memref<8x2048xf32, #tpu.memory_space<vmem>>, vector<16xf32>,
      %mul3A_343 = arith.mulf %get3A_342, %gather3A : vector<16xf32>
      %sub3A_344 = arith.subf %mul3A_343, %get3A_224 : vector<16xf32>
      %gt3A_345 = arith.cmpf ogt, %sub3A_344, %select_n3A_333 : vector<16xf32>
      %select_n3A_346 = arith.select %gt3A_345, %sub3A_344, %select_n3A_333 : vector<16xi1>, vector<16xf32>
      %select_n3A_347 = arith.select %gt3A_345, %add3A_256, %select_n3A_334 : vector<16xi1>, vector<16xi32>
      %mul3A_348 = arith.constant 128 : i32
      %mul3A_349 = arith.muli %scan3A_167, %mul3A_348 : i32
      %add3A_350 = arith.constant 112 : i32
      %add3A_351 = arith.addi %mul3A_349, %add3A_350 : i32
      %get3A_352 = arith.constant 0 : i32
      %get3A_353 = arith.index_cast %get3A_352 : i32 to index
      %get3A_354 = arith.index_cast %add3A_351 : i32 to index
      %get3A_355 = tpu.vector_load %arg7[%get3A_353, %get3A_354] {strides = array<i32>} : memref<8x2048xf32, #tpu.memory_space<vmem>>, vector<16xf32>,
      %mul3A_356 = arith.mulf %get3A_355, %gather3A : vector<16xf32>
      %sub3A_357 = arith.subf %mul3A_356, %get3A_230 : vector<16xf32>
      %gt3A_358 = arith.cmpf ogt, %sub3A_357, %select_n3A_346 : vector<16xf32>
      %select_n3A_359 = arith.select %gt3A_358, %sub3A_357, %select_n3A_346 : vector<16xi1>, vector<16xf32>
      %select_n3A_360 = arith.select %gt3A_358, %add3A_259, %select_n3A_347 : vector<16xi1>, vector<16xi32>
      %mul3A_361 = arith.constant 128 : i32
      %mul3A_362 = arith.muli %scan3A_167, %mul3A_361 : i32
      %add3A_363 = arith.constant 0 : i32
      %add3A_364 = arith.addi %mul3A_362, %add3A_363 : i32
      %get3A_365 = arith.constant 1 : i32
      %get3A_366 = arith.index_cast %get3A_365 : i32 to index
      %get3A_367 = arith.index_cast %add3A_364 : i32 to index
      %get3A_368 = tpu.vector_load %arg7[%get3A_366, %get3A_367] {strides = array<i32>} : memref<8x2048xf32, #tpu.memory_space<vmem>>, vector<16xf32>,
      %mul3A_369 = arith.mulf %get3A_368, %gather3A_12 : vector<16xf32>
      %sub3A_370 = arith.subf %mul3A_369, %get3A_188 : vector<16xf32>
      %gt3A_371 = arith.cmpf ogt, %sub3A_370, %scan3A_170 : vector<16xf32>
      %select_n3A_372 = arith.select %gt3A_371, %sub3A_370, %scan3A_170 : vector<16xi1>, vector<16xf32>
      %select_n3A_373 = arith.select %gt3A_371, %add3A_238, %scan3A_171 : vector<16xi1>, vector<16xi32>
      %mul3A_374 = arith.constant 128 : i32
      %mul3A_375 = arith.muli %scan3A_167, %mul3A_374 : i32
      %add3A_376 = arith.constant 16 : i32
      %add3A_377 = arith.addi %mul3A_375, %add3A_376 : i32
      %get3A_378 = arith.constant 1 : i32
      %get3A_379 = arith.index_cast %get3A_378 : i32 to index
      %get3A_380 = arith.index_cast %add3A_377 : i32 to index
      %get3A_381 = tpu.vector_load %arg7[%get3A_379, %get3A_380] {strides = array<i32>} : memref<8x2048xf32, #tpu.memory_space<vmem>>, vector<16xf32>,
      %mul3A_382 = arith.mulf %get3A_381, %gather3A_12 : vector<16xf32>
      %sub3A_383 = arith.subf %mul3A_382, %get3A_194 : vector<16xf32>
      %gt3A_384 = arith.cmpf ogt, %sub3A_383, %select_n3A_372 : vector<16xf32>
      %select_n3A_385 = arith.select %gt3A_384, %sub3A_383, %select_n3A_372 : vector<16xi1>, vector<16xf32>
      %select_n3A_386 = arith.select %gt3A_384, %add3A_241, %select_n3A_373 : vector<16xi1>, vector<16xi32>
      %mul3A_387 = arith.constant 128 : i32
      %mul3A_388 = arith.muli %scan3A_167, %mul3A_387 : i32
      %add3A_389 = arith.constant 32 : i32
      %add3A_390 = arith.addi %mul3A_388, %add3A_389 : i32
      %get3A_391 = arith.constant 1 : i32
      %get3A_392 = arith.index_cast %get3A_391 : i32 to index
      %get3A_393 = arith.index_cast %add3A_390 : i32 to index
      %get3A_394 = tpu.vector_load %arg7[%get3A_392, %get3A_393] {strides = array<i32>} : memref<8x2048xf32, #tpu.memory_space<vmem>>, vector<16xf32>,
      %mul3A_395 = arith.mulf %get3A_394, %gather3A_12 : vector<16xf32>
      %sub3A_396 = arith.subf %mul3A_395, %get3A_200 : vector<16xf32>
      %gt3A_397 = arith.cmpf ogt, %sub3A_396, %select_n3A_385 : vector<16xf32>
      %select_n3A_398 = arith.select %gt3A_397, %sub3A_396, %select_n3A_385 : vector<16xi1>, vector<16xf32>
      %select_n3A_399 = arith.select %gt3A_397, %add3A_244, %select_n3A_386 : vector<16xi1>, vector<16xi32>
      %mul3A_400 = arith.constant 128 : i32
      %mul3A_401 = arith.muli %scan3A_167, %mul3A_400 : i32
      %add3A_402 = arith.constant 48 : i32
      %add3A_403 = arith.addi %mul3A_401, %add3A_402 : i32
      %get3A_404 = arith.constant 1 : i32
      %get3A_405 = arith.index_cast %get3A_404 : i32 to index
      %get3A_406 = arith.index_cast %add3A_403 : i32 to index
      %get3A_407 = tpu.vector_load %arg7[%get3A_405, %get3A_406] {strides = array<i32>} : memref<8x2048xf32, #tpu.memory_space<vmem>>, vector<16xf32>,
      %mul3A_408 = arith.mulf %get3A_407, %gather3A_12 : vector<16xf32>
      %sub3A_409 = arith.subf %mul3A_408, %get3A_206 : vector<16xf32>
      %gt3A_410 = arith.cmpf ogt, %sub3A_409, %select_n3A_398 : vector<16xf32>
      %select_n3A_411 = arith.select %gt3A_410, %sub3A_409, %select_n3A_398 : vector<16xi1>, vector<16xf32>
      %select_n3A_412 = arith.select %gt3A_410, %add3A_247, %select_n3A_399 : vector<16xi1>, vector<16xi32>
      %mul3A_413 = arith.constant 128 : i32
      %mul3A_414 = arith.muli %scan3A_167, %mul3A_413 : i32
      %add3A_415 = arith.constant 64 : i32
      %add3A_416 = arith.addi %mul3A_414, %add3A_415 : i32
      %get3A_417 = arith.constant 1 : i32
      %get3A_418 = arith.index_cast %get3A_417 : i32 to index
      %get3A_419 = arith.index_cast %add3A_416 : i32 to index
      %get3A_420 = tpu.vector_load %arg7[%get3A_418, %get3A_419] {strides = array<i32>} : memref<8x2048xf32, #tpu.memory_space<vmem>>, vector<16xf32>,
      %mul3A_421 = arith.mulf %get3A_420, %gather3A_12 : vector<16xf32>
      %sub3A_422 = arith.subf %mul3A_421, %get3A_212 : vector<16xf32>
      %gt3A_423 = arith.cmpf ogt, %sub3A_422, %select_n3A_411 : vector<16xf32>
      %select_n3A_424 = arith.select %gt3A_423, %sub3A_422, %select_n3A_411 : vector<16xi1>, vector<16xf32>
      %select_n3A_425 = arith.select %gt3A_423, %add3A_250, %select_n3A_412 : vector<16xi1>, vector<16xi32>
      %mul3A_426 = arith.constant 128 : i32
      %mul3A_427 = arith.muli %scan3A_167, %mul3A_426 : i32
      %add3A_428 = arith.constant 80 : i32
      %add3A_429 = arith.addi %mul3A_427, %add3A_428 : i32
      %get3A_430 = arith.constant 1 : i32
      %get3A_431 = arith.index_cast %get3A_430 : i32 to index
      %get3A_432 = arith.index_cast %add3A_429 : i32 to index
      %get3A_433 = tpu.vector_load %arg7[%get3A_431, %get3A_432] {strides = array<i32>} : memref<8x2048xf32, #tpu.memory_space<vmem>>, vector<16xf32>,
      %mul3A_434 = arith.mulf %get3A_433, %gather3A_12 : vector<16xf32>
      %sub3A_435 = arith.subf %mul3A_434, %get3A_218 : vector<16xf32>
      %gt3A_436 = arith.cmpf ogt, %sub3A_435, %select_n3A_424 : vector<16xf32>
      %select_n3A_437 = arith.select %gt3A_436, %sub3A_435, %select_n3A_424 : vector<16xi1>, vector<16xf32>
      %select_n3A_438 = arith.select %gt3A_436, %add3A_253, %select_n3A_425 : vector<16xi1>, vector<16xi32>
      %mul3A_439 = arith.constant 128 : i32
      %mul3A_440 = arith.muli %scan3A_167, %mul3A_439 : i32
      %add3A_441 = arith.constant 96 : i32
      %add3A_442 = arith.addi %mul3A_440, %add3A_441 : i32
      %get3A_443 = arith.constant 1 : i32
      %get3A_444 = arith.index_cast %get3A_443 : i32 to index
      %get3A_445 = arith.index_cast %add3A_442 : i32 to index
      %get3A_446 = tpu.vector_load %arg7[%get3A_444, %get3A_445] {strides = array<i32>} : memref<8x2048xf32, #tpu.memory_space<vmem>>, vector<16xf32>,
      %mul3A_447 = arith.mulf %get3A_446, %gather3A_12 : vector<16xf32>
      %sub3A_448 = arith.subf %mul3A_447, %get3A_224 : vector<16xf32>
      %gt3A_449 = arith.cmpf ogt, %sub3A_448, %select_n3A_437 : vector<16xf32>
      %select_n3A_450 = arith.select %gt3A_449, %sub3A_448, %select_n3A_437 : vector<16xi1>, vector<16xf32>
      %select_n3A_451 = arith.select %gt3A_449, %add3A_256, %select_n3A_438 : vector<16xi1>, vector<16xi32>
      %mul3A_452 = arith.constant 128 : i32
      %mul3A_453 = arith.muli %scan3A_167, %mul3A_452 : i32
      %add3A_454 = arith.constant 112 : i32
      %add3A_455 = arith.addi %mul3A_453, %add3A_454 : i32
      %get3A_456 = arith.constant 1 : i32
      %get3A_457 = arith.index_cast %get3A_456 : i32 to index
      %get3A_458 = arith.index_cast %add3A_455 : i32 to index
      %get3A_459 = tpu.vector_load %arg7[%get3A_457, %get3A_458] {strides = array<i32>} : memref<8x2048xf32, #tpu.memory_space<vmem>>, vector<16xf32>,
      %mul3A_460 = arith.mulf %get3A_459, %gather3A_12 : vector<16xf32>
      %sub3A_461 = arith.subf %mul3A_460, %get3A_230 : vector<16xf32>
      %gt3A_462 = arith.cmpf ogt, %sub3A_461, %select_n3A_450 : vector<16xf32>
      %select_n3A_463 = arith.select %gt3A_462, %sub3A_461, %select_n3A_450 : vector<16xi1>, vector<16xf32>
      %select_n3A_464 = arith.select %gt3A_462, %add3A_259, %select_n3A_451 : vector<16xi1>, vector<16xi32>
      %mul3A_465 = arith.constant 128 : i32
      %mul3A_466 = arith.muli %scan3A_167, %mul3A_465 : i32
      %add3A_467 = arith.constant 0 : i32
      %add3A_468 = arith.addi %mul3A_466, %add3A_467 : i32
      %get3A_469 = arith.constant 2 : i32
      %get3A_470 = arith.index_cast %get3A_469 : i32 to index
      %get3A_471 = arith.index_cast %add3A_468 : i32 to index
      %get3A_472 = tpu.vector_load %arg7[%get3A_470, %get3A_471] {strides = array<i32>} : memref<8x2048xf32, #tpu.memory_space<vmem>>, vector<16xf32>,
      %mul3A_473 = arith.mulf %get3A_472, %gather3A_16 : vector<16xf32>
      %sub3A_474 = arith.subf %mul3A_473, %get3A_188 : vector<16xf32>
      %gt3A_475 = arith.cmpf ogt, %sub3A_474, %scan3A_172 : vector<16xf32>
      %select_n3A_476 = arith.select %gt3A_475, %sub3A_474, %scan3A_172 : vector<16xi1>, vector<16xf32>
      %select_n3A_477 = arith.select %gt3A_475, %add3A_238, %scan3A_173 : vector<16xi1>, vector<16xi32>
      %mul3A_478 = arith.constant 128 : i32
      %mul3A_479 = arith.muli %scan3A_167, %mul3A_478 : i32
      %add3A_480 = arith.constant 16 : i32
      %add3A_481 = arith.addi %mul3A_479, %add3A_480 : i32
      %get3A_482 = arith.constant 2 : i32
      %get3A_483 = arith.index_cast %get3A_482 : i32 to index
      %get3A_484 = arith.index_cast %add3A_481 : i32 to index
      %get3A_485 = tpu.vector_load %arg7[%get3A_483, %get3A_484] {strides = array<i32>} : memref<8x2048xf32, #tpu.memory_space<vmem>>, vector<16xf32>,
      %mul3A_486 = arith.mulf %get3A_485, %gather3A_16 : vector<16xf32>
      %sub3A_487 = arith.subf %mul3A_486, %get3A_194 : vector<16xf32>
      %gt3A_488 = arith.cmpf ogt, %sub3A_487, %select_n3A_476 : vector<16xf32>
      %select_n3A_489 = arith.select %gt3A_488, %sub3A_487, %select_n3A_476 : vector<16xi1>, vector<16xf32>
      %select_n3A_490 = arith.select %gt3A_488, %add3A_241, %select_n3A_477 : vector<16xi1>, vector<16xi32>
      %mul3A_491 = arith.constant 128 : i32
      %mul3A_492 = arith.muli %scan3A_167, %mul3A_491 : i32
      %add3A_493 = arith.constant 32 : i32
      %add3A_494 = arith.addi %mul3A_492, %add3A_493 : i32
      %get3A_495 = arith.constant 2 : i32
      %get3A_496 = arith.index_cast %get3A_495 : i32 to index
      %get3A_497 = arith.index_cast %add3A_494 : i32 to index
      %get3A_498 = tpu.vector_load %arg7[%get3A_496, %get3A_497] {strides = array<i32>} : memref<8x2048xf32, #tpu.memory_space<vmem>>, vector<16xf32>,
      %mul3A_499 = arith.mulf %get3A_498, %gather3A_16 : vector<16xf32>
      %sub3A_500 = arith.subf %mul3A_499, %get3A_200 : vector<16xf32>
      %gt3A_501 = arith.cmpf ogt, %sub3A_500, %select_n3A_489 : vector<16xf32>
      %select_n3A_502 = arith.select %gt3A_501, %sub3A_500, %select_n3A_489 : vector<16xi1>, vector<16xf32>
      %select_n3A_503 = arith.select %gt3A_501, %add3A_244, %select_n3A_490 : vector<16xi1>, vector<16xi32>
      %mul3A_504 = arith.constant 128 : i32
      %mul3A_505 = arith.muli %scan3A_167, %mul3A_504 : i32
      %add3A_506 = arith.constant 48 : i32
      %add3A_507 = arith.addi %mul3A_505, %add3A_506 : i32
      %get3A_508 = arith.constant 2 : i32
      %get3A_509 = arith.index_cast %get3A_508 : i32 to index
      %get3A_510 = arith.index_cast %add3A_507 : i32 to index
      %get3A_511 = tpu.vector_load %arg7[%get3A_509, %get3A_510] {strides = array<i32>} : memref<8x2048xf32, #tpu.memory_space<vmem>>, vector<16xf32>,
      %mul3A_512 = arith.mulf %get3A_511, %gather3A_16 : vector<16xf32>
      %sub3A_513 = arith.subf %mul3A_512, %get3A_206 : vector<16xf32>
      %gt3A_514 = arith.cmpf ogt, %sub3A_513, %select_n3A_502 : vector<16xf32>
      %select_n3A_515 = arith.select %gt3A_514, %sub3A_513, %select_n3A_502 : vector<16xi1>, vector<16xf32>
      %select_n3A_516 = arith.select %gt3A_514, %add3A_247, %select_n3A_503 : vector<16xi1>, vector<16xi32>
      %mul3A_517 = arith.constant 128 : i32
      %mul3A_518 = arith.muli %scan3A_167, %mul3A_517 : i32
      %add3A_519 = arith.constant 64 : i32
      %add3A_520 = arith.addi %mul3A_518, %add3A_519 : i32
      %get3A_521 = arith.constant 2 : i32
      %get3A_522 = arith.index_cast %get3A_521 : i32 to index
      %get3A_523 = arith.index_cast %add3A_520 : i32 to index
      %get3A_524 = tpu.vector_load %arg7[%get3A_522, %get3A_523] {strides = array<i32>} : memref<8x2048xf32, #tpu.memory_space<vmem>>, vector<16xf32>,
      %mul3A_525 = arith.mulf %get3A_524, %gather3A_16 : vector<16xf32>
      %sub3A_526 = arith.subf %mul3A_525, %get3A_212 : vector<16xf32>
      %gt3A_527 = arith.cmpf ogt, %sub3A_526, %select_n3A_515 : vector<16xf32>
      %select_n3A_528 = arith.select %gt3A_527, %sub3A_526, %select_n3A_515 : vector<16xi1>, vector<16xf32>
      %select_n3A_529 = arith.select %gt3A_527, %add3A_250, %select_n3A_516 : vector<16xi1>, vector<16xi32>
      %mul3A_530 = arith.constant 128 : i32
      %mul3A_531 = arith.muli %scan3A_167, %mul3A_530 : i32
      %add3A_532 = arith.constant 80 : i32
      %add3A_533 = arith.addi %mul3A_531, %add3A_532 : i32
      %get3A_534 = arith.constant 2 : i32
      %get3A_535 = arith.index_cast %get3A_534 : i32 to index
      %get3A_536 = arith.index_cast %add3A_533 : i32 to index
      %get3A_537 = tpu.vector_load %arg7[%get3A_535, %get3A_536] {strides = array<i32>} : memref<8x2048xf32, #tpu.memory_space<vmem>>, vector<16xf32>,
      %mul3A_538 = arith.mulf %get3A_537, %gather3A_16 : vector<16xf32>
      %sub3A_539 = arith.subf %mul3A_538, %get3A_218 : vector<16xf32>
      %gt3A_540 = arith.cmpf ogt, %sub3A_539, %select_n3A_528 : vector<16xf32>
      %select_n3A_541 = arith.select %gt3A_540, %sub3A_539, %select_n3A_528 : vector<16xi1>, vector<16xf32>
      %select_n3A_542 = arith.select %gt3A_540, %add3A_253, %select_n3A_529 : vector<16xi1>, vector<16xi32>
      %mul3A_543 = arith.constant 128 : i32
      %mul3A_544 = arith.muli %scan3A_167, %mul3A_543 : i32
      %add3A_545 = arith.constant 96 : i32
      %add3A_546 = arith.addi %mul3A_544, %add3A_545 : i32
      %get3A_547 = arith.constant 2 : i32
      %get3A_548 = arith.index_cast %get3A_547 : i32 to index
      %get3A_549 = arith.index_cast %add3A_546 : i32 to index
      %get3A_550 = tpu.vector_load %arg7[%get3A_548, %get3A_549] {strides = array<i32>} : memref<8x2048xf32, #tpu.memory_space<vmem>>, vector<16xf32>,
      %mul3A_551 = arith.mulf %get3A_550, %gather3A_16 : vector<16xf32>
      %sub3A_552 = arith.subf %mul3A_551, %get3A_224 : vector<16xf32>
      %gt3A_553 = arith.cmpf ogt, %sub3A_552, %select_n3A_541 : vector<16xf32>
      %select_n3A_554 = arith.select %gt3A_553, %sub3A_552, %select_n3A_541 : vector<16xi1>, vector<16xf32>
      %select_n3A_555 = arith.select %gt3A_553, %add3A_256, %select_n3A_542 : vector<16xi1>, vector<16xi32>
      %mul3A_556 = arith.constant 128 : i32
      %mul3A_557 = arith.muli %scan3A_167, %mul3A_556 : i32
      %add3A_558 = arith.constant 112 : i32
      %add3A_559 = arith.addi %mul3A_557, %add3A_558 : i32
      %get3A_560 = arith.constant 2 : i32
      %get3A_561 = arith.index_cast %get3A_560 : i32 to index
      %get3A_562 = arith.index_cast %add3A_559 : i32 to index
      %get3A_563 = tpu.vector_load %arg7[%get3A_561, %get3A_562] {strides = array<i32>} : memref<8x2048xf32, #tpu.memory_space<vmem>>, vector<16xf32>,
      %mul3A_564 = arith.mulf %get3A_563, %gather3A_16 : vector<16xf32>
      %sub3A_565 = arith.subf %mul3A_564, %get3A_230 : vector<16xf32>
      %gt3A_566 = arith.cmpf ogt, %sub3A_565, %select_n3A_554 : vector<16xf32>
      %select_n3A_567 = arith.select %gt3A_566, %sub3A_565, %select_n3A_554 : vector<16xi1>, vector<16xf32>
      %select_n3A_568 = arith.select %gt3A_566, %add3A_259, %select_n3A_555 : vector<16xi1>, vector<16xi32>
      %mul3A_569 = arith.constant 128 : i32
      %mul3A_570 = arith.muli %scan3A_167, %mul3A_569 : i32
      %add3A_571 = arith.constant 0 : i32
      %add3A_572 = arith.addi %mul3A_570, %add3A_571 : i32
      %get3A_573 = arith.constant 3 : i32
      %get3A_574 = arith.index_cast %get3A_573 : i32 to index
      %get3A_575 = arith.index_cast %add3A_572 : i32 to index
      %get3A_576 = tpu.vector_load %arg7[%get3A_574, %get3A_575] {strides = array<i32>} : memref<8x2048xf32, #tpu.memory_space<vmem>>, vector<16xf32>,
      %mul3A_577 = arith.mulf %get3A_576, %gather3A_20 : vector<16xf32>
      %sub3A_578 = arith.subf %mul3A_577, %get3A_188 : vector<16xf32>
      %gt3A_579 = arith.cmpf ogt, %sub3A_578, %scan3A_174 : vector<16xf32>
      %select_n3A_580 = arith.select %gt3A_579, %sub3A_578, %scan3A_174 : vector<16xi1>, vector<16xf32>
      %select_n3A_581 = arith.select %gt3A_579, %add3A_238, %scan3A_175 : vector<16xi1>, vector<16xi32>
      %mul3A_582 = arith.constant 128 : i32
      %mul3A_583 = arith.muli %scan3A_167, %mul3A_582 : i32
      %add3A_584 = arith.constant 16 : i32
      %add3A_585 = arith.addi %mul3A_583, %add3A_584 : i32
      %get3A_586 = arith.constant 3 : i32
      %get3A_587 = arith.index_cast %get3A_586 : i32 to index
      %get3A_588 = arith.index_cast %add3A_585 : i32 to index
      %get3A_589 = tpu.vector_load %arg7[%get3A_587, %get3A_588] {strides = array<i32>} : memref<8x2048xf32, #tpu.memory_space<vmem>>, vector<16xf32>,
      %mul3A_590 = arith.mulf %get3A_589, %gather3A_20 : vector<16xf32>
      %sub3A_591 = arith.subf %mul3A_590, %get3A_194 : vector<16xf32>
      %gt3A_592 = arith.cmpf ogt, %sub3A_591, %select_n3A_580 : vector<16xf32>
      %select_n3A_593 = arith.select %gt3A_592, %sub3A_591, %select_n3A_580 : vector<16xi1>, vector<16xf32>
      %select_n3A_594 = arith.select %gt3A_592, %add3A_241, %select_n3A_581 : vector<16xi1>, vector<16xi32>
      %mul3A_595 = arith.constant 128 : i32
      %mul3A_596 = arith.muli %scan3A_167, %mul3A_595 : i32
      %add3A_597 = arith.constant 32 : i32
      %add3A_598 = arith.addi %mul3A_596, %add3A_597 : i32
      %get3A_599 = arith.constant 3 : i32
      %get3A_600 = arith.index_cast %get3A_599 : i32 to index
      %get3A_601 = arith.index_cast %add3A_598 : i32 to index
      %get3A_602 = tpu.vector_load %arg7[%get3A_600, %get3A_601] {strides = array<i32>} : memref<8x2048xf32, #tpu.memory_space<vmem>>, vector<16xf32>,
      %mul3A_603 = arith.mulf %get3A_602, %gather3A_20 : vector<16xf32>
      %sub3A_604 = arith.subf %mul3A_603, %get3A_200 : vector<16xf32>
      %gt3A_605 = arith.cmpf ogt, %sub3A_604, %select_n3A_593 : vector<16xf32>
      %select_n3A_606 = arith.select %gt3A_605, %sub3A_604, %select_n3A_593 : vector<16xi1>, vector<16xf32>
      %select_n3A_607 = arith.select %gt3A_605, %add3A_244, %select_n3A_594 : vector<16xi1>, vector<16xi32>
      %mul3A_608 = arith.constant 128 : i32
      %mul3A_609 = arith.muli %scan3A_167, %mul3A_608 : i32
      %add3A_610 = arith.constant 48 : i32
      %add3A_611 = arith.addi %mul3A_609, %add3A_610 : i32
      %get3A_612 = arith.constant 3 : i32
      %get3A_613 = arith.index_cast %get3A_612 : i32 to index
      %get3A_614 = arith.index_cast %add3A_611 : i32 to index
      %get3A_615 = tpu.vector_load %arg7[%get3A_613, %get3A_614] {strides = array<i32>} : memref<8x2048xf32, #tpu.memory_space<vmem>>, vector<16xf32>,
      %mul3A_616 = arith.mulf %get3A_615, %gather3A_20 : vector<16xf32>
      %sub3A_617 = arith.subf %mul3A_616, %get3A_206 : vector<16xf32>
      %gt3A_618 = arith.cmpf ogt, %sub3A_617, %select_n3A_606 : vector<16xf32>
      %select_n3A_619 = arith.select %gt3A_618, %sub3A_617, %select_n3A_606 : vector<16xi1>, vector<16xf32>
      %select_n3A_620 = arith.select %gt3A_618, %add3A_247, %select_n3A_607 : vector<16xi1>, vector<16xi32>
      %mul3A_621 = arith.constant 128 : i32
      %mul3A_622 = arith.muli %scan3A_167, %mul3A_621 : i32
      %add3A_623 = arith.constant 64 : i32
      %add3A_624 = arith.addi %mul3A_622, %add3A_623 : i32
      %get3A_625 = arith.constant 3 : i32
      %get3A_626 = arith.index_cast %get3A_625 : i32 to index
      %get3A_627 = arith.index_cast %add3A_624 : i32 to index
      %get3A_628 = tpu.vector_load %arg7[%get3A_626, %get3A_627] {strides = array<i32>} : memref<8x2048xf32, #tpu.memory_space<vmem>>, vector<16xf32>,
      %mul3A_629 = arith.mulf %get3A_628, %gather3A_20 : vector<16xf32>
      %sub3A_630 = arith.subf %mul3A_629, %get3A_212 : vector<16xf32>
      %gt3A_631 = arith.cmpf ogt, %sub3A_630, %select_n3A_619 : vector<16xf32>
      %select_n3A_632 = arith.select %gt3A_631, %sub3A_630, %select_n3A_619 : vector<16xi1>, vector<16xf32>
      %select_n3A_633 = arith.select %gt3A_631, %add3A_250, %select_n3A_620 : vector<16xi1>, vector<16xi32>
      %mul3A_634 = arith.constant 128 : i32
      %mul3A_635 = arith.muli %scan3A_167, %mul3A_634 : i32
      %add3A_636 = arith.constant 80 : i32
      %add3A_637 = arith.addi %mul3A_635, %add3A_636 : i32
      %get3A_638 = arith.constant 3 : i32
      %get3A_639 = arith.index_cast %get3A_638 : i32 to index
      %get3A_640 = arith.index_cast %add3A_637 : i32 to index
      %get3A_641 = tpu.vector_load %arg7[%get3A_639, %get3A_640] {strides = array<i32>} : memref<8x2048xf32, #tpu.memory_space<vmem>>, vector<16xf32>,
      %mul3A_642 = arith.mulf %get3A_641, %gather3A_20 : vector<16xf32>
      %sub3A_643 = arith.subf %mul3A_642, %get3A_218 : vector<16xf32>
      %gt3A_644 = arith.cmpf ogt, %sub3A_643, %select_n3A_632 : vector<16xf32>
      %select_n3A_645 = arith.select %gt3A_644, %sub3A_643, %select_n3A_632 : vector<16xi1>, vector<16xf32>
      %select_n3A_646 = arith.select %gt3A_644, %add3A_253, %select_n3A_633 : vector<16xi1>, vector<16xi32>
      %mul3A_647 = arith.constant 128 : i32
      %mul3A_648 = arith.muli %scan3A_167, %mul3A_647 : i32
      %add3A_649 = arith.constant 96 : i32
      %add3A_650 = arith.addi %mul3A_648, %add3A_649 : i32
      %get3A_651 = arith.constant 3 : i32
      %get3A_652 = arith.index_cast %get3A_651 : i32 to index
      %get3A_653 = arith.index_cast %add3A_650 : i32 to index
      %get3A_654 = tpu.vector_load %arg7[%get3A_652, %get3A_653] {strides = array<i32>} : memref<8x2048xf32, #tpu.memory_space<vmem>>, vector<16xf32>,
      %mul3A_655 = arith.mulf %get3A_654, %gather3A_20 : vector<16xf32>
      %sub3A_656 = arith.subf %mul3A_655, %get3A_224 : vector<16xf32>
      %gt3A_657 = arith.cmpf ogt, %sub3A_656, %select_n3A_645 : vector<16xf32>
      %select_n3A_658 = arith.select %gt3A_657, %sub3A_656, %select_n3A_645 : vector<16xi1>, vector<16xf32>
      %select_n3A_659 = arith.select %gt3A_657, %add3A_256, %select_n3A_646 : vector<16xi1>, vector<16xi32>
      %mul3A_660 = arith.constant 128 : i32
      %mul3A_661 = arith.muli %scan3A_167, %mul3A_660 : i32
      %add3A_662 = arith.constant 112 : i32
      %add3A_663 = arith.addi %mul3A_661, %add3A_662 : i32
      %get3A_664 = arith.constant 3 : i32
      %get3A_665 = arith.index_cast %get3A_664 : i32 to index
      %get3A_666 = arith.index_cast %add3A_663 : i32 to index
      %get3A_667 = tpu.vector_load %arg7[%get3A_665, %get3A_666] {strides = array<i32>} : memref<8x2048xf32, #tpu.memory_space<vmem>>, vector<16xf32>,
      %mul3A_668 = arith.mulf %get3A_667, %gather3A_20 : vector<16xf32>
      %sub3A_669 = arith.subf %mul3A_668, %get3A_230 : vector<16xf32>
      %gt3A_670 = arith.cmpf ogt, %sub3A_669, %select_n3A_658 : vector<16xf32>
      %select_n3A_671 = arith.select %gt3A_670, %sub3A_669, %select_n3A_658 : vector<16xi1>, vector<16xf32>
      %select_n3A_672 = arith.select %gt3A_670, %add3A_259, %select_n3A_659 : vector<16xi1>, vector<16xi32>
      %mul3A_673 = arith.constant 128 : i32
      %mul3A_674 = arith.muli %scan3A_167, %mul3A_673 : i32
      %add3A_675 = arith.constant 0 : i32
      %add3A_676 = arith.addi %mul3A_674, %add3A_675 : i32
      %get3A_677 = arith.constant 4 : i32
      %get3A_678 = arith.index_cast %get3A_677 : i32 to index
      %get3A_679 = arith.index_cast %add3A_676 : i32 to index
      %get3A_680 = tpu.vector_load %arg7[%get3A_678, %get3A_679] {strides = array<i32>} : memref<8x2048xf32, #tpu.memory_space<vmem>>, vector<16xf32>,
      %mul3A_681 = arith.mulf %get3A_680, %gather3A_24 : vector<16xf32>
      %sub3A_682 = arith.subf %mul3A_681, %get3A_188 : vector<16xf32>
      %gt3A_683 = arith.cmpf ogt, %sub3A_682, %scan3A_176 : vector<16xf32>
      %select_n3A_684 = arith.select %gt3A_683, %sub3A_682, %scan3A_176 : vector<16xi1>, vector<16xf32>
      %select_n3A_685 = arith.select %gt3A_683, %add3A_238, %scan3A_177 : vector<16xi1>, vector<16xi32>
      %mul3A_686 = arith.constant 128 : i32
      %mul3A_687 = arith.muli %scan3A_167, %mul3A_686 : i32
      %add3A_688 = arith.constant 16 : i32
      %add3A_689 = arith.addi %mul3A_687, %add3A_688 : i32
      %get3A_690 = arith.constant 4 : i32
      %get3A_691 = arith.index_cast %get3A_690 : i32 to index
      %get3A_692 = arith.index_cast %add3A_689 : i32 to index
      %get3A_693 = tpu.vector_load %arg7[%get3A_691, %get3A_692] {strides = array<i32>} : memref<8x2048xf32, #tpu.memory_space<vmem>>, vector<16xf32>,
      %mul3A_694 = arith.mulf %get3A_693, %gather3A_24 : vector<16xf32>
      %sub3A_695 = arith.subf %mul3A_694, %get3A_194 : vector<16xf32>
      %gt3A_696 = arith.cmpf ogt, %sub3A_695, %select_n3A_684 : vector<16xf32>
      %select_n3A_697 = arith.select %gt3A_696, %sub3A_695, %select_n3A_684 : vector<16xi1>, vector<16xf32>
      %select_n3A_698 = arith.select %gt3A_696, %add3A_241, %select_n3A_685 : vector<16xi1>, vector<16xi32>
      %mul3A_699 = arith.constant 128 : i32
      %mul3A_700 = arith.muli %scan3A_167, %mul3A_699 : i32
      %add3A_701 = arith.constant 32 : i32
      %add3A_702 = arith.addi %mul3A_700, %add3A_701 : i32
      %get3A_703 = arith.constant 4 : i32
      %get3A_704 = arith.index_cast %get3A_703 : i32 to index
      %get3A_705 = arith.index_cast %add3A_702 : i32 to index
      %get3A_706 = tpu.vector_load %arg7[%get3A_704, %get3A_705] {strides = array<i32>} : memref<8x2048xf32, #tpu.memory_space<vmem>>, vector<16xf32>,
      %mul3A_707 = arith.mulf %get3A_706, %gather3A_24 : vector<16xf32>
      %sub3A_708 = arith.subf %mul3A_707, %get3A_200 : vector<16xf32>
      %gt3A_709 = arith.cmpf ogt, %sub3A_708, %select_n3A_697 : vector<16xf32>
      %select_n3A_710 = arith.select %gt3A_709, %sub3A_708, %select_n3A_697 : vector<16xi1>, vector<16xf32>
      %select_n3A_711 = arith.select %gt3A_709, %add3A_244, %select_n3A_698 : vector<16xi1>, vector<16xi32>
      %mul3A_712 = arith.constant 128 : i32
      %mul3A_713 = arith.muli %scan3A_167, %mul3A_712 : i32
      %add3A_714 = arith.constant 48 : i32
      %add3A_715 = arith.addi %mul3A_713, %add3A_714 : i32
      %get3A_716 = arith.constant 4 : i32
      %get3A_717 = arith.index_cast %get3A_716 : i32 to index
      %get3A_718 = arith.index_cast %add3A_715 : i32 to index
      %get3A_719 = tpu.vector_load %arg7[%get3A_717, %get3A_718] {strides = array<i32>} : memref<8x2048xf32, #tpu.memory_space<vmem>>, vector<16xf32>,
      %mul3A_720 = arith.mulf %get3A_719, %gather3A_24 : vector<16xf32>
      %sub3A_721 = arith.subf %mul3A_720, %get3A_206 : vector<16xf32>
      %gt3A_722 = arith.cmpf ogt, %sub3A_721, %select_n3A_710 : vector<16xf32>
      %select_n3A_723 = arith.select %gt3A_722, %sub3A_721, %select_n3A_710 : vector<16xi1>, vector<16xf32>
      %select_n3A_724 = arith.select %gt3A_722, %add3A_247, %select_n3A_711 : vector<16xi1>, vector<16xi32>
      %mul3A_725 = arith.constant 128 : i32
      %mul3A_726 = arith.muli %scan3A_167, %mul3A_725 : i32
      %add3A_727 = arith.constant 64 : i32
      %add3A_728 = arith.addi %mul3A_726, %add3A_727 : i32
      %get3A_729 = arith.constant 4 : i32
      %get3A_730 = arith.index_cast %get3A_729 : i32 to index
      %get3A_731 = arith.index_cast %add3A_728 : i32 to index
      %get3A_732 = tpu.vector_load %arg7[%get3A_730, %get3A_731] {strides = array<i32>} : memref<8x2048xf32, #tpu.memory_space<vmem>>, vector<16xf32>,
      %mul3A_733 = arith.mulf %get3A_732, %gather3A_24 : vector<16xf32>
      %sub3A_734 = arith.subf %mul3A_733, %get3A_212 : vector<16xf32>
      %gt3A_735 = arith.cmpf ogt, %sub3A_734, %select_n3A_723 : vector<16xf32>
      %select_n3A_736 = arith.select %gt3A_735, %sub3A_734, %select_n3A_723 : vector<16xi1>, vector<16xf32>
      %select_n3A_737 = arith.select %gt3A_735, %add3A_250, %select_n3A_724 : vector<16xi1>, vector<16xi32>
      %mul3A_738 = arith.constant 128 : i32
      %mul3A_739 = arith.muli %scan3A_167, %mul3A_738 : i32
      %add3A_740 = arith.constant 80 : i32
      %add3A_741 = arith.addi %mul3A_739, %add3A_740 : i32
      %get3A_742 = arith.constant 4 : i32
      %get3A_743 = arith.index_cast %get3A_742 : i32 to index
      %get3A_744 = arith.index_cast %add3A_741 : i32 to index
      %get3A_745 = tpu.vector_load %arg7[%get3A_743, %get3A_744] {strides = array<i32>} : memref<8x2048xf32, #tpu.memory_space<vmem>>, vector<16xf32>,
      %mul3A_746 = arith.mulf %get3A_745, %gather3A_24 : vector<16xf32>
      %sub3A_747 = arith.subf %mul3A_746, %get3A_218 : vector<16xf32>
      %gt3A_748 = arith.cmpf ogt, %sub3A_747, %select_n3A_736 : vector<16xf32>
      %select_n3A_749 = arith.select %gt3A_748, %sub3A_747, %select_n3A_736 : vector<16xi1>, vector<16xf32>
      %select_n3A_750 = arith.select %gt3A_748, %add3A_253, %select_n3A_737 : vector<16xi1>, vector<16xi32>
      %mul3A_751 = arith.constant 128 : i32
      %mul3A_752 = arith.muli %scan3A_167, %mul3A_751 : i32
      %add3A_753 = arith.constant 96 : i32
      %add3A_754 = arith.addi %mul3A_752, %add3A_753 : i32
      %get3A_755 = arith.constant 4 : i32
      %get3A_756 = arith.index_cast %get3A_755 : i32 to index
      %get3A_757 = arith.index_cast %add3A_754 : i32 to index
      %get3A_758 = tpu.vector_load %arg7[%get3A_756, %get3A_757] {strides = array<i32>} : memref<8x2048xf32, #tpu.memory_space<vmem>>, vector<16xf32>,
      %mul3A_759 = arith.mulf %get3A_758, %gather3A_24 : vector<16xf32>
      %sub3A_760 = arith.subf %mul3A_759, %get3A_224 : vector<16xf32>
      %gt3A_761 = arith.cmpf ogt, %sub3A_760, %select_n3A_749 : vector<16xf32>
      %select_n3A_762 = arith.select %gt3A_761, %sub3A_760, %select_n3A_749 : vector<16xi1>, vector<16xf32>
      %select_n3A_763 = arith.select %gt3A_761, %add3A_256, %select_n3A_750 : vector<16xi1>, vector<16xi32>
      %mul3A_764 = arith.constant 128 : i32
      %mul3A_765 = arith.muli %scan3A_167, %mul3A_764 : i32
      %add3A_766 = arith.constant 112 : i32
      %add3A_767 = arith.addi %mul3A_765, %add3A_766 : i32
      %get3A_768 = arith.constant 4 : i32
      %get3A_769 = arith.index_cast %get3A_768 : i32 to index
      %get3A_770 = arith.index_cast %add3A_767 : i32 to index
      %get3A_771 = tpu.vector_load %arg7[%get3A_769, %get3A_770] {strides = array<i32>} : memref<8x2048xf32, #tpu.memory_space<vmem>>, vector<16xf32>,
      %mul3A_772 = arith.mulf %get3A_771, %gather3A_24 : vector<16xf32>
      %sub3A_773 = arith.subf %mul3A_772, %get3A_230 : vector<16xf32>
      %gt3A_774 = arith.cmpf ogt, %sub3A_773, %select_n3A_762 : vector<16xf32>
      %select_n3A_775 = arith.select %gt3A_774, %sub3A_773, %select_n3A_762 : vector<16xi1>, vector<16xf32>
      %select_n3A_776 = arith.select %gt3A_774, %add3A_259, %select_n3A_763 : vector<16xi1>, vector<16xi32>
      %mul3A_777 = arith.constant 128 : i32
      %mul3A_778 = arith.muli %scan3A_167, %mul3A_777 : i32
      %add3A_779 = arith.constant 0 : i32
      %add3A_780 = arith.addi %mul3A_778, %add3A_779 : i32
      %get3A_781 = arith.constant 5 : i32
      %get3A_782 = arith.index_cast %get3A_781 : i32 to index
      %get3A_783 = arith.index_cast %add3A_780 : i32 to index
      %get3A_784 = tpu.vector_load %arg7[%get3A_782, %get3A_783] {strides = array<i32>} : memref<8x2048xf32, #tpu.memory_space<vmem>>, vector<16xf32>,
      %mul3A_785 = arith.mulf %get3A_784, %gather3A_28 : vector<16xf32>
      %sub3A_786 = arith.subf %mul3A_785, %get3A_188 : vector<16xf32>
      %gt3A_787 = arith.cmpf ogt, %sub3A_786, %scan3A_178 : vector<16xf32>
      %select_n3A_788 = arith.select %gt3A_787, %sub3A_786, %scan3A_178 : vector<16xi1>, vector<16xf32>
      %select_n3A_789 = arith.select %gt3A_787, %add3A_238, %scan3A_179 : vector<16xi1>, vector<16xi32>
      %mul3A_790 = arith.constant 128 : i32
      %mul3A_791 = arith.muli %scan3A_167, %mul3A_790 : i32
      %add3A_792 = arith.constant 16 : i32
      %add3A_793 = arith.addi %mul3A_791, %add3A_792 : i32
      %get3A_794 = arith.constant 5 : i32
      %get3A_795 = arith.index_cast %get3A_794 : i32 to index
      %get3A_796 = arith.index_cast %add3A_793 : i32 to index
      %get3A_797 = tpu.vector_load %arg7[%get3A_795, %get3A_796] {strides = array<i32>} : memref<8x2048xf32, #tpu.memory_space<vmem>>, vector<16xf32>,
      %mul3A_798 = arith.mulf %get3A_797, %gather3A_28 : vector<16xf32>
      %sub3A_799 = arith.subf %mul3A_798, %get3A_194 : vector<16xf32>
      %gt3A_800 = arith.cmpf ogt, %sub3A_799, %select_n3A_788 : vector<16xf32>
      %select_n3A_801 = arith.select %gt3A_800, %sub3A_799, %select_n3A_788 : vector<16xi1>, vector<16xf32>
      %select_n3A_802 = arith.select %gt3A_800, %add3A_241, %select_n3A_789 : vector<16xi1>, vector<16xi32>
      %mul3A_803 = arith.constant 128 : i32
      %mul3A_804 = arith.muli %scan3A_167, %mul3A_803 : i32
      %add3A_805 = arith.constant 32 : i32
      %add3A_806 = arith.addi %mul3A_804, %add3A_805 : i32
      %get3A_807 = arith.constant 5 : i32
      %get3A_808 = arith.index_cast %get3A_807 : i32 to index
      %get3A_809 = arith.index_cast %add3A_806 : i32 to index
      %get3A_810 = tpu.vector_load %arg7[%get3A_808, %get3A_809] {strides = array<i32>} : memref<8x2048xf32, #tpu.memory_space<vmem>>, vector<16xf32>,
      %mul3A_811 = arith.mulf %get3A_810, %gather3A_28 : vector<16xf32>
      %sub3A_812 = arith.subf %mul3A_811, %get3A_200 : vector<16xf32>
      %gt3A_813 = arith.cmpf ogt, %sub3A_812, %select_n3A_801 : vector<16xf32>
      %select_n3A_814 = arith.select %gt3A_813, %sub3A_812, %select_n3A_801 : vector<16xi1>, vector<16xf32>
      %select_n3A_815 = arith.select %gt3A_813, %add3A_244, %select_n3A_802 : vector<16xi1>, vector<16xi32>
      %mul3A_816 = arith.constant 128 : i32
      %mul3A_817 = arith.muli %scan3A_167, %mul3A_816 : i32
      %add3A_818 = arith.constant 48 : i32
      %add3A_819 = arith.addi %mul3A_817, %add3A_818 : i32
      %get3A_820 = arith.constant 5 : i32
      %get3A_821 = arith.index_cast %get3A_820 : i32 to index
      %get3A_822 = arith.index_cast %add3A_819 : i32 to index
      %get3A_823 = tpu.vector_load %arg7[%get3A_821, %get3A_822] {strides = array<i32>} : memref<8x2048xf32, #tpu.memory_space<vmem>>, vector<16xf32>,
      %mul3A_824 = arith.mulf %get3A_823, %gather3A_28 : vector<16xf32>
      %sub3A_825 = arith.subf %mul3A_824, %get3A_206 : vector<16xf32>
      %gt3A_826 = arith.cmpf ogt, %sub3A_825, %select_n3A_814 : vector<16xf32>
      %select_n3A_827 = arith.select %gt3A_826, %sub3A_825, %select_n3A_814 : vector<16xi1>, vector<16xf32>
      %select_n3A_828 = arith.select %gt3A_826, %add3A_247, %select_n3A_815 : vector<16xi1>, vector<16xi32>
      %mul3A_829 = arith.constant 128 : i32
      %mul3A_830 = arith.muli %scan3A_167, %mul3A_829 : i32
      %add3A_831 = arith.constant 64 : i32
      %add3A_832 = arith.addi %mul3A_830, %add3A_831 : i32
      %get3A_833 = arith.constant 5 : i32
      %get3A_834 = arith.index_cast %get3A_833 : i32 to index
      %get3A_835 = arith.index_cast %add3A_832 : i32 to index
      %get3A_836 = tpu.vector_load %arg7[%get3A_834, %get3A_835] {strides = array<i32>} : memref<8x2048xf32, #tpu.memory_space<vmem>>, vector<16xf32>,
      %mul3A_837 = arith.mulf %get3A_836, %gather3A_28 : vector<16xf32>
      %sub3A_838 = arith.subf %mul3A_837, %get3A_212 : vector<16xf32>
      %gt3A_839 = arith.cmpf ogt, %sub3A_838, %select_n3A_827 : vector<16xf32>
      %select_n3A_840 = arith.select %gt3A_839, %sub3A_838, %select_n3A_827 : vector<16xi1>, vector<16xf32>
      %select_n3A_841 = arith.select %gt3A_839, %add3A_250, %select_n3A_828 : vector<16xi1>, vector<16xi32>
      %mul3A_842 = arith.constant 128 : i32
      %mul3A_843 = arith.muli %scan3A_167, %mul3A_842 : i32
      %add3A_844 = arith.constant 80 : i32
      %add3A_845 = arith.addi %mul3A_843, %add3A_844 : i32
      %get3A_846 = arith.constant 5 : i32
      %get3A_847 = arith.index_cast %get3A_846 : i32 to index
      %get3A_848 = arith.index_cast %add3A_845 : i32 to index
      %get3A_849 = tpu.vector_load %arg7[%get3A_847, %get3A_848] {strides = array<i32>} : memref<8x2048xf32, #tpu.memory_space<vmem>>, vector<16xf32>,
      %mul3A_850 = arith.mulf %get3A_849, %gather3A_28 : vector<16xf32>
      %sub3A_851 = arith.subf %mul3A_850, %get3A_218 : vector<16xf32>
      %gt3A_852 = arith.cmpf ogt, %sub3A_851, %select_n3A_840 : vector<16xf32>
      %select_n3A_853 = arith.select %gt3A_852, %sub3A_851, %select_n3A_840 : vector<16xi1>, vector<16xf32>
      %select_n3A_854 = arith.select %gt3A_852, %add3A_253, %select_n3A_841 : vector<16xi1>, vector<16xi32>
      %mul3A_855 = arith.constant 128 : i32
      %mul3A_856 = arith.muli %scan3A_167, %mul3A_855 : i32
      %add3A_857 = arith.constant 96 : i32
      %add3A_858 = arith.addi %mul3A_856, %add3A_857 : i32
      %get3A_859 = arith.constant 5 : i32
      %get3A_860 = arith.index_cast %get3A_859 : i32 to index
      %get3A_861 = arith.index_cast %add3A_858 : i32 to index
      %get3A_862 = tpu.vector_load %arg7[%get3A_860, %get3A_861] {strides = array<i32>} : memref<8x2048xf32, #tpu.memory_space<vmem>>, vector<16xf32>,
      %mul3A_863 = arith.mulf %get3A_862, %gather3A_28 : vector<16xf32>
      %sub3A_864 = arith.subf %mul3A_863, %get3A_224 : vector<16xf32>
      %gt3A_865 = arith.cmpf ogt, %sub3A_864, %select_n3A_853 : vector<16xf32>
      %select_n3A_866 = arith.select %gt3A_865, %sub3A_864, %select_n3A_853 : vector<16xi1>, vector<16xf32>
      %select_n3A_867 = arith.select %gt3A_865, %add3A_256, %select_n3A_854 : vector<16xi1>, vector<16xi32>
      %mul3A_868 = arith.constant 128 : i32
      %mul3A_869 = arith.muli %scan3A_167, %mul3A_868 : i32
      %add3A_870 = arith.constant 112 : i32
      %add3A_871 = arith.addi %mul3A_869, %add3A_870 : i32
      %get3A_872 = arith.constant 5 : i32
      %get3A_873 = arith.index_cast %get3A_872 : i32 to index
      %get3A_874 = arith.index_cast %add3A_871 : i32 to index
      %get3A_875 = tpu.vector_load %arg7[%get3A_873, %get3A_874] {strides = array<i32>} : memref<8x2048xf32, #tpu.memory_space<vmem>>, vector<16xf32>,
      %mul3A_876 = arith.mulf %get3A_875, %gather3A_28 : vector<16xf32>
      %sub3A_877 = arith.subf %mul3A_876, %get3A_230 : vector<16xf32>
      %gt3A_878 = arith.cmpf ogt, %sub3A_877, %select_n3A_866 : vector<16xf32>
      %select_n3A_879 = arith.select %gt3A_878, %sub3A_877, %select_n3A_866 : vector<16xi1>, vector<16xf32>
      %select_n3A_880 = arith.select %gt3A_878, %add3A_259, %select_n3A_867 : vector<16xi1>, vector<16xi32>
      %mul3A_881 = arith.constant 128 : i32
      %mul3A_882 = arith.muli %scan3A_167, %mul3A_881 : i32
      %add3A_883 = arith.constant 0 : i32
      %add3A_884 = arith.addi %mul3A_882, %add3A_883 : i32
      %get3A_885 = arith.constant 6 : i32
      %get3A_886 = arith.index_cast %get3A_885 : i32 to index
      %get3A_887 = arith.index_cast %add3A_884 : i32 to index
      %get3A_888 = tpu.vector_load %arg7[%get3A_886, %get3A_887] {strides = array<i32>} : memref<8x2048xf32, #tpu.memory_space<vmem>>, vector<16xf32>,
      %mul3A_889 = arith.mulf %get3A_888, %gather3A_32 : vector<16xf32>
      %sub3A_890 = arith.subf %mul3A_889, %get3A_188 : vector<16xf32>
      %gt3A_891 = arith.cmpf ogt, %sub3A_890, %scan3A_180 : vector<16xf32>
      %select_n3A_892 = arith.select %gt3A_891, %sub3A_890, %scan3A_180 : vector<16xi1>, vector<16xf32>
      %select_n3A_893 = arith.select %gt3A_891, %add3A_238, %scan3A_181 : vector<16xi1>, vector<16xi32>
      %mul3A_894 = arith.constant 128 : i32
      %mul3A_895 = arith.muli %scan3A_167, %mul3A_894 : i32
      %add3A_896 = arith.constant 16 : i32
      %add3A_897 = arith.addi %mul3A_895, %add3A_896 : i32
      %get3A_898 = arith.constant 6 : i32
      %get3A_899 = arith.index_cast %get3A_898 : i32 to index
      %get3A_900 = arith.index_cast %add3A_897 : i32 to index
      %get3A_901 = tpu.vector_load %arg7[%get3A_899, %get3A_900] {strides = array<i32>} : memref<8x2048xf32, #tpu.memory_space<vmem>>, vector<16xf32>,
      %mul3A_902 = arith.mulf %get3A_901, %gather3A_32 : vector<16xf32>
      %sub3A_903 = arith.subf %mul3A_902, %get3A_194 : vector<16xf32>
      %gt3A_904 = arith.cmpf ogt, %sub3A_903, %select_n3A_892 : vector<16xf32>
      %select_n3A_905 = arith.select %gt3A_904, %sub3A_903, %select_n3A_892 : vector<16xi1>, vector<16xf32>
      %select_n3A_906 = arith.select %gt3A_904, %add3A_241, %select_n3A_893 : vector<16xi1>, vector<16xi32>
      %mul3A_907 = arith.constant 128 : i32
      %mul3A_908 = arith.muli %scan3A_167, %mul3A_907 : i32
      %add3A_909 = arith.constant 32 : i32
      %add3A_910 = arith.addi %mul3A_908, %add3A_909 : i32
      %get3A_911 = arith.constant 6 : i32
      %get3A_912 = arith.index_cast %get3A_911 : i32 to index
      %get3A_913 = arith.index_cast %add3A_910 : i32 to index
      %get3A_914 = tpu.vector_load %arg7[%get3A_912, %get3A_913] {strides = array<i32>} : memref<8x2048xf32, #tpu.memory_space<vmem>>, vector<16xf32>,
      %mul3A_915 = arith.mulf %get3A_914, %gather3A_32 : vector<16xf32>
      %sub3A_916 = arith.subf %mul3A_915, %get3A_200 : vector<16xf32>
      %gt3A_917 = arith.cmpf ogt, %sub3A_916, %select_n3A_905 : vector<16xf32>
      %select_n3A_918 = arith.select %gt3A_917, %sub3A_916, %select_n3A_905 : vector<16xi1>, vector<16xf32>
      %select_n3A_919 = arith.select %gt3A_917, %add3A_244, %select_n3A_906 : vector<16xi1>, vector<16xi32>
      %mul3A_920 = arith.constant 128 : i32
      %mul3A_921 = arith.muli %scan3A_167, %mul3A_920 : i32
      %add3A_922 = arith.constant 48 : i32
      %add3A_923 = arith.addi %mul3A_921, %add3A_922 : i32
      %get3A_924 = arith.constant 6 : i32
      %get3A_925 = arith.index_cast %get3A_924 : i32 to index
      %get3A_926 = arith.index_cast %add3A_923 : i32 to index
      %get3A_927 = tpu.vector_load %arg7[%get3A_925, %get3A_926] {strides = array<i32>} : memref<8x2048xf32, #tpu.memory_space<vmem>>, vector<16xf32>,
      %mul3A_928 = arith.mulf %get3A_927, %gather3A_32 : vector<16xf32>
      %sub3A_929 = arith.subf %mul3A_928, %get3A_206 : vector<16xf32>
      %gt3A_930 = arith.cmpf ogt, %sub3A_929, %select_n3A_918 : vector<16xf32>
      %select_n3A_931 = arith.select %gt3A_930, %sub3A_929, %select_n3A_918 : vector<16xi1>, vector<16xf32>
      %select_n3A_932 = arith.select %gt3A_930, %add3A_247, %select_n3A_919 : vector<16xi1>, vector<16xi32>
      %mul3A_933 = arith.constant 128 : i32
      %mul3A_934 = arith.muli %scan3A_167, %mul3A_933 : i32
      %add3A_935 = arith.constant 64 : i32
      %add3A_936 = arith.addi %mul3A_934, %add3A_935 : i32
      %get3A_937 = arith.constant 6 : i32
      %get3A_938 = arith.index_cast %get3A_937 : i32 to index
      %get3A_939 = arith.index_cast %add3A_936 : i32 to index
      %get3A_940 = tpu.vector_load %arg7[%get3A_938, %get3A_939] {strides = array<i32>} : memref<8x2048xf32, #tpu.memory_space<vmem>>, vector<16xf32>,
      %mul3A_941 = arith.mulf %get3A_940, %gather3A_32 : vector<16xf32>
      %sub3A_942 = arith.subf %mul3A_941, %get3A_212 : vector<16xf32>
      %gt3A_943 = arith.cmpf ogt, %sub3A_942, %select_n3A_931 : vector<16xf32>
      %select_n3A_944 = arith.select %gt3A_943, %sub3A_942, %select_n3A_931 : vector<16xi1>, vector<16xf32>
      %select_n3A_945 = arith.select %gt3A_943, %add3A_250, %select_n3A_932 : vector<16xi1>, vector<16xi32>
      %mul3A_946 = arith.constant 128 : i32
      %mul3A_947 = arith.muli %scan3A_167, %mul3A_946 : i32
      %add3A_948 = arith.constant 80 : i32
      %add3A_949 = arith.addi %mul3A_947, %add3A_948 : i32
      %get3A_950 = arith.constant 6 : i32
      %get3A_951 = arith.index_cast %get3A_950 : i32 to index
      %get3A_952 = arith.index_cast %add3A_949 : i32 to index
      %get3A_953 = tpu.vector_load %arg7[%get3A_951, %get3A_952] {strides = array<i32>} : memref<8x2048xf32, #tpu.memory_space<vmem>>, vector<16xf32>,
      %mul3A_954 = arith.mulf %get3A_953, %gather3A_32 : vector<16xf32>
      %sub3A_955 = arith.subf %mul3A_954, %get3A_218 : vector<16xf32>
      %gt3A_956 = arith.cmpf ogt, %sub3A_955, %select_n3A_944 : vector<16xf32>
      %select_n3A_957 = arith.select %gt3A_956, %sub3A_955, %select_n3A_944 : vector<16xi1>, vector<16xf32>
      %select_n3A_958 = arith.select %gt3A_956, %add3A_253, %select_n3A_945 : vector<16xi1>, vector<16xi32>
      %mul3A_959 = arith.constant 128 : i32
      %mul3A_960 = arith.muli %scan3A_167, %mul3A_959 : i32
      %add3A_961 = arith.constant 96 : i32
      %add3A_962 = arith.addi %mul3A_960, %add3A_961 : i32
      %get3A_963 = arith.constant 6 : i32
      %get3A_964 = arith.index_cast %get3A_963 : i32 to index
      %get3A_965 = arith.index_cast %add3A_962 : i32 to index
      %get3A_966 = tpu.vector_load %arg7[%get3A_964, %get3A_965] {strides = array<i32>} : memref<8x2048xf32, #tpu.memory_space<vmem>>, vector<16xf32>,
      %mul3A_967 = arith.mulf %get3A_966, %gather3A_32 : vector<16xf32>
      %sub3A_968 = arith.subf %mul3A_967, %get3A_224 : vector<16xf32>
      %gt3A_969 = arith.cmpf ogt, %sub3A_968, %select_n3A_957 : vector<16xf32>
      %select_n3A_970 = arith.select %gt3A_969, %sub3A_968, %select_n3A_957 : vector<16xi1>, vector<16xf32>
      %select_n3A_971 = arith.select %gt3A_969, %add3A_256, %select_n3A_958 : vector<16xi1>, vector<16xi32>
      %mul3A_972 = arith.constant 128 : i32
      %mul3A_973 = arith.muli %scan3A_167, %mul3A_972 : i32
      %add3A_974 = arith.constant 112 : i32
      %add3A_975 = arith.addi %mul3A_973, %add3A_974 : i32
      %get3A_976 = arith.constant 6 : i32
      %get3A_977 = arith.index_cast %get3A_976 : i32 to index
      %get3A_978 = arith.index_cast %add3A_975 : i32 to index
      %get3A_979 = tpu.vector_load %arg7[%get3A_977, %get3A_978] {strides = array<i32>} : memref<8x2048xf32, #tpu.memory_space<vmem>>, vector<16xf32>,
      %mul3A_980 = arith.mulf %get3A_979, %gather3A_32 : vector<16xf32>
      %sub3A_981 = arith.subf %mul3A_980, %get3A_230 : vector<16xf32>
      %gt3A_982 = arith.cmpf ogt, %sub3A_981, %select_n3A_970 : vector<16xf32>
      %select_n3A_983 = arith.select %gt3A_982, %sub3A_981, %select_n3A_970 : vector<16xi1>, vector<16xf32>
      %select_n3A_984 = arith.select %gt3A_982, %add3A_259, %select_n3A_971 : vector<16xi1>, vector<16xi32>
      %mul3A_985 = arith.constant 128 : i32
      %mul3A_986 = arith.muli %scan3A_167, %mul3A_985 : i32
      %add3A_987 = arith.constant 0 : i32
      %add3A_988 = arith.addi %mul3A_986, %add3A_987 : i32
      %get3A_989 = arith.constant 7 : i32
      %get3A_990 = arith.index_cast %get3A_989 : i32 to index
      %get3A_991 = arith.index_cast %add3A_988 : i32 to index
      %get3A_992 = tpu.vector_load %arg7[%get3A_990, %get3A_991] {strides = array<i32>} : memref<8x2048xf32, #tpu.memory_space<vmem>>, vector<16xf32>,
      %mul3A_993 = arith.mulf %get3A_992, %gather3A_36 : vector<16xf32>
      %sub3A_994 = arith.subf %mul3A_993, %get3A_188 : vector<16xf32>
      %gt3A_995 = arith.cmpf ogt, %sub3A_994, %scan3A_182 : vector<16xf32>
      %select_n3A_996 = arith.select %gt3A_995, %sub3A_994, %scan3A_182 : vector<16xi1>, vector<16xf32>
      %select_n3A_997 = arith.select %gt3A_995, %add3A_238, %scan3A_183 : vector<16xi1>, vector<16xi32>
      %mul3A_998 = arith.constant 128 : i32
      %mul3A_999 = arith.muli %scan3A_167, %mul3A_998 : i32
      %add3A_1000 = arith.constant 16 : i32
      %add3A_1001 = arith.addi %mul3A_999, %add3A_1000 : i32
      %get3A_1002 = arith.constant 7 : i32
      %get3A_1003 = arith.index_cast %get3A_1002 : i32 to index
      %get3A_1004 = arith.index_cast %add3A_1001 : i32 to index
      %get3A_1005 = tpu.vector_load %arg7[%get3A_1003, %get3A_1004] {strides = array<i32>} : memref<8x2048xf32, #tpu.memory_space<vmem>>, vector<16xf32>,
      %mul3A_1006 = arith.mulf %get3A_1005, %gather3A_36 : vector<16xf32>
      %sub3A_1007 = arith.subf %mul3A_1006, %get3A_194 : vector<16xf32>
      %gt3A_1008 = arith.cmpf ogt, %sub3A_1007, %select_n3A_996 : vector<16xf32>
      %select_n3A_1009 = arith.select %gt3A_1008, %sub3A_1007, %select_n3A_996 : vector<16xi1>, vector<16xf32>
      %select_n3A_1010 = arith.select %gt3A_1008, %add3A_241, %select_n3A_997 : vector<16xi1>, vector<16xi32>
      %mul3A_1011 = arith.constant 128 : i32
      %mul3A_1012 = arith.muli %scan3A_167, %mul3A_1011 : i32
      %add3A_1013 = arith.constant 32 : i32
      %add3A_1014 = arith.addi %mul3A_1012, %add3A_1013 : i32
      %get3A_1015 = arith.constant 7 : i32
      %get3A_1016 = arith.index_cast %get3A_1015 : i32 to index
      %get3A_1017 = arith.index_cast %add3A_1014 : i32 to index
      %get3A_1018 = tpu.vector_load %arg7[%get3A_1016, %get3A_1017] {strides = array<i32>} : memref<8x2048xf32, #tpu.memory_space<vmem>>, vector<16xf32>,
      %mul3A_1019 = arith.mulf %get3A_1018, %gather3A_36 : vector<16xf32>
      %sub3A_1020 = arith.subf %mul3A_1019, %get3A_200 : vector<16xf32>
      %gt3A_1021 = arith.cmpf ogt, %sub3A_1020, %select_n3A_1009 : vector<16xf32>
      %select_n3A_1022 = arith.select %gt3A_1021, %sub3A_1020, %select_n3A_1009 : vector<16xi1>, vector<16xf32>
      %select_n3A_1023 = arith.select %gt3A_1021, %add3A_244, %select_n3A_1010 : vector<16xi1>, vector<16xi32>
      %mul3A_1024 = arith.constant 128 : i32
      %mul3A_1025 = arith.muli %scan3A_167, %mul3A_1024 : i32
      %add3A_1026 = arith.constant 48 : i32
      %add3A_1027 = arith.addi %mul3A_1025, %add3A_1026 : i32
      %get3A_1028 = arith.constant 7 : i32
      %get3A_1029 = arith.index_cast %get3A_1028 : i32 to index
      %get3A_1030 = arith.index_cast %add3A_1027 : i32 to index
      %get3A_1031 = tpu.vector_load %arg7[%get3A_1029, %get3A_1030] {strides = array<i32>} : memref<8x2048xf32, #tpu.memory_space<vmem>>, vector<16xf32>,
      %mul3A_1032 = arith.mulf %get3A_1031, %gather3A_36 : vector<16xf32>
      %sub3A_1033 = arith.subf %mul3A_1032, %get3A_206 : vector<16xf32>
      %gt3A_1034 = arith.cmpf ogt, %sub3A_1033, %select_n3A_1022 : vector<16xf32>
      %select_n3A_1035 = arith.select %gt3A_1034, %sub3A_1033, %select_n3A_1022 : vector<16xi1>, vector<16xf32>
      %select_n3A_1036 = arith.select %gt3A_1034, %add3A_247, %select_n3A_1023 : vector<16xi1>, vector<16xi32>
      %mul3A_1037 = arith.constant 128 : i32
      %mul3A_1038 = arith.muli %scan3A_167, %mul3A_1037 : i32
      %add3A_1039 = arith.constant 64 : i32
      %add3A_1040 = arith.addi %mul3A_1038, %add3A_1039 : i32
      %get3A_1041 = arith.constant 7 : i32
      %get3A_1042 = arith.index_cast %get3A_1041 : i32 to index
      %get3A_1043 = arith.index_cast %add3A_1040 : i32 to index
      %get3A_1044 = tpu.vector_load %arg7[%get3A_1042, %get3A_1043] {strides = array<i32>} : memref<8x2048xf32, #tpu.memory_space<vmem>>, vector<16xf32>,
      %mul3A_1045 = arith.mulf %get3A_1044, %gather3A_36 : vector<16xf32>
      %sub3A_1046 = arith.subf %mul3A_1045, %get3A_212 : vector<16xf32>
      %gt3A_1047 = arith.cmpf ogt, %sub3A_1046, %select_n3A_1035 : vector<16xf32>
      %select_n3A_1048 = arith.select %gt3A_1047, %sub3A_1046, %select_n3A_1035 : vector<16xi1>, vector<16xf32>
      %select_n3A_1049 = arith.select %gt3A_1047, %add3A_250, %select_n3A_1036 : vector<16xi1>, vector<16xi32>
      %mul3A_1050 = arith.constant 128 : i32
      %mul3A_1051 = arith.muli %scan3A_167, %mul3A_1050 : i32
      %add3A_1052 = arith.constant 80 : i32
      %add3A_1053 = arith.addi %mul3A_1051, %add3A_1052 : i32
      %get3A_1054 = arith.constant 7 : i32
      %get3A_1055 = arith.index_cast %get3A_1054 : i32 to index
      %get3A_1056 = arith.index_cast %add3A_1053 : i32 to index
      %get3A_1057 = tpu.vector_load %arg7[%get3A_1055, %get3A_1056] {strides = array<i32>} : memref<8x2048xf32, #tpu.memory_space<vmem>>, vector<16xf32>,
      %mul3A_1058 = arith.mulf %get3A_1057, %gather3A_36 : vector<16xf32>
      %sub3A_1059 = arith.subf %mul3A_1058, %get3A_218 : vector<16xf32>
      %gt3A_1060 = arith.cmpf ogt, %sub3A_1059, %select_n3A_1048 : vector<16xf32>
      %select_n3A_1061 = arith.select %gt3A_1060, %sub3A_1059, %select_n3A_1048 : vector<16xi1>, vector<16xf32>
      %select_n3A_1062 = arith.select %gt3A_1060, %add3A_253, %select_n3A_1049 : vector<16xi1>, vector<16xi32>
      %mul3A_1063 = arith.constant 128 : i32
      %mul3A_1064 = arith.muli %scan3A_167, %mul3A_1063 : i32
      %add3A_1065 = arith.constant 96 : i32
      %add3A_1066 = arith.addi %mul3A_1064, %add3A_1065 : i32
      %get3A_1067 = arith.constant 7 : i32
      %get3A_1068 = arith.index_cast %get3A_1067 : i32 to index
      %get3A_1069 = arith.index_cast %add3A_1066 : i32 to index
      %get3A_1070 = tpu.vector_load %arg7[%get3A_1068, %get3A_1069] {strides = array<i32>} : memref<8x2048xf32, #tpu.memory_space<vmem>>, vector<16xf32>,
      %mul3A_1071 = arith.mulf %get3A_1070, %gather3A_36 : vector<16xf32>
      %sub3A_1072 = arith.subf %mul3A_1071, %get3A_224 : vector<16xf32>
      %gt3A_1073 = arith.cmpf ogt, %sub3A_1072, %select_n3A_1061 : vector<16xf32>
      %select_n3A_1074 = arith.select %gt3A_1073, %sub3A_1072, %select_n3A_1061 : vector<16xi1>, vector<16xf32>
      %select_n3A_1075 = arith.select %gt3A_1073, %add3A_256, %select_n3A_1062 : vector<16xi1>, vector<16xi32>
      %mul3A_1076 = arith.constant 128 : i32
      %mul3A_1077 = arith.muli %scan3A_167, %mul3A_1076 : i32
      %add3A_1078 = arith.constant 112 : i32
      %add3A_1079 = arith.addi %mul3A_1077, %add3A_1078 : i32
      %get3A_1080 = arith.constant 7 : i32
      %get3A_1081 = arith.index_cast %get3A_1080 : i32 to index
      %get3A_1082 = arith.index_cast %add3A_1079 : i32 to index
      %get3A_1083 = tpu.vector_load %arg7[%get3A_1081, %get3A_1082] {strides = array<i32>} : memref<8x2048xf32, #tpu.memory_space<vmem>>, vector<16xf32>,
      %mul3A_1084 = arith.mulf %get3A_1083, %gather3A_36 : vector<16xf32>
      %sub3A_1085 = arith.subf %mul3A_1084, %get3A_230 : vector<16xf32>
      %gt3A_1086 = arith.cmpf ogt, %sub3A_1085, %select_n3A_1074 : vector<16xf32>
      %select_n3A_1087 = arith.select %gt3A_1086, %sub3A_1085, %select_n3A_1074 : vector<16xi1>, vector<16xf32>
      %select_n3A_1088 = arith.select %gt3A_1086, %add3A_259, %select_n3A_1075 : vector<16xi1>, vector<16xi32>
      scf.yield %select_n3A_359, %select_n3A_360, %select_n3A_463, %select_n3A_464, %select_n3A_567, %select_n3A_568, %select_n3A_671, %select_n3A_672, %select_n3A_775, %select_n3A_776, %select_n3A_879, %select_n3A_880, %select_n3A_983, %select_n3A_984, %select_n3A_1087, %select_n3A_1088 : vector<16xf32>, vector<16xi32>, vector<16xf32>, vector<16xi32>, vector<16xf32>, vector<16xi32>, vector<16xf32>, vector<16xi32>, vector<16xf32>, vector<16xi32>, vector<16xf32>, vector<16xi32>, vector<16xf32>, vector<16xi32>, vector<16xf32>, vector<16xi32>
    }
    %scan3A_103 = arith.constant 16 : i32
    %swap3A = arith.constant 0 : i32
    %swap3A_104 = arith.index_cast %swap3A : i32 to index
    %swap3A_105 = arith.constant 0 : index
    %swap3A_106 = tpu.vector_load %arg12[%swap3A_104, %swap3A_105] {strides = array<i32>} : memref<8x16xf32, #tpu.memory_space<vmem>>, vector<16xf32>,
    tpu.vector_store %arg12[%swap3A_104, %swap3A_105], %scan3A_102#0 {strides = array<i32>} : memref<8x16xf32, #tpu.memory_space<vmem>>, vector<16xf32>,
    %swap3A_107 = arith.constant 0 : i32
    %swap3A_108 = arith.index_cast %swap3A_107 : i32 to index
    %swap3A_109 = arith.constant 0 : index
    %swap3A_110 = tpu.vector_load %arg13[%swap3A_108, %swap3A_109] {strides = array<i32>} : memref<8x16xi32, #tpu.memory_space<vmem>>, vector<16xi32>,
    tpu.vector_store %arg13[%swap3A_108, %swap3A_109], %scan3A_102#1 {strides = array<i32>} : memref<8x16xi32, #tpu.memory_space<vmem>>, vector<16xi32>,
    %swap3A_111 = arith.constant 1 : i32
    %swap3A_112 = arith.index_cast %swap3A_111 : i32 to index
    %swap3A_113 = arith.constant 0 : index
    %swap3A_114 = tpu.vector_load %arg12[%swap3A_112, %swap3A_113] {strides = array<i32>} : memref<8x16xf32, #tpu.memory_space<vmem>>, vector<16xf32>,
    tpu.vector_store %arg12[%swap3A_112, %swap3A_113], %scan3A_102#2 {strides = array<i32>} : memref<8x16xf32, #tpu.memory_space<vmem>>, vector<16xf32>,
    %swap3A_115 = arith.constant 1 : i32
    %swap3A_116 = arith.index_cast %swap3A_115 : i32 to index
    %swap3A_117 = arith.constant 0 : index
    %swap3A_118 = tpu.vector_load %arg13[%swap3A_116, %swap3A_117] {strides = array<i32>} : memref<8x16xi32, #tpu.memory_space<vmem>>, vector<16xi32>,
    tpu.vector_store %arg13[%swap3A_116, %swap3A_117], %scan3A_102#3 {strides = array<i32>} : memref<8x16xi32, #tpu.memory_space<vmem>>, vector<16xi32>,
    %swap3A_119 = arith.constant 2 : i32
    %swap3A_120 = arith.index_cast %swap3A_119 : i32 to index
    %swap3A_121 = arith.constant 0 : index
    %swap3A_122 = tpu.vector_load %arg12[%swap3A_120, %swap3A_121] {strides = array<i32>} : memref<8x16xf32, #tpu.memory_space<vmem>>, vector<16xf32>,
    tpu.vector_store %arg12[%swap3A_120, %swap3A_121], %scan3A_102#4 {strides = array<i32>} : memref<8x16xf32, #tpu.memory_space<vmem>>, vector<16xf32>,
    %swap3A_123 = arith.constant 2 : i32
    %swap3A_124 = arith.index_cast %swap3A_123 : i32 to index
    %swap3A_125 = arith.constant 0 : index
    %swap3A_126 = tpu.vector_load %arg13[%swap3A_124, %swap3A_125] {strides = array<i32>} : memref<8x16xi32, #tpu.memory_space<vmem>>, vector<16xi32>,
    tpu.vector_store %arg13[%swap3A_124, %swap3A_125], %scan3A_102#5 {strides = array<i32>} : memref<8x16xi32, #tpu.memory_space<vmem>>, vector<16xi32>,
    %swap3A_127 = arith.constant 3 : i32
    %swap3A_128 = arith.index_cast %swap3A_127 : i32 to index
    %swap3A_129 = arith.constant 0 : index
    %swap3A_130 = tpu.vector_load %arg12[%swap3A_128, %swap3A_129] {strides = array<i32>} : memref<8x16xf32, #tpu.memory_space<vmem>>, vector<16xf32>,
    tpu.vector_store %arg12[%swap3A_128, %swap3A_129], %scan3A_102#6 {strides = array<i32>} : memref<8x16xf32, #tpu.memory_space<vmem>>, vector<16xf32>,
    %swap3A_131 = arith.constant 3 : i32
    %swap3A_132 = arith.index_cast %swap3A_131 : i32 to index
    %swap3A_133 = arith.constant 0 : index
    %swap3A_134 = tpu.vector_load %arg13[%swap3A_132, %swap3A_133] {strides = array<i32>} : memref<8x16xi32, #tpu.memory_space<vmem>>, vector<16xi32>,
    tpu.vector_store %arg13[%swap3A_132, %swap3A_133], %scan3A_102#7 {strides = array<i32>} : memref<8x16xi32, #tpu.memory_space<vmem>>, vector<16xi32>,
    %swap3A_135 = arith.constant 4 : i32
    %swap3A_136 = arith.index_cast %swap3A_135 : i32 to index
    %swap3A_137 = arith.constant 0 : index
    %swap3A_138 = tpu.vector_load %arg12[%swap3A_136, %swap3A_137] {strides = array<i32>} : memref<8x16xf32, #tpu.memory_space<vmem>>, vector<16xf32>,
    tpu.vector_store %arg12[%swap3A_136, %swap3A_137], %scan3A_102#8 {strides = array<i32>} : memref<8x16xf32, #tpu.memory_space<vmem>>, vector<16xf32>,
    %swap3A_139 = arith.constant 4 : i32
    %swap3A_140 = arith.index_cast %swap3A_139 : i32 to index
    %swap3A_141 = arith.constant 0 : index
    %swap3A_142 = tpu.vector_load %arg13[%swap3A_140, %swap3A_141] {strides = array<i32>} : memref<8x16xi32, #tpu.memory_space<vmem>>, vector<16xi32>,
    tpu.vector_store %arg13[%swap3A_140, %swap3A_141], %scan3A_102#9 {strides = array<i32>} : memref<8x16xi32, #tpu.memory_space<vmem>>, vector<16xi32>,
    %swap3A_143 = arith.constant 5 : i32
    %swap3A_144 = arith.index_cast %swap3A_143 : i32 to index
    %swap3A_145 = arith.constant 0 : index
    %swap3A_146 = tpu.vector_load %arg12[%swap3A_144, %swap3A_145] {strides = array<i32>} : memref<8x16xf32, #tpu.memory_space<vmem>>, vector<16xf32>,
    tpu.vector_store %arg12[%swap3A_144, %swap3A_145], %scan3A_102#10 {strides = array<i32>} : memref<8x16xf32, #tpu.memory_space<vmem>>, vector<16xf32>,
    %swap3A_147 = arith.constant 5 : i32
    %swap3A_148 = arith.index_cast %swap3A_147 : i32 to index
    %swap3A_149 = arith.constant 0 : index
    %swap3A_150 = tpu.vector_load %arg13[%swap3A_148, %swap3A_149] {strides = array<i32>} : memref<8x16xi32, #tpu.memory_space<vmem>>, vector<16xi32>,
    tpu.vector_store %arg13[%swap3A_148, %swap3A_149], %scan3A_102#11 {strides = array<i32>} : memref<8x16xi32, #tpu.memory_space<vmem>>, vector<16xi32>,
    %swap3A_151 = arith.constant 6 : i32
    %swap3A_152 = arith.index_cast %swap3A_151 : i32 to index
    %swap3A_153 = arith.constant 0 : index
    %swap3A_154 = tpu.vector_load %arg12[%swap3A_152, %swap3A_153] {strides = array<i32>} : memref<8x16xf32, #tpu.memory_space<vmem>>, vector<16xf32>,
    tpu.vector_store %arg12[%swap3A_152, %swap3A_153], %scan3A_102#12 {strides = array<i32>} : memref<8x16xf32, #tpu.memory_space<vmem>>, vector<16xf32>,
    %swap3A_155 = arith.constant 6 : i32
    %swap3A_156 = arith.index_cast %swap3A_155 : i32 to index
    %swap3A_157 = arith.constant 0 : index
    %swap3A_158 = tpu.vector_load %arg13[%swap3A_156, %swap3A_157] {strides = array<i32>} : memref<8x16xi32, #tpu.memory_space<vmem>>, vector<16xi32>,
    tpu.vector_store %arg13[%swap3A_156, %swap3A_157], %scan3A_102#13 {strides = array<i32>} : memref<8x16xi32, #tpu.memory_space<vmem>>, vector<16xi32>,
    %swap3A_159 = arith.constant 7 : i32
    %swap3A_160 = arith.index_cast %swap3A_159 : i32 to index
    %swap3A_161 = arith.constant 0 : index
    %swap3A_162 = tpu.vector_load %arg12[%swap3A_160, %swap3A_161] {strides = array<i32>} : memref<8x16xf32, #tpu.memory_space<vmem>>, vector<16xf32>,
    tpu.vector_store %arg12[%swap3A_160, %swap3A_161], %scan3A_102#14 {strides = array<i32>} : memref<8x16xf32, #tpu.memory_space<vmem>>, vector<16xf32>,
    %swap3A_163 = arith.constant 7 : i32
    %swap3A_164 = arith.index_cast %swap3A_163 : i32 to index
    %swap3A_165 = arith.constant 0 : index
    %swap3A_166 = tpu.vector_load %arg13[%swap3A_164, %swap3A_165] {strides = array<i32>} : memref<8x16xi32, #tpu.memory_space<vmem>>, vector<16xi32>,
    tpu.vector_store %arg13[%swap3A_164, %swap3A_165], %scan3A_102#15 {strides = array<i32>} : memref<8x16xi32, #tpu.memory_space<vmem>>, vector<16xi32>,
    "tpu.region"() ({
      %run_scoped3A = tpu.sem_alloc : memref<!tpu.dma_semaphore, #tpu.memory_space<semaphore_mem>>
      %dma_start3A_167 = arith.constant 0 : i32
      %dma_start3A_168 = arith.constant 0 : i32
      %dma_start3A_169 = tpu.memref_slice %arg5[%add3A, %dma_start3A_167, %dma_start3A_168] : memref<32x8x16xf32, #tpu.memory_space<hbm>> -> memref<1x8x16xf32, #tpu.memory_space<hbm>>
      %dma_start3A_170 = tpu.memref_squeeze %dma_start3A_169 : memref<1x8x16xf32, #tpu.memory_space<hbm>> -> memref<8x16xf32, #tpu.memory_space<hbm>>
      %dma_start3A_171 = arith.constant 0 : i32
      %dma_start3A_172 = arith.constant 0 : i32
      %dma_start3A_173 = tpu.memref_slice %arg5[%add3A, %dma_start3A_171, %dma_start3A_172] : memref<32x8x16xf32, #tpu.memory_space<hbm>> -> memref<1x8x16xf32, #tpu.memory_space<hbm>>
      %dma_start3A_174 = tpu.memref_squeeze %dma_start3A_173 : memref<1x8x16xf32, #tpu.memory_space<hbm>> -> memref<8x16xf32, #tpu.memory_space<hbm>>
      tpu.enqueue_dma source(%arg12 : memref<8x16xf32, #tpu.memory_space<vmem>>) target(%dma_start3A_174 : memref<8x16xf32, #tpu.memory_space<hbm>>) target_semaphore(%run_scoped3A : memref<!tpu.dma_semaphore, #tpu.memory_space<semaphore_mem>>)
      %dma_wait3A_175 = arith.constant 0 : i32
      %dma_wait3A_176 = arith.constant 0 : i32
      %dma_wait3A_177 = tpu.memref_slice %arg5[%add3A, %dma_wait3A_175, %dma_wait3A_176] : memref<32x8x16xf32, #tpu.memory_space<hbm>> -> memref<1x8x16xf32, #tpu.memory_space<hbm>>
      %dma_wait3A_178 = tpu.memref_squeeze %dma_wait3A_177 : memref<1x8x16xf32, #tpu.memory_space<hbm>> -> memref<8x16xf32, #tpu.memory_space<hbm>>
      %dma_wait3A_179 = arith.constant 0 : i32
      %dma_wait3A_180 = arith.constant 0 : i32
      %dma_wait3A_181 = tpu.memref_slice %arg5[%add3A, %dma_wait3A_179, %dma_wait3A_180] : memref<32x8x16xf32, #tpu.memory_space<hbm>> -> memref<1x8x16xf32, #tpu.memory_space<hbm>>
      %dma_wait3A_182 = tpu.memref_squeeze %dma_wait3A_181 : memref<1x8x16xf32, #tpu.memory_space<hbm>> -> memref<8x16xf32, #tpu.memory_space<hbm>>
      tpu.wait_dma2 semaphore(%run_scoped3A : memref<!tpu.dma_semaphore, #tpu.memory_space<semaphore_mem>>) src(%arg12 : memref<8x16xf32, #tpu.memory_space<vmem>>) dst(%dma_wait3A_182 : memref<8x16xf32, #tpu.memory_space<hbm>>)
      tpu.yield
    }) : () -> ()
    "tpu.region"() ({
      %run_scoped3A = tpu.sem_alloc : memref<!tpu.dma_semaphore, #tpu.memory_space<semaphore_mem>>
      %dma_start3A_167 = arith.constant 0 : i32
      %dma_start3A_168 = arith.constant 0 : i32
      %dma_start3A_169 = tpu.memref_slice %arg6[%add3A, %dma_start3A_167, %dma_start3A_168] : memref<32x8x16xi32, #tpu.memory_space<hbm>> -> memref<1x8x16xi32, #tpu.memory_space<hbm>>
      %dma_start3A_170 = tpu.memref_squeeze %dma_start3A_169 : memref<1x8x16xi32, #tpu.memory_space<hbm>> -> memref<8x16xi32, #tpu.memory_space<hbm>>
      %dma_start3A_171 = arith.constant 0 : i32
      %dma_start3A_172 = arith.constant 0 : i32
      %dma_start3A_173 = tpu.memref_slice %arg6[%add3A, %dma_start3A_171, %dma_start3A_172] : memref<32x8x16xi32, #tpu.memory_space<hbm>> -> memref<1x8x16xi32, #tpu.memory_space<hbm>>
      %dma_start3A_174 = tpu.memref_squeeze %dma_start3A_173 : memref<1x8x16xi32, #tpu.memory_space<hbm>> -> memref<8x16xi32, #tpu.memory_space<hbm>>
      tpu.enqueue_dma source(%arg13 : memref<8x16xi32, #tpu.memory_space<vmem>>) target(%dma_start3A_174 : memref<8x16xi32, #tpu.memory_space<hbm>>) target_semaphore(%run_scoped3A : memref<!tpu.dma_semaphore, #tpu.memory_space<semaphore_mem>>)
      %dma_wait3A_175 = arith.constant 0 : i32
      %dma_wait3A_176 = arith.constant 0 : i32
      %dma_wait3A_177 = tpu.memref_slice %arg6[%add3A, %dma_wait3A_175, %dma_wait3A_176] : memref<32x8x16xi32, #tpu.memory_space<hbm>> -> memref<1x8x16xi32, #tpu.memory_space<hbm>>
      %dma_wait3A_178 = tpu.memref_squeeze %dma_wait3A_177 : memref<1x8x16xi32, #tpu.memory_space<hbm>> -> memref<8x16xi32, #tpu.memory_space<hbm>>
      %dma_wait3A_179 = arith.constant 0 : i32
      %dma_wait3A_180 = arith.constant 0 : i32
      %dma_wait3A_181 = tpu.memref_slice %arg6[%add3A, %dma_wait3A_179, %dma_wait3A_180] : memref<32x8x16xi32, #tpu.memory_space<hbm>> -> memref<1x8x16xi32, #tpu.memory_space<hbm>>
      %dma_wait3A_182 = tpu.memref_squeeze %dma_wait3A_181 : memref<1x8x16xi32, #tpu.memory_space<hbm>> -> memref<8x16xi32, #tpu.memory_space<hbm>>
      tpu.wait_dma2 semaphore(%run_scoped3A : memref<!tpu.dma_semaphore, #tpu.memory_space<semaphore_mem>>) src(%arg13 : memref<8x16xi32, #tpu.memory_space<vmem>>) dst(%dma_wait3A_182 : memref<8x16xi32, #tpu.memory_space<hbm>>)
      tpu.yield
    }) : () -> ()
    return
  }
}

module attributes {stable_mosaic.version = 14 : i64} {
  func.func @_noise_table_body(%arg0: i32, %arg1: memref<1x131072xf32, #tpu.memory_space<vmem>>, %arg2: memref<131072xf32, #tpu.memory_space<vmem>>) attributes {dimension_semantics = [#tpu.dimension_semantics<arbitrary>], iteration_bounds = array<i64: 8>, scalar_prefetch = 0 : i64, scratch_operands = 0 : i64, tpu.core_type = #tpu.core_type<tc>, window_params = [{transform_indices = @transform_0, window_bounds = array<i64: 1, 131072>}, {transform_indices = @transform_1, window_bounds = array<i64: 131072>}]} {
    %get3A = arith.constant 0 : index
    %get3A_0 = arith.constant 0 : index
    %get3A_1 = vector.load %arg1[%get3A, %get3A_0] : memref<1x131072xf32, #tpu.memory_space<vmem>>, vector<1x131072xf32>
    %get3A_2 = vector.shape_cast %get3A_1 : vector<1x131072xf32> to vector<131072xf32>
    %add3A = arith.constant 1.000000e-10 : f32
    %add3A_3 = vector.broadcast %add3A : f32 to vector<131072xf32>
    %add3A_4 = arith.addf %get3A_2, %add3A_3 : vector<131072xf32>
    %log3A = math.log %add3A_4 : vector<131072xf32>
    %swap3A = arith.constant 0 : index
    %swap3A_5 = vector.load %arg2[%swap3A] : memref<131072xf32, #tpu.memory_space<vmem>>, vector<131072xf32>
    tpu.vector_store %arg2[%swap3A], %log3A {strides = array<i32>} : memref<131072xf32, #tpu.memory_space<vmem>>, vector<131072xf32>,
    return
  }
  func.func @transform_0(%arg0: i32) -> (i32, i32) {
    %c0_i32 = arith.constant 0 : i32
    %c0_i32_0 = arith.constant 0 : i32
    return %c0_i32, %arg0 : i32, i32
  }
  func.func @transform_1(%arg0: i32) -> i32 {
    %c0_i32 = arith.constant 0 : i32
    return %arg0 : i32
  }
}

module attributes {stable_mosaic.version = 14 : i64} {
  func.func @_merge_body(%arg0: i32, %arg1: memref<32x8x16xf32, #tpu.memory_space<vmem>>, %arg2: memref<32x8x16xi32, #tpu.memory_space<vmem>>, %arg3: memref<32x1024xf32, #tpu.memory_space<vmem>>, %arg4: memref<1024xf32, #tpu.memory_space<vmem>>, %arg5: memref<32xf32, #tpu.memory_space<vmem>>, %arg6: memref<32xi32, #tpu.memory_space<vmem>>) attributes {dimension_semantics = [#tpu.dimension_semantics<arbitrary>], iteration_bounds = array<i64: 1>, scalar_prefetch = 0 : i64, scratch_operands = 0 : i64, tpu.core_type = #tpu.core_type<tc>, window_params = [{pipeline_mode = #tpu.pipeline_mode<synchronous>, transform_indices = @transform_0, window_bounds = array<i64: 32, 8, 16>}, {pipeline_mode = #tpu.pipeline_mode<synchronous>, transform_indices = @transform_1, window_bounds = array<i64: 32, 8, 16>}, {transform_indices = @transform_2, window_bounds = array<i64: 32, 1024>}, {transform_indices = @transform_3, window_bounds = array<i64: 1024>}, {pipeline_mode = #tpu.pipeline_mode<synchronous>, transform_indices = @transform_4, window_bounds = array<i64: 32>}, {pipeline_mode = #tpu.pipeline_mode<synchronous>, transform_indices = @transform_5, window_bounds = array<i64: 32>}]} {
    %get3A = arith.constant 0 : index
    %get3A_0 = arith.constant 0 : index
    %get3A_1 = arith.constant 0 : index
    %get3A_2 = vector.load %arg1[%get3A, %get3A_0, %get3A_1] : memref<32x8x16xf32, #tpu.memory_space<vmem>>, vector<32x8x16xf32>
    %reshape3A = vector.shape_cast %get3A_2 : vector<32x8x16xf32> to vector<8x4x8x16xf32>
    %get3A_3 = arith.constant 0 : index
    %get3A_4 = arith.constant 0 : index
    %get3A_5 = arith.constant 0 : index
    %get3A_6 = vector.load %arg2[%get3A_3, %get3A_4, %get3A_5] : memref<32x8x16xi32, #tpu.memory_space<vmem>>, vector<32x8x16xi32>
    %reshape3A_7 = vector.shape_cast %get3A_6 : vector<32x8x16xi32> to vector<8x4x8x16xi32>
    %reduce_max3A = arith.constant dense<0xFF800000> : vector<4x8xf32>
    %reduce_max3A_8 = vector.multi_reduction <maximumf>, %reshape3A, %reduce_max3A [0, 3] : vector<8x4x8x16xf32> to vector<4x8xf32>
    %broadcast_in_dim3A = vector.shape_cast %reduce_max3A_8 : vector<4x8xf32> to vector<1x4x8x1xf32>
    %eq3A = vector.broadcast %broadcast_in_dim3A : vector<1x4x8x1xf32> to vector<8x4x8x16xf32>
    %eq3A_9 = arith.cmpf oeq, %reshape3A, %eq3A : vector<8x4x8x16xf32>
    %jit3A = arith.constant 2147483647 : i32
    %broadcast_in_dim3A_10 = vector.broadcast %jit3A : i32 to vector<8x4x8x16xi32>
    %select_n3A = arith.select %eq3A_9, %reshape3A_7, %broadcast_in_dim3A_10 : vector<8x4x8x16xi1>, vector<8x4x8x16xi32>
    %reshape3A_11 = vector.shape_cast %reduce_max3A_8 : vector<4x8xf32> to vector<32xf32>
    %reduce_min3A = arith.constant dense<2147483647> : vector<4x8xi32>
    %reduce_min3A_12 = vector.multi_reduction <minsi>, %select_n3A, %reduce_min3A [0, 3] : vector<8x4x8x16xi32> to vector<4x8xi32>
    %reshape3A_13 = vector.shape_cast %reduce_min3A_12 : vector<4x8xi32> to vector<32xi32>
    %iota3A = tpu.iota {dimensions = array<i32: 1>} : vector<32x1024xi32>
    %lt3A = arith.constant 576 : i32
    %lt3A_14 = vector.broadcast %lt3A : i32 to vector<32x1024xi32>
    %lt3A_15 = arith.cmpi slt, %iota3A, %lt3A_14 : vector<32x1024xi32>
    %get3A_16 = arith.constant 0 : index
    %get3A_17 = arith.constant 0 : index
    %get3A_18 = vector.load %arg3[%get3A_16, %get3A_17] : memref<32x1024xf32, #tpu.memory_space<vmem>>, vector<32x1024xf32>
    %get3A_19 = arith.constant 0 : index
    %get3A_20 = vector.load %arg5[%get3A_19] : memref<32xf32, #tpu.memory_space<vmem>>, vector<32xf32>
    %broadcast_in_dim3A_21 = vector.shape_cast %get3A_20 : vector<32xf32> to vector<32x1xf32>
    %mul3A = vector.broadcast %broadcast_in_dim3A_21 : vector<32x1xf32> to vector<32x1024xf32>
    %mul3A_22 = arith.mulf %get3A_18, %mul3A : vector<32x1024xf32>
    %get3A_23 = arith.constant 0 : index
    %get3A_24 = vector.load %arg4[%get3A_23] : memref<1024xf32, #tpu.memory_space<vmem>>, vector<1024xf32>
    %broadcast_in_dim3A_25 = vector.shape_cast %get3A_24 : vector<1024xf32> to vector<1x1024xf32>
    %sub3A = vector.broadcast %broadcast_in_dim3A_25 : vector<1x1024xf32> to vector<32x1024xf32>
    %sub3A_26 = arith.subf %mul3A_22, %sub3A : vector<32x1024xf32>
    %jit3A_27 = arith.constant 0xFF800000 : f32
    %broadcast_in_dim3A_28 = vector.broadcast %jit3A_27 : f32 to vector<32x1024xf32>
    %select_n3A_29 = arith.select %lt3A_15, %sub3A_26, %broadcast_in_dim3A_28 : vector<32x1024xi1>, vector<32x1024xf32>
    %reduce_max3A_30 = arith.constant dense<0xFF800000> : vector<32xf32>
    %reduce_max3A_31 = vector.multi_reduction <maximumf>, %select_n3A_29, %reduce_max3A_30 [1] : vector<32x1024xf32> to vector<32xf32>
    %broadcast_in_dim3A_32 = vector.shape_cast %reduce_max3A_31 : vector<32xf32> to vector<32x1xf32>
    %eq3A_33 = vector.broadcast %broadcast_in_dim3A_32 : vector<32x1xf32> to vector<32x1024xf32>
    %eq3A_34 = arith.cmpf oeq, %select_n3A_29, %eq3A_33 : vector<32x1024xf32>
    %and3A = arith.andi %eq3A_34, %lt3A_15 : vector<32x1024xi1>
    %add3A = arith.constant 999424 : i32
    %add3A_35 = vector.broadcast %add3A : i32 to vector<32x1024xi32>
    %add3A_36 = arith.addi %add3A_35, %iota3A : vector<32x1024xi32>
    %jit3A_37 = arith.constant 2147483647 : i32
    %broadcast_in_dim3A_38 = vector.broadcast %jit3A_37 : i32 to vector<32x1024xi32>
    %select_n3A_39 = arith.select %and3A, %add3A_36, %broadcast_in_dim3A_38 : vector<32x1024xi1>, vector<32x1024xi32>
    %reduce_min3A_40 = arith.constant dense<2147483647> : vector<32xi32>
    %reduce_min3A_41 = vector.multi_reduction <minsi>, %select_n3A_39, %reduce_min3A_40 [1] : vector<32x1024xi32> to vector<32xi32>
    %gt3A = arith.cmpf ogt, %reduce_max3A_31, %reshape3A_11 : vector<32xf32>
    %select_n3A_42 = arith.select %gt3A, %reduce_min3A_41, %reshape3A_13 : vector<32xi1>, vector<32xi32>
    %swap3A = arith.constant 0 : index
    %swap3A_43 = vector.load %arg6[%swap3A] : memref<32xi32, #tpu.memory_space<vmem>>, vector<32xi32>
    tpu.vector_store %arg6[%swap3A], %select_n3A_42 {strides = array<i32>} : memref<32xi32, #tpu.memory_space<vmem>>, vector<32xi32>,
    return
  }
  func.func @transform_0(%arg0: i32) -> (i32, i32, i32) {
    %c0_i32 = arith.constant 0 : i32
    %c0_i32_0 = arith.constant 0 : i32
    %c0_i32_1 = arith.constant 0 : i32
    %c0_i32_2 = arith.constant 0 : i32
    return %c0_i32, %c0_i32_0, %c0_i32_1 : i32, i32, i32
  }
  func.func @transform_1(%arg0: i32) -> (i32, i32, i32) {
    %c0_i32 = arith.constant 0 : i32
    %c0_i32_0 = arith.constant 0 : i32
    %c0_i32_1 = arith.constant 0 : i32
    %c0_i32_2 = arith.constant 0 : i32
    return %c0_i32, %c0_i32_0, %c0_i32_1 : i32, i32, i32
  }
  func.func @transform_2(%arg0: i32) -> (i32, i32) {
    %c0_i32 = arith.constant 0 : i32
    %c976_i32 = arith.constant 976 : i32
    %c0_i32_0 = arith.constant 0 : i32
    return %c0_i32, %c976_i32 : i32, i32
  }
  func.func @transform_3(%arg0: i32) -> i32 {
    %c976_i32 = arith.constant 976 : i32
    %c0_i32 = arith.constant 0 : i32
    return %c976_i32 : i32
  }
  func.func @transform_4(%arg0: i32) -> i32 {
    %c0_i32 = arith.constant 0 : i32
    %c0_i32_0 = arith.constant 0 : i32
    return %c0_i32 : i32
  }
  func.func @transform_5(%arg0: i32) -> i32 {
    %c0_i32 = arith.constant 0 : i32
    %c0_i32_0 = arith.constant 0 : i32
    return %c0_i32 : i32
  }
}

</mosaic_0001>

<sc_bundles>
// kernel: kernel.5.cloned.1.call-start
scs
__scs_entry_jumppad:
0x0: {  	(pc) =	sbr.rel $0x88, $3  }
0x1: {  	(tag) =	ssettag $0x0;
	lr =	simm.s32 $0x1  }
0x2: {  	[smem:$0x3F9E] =	sst lr;
	_ =	strace $0xD0000000  }
0x3: {  	_ = 	snop  }
0x4: {  	_ = 	snop  }
0x5: {  	_ = 	snop  }
0x6: {  	_ = 	snop  }
0x7: {  	_ = 	snop  }
__scs_overlays_trampoline_lowered:
0x8: {  	[smem:$0x3FAD] =	sst s0  }
0x9: {  	[smem:$0x3FAE] =	sst s1  }
0xa: {  	[smem:$0x3FAF] =	sst s2  }
0xb: {  	[smem:$0x3FB0] =	sst s3  }
0xc: {  	[smem:$0x3FB1] =	sst s4  }
0xd: {  	[smem:$0x3FB2] =	sst s5  }
0xe: {  	[smem:$0x3FB3] =	sst s6  }
0xf: {  	[smem:$0x3FB4] =	sst s7  }
0x10: {  	[smem:$0x3FB5] =	sst s8  }
0x11: {  	[smem:$0x3FB6] =	sst s9;
	s0 =	simm.s32 @!p0 $0x0  }
0x12: {  	s1 =	sld [smem:$0x3F9C];
	s0 =	simm.s32 @p0 $0x1  }
0x13: {  	[smem:$0x3FB7] =	sst s0;
	s0 =	simm.s32 @!p1 $0x0  }
0x14: {  	s2 =	sld [smem:$0x3F9B];
	s0 =	simm.s32 @p1 $0x1  }
0x15: {  	[smem:$0x3FB8] =	sst s0;
	s0 =	simm.s32 @!p2 $0x0  }
0x16: {  	s3 =	sld [smem:$0x3FDB];
	s0 =	simm.s32 @p2 $0x1  }
0x17: {  	s4 =	simm.s32 $0x1BF5;
	[smem:$0x3FBA] =	sst s0  }
0x18: {  	s0 =	sld [smem:$0x3F9D];
	_ =	swait.ge [sflag:s4], $0x0  }
0x19: {  	s7 =	sld [smem:$0x3F9E]  }
0x1a: {  	s8 =	sadd.s32 $0xFFFFE003, lr  }
0x1b: {  	s9 =	sadd.s32 $0xFFFFFEF7, lr;
	s5 =	simm.s32 $0xFFFFFFFF;
	p2 =	slt.u32 s8, $0xFFFFF086  }
0x1c: {  	p1 =	slt.u32 s9, $0xF7A;
	s5 =	simm.s32 @!p2 $0x0  }
0x1d: {  	s5 =	simm.s32 @p1 $0x1;
	p0 =	seq.s32 s7, s2  }
0x1e: {  	s7 =	smul.u32 @!p0 $0xF7A, s2;
	p2 =	seq.s32 @!p0 s5, $0x0  }
0x1f: {  	s9 =	smul.u32 $0xF7A, s1;
	s8 =	simm.s32 @!p0 $0x1BF5;
	p2 =	por !p2, p0  }
0x20: {  	[sflag:s8] =	ssyncset.s32 @!p0 $0xFFFFF086;
	s6 =	sadd.s32 @!p0 s3, s7;
	s7 =	simm.s32 @!p0 $0x108  }
0x21: {  	s3 =	sadd.s32 s3, s9;
	s6 =	sadd.s32 @!p0 $0x88, s6;
	s7 =	simm.s32 @p2 $0x1082  }
0x22: {  	[simem:s7], [sflag:s8] =	dma.local @!p0 [hbm:s6], $0xF7A  }
0x23: {  	s9 =	sor.u32 $0xD0000000, s2;
	s6 =	simm.s32 $0x108;
	_ =	swait.ge @!p0 [sflag:s8], $0x0  }
0x24: {  	s3 =	sadd.s32 $0x88, s3;
	s6 =	simm.s32 @!p1 $0x1082;
	[sflag:s4] =	ssyncset.s32 $0xFFFFF086  }
0x25: {  	[simem:s6], [sflag:s4] =	dma.local [hbm:s3], $0xF7A  }
0x26: {  	[smem:$0x3F9E] =	sst s1;
	(tag) =	ssettag s2;
	_ =	strace s9  }
0x27: {  	s1 =	sld [smem:$0x3FAE]  }
0x28: {  	s2 =	sld [smem:$0x3FAF]  }
0x29: {  	s4 =	sld [smem:$0x3FB1]  }
0x2a: {  	p0 =	seq.s32 s5, $0x0;
	s5 =	sld [smem:$0x3FB2]  }
0x2b: {  	s6 =	sld [smem:$0x3FB3]  }
0x2c: {  	s7 =	sld [smem:$0x3FB4]  }
0x2d: {  	s3 =	simm.s32 $0x108;
	s8 =	sld [smem:$0x3FB5]  }
0x2e: {  	s3 =	simm.s32 @!p0 $0x1082;
	s9 =	sld [smem:$0x3FB6]  }
0x2f: {  	lr =	sadd.s32 s0, s3;
	s0 =	sld [smem:$0x3FAD]  }
0x30: {  	s3 =	sld [smem:$0x3FB0]  }
0x31: {  	[smem:$0x3FB9] =	sst s10  }
0x32: {  	s10 =	sld [smem:$0x3FB7];
	_ =	sdelay $0x3  }
0x33: {  	p0 =	seq.s32 s10, $0x1;
	s10 =	sld [smem:$0x3FB9];
	_ =	sdelay $0x3  }
0x34: {  	[smem:$0x3FB9] =	sst s10  }
0x35: {  	s10 =	sld [smem:$0x3FB8];
	_ =	sdelay $0x3  }
0x36: {  	p1 =	seq.s32 s10, $0x1;
	s10 =	sld [smem:$0x3FB9];
	_ =	sdelay $0x3  }
0x37: {  	[smem:$0x3FB9] =	sst s10  }
0x38: {  	s10 =	sld [smem:$0x3FBA]  }
0x39: {  	_ = 	snop;
	(pc) =	sbr.ind lr, $3  }
0x3a: {  	_ = 	snop  }
0x3b: {  	_ = 	snop  }
0x3c: {  	p2 =	seq.s32 s10, $0x1;
	s10 =	sld [smem:$0x3FB9]  }
0x3d: {  	_ =	shalt  }
0x3e: {  	_ =	shalt  }
0x3f: {  	_ =	shalt  }
0x40: {  	_ =	shalt  }
0x41: {  	_ =	shalt  }
0x42: {  	_ =	shalt  }
0x43: {  	_ =	shalt  }
0x44: {  	_ =	shalt  }
0x45: {  	_ =	shalt  }
0x46: {  	_ =	shalt  }
0x47: {  	_ =	shalt  }
0x48: {  	_ =	shalt  }
0x49: {  	_ =	shalt  }
0x4a: {  	_ =	shalt  }
0x4b: {  	_ =	shalt  }
0x4c: {  	_ =	shalt  }
0x4d: {  	_ =	shalt  }
0x4e: {  	_ =	shalt  }
0x4f: {  	_ =	shalt  }
0x50: {  	_ =	shalt  }
0x51: {  	_ =	shalt  }
0x52: {  	_ =	shalt  }
0x53: {  	_ =	shalt  }
0x54: {  	_ =	shalt  }
0x55: {  	_ =	shalt  }
0x56: {  	_ =	shalt  }
0x57: {  	_ =	shalt  }
0x58: {  	_ =	shalt  }
0x59: {  	_ =	shalt  }
0x5a: {  	_ =	shalt  }
0x5b: {  	_ =	shalt  }
0x5c: {  	_ =	shalt  }
0x5d: {  	_ =	shalt  }
0x5e: {  	_ =	shalt  }
0x5f: {  	_ =	shalt  }
0x60: {  	_ =	shalt  }
0x61: {  	_ =	shalt  }
0x62: {  	_ =	shalt  }
0x63: {  	_ =	shalt  }
0x64: {  	_ =	shalt  }
0x65: {  	_ =	shalt  }
0x66: {  	_ =	shalt  }
0x67: {  	_ =	shalt  }
0x68: {  	_ =	shalt  }
0x69: {  	_ =	shalt  }
0x6a: {  	_ =	shalt  }
0x6b: {  	_ =	shalt  }
0x6c: {  	_ =	shalt  }
0x6d: {  	_ =	shalt  }
0x6e: {  	_ =	shalt  }
0x6f: {  	_ =	shalt  }
0x70: {  	_ =	shalt  }
0x71: {  	_ =	shalt  }
0x72: {  	_ =	shalt  }
0x73: {  	_ =	shalt  }
0x74: {  	_ =	shalt  }
0x75: {  	_ =	shalt  }
0x76: {  	_ =	shalt  }
0x77: {  	_ =	shalt  }
0x78: {  	_ =	shalt  }
0x79: {  	_ =	shalt  }
0x7a: {  	_ =	shalt  }
0x7b: {  	_ =	shalt  }
0x7c: {  	_ =	shalt  }
0x7d: {  	_ =	shalt  }
0x7e: {  	_ =	shalt  }
0x7f: {  	_ =	shalt  }
0x80: {  	_ =	shalt  }
0x81: {  	_ =	shalt  }
0x82: {  	_ =	shalt  }
0x83: {  	_ =	shalt  }
0x84: {  	_ =	shalt  }
0x85: {  	_ =	shalt  }
0x86: {  	_ =	shalt  }
0x87: {  	_ =	shalt  }
.Lfunc_end0:
.L_simem_size_0:
called_computation_lowered:
.L_overlay_start_0:
0x88: {  	s2 =	sld [smem:$0x3FD9]  }
0x89: {  	s3 =	sld [smem:$0x3FFE];
	_ =	sdelay $0x1  }
0x8a: {  	s1 =	srdreg.scid  }
0x8b: {  	s0 =	sand.u32 $0x1, s1  }
0x8c: {  	s17 =	sshll.u32 s0, $0xA;
	s2 =	sadd.s32 s3, s2  }
0x8d: {  	s2 =	sadd.s32 s2, s17  }
0x8e: {  	[smem:$0x3FC5] =	sst s2  }
0x8f: {  	_ = 	snop  }
0x90: {  	s2 =	sld [smem:$0x3FC9]  }
0x91: {  	s18 =	sld [smem:$0x3FD0];
	(tm) =	ssettm $0x1  }
0x92: {  	s4 =	sld [smem:$0x3FFB];
	_ =	sdelay $0x3  }
0x93: {  	_ =	strace s4  }
0x94: {  	s4 =	sld [smem:$0x3FFC];
	_ =	sdelay $0x3  }
0x95: {  	_ =	strace s4  }
0x96: {  	s4 =	sld [smem:$0x3FFD];
	_ =	sdelay $0x3  }
0x97: {  	_ =	strace s4  }
0x98: {  	_ =	strace $0x8FFFFFFF  }
0x99: {  	s19 =	sld [smem:$0x3FDB];
	_ =	sdelay $0x1  }
0x9a: {  	s5 =	simm.s32 $_scs_section_size  }
0x9b: {  	s6 =	simm.s32 $_size__tile_overlayer_lowered;
	s7 =	simm.s32 $_tile_overlayer_lowered  }
0x9c: {  	s22 =	simm.s32 $0x1BFF;
	s21 =	sshll.u32 s7, $0x1;
	s4 =	sadd.s32 s5, s19  }
0x9d: {  	s8 =	simm.s32 $0x0;
	s20 =	sshll.u32 s6, $0x1;
	s6 =	sadd.s32 s21, s4  }
0x9e: {  	[timem:s8], [sflag:s22] =	dma.local [hbm:s6], s20  }
0x9f: {  	_ =	swait.ge [sflag:s22], s20  }
0xa0: {  	s5 =	ssub.s32 $0x0, s20;
	[sflag:s22] =	ssyncset.done $0x0  }
0xa1: {  	[sflag:s22] =	ssyncadd.s32 s5;
	_ =	sdelay $0x1  }
0xa2: {  	s23 =	simm.s32 $0x1B8B  }
0xa3: {  	_ =	swait.ge [sflag:s23], $0x1  }
0xa4: {  	[sflag:s23] =	ssyncset.done $0x0  }
0xa5: {  	s25 =	simm.s32 $0x1B8E;
	s24 =	sld [smem:$0x3FFE];
	[sflag:s23] =	ssyncadd.s32 $0xFFFFFFFF  }
0xa6: {  	s26 =	simm.s32 $execute0_lowered;
	[smem:$0x3FD2] =	sst s25  }
0xa7: {  	s6 =	sshll.u32 s26, $0x1;
	_ =	strace $0x80000046;
	[dreg:$0x1] =	wrdreg $0xFFFFFFFF  }
0xa8: {  	s28 =	simm.s32 $_size_execute0_lowered;
	s4 =	sadd.s32 s4, s6;
	[dreg:$0x0] =	wrdreg $0x0  }
0xa9: {  	s6 =	sshll.u32 s28, $0x1;
	[dreg:$0x2] =	wrdreg s4  }
0xaa: {  	[dreg:$0x3] =	wrdreg s6  }
0xab: {  	[dreg:$0x4] =	wrdreg $0xC0  }
0xac: {  	_ =	task [dreg:s8], $0x5FFFF  }
0xad: {  	[dreg:$0x1] =	wrdreg $0xFFFFFFFF  }
0xae: {  	[dreg:$0x0] =	wrdreg $0x60  }
0xaf: {  	[dreg:$0x2] =	wrdreg s2  }
0xb0: {  	[dreg:$0x3] =	wrdreg s18  }
0xb1: {  	[dreg:$0x4] =	wrdreg s24  }
0xb2: {  	[dreg:$0x5] =	wrdreg $0x9  }
0xb3: {  	_ =	task.clear_ibuf [dreg:s8], $0x6FFFF;
	_ =	strace $0x90000046  }
0xb4: {  	s29 =	simm.s32 $0x9;
	_ =	strace $0x80000048  }
0xb5: {  	_ =	swait.ge [sflag:s29], $0x1  }
0xb6: {  	[sflag:s29] =	ssyncadd.s32 $0xFFFFFFFF  }
0xb7: {  	_ =	strace $0x90000048  }
0xb8: {  	_ =	sfence  }
0xb9: {  	s30 =	sld [smem:$0x0];
	_ =	sdelay $0x2  }
0xba: {  	s31 =	sshll.u32 s1, $0xD;
	s1 =	sshrl.u32 s1, $0x2  }
0xbb: {  	s3 =	sand.u32 $0x4000, s31;
	s1 =	sadd.s32 s1, s30  }
0xbc: {  	s0 =	sor.u32 s3, s0;
	s1 =	sshll.u32 s1, $0x11  }
0xbd: {  	s0 =	sor.u32 s1, s0  }
0xbe: {  	s0 =	sadd.s32 $0x8F2B, s0  }
0xbf: {  	[sflag:s0] =	ssyncadd.remote.s32 $0x1  }
0xc0: {  	_ =	sfence.sel $0xFFFF  }
0xc1: {  	[dreg:$0x0] =	wrdreg $0xFFFFFFFF;
	(pc) =	sbr.abs _section_cstart, $3  }
0xc2: {  	[dreg:$0x1] =	wrdreg $0xFFFFFFFF  }
0xc3: {  	_ =	task.clear_ibuf [dreg:s8], $0x2FFFF;
	_ =	strace $0x9FFFFFFF  }
0xc4: {  	(tm) =	ssettm $0x7FFFFFFF  }
0xc5: {  	_ =	shalt  }
tec
execute0_lowered:
.L_overlay_start_1:
0x0: {  	(tag) =	ssettag $0x1  }
0x1: {  	s1 =	rddreg [dreg:$0x0]  }
0x2: {  	s2 =	rddreg [dreg:$0x2];
	s3 =	simm.s32 $0x0;
	s0 =	srdreg.scid  }
0x3: {  	s7 =	stileid.u32;
	s19 =	simm.s32 $0x5;
	s20 =	simm.s32 $0x8000  }
0x4: {  	v62 =	vlaneseq.u32;
	s21 =	simm.s32 $0x4000;
	s22 =	simm.s32 $0x8800;
	s23 =	simm.s32 $0x1  }
0x5: {  	[smem:$0x7FF] =	sst s3;
	s0 =	sand.u32 $0x1, s0;
	s4 =	sshll.u32 s7, $0x1;
	v52 =	vor.u32 $0x10, v62  }
0x6: {  	s24 =	simm.s32 $0x3;
	v43 =	vor.u32 $0x30, v62;
	_ =	strace $0x80000047;
	s5 =	sor.u32 s0, s4;
	[tilespmem:$0x1FF90] =	vst v52  }
0x7: {  	s7 =	sshrl.u32 s7, $0x1;
	v42 =	vor.u32 $0x40, v62;
	[tilespmem:$0x1FFB0] =	vst v43;
	s6 =	sshll.u32 s5, $0x7;
	s5 =	sand.u32 $0x3, s5  }
0x8: {  	v51 =	vor.u32 $0x50, v62;
	s8 =	ssub.s32 $0x2, s0;
	s0 =	smul.u32 $0x1E800, s7;
	[tilespmem:$0x1FFC0] =	vst v42;
	s26 =	sshll.u32 s5, $0x3  }
0x9: {  	s30 =	simm.s32 $0x0;
	v45 =	vor.u32 $0x60, v62;
	s4 =	sadd.s32 $0x1400, s2;
	s7 =	smul.u32 $0xF4000, s7;
	[tilespmem:$0x1FFD0] =	vst v51;
	v0 =	vmov s26  }
0xa: {  	v50 =	vor.u32 $0x70, v62;
	[tilespmem:$0x1FFE0] =	vst v45;
	s25 =	sshrl.u32 s8, $0x1;
	s2 =	sadd.s32 s6, s2;
	s11 =	sor.u32 $0x2, s26;
	v0 =	vbroadcast v0, $0x0  }
0xb: {  	[tilespmem:$0x1FFF0] =	vst v50;
	s9 =	smul.u32 $0x7A1400, s5;
	s5 =	sshllo.u32 s5, $0x3;
	s10 =	sor.u32 $0x1, s26;
	v56 =	vmov s11  }
0xc: {  	s6 =	ssub.s32 s8, s25;
	s28 =	sshrl.u32 s0, $0x3;
	s12 =	sor.u32 $0x3, s26;
	v63 =	vmov s5;
	v1 =	vmov s10;
	[tilespmem:$0x1FF10] =	vst v0;
	v0 =	vbroadcast v56, $0x0  }
0xd: {  	s14 =	sadd.s32 $0x1E000, s0;
	s25 =	simm.s32 $0x2;
	s13 =	sor.u32 $0x4, s26;
	v57 =	vmov s12;
	[tilespmem:$0x1FF80] =	vst v63;
	v55 =	vbroadcast v1, $0x0  }
0xe: {  	s15 =	sor.u32 $0x5, s26;
	s18 =	sor.u32 $0x6, s26;
	s31 =	sadd.s32 s4, s28;
	v58 =	vmov s13;
	[tilespmem:$0x1FF30] =	vst v0;
	v0 =	vbroadcast v57, $0x0  }
0xf: {  	s16 =	sadd.s32 $0x20E00, s2;
	s17 =	smax.u32 s6, $0x1;
	s7 =	sadd.s32 s7, s9;
	v60 =	vmov s15;
	v59 =	vbroadcast v58, $0x0;
	[tilespmem:$0x1FF20] =	vst v55  }
0x10: {  	s26 =	simm.s32 $0x4;
	s9 =	sshrl.u32 s9, $0x3;
	s7 =	sshrl.u32 s7, $0x3;
	[tilespmem:$0x1FF40] =	vst v0;
	v0 =	vbroadcast v60, $0x0  }
0x11: {  	[dreg:$0x5] =	wrdreg s31;
	s12 =	sadd.s32 $0x1000, s0;
	v61 =	vmov s18;
	s7 =	sadd.s32 s1, s7;
	[tilespmem:$0x1FF50] =	vst v59  }
0x12: {  	s13 =	sadd.s32 $0x1800, s0;
	[dreg:$0x4] =	wrdreg s7;
	s7 =	sadd.s32 $0x800, s0;
	v55 =	vor.u32 $0x20, v62;
	[tilespmem:$0x1FF60] =	vst v0;
	v0 =	vbroadcast v61, $0x0  }
0x13: {  	s15 =	sadd.s32 $0x1FE00, s2;
	s8 =	sadd.s32 s1, s9;
	s29 =	sshrl.u32 s7, $0x3;
	[tilespmem:$0x1FFA0] =	vst v55  }
0x14: {  	s18 =	simm.s32 $0x9000;
	s10 =	sadd.s32 s7, s8;
	s11 =	sadd.s32 s4, s29;
	[tilespmem:$0x1FF70] =	vst v0  }
.LBB2_1:
0x15: {  	s1 =	rddreg [dreg:$0x1]  }
0x16: {  	[tilespmem:s18], [sflag:$0x5] =	stream.linear.gather [hbm4b:s1+s3], $0x80, $0x38;
	[tilespmem:$0x9880] =	vst v63  }
0x17: {  	_ =	swait.ge [sflag:s19], $0x80  }
0x18: {  	v0 =	vld [tilespmem:$0x1FF10]  }
0x19: {  	v27 =	vld [tilespmem:$0x1FF20]  }
0x1a: {  	v28 =	vld [tilespmem:$0x1FF30]  }
0x1b: {  	v34 =	vimm.s32 $0x0;
	v29 =	vld [tilespmem:$0x1FF40]  }
0x1c: {  	v35 =	vimm.s32 $0x0;
	v30 =	vld [tilespmem:$0x1FF50];
	[tilespmem:$0x1FDB0] =	vst v34  }
0x1d: {  	v36 =	vimm.s32 $0x0;
	v31 =	vld [tilespmem:$0x1FF60];
	[tilespmem:$0x1FDC0] =	vst v35  }
0x1e: {  	v37 =	vimm.f32 $-Inf;
	[sflag:s19] =	ssyncset.done $0x0;
	v32 =	vld [tilespmem:$0x1FF70];
	[tilespmem:$0x1FDD0] =	vst v36  }
0x1f: {  	v38 =	vimm.s32 $0x0;
	v33 =	vld [tilespmem:$0x1FF80];
	[tilespmem:$0x1FDE0] =	vst v37;
	[sflag:s19] =	ssyncadd.s32 $0xFFFFFF80  }
0x20: {  	v41 =	vimm.f32 $-Inf;
	[tilespmem:$0x1FDF0] =	vst v38;
	v23 =	vld.idx.msk [tilespmem:v0+s18+$0x0], $0xffff  }
0x21: {  	v44 =	vimm.s32 $0x0;
	[tilespmem:$0x1FE00] =	vst v41;
	v39 =	vld.idx.msk [tilespmem:v27+s18+$0x0], $0xffff  }
0x22: {  	v46 =	vimm.f32 $-Inf;
	[tilespmem:$0x1FE10] =	vst v44;
	v40 =	vld.idx.msk [tilespmem:v28+s18+$0x0], $0xffff  }
0x23: {  	v48 =	vimm.s32 $0x0;
	[tilespmem:$0x1FE20] =	vst v46;
	v47 =	vld.idx.msk [tilespmem:v29+s18+$0x0], $0xffff  }
0x24: {  	v49 =	vimm.f32 $-Inf;
	[tilespmem:$0x1FE30] =	vst v48;
	v53 =	vld.idx.msk [tilespmem:v30+s18+$0x0], $0xffff  }
0x25: {  	v57 =	vimm.s32 $0x0;
	[tilespmem:$0x1FE40] =	vst v49;
	v54 =	vld.idx.msk [tilespmem:v31+s18+$0x0], $0xffff  }
0x26: {  	v58 =	vimm.f32 $-Inf;
	s28 =	rddreg [dreg:$0x4];
	[tilespmem:$0x1FE50] =	vst v57;
	v56 =	vld.idx.msk [tilespmem:v32+s18+$0x0], $0xffff  }
0x27: {  	v60 =	vimm.s32 $0x0;
	[tilespmem:$0x1FE60] =	vst v58;
	v59 =	vld.idx.msk [tilespmem:v33+s18+$0x0], $0xffff;
	[tilespmem:s3], [sflag:$0x1] =	stream.linear.gather [hbm4b:s28+s3], $0x4000, $0x38  }
0x28: {  	s29 =	rddreg [dreg:$0x5];
	[tilespmem:$0x1FE70] =	vst v60  }
0x29: {  	v61 =	vimm.f32 $-Inf;
	[tilespmem:s20], [sflag:$0x3] =	stream.linear.gather [hbm4b:s29+s3], $0x800, $0x38;
	[tilespmem:$0x9880] =	vst v63  }
0x2a: {  	[tilespmem:$0x1FE80] =	vst v61  }
0x2b: {  	[tilespmem:s21], [sflag:$0x2] =	stream.linear.gather [hbm4b:s10+s3], $0x4000, $0x38;
	[tilespmem:$0x9880] =	vst v63  }
0x2c: {  	[tilespmem:$0x1FE90] =	vst v23  }
0x2d: {  	[tilespmem:$0x1FEA0] =	vst v39  }
0x2e: {  	[tilespmem:$0x1FEB0] =	vst v40  }
0x2f: {  	[tilespmem:$0x1FEC0] =	vst v47  }
0x30: {  	[tilespmem:$0x1FED0] =	vst v53  }
0x31: {  	[tilespmem:$0x1FEE0] =	vst v54  }
0x32: {  	[tilespmem:$0x1FEF0] =	vst v56  }
0x33: {  	s31 =	smov.u32 s7;
	s5 =	smov.u32 s0;
	s2 =	simm.s32 $0x0;
	[tilespmem:$0x1FF00] =	vst v59  }
0x34: {  	v62 =	vimm.f32 $-Inf;
	v63 =	vimm.f32 $-Inf;
	[tilespmem:s22], [sflag:$0x4] =	stream.linear.gather [hbm4b:s11+s3], $0x800, $0x38;
	[tilespmem:$0x9880] =	vst v63  }
.LBB2_2:
0x35: {  	_ =	swait.ge [sflag:s23], $0x4000  }
0x36: {  	[sflag:s23] =	ssyncset.done $0x0  }
0x37: {  	[sflag:s23] =	ssyncadd.s32 $0xFFFFC000  }
0x38: {  	_ =	swait.ge [sflag:s24], $0x800  }
0x39: {  	[sflag:s24] =	ssyncset.done $0x0  }
0x3a: {  	s28 =	simm.s32 $0x8040;
	[sflag:s24] =	ssyncadd.s32 $0xFFFFF800  }
0x3b: {  	v0 =	vld [tilespmem:s28+$0x30]  }
0x3c: {  	s29 =	simm.s32 $0x200;
	v1 =	vld [tilespmem:s28+$0x20]  }
0x3d: {  	v2 =	vld [tilespmem:s29+$0xFFFFFE70]  }
0x3e: {  	v3 =	vld [tilespmem:s29+$0xFFFFFEF0]  }
0x3f: {  	v4 =	vld [tilespmem:s29+$0xFFFFFF70]  }
0x40: {  	v5 =	vld [tilespmem:s29+$0xFFFFFFF0]  }
0x41: {  	v6 =	vld [tilespmem:s29+$0x70]  }
0x42: {  	v7 =	vld [tilespmem:s29+$0xF0]  }
0x43: {  	v8 =	vld [tilespmem:s29+$0x170]  }
0x44: {  	v9 =	vld [tilespmem:s29+$0x1F0]  }
0x45: {  	v10 =	vld [tilespmem:s28+$0x10]  }
0x46: {  	v11 =	vld [tilespmem:s29+$0xFFFFFE60]  }
0x47: {  	v12 =	vld [tilespmem:s29+$0xFFFFFEE0]  }
0x48: {  	v13 =	vld [tilespmem:s29+$0xFFFFFF60]  }
0x49: {  	v14 =	vld [tilespmem:s29+$0xFFFFFFE0]  }
0x4a: {  	v15 =	vld [tilespmem:s29+$0x60]  }
0x4b: {  	v16 =	vld [tilespmem:s29+$0xE0]  }
0x4c: {  	v17 =	vld [tilespmem:s29+$0x160]  }
0x4d: {  	v18 =	vld [tilespmem:s29+$0x1E0]  }
0x4e: {  	v19 =	vld [tilespmem:s28+$0x0]  }
0x4f: {  	v20 =	vld [tilespmem:s29+$0xFFFFFE50]  }
0x50: {  	v21 =	vld [tilespmem:s29+$0xFFFFFED0]  }
0x51: {  	v22 =	vld [tilespmem:s29+$0xFFFFFF50]  }
0x52: {  	v24 =	vld [tilespmem:s29+$0xFFFFFFD0]  }
0x53: {  	v25 =	vld [tilespmem:s29+$0x50]  }
0x54: {  	v26 =	vld [tilespmem:s29+$0xD0]  }
0x55: {  	v27 =	vld [tilespmem:s29+$0x150]  }
0x56: {  	v28 =	vld [tilespmem:s29+$0x1D0]  }
0x57: {  	v29 =	vld [tilespmem:s28+$0xFFFFFFF0];
	v2 =	vmul.f32 v2, v23;
	v3 =	vmul.f32 v3, v39  }
0x58: {  	v30 =	vld [tilespmem:s29+$0xFFFFFE40];
	v4 =	vmul.f32 v4, v40;
	v5 =	vmul.f32 v5, v47  }
0x59: {  	v32 =	vld [tilespmem:s29+$0xFFFFFF40];
	v6 =	vmul.f32 v6, v53;
	v31 =	vmul.f32 v7, v54  }
0x5a: {  	v33 =	vld [tilespmem:s29+$0xFFFFFFC0];
	v8 =	vmul.f32 v8, v56;
	v9 =	vmul.f32 v9, v59  }
0x5b: {  	v34 =	vld [tilespmem:s29+$0x40];
	v11 =	vmul.f32 v11, v23;
	v12 =	vmul.f32 v12, v39  }
0x5c: {  	v36 =	vld [tilespmem:s29+$0x140];
	v13 =	vmul.f32 v13, v40;
	v14 =	vmul.f32 v14, v47  }
0x5d: {  	v7 =	vld [tilespmem:s29+$0xFFFFFEC0];
	v15 =	vmul.f32 v15, v53;
	v35 =	vmul.f32 v16, v54  }
0x5e: {  	v37 =	vld [tilespmem:s29+$0x1C0];
	v17 =	vmul.f32 v17, v56;
	v18 =	vmul.f32 v18, v59  }
0x5f: {  	v46 =	vld [tilespmem:s28+$0xFFFFFFE0];
	v20 =	vmul.f32 v20, v23;
	v21 =	vmul.f32 v21, v39  }
0x60: {  	v16 =	vld [tilespmem:s29+$0xC0];
	v22 =	vmul.f32 v22, v40;
	v24 =	vmul.f32 v24, v47  }
0x61: {  	v41 =	vld [tilespmem:s29+$0xFFFFFE30];
	v38 =	vmul.f32 v25, v53;
	v26 =	vmul.f32 v26, v54  }
0x62: {  	v44 =	vld [tilespmem:s29+$0xFFFFFEB0];
	v48 =	vmul.f32 v7, v39;
	v7 =	vsub.f32 v3, v0;
	v3 =	vsub.f32 v4, v0  }
0x63: {  	v49 =	vld [tilespmem:s29+$0xFFFFFF30];
	v27 =	vmul.f32 v27, v56;
	v25 =	vsub.f32 v2, v0;
	v4 =	vsub.f32 v5, v0  }
0x64: {  	v28 =	vmul.f32 v28, v59;
	v2 =	vld [tilespmem:s29+$0xFFFFFFB0];
	v58 =	vsub.f32 v26, v10;
	v5 =	vsub.f32 v31, v0;
	[tilespmem:$0x1FC40] =	vst v3  }
0x65: {  	v26 =	vld [tilespmem:s29+$0x120];
	v61 =	vmul.f32 v16, v54;
	v16 =	vsub.f32 v11, v1;
	v11 =	vsub.f32 v13, v1;
	[tilespmem:$0x1FC50] =	vst v4  }
0x66: {  	v30 =	vmul.f32 v30, v23;
	v32 =	vmul.f32 v32, v40;
	v3 =	vld [tilespmem:s29+$0x30];
	v4 =	vsub.f32 v6, v0;
	[tilespmem:$0x1FC70] =	vst v5  }
0x67: {  	v33 =	vmul.f32 v33, v47;
	v5 =	vsub.f32 v8, v0;
	v0 =	vsub.f32 v9, v0;
	[tilespmem:$0x1FCA0] =	vst v11;
	v11 =	vld [tilespmem:s29+$0xFFFFFE20]  }
0x68: {  	v34 =	vmul.f32 v34, v53;
	v36 =	vmul.f32 v36, v56;
	v20 =	vsub.f32 v20, v10;
	[tilespmem:$0x1FC60] =	vst v4;
	v4 =	vld [tilespmem:s29+$0xB0]  }
0x69: {  	v13 =	vsub.f32 v14, v1;
	v14 =	vmul.f32 v2, v47;
	v2 =	vsub.f32 v35, v1;
	[tilespmem:$0x1FC90] =	vst v0;
	v0 =	vld [tilespmem:s29+$0x1B0]  }
0x6a: {  	v21 =	vsub.f32 v21, v10;
	v60 =	vsub.f32 v24, v10;
	v31 =	vmul.f32 v41, v23;
	[tilespmem:$0x1FC80] =	vst v5;
	v5 =	vld [tilespmem:s29+$0x130]  }
0x6b: {  	v6 =	vmul.f32 v37, v59;
	v8 =	vsub.f32 v12, v1;
	[tilespmem:$0x1FCD0] =	vst v2;
	v2 =	vsub.f32 v17, v1;
	v17 =	vld [tilespmem:s29+$0x20]  }
0x6c: {  	v9 =	vmul.f32 v44, v39;
	[tilespmem:$0x1FCB0] =	vst v13;
	v13 =	vsub.f32 v15, v1;
	v1 =	vsub.f32 v18, v1;
	v18 =	vld [tilespmem:s29+$0xA0]  }
0x6d: {  	v57 =	vsub.f32 v38, v10;
	v12 =	vmul.f32 v49, v40;
	[tilespmem:$0x1FCE0] =	vst v2;
	v2 =	vld [tilespmem:s29+$0xFFFFFF20];
	v15 =	vmul.f32 v3, v53  }
0x6e: {  	[tilespmem:$0x1FCF0] =	vst v1;
	v1 =	vld [tilespmem:s29+$0xFFFFFFA0];
	v3 =	vsub.f32 v22, v10;
	v24 =	vmul.f32 v0, v59;
	v0 =	vsub.f32 v27, v10  }
0x6f: {  	v49 =	vmovc v59;
	v11 =	vmul.f32 v11, v23;
	v27 =	vsub.f32 v30, v19;
	v59 =	vsub.f32 v28, v10;
	v10 =	vld [tilespmem:s29+$0x1A0]  }
0x70: {  	[tilespmem:$0x1FD00] =	vst v3;
	v22 =	vmul.f32 v5, v56;
	v28 =	vsub.f32 v48, v19;
	v5 =	vsub.f32 v34, v19;
	v34 =	vld [tilespmem:s29+$0xFFFFFE00]  }
0x71: {  	v35 =	vmul.f32 v4, v54;
	v3 =	vsub.f32 v32, v19;
	[tilespmem:$0x1FD10] =	vst v0;
	v0 =	vsub.f32 v36, v19;
	v36 =	vld [tilespmem:s29+$0xFFFFFE10]  }
0x72: {  	[tilespmem:$0x1FCC0] =	vst v13;
	v13 =	vld [tilespmem:s29+$0xFFFFFEA0];
	v4 =	vsub.f32 v33, v19;
	v38 =	vmul.f32 v18, v54;
	v18 =	vsub.f32 v12, v29  }
0x73: {  	v37 =	vmul.f32 v17, v53;
	v12 =	vld [tilespmem:s29+$0xFFFFFE80];
	v17 =	vsub.f32 v15, v29;
	v15 =	vsub.f32 v11, v46  }
0x74: {  	v30 =	vld [tilespmem:s28+$0xFFFFFFC0];
	v32 =	vmul.f32 v2, v40;
	v33 =	vmul.f32 v1, v47;
	v1 =	vsub.f32 v61, v19  }
0x75: {  	v2 =	vsub.f32 v6, v19;
	v19 =	vsub.f32 v14, v29;
	v61 =	vld [tilespmem:s28+$0xFFFFFFD0];
	v14 =	vmul.f32 v10, v49  }
0x76: {  	v10 =	vsub.f32 v24, v29;
	v11 =	vmul.f32 v34, v23;
	v24 =	vmul.f32 v36, v23;
	v23 =	vld [tilespmem:$0x1FE80];
	_ =	sdelay $0x1  }
0x77: {  	v41 =	vmovc v47;
	v44 =	vsub.f32 v9, v29;
	v47 =	vld [tilespmem:s29+$0xFFFFFE90];
	v9 =	vsub.f32 v35, v29;
	v12 =	vmul.f32 v12, v39  }
0x78: {  	v26 =	vmul.f32 v26, v56;
	v6 =	vsub.f32 v22, v29;
	v22 =	vld [tilespmem:s29+$0xFFFFFF10];
	v35 =	vsub.f32 v11, v30  }
0x79: {  	v31 =	vsub.f32 v31, v29;
	v13 =	vmul.f32 v13, v39;
	v48 =	vsub.f32 v12, v30  }
0x7a: {  	v12 =	vsub.f32 v26, v46;
	v26 =	vld [tilespmem:s29+$0x110];
	v24 =	vsub.f32 v24, v61;
	vm1 =	vgt.f32 v35, v23  }
0x7b: {  	v29 =	vsub.f32 v13, v46;
	v13 =	vsub.f32 v14, v46;
	v14 =	vsel vm1, v35, v23;
	v23 =	vld [tilespmem:$0x1FE60]  }
0x7c: {  	v37 =	vsub.f32 v37, v46;
	v34 =	vld [tilespmem:s29+$0xFFFFFF90];
	v36 =	vmul.f32 v47, v39;
	vm0 =	vgt.f32 v24, v14  }
0x7d: {  	v11 =	vsub.f32 v38, v46;
	v38 =	vld [tilespmem:s29+$0x10];
	v22 =	vmul.f32 v22, v40;
	v14 =	vsel vm0, v24, v14  }
0x7e: {  	v32 =	vsub.f32 v32, v46;
	v33 =	vsub.f32 v33, v46;
	v47 =	vld [tilespmem:s29+$0x90];
	vm2 =	vgt.f32 v15, v14  }
0x7f: {  	v46 =	vsub.f32 v36, v61;
	v36 =	vld [tilespmem:s29+$0x190];
	v22 =	vsub.f32 v22, v61;
	v14 =	vsel vm2, v15, v14  }
0x80: {  	v26 =	vmul.f32 v26, v56;
	vm6 =	vgt.f32 v48, v23;
	vm4 =	vgt.f32 v31, v14  }
0x81: {  	v24 =	vmul.f32 v34, v41;
	v23 =	vsel vm6, v48, v23;
	v14 =	vsel vm4, v31, v14  }
0x82: {  	v34 =	vmul.f32 v38, v53;
	vm9 =	vgt.f32 v46, v23;
	vm3 =	vgt.f32 v27, v14  }
0x83: {  	v48 =	vmul.f32 v47, v54;
	v47 =	vld [tilespmem:s29+$0xFFFFFF80];
	v35 =	vsel vm9, v46, v23;
	v27 =	vsel vm3, v27, v14  }
0x84: {  	v36 =	vmul.f32 v36, v49;
	v31 =	vld [tilespmem:s29+$0x80];
	vm5 =	vgt.f32 v29, v35;
	vm8 =	vgt.f32 v20, v27  }
0x85: {  	v39 =	vsub.f32 v34, v61;
	v46 =	vld [tilespmem:s29+$0xFFFFFF00];
	v15 =	vsel vm5, v29, v35;
	v20 =	vsel vm8, v20, v27  }
0x86: {  	v23 =	vsub.f32 v24, v61;
	v29 =	vld [tilespmem:s29+$0x0];
	vm7 =	vgt.f32 v44, v15;
	vm11 =	vgt.f32 v16, v20  }
0x87: {  	v14 =	vsub.f32 v26, v61;
	v35 =	vsel vm7, v44, v15;
	v44 =	vld [tilespmem:s29+$0x100];
	v16 =	vsel vm11, v16, v20  }
0x88: {  	v24 =	vsub.f32 v36, v61;
	vm10 =	vgt.f32 v28, v35;
	vm14 =	vgt.f32 v25, v16  }
0x89: {  	v15 =	vsub.f32 v48, v61;
	v48 =	vld [tilespmem:s29+$0x180];
	v26 =	vsel vm10, v28, v35;
	v16 =	vsel vm14, v25, v16  }
0x8a: {  	v27 =	vmul.f32 v46, v40;
	v28 =	vmul.f32 v47, v41;
	vm12 =	vgt.f32 v21, v26;
	[tilespmem:$0x1FD20] =	vst v16;
	v16 =	vld [tilespmem:$0x1FE50]  }
0x8b: {  	v21 =	vsel vm12, v21, v26;
	v26 =	vmul.f32 v29, v53;
	v29 =	vmul.f32 v31, v54  }
0x8c: {  	v31 =	vsub.f32 v27, v30;
	v54 =	vmul.f32 v44, v56;
	vm13 =	vgt.f32 v8, v21  }
0x8d: {  	s1 =	sadd.s32 $0x0, s5;
	v56 =	vsub.f32 v28, v30;
	v20 =	vsel vm13, v8, v21;
	v8 =	vlaneseq.u32  }
0x8e: {  	v25 =	vld [tilespmem:$0x1FE00];
	v28 =	vmul.f32 v48, v49;
	v61 =	vsub.f32 v26, v30;
	v8 =	vor.u32 s1, v8  }
0x8f: {  	v27 =	vsub.f32 v29, v30;
	v21 =	vld [tilespmem:$0x1FE20];
	v16 =	vsel vm6, v8, v16;
	vm6 =	vgt.f32 v7, v20  }
0x90: {  	v26 =	vsub.f32 v54, v30;
	v28 =	vsub.f32 v28, v30;
	v30 =	vsel vm6, v7, v20;
	v7 =	vld [tilespmem:$0x1FE70]  }
0x91: {  	v38 =	vor.u32 s1, v51;
	v51 =	vor.u32 s1, v50;
	v20 =	vld [tilespmem:$0x1FE40]  }
0x92: {  	v36 =	vor.u32 s1, v43;
	v46 =	vor.u32 s1, v45;
	v48 =	vor.u32 s1, v52  }
0x93: {  	v47 =	vor.u32 s1, v55;
	vm15 =	vgt.f32 v61, v25;
	v16 =	vsel vm9, v48, v16  }
0x94: {  	v35 =	vor.u32 s1, v42;
	v25 =	vsel vm15, v61, v25;
	v16 =	vsel vm5, v47, v16  }
0x95: {  	v29 =	vimm.s32 $0x0;
	vm5 =	vgt.f32 v39, v25;
	v16 =	vsel vm7, v36, v16  }
0x96: {  	v7 =	vsel vm1, v8, v7;
	vm9 =	vgt.f32 v31, v20;
	vm1 =	vgt.f32 v56, v21  }
0x97: {  	v16 =	vsel vm10, v35, v16;
	v20 =	vsel vm9, v31, v20;
	v29 =	vsel vm1, $0xFFFFFFFF, v29  }
0x98: {  	v7 =	vsel vm0, v48, v7;
	[tilespmem:$0x1FD30] =	vst v29;
	vm0 =	vgt.f32 v22, v20;
	v29 =	vimm.s32 $0x0  }
0x99: {  	v21 =	vsel vm1, v56, v21;
	v7 =	vsel vm2, v47, v7;
	v29 =	vsel vm0, $0xFFFFFFFF, v29  }
0x9a: {  	v20 =	vsel vm0, v22, v20;
	vm0 =	vgt.f32 v23, v21;
	v22 =	vimm.s32 $0x0  }
0x9b: {  	v7 =	vsel vm4, v36, v7;
	v22 =	vsel vm0, $0xFFFFFFFF, v22;
	v21 =	vsel vm0, v23, v21  }
0x9c: {  	vm1 =	vgt.f32 v32, v20;
	v23 =	vimm.s32 $0x0;
	v7 =	vsel vm3, v35, v7  }
0x9d: {  	[tilespmem:$0x1FD50] =	vst v22;
	v22 =	vsel vm5, v39, v25;
	vm0 =	vgt.f32 v33, v21;
	v23 =	vsel vm1, $0xFFFFFFFF, v23  }
0x9e: {  	v20 =	vsel vm1, v32, v20;
	v25 =	vsel vm12, v38, v16;
	[tilespmem:$0x1FD60] =	vst v23;
	v23 =	vimm.s32 $0x0  }
0x9f: {  	v31 =	vld [tilespmem:$0x1FE10];
	[tilespmem:$0x1FD40] =	vst v29;
	v16 =	vimm.s32 $0x0;
	v21 =	vsel vm0, v33, v21;
	v23 =	vsel vm0, $0xFFFFFFFF, v23  }
0xa0: {  	v29 =	vld [tilespmem:$0x1FDF0];
	vm0 =	vgt.f32 v37, v22;
	vm12 =	vgt.f32 v19, v21;
	[tilespmem:$0x1FD70] =	vst v23;
	v23 =	vimm.s32 $0x0  }
0xa1: {  	v32 =	vld [tilespmem:$0x1FE30];
	v22 =	vsel vm0, v37, v22;
	v23 =	vsel vm0, $0xFFFFFFFF, v23;
	vm0 =	vgt.f32 v18, v20  }
0xa2: {  	[tilespmem:$0x1FD80] =	vst v23;
	v16 =	vsel vm0, $0xFFFFFFFF, v16;
	v18 =	vsel vm0, v18, v20;
	vm0 =	vgt.f32 v17, v22;
	v23 =	vld [tilespmem:$0x1FDC0]  }
0xa3: {  	v20 =	vimm.s32 $0x0;
	[tilespmem:$0x1FD90] =	vst v16;
	v16 =	vsel vm12, v19, v21;
	v19 =	vsel vm13, v46, v25;
	v25 =	vld [tilespmem:$0x1FDB0]  }
0xa4: {  	v7 =	vsel vm8, v38, v7;
	v20 =	vsel vm0, $0xFFFFFFFF, v20;
	v17 =	vsel vm0, v17, v22;
	v22 =	vld [tilespmem:$0x1FDD0]  }
0xa5: {  	s6 =	simm.s32 $0x80;
	s1 =	sshll.u32 s2, $0xC;
	v7 =	vsel vm11, v46, v7;
	[tilespmem:$0x1FDA0] =	vst v20;
	v42 =	vsel vm6, v51, v19;
	v19 =	vld [tilespmem:$0x1FDE0]  }
.LBB2_3:
0xa6: {  	v20 =	vimm.s32 $0x0  }
0xa7: {  	v20 =	vsel vm5, $0xFFFFFFFF, v20  }
0xa8: {  	[tilespmem:$0x1FA80] =	vst v20;
	v20 =	vimm.s32 $0x0  }
0xa9: {  	v20 =	vsel vm9, $0xFFFFFFFF, v20  }
0xaa: {  	[tilespmem:$0x1FA60] =	vst v20;
	v20 =	vimm.s32 $0x0  }
0xab: {  	vm1 =	vgt.f32 v4, v16;
	v20 =	vsel vm15, $0xFFFFFFFF, v20  }
0xac: {  	v4 =	vsel vm1, v4, v16;
	v16 =	vld [tilespmem:$0x1FD00];
	[tilespmem:$0x1FA70] =	vst v20;
	v20 =	vimm.s32 $0x0  }
0xad: {  	v20 =	vsel vm12, $0xFFFFFFFF, v20  }
0xae: {  	[tilespmem:$0x1FA90] =	vst v20;
	v20 =	vimm.s32 $0x0  }
0xaf: {  	vm0 =	vgt.f32 v3, v18;
	vm2 =	vgt.f32 v5, v17;
	v20 =	vsel vm14, $0xFFFFFFFF, v20  }
0xb0: {  	v3 =	vsel vm0, v3, v18;
	v5 =	vsel vm2, v5, v17;
	[tilespmem:$0x1FB60] =	vst v20;
	v20 =	vimm.s32 $0x0  }
0xb1: {  	v17 =	vimm.s32 $0x0;
	v20 =	vsel vm0, $0xFFFFFFFF, v20;
	vm0 =	vgt.f32 v16, v3  }
0xb2: {  	[tilespmem:$0x1FAA0] =	vst v20;
	v20 =	vimm.s32 $0x0;
	v17 =	vsel vm0, $0xFFFFFFFF, v17;
	v3 =	vsel vm0, v16, v3;
	v16 =	vld [tilespmem:$0x1FCA0]  }
0xb3: {  	v20 =	vsel vm1, $0xFFFFFFFF, v20;
	[tilespmem:$0x1FAD0] =	vst v17;
	vm1 =	vgt.f32 v60, v4;
	v17 =	vimm.s32 $0x0  }
0xb4: {  	[tilespmem:$0x1FAB0] =	vst v20;
	v20 =	vimm.s32 $0x0;
	v17 =	vsel vm1, $0xFFFFFFFF, v17  }
0xb5: {  	v20 =	vsel vm2, $0xFFFFFFFF, v20;
	[tilespmem:$0x1FAE0] =	vst v17;
	vm2 =	vgt.f32 v57, v5;
	v17 =	vimm.s32 $0x0  }
0xb6: {  	v17 =	vsel vm2, $0xFFFFFFFF, v17  }
0xb7: {  	[tilespmem:$0x1FAF0] =	vst v17;
	vm0 =	vgt.f32 v16, v3;
	v17 =	vimm.s32 $0x0  }
0xb8: {  	v17 =	vsel vm0, $0xFFFFFFFF, v17;
	v3 =	vsel vm0, v16, v3;
	v16 =	vld [tilespmem:$0x1FC40]  }
0xb9: {  	[tilespmem:$0x1FB00] =	vst v17;
	v17 =	vld [tilespmem:$0x1FCB0];
	_ =	sdelay $0x3  }
0xba: {  	v4 =	vsel vm1, v60, v4  }
0xbb: {  	v18 =	vimm.s32 $0x0;
	vm0 =	vgt.f32 v16, v3;
	vm1 =	vgt.f32 v17, v4  }
0xbc: {  	v18 =	vsel vm1, $0xFFFFFFFF, v18;
	v4 =	vsel vm1, v17, v4;
	v17 =	vimm.s32 $0x0  }
0xbd: {  	[tilespmem:$0x1FB10] =	vst v18;
	v18 =	vld [tilespmem:$0x1FCC0];
	v17 =	vsel vm0, $0xFFFFFFFF, v17  }
0xbe: {  	[tilespmem:$0x1FB30] =	vst v17;
	v17 =	vld [tilespmem:$0x1FC50];
	_ =	sdelay $0x2  }
0xbf: {  	v5 =	vsel vm2, v57, v5  }
0xc0: {  	vm2 =	vgt.f32 v18, v5  }
0xc1: {  	v5 =	vsel vm2, v18, v5;
	vm1 =	vgt.f32 v17, v4;
	v18 =	vimm.s32 $0x0  }
0xc2: {  	v18 =	vsel vm1, $0xFFFFFFFF, v18  }
0xc3: {  	[tilespmem:$0x1FB40] =	vst v18;
	v18 =	vld [tilespmem:$0x1FC60];
	_ =	sdelay $0x3  }
0xc4: {  	[tilespmem:$0x1FAC0] =	vst v20;
	v20 =	vimm.s32 $0x0;
	v3 =	vsel vm0, v16, v3  }
0xc5: {  	[tilespmem:$0x1FC10] =	vst v3;
	v20 =	vsel vm2, $0xFFFFFFFF, v20;
	v3 =	vsel vm1, v17, v4;
	vm2 =	vgt.f32 v18, v5  }
0xc6: {  	[tilespmem:$0x1FC20] =	vst v3;
	v3 =	vsel vm2, v18, v5  }
0xc7: {  	vm0 =	vgt.f32 v27, v19;
	[tilespmem:$0x1FC30] =	vst v3;
	v3 =	vimm.s32 $0x0  }
0xc8: {  	v3 =	vsel vm0, $0xFFFFFFFF, v3  }
0xc9: {  	vm1 =	vgt.f32 v26, v63;
	[tilespmem:$0x1F9D0] =	vst v3;
	v3 =	vimm.s32 $0x0  }
0xca: {  	[tilespmem:$0x1FB20] =	vst v20;
	v20 =	vimm.s32 $0x0;
	v3 =	vsel vm1, $0xFFFFFFFF, v3  }
0xcb: {  	v20 =	vsel vm2, $0xFFFFFFFF, v20;
	vm2 =	vgt.f32 v28, v62;
	[tilespmem:$0x1F9E0] =	vst v3;
	v3 =	vimm.s32 $0x0  }
0xcc: {  	v5 =	vsel vm0, v27, v19;
	v3 =	vsel vm2, $0xFFFFFFFF, v3  }
0xcd: {  	vm0 =	vgt.f32 v15, v5;
	[tilespmem:$0x1F9F0] =	vst v3;
	v3 =	vimm.s32 $0x0  }
0xce: {  	v16 =	vsel vm1, v26, v63;
	v17 =	vsel vm2, v28, v62;
	v3 =	vsel vm0, $0xFFFFFFFF, v3  }
0xcf: {  	v15 =	vsel vm0, v15, v5;
	vm1 =	vgt.f32 v14, v16;
	[tilespmem:$0x1FA00] =	vst v3;
	v3 =	vimm.s32 $0x0  }
0xd0: {  	v16 =	vsel vm1, v14, v16;
	vm2 =	vgt.f32 v24, v17;
	v3 =	vsel vm1, $0xFFFFFFFF, v3  }
0xd1: {  	v17 =	vsel vm2, v24, v17;
	vm0 =	vgt.f32 v11, v15;
	[tilespmem:$0x1FA10] =	vst v3;
	v3 =	vimm.s32 $0x0  }
0xd2: {  	vm1 =	vgt.f32 v12, v16;
	v3 =	vsel vm2, $0xFFFFFFFF, v3;
	vm2 =	vgt.f32 v13, v17  }
0xd3: {  	v15 =	vsel vm0, v11, v15;
	v16 =	vsel vm1, v12, v16;
	v13 =	vsel vm2, v13, v17  }
0xd4: {  	vm12 =	vgt.f32 v9, v15;
	vm13 =	vgt.f32 v6, v16;
	vm14 =	vgt.f32 v10, v13  }
0xd5: {  	v19 =	vld [tilespmem:$0x1FCF0];
	v9 =	vsel vm12, v9, v15;
	v15 =	vsel vm13, v6, v16;
	v10 =	vsel vm14, v10, v13  }
0xd6: {  	vm10 =	vgt.f32 v0, v15;
	vm11 =	vgt.f32 v2, v10  }
0xd7: {  	v0 =	vsel vm10, v0, v15;
	v15 =	vld [tilespmem:$0x1FD10];
	v2 =	vsel vm11, v2, v10  }
0xd8: {  	v18 =	vld [tilespmem:$0x1FCD0];
	vm8 =	vgt.f32 v59, v2  }
0xd9: {  	vm9 =	vgt.f32 v1, v9;
	v17 =	vld [tilespmem:$0x1FCE0];
	v2 =	vsel vm8, v59, v2  }
0xda: {  	[tilespmem:$0x1FB50] =	vst v20;
	v20 =	vld [tilespmem:$0x1FC70];
	v1 =	vsel vm9, v1, v9;
	vm5 =	vgt.f32 v19, v2  }
0xdb: {  	vm6 =	vgt.f32 v58, v1;
	v2 =	vsel vm5, v19, v2;
	v19 =	vld [tilespmem:$0x1FC80]  }
0xdc: {  	v21 =	vld [tilespmem:$0x1FC90];
	v14 =	vimm.s32 $0x0;
	v1 =	vsel vm6, v58, v1;
	vm7 =	vgt.f32 v15, v0  }
0xdd: {  	v14 =	vsel vm0, $0xFFFFFFFF, v14;
	vm3 =	vgt.f32 v18, v1;
	v15 =	vsel vm7, v15, v0  }
0xde: {  	[tilespmem:$0x1FA30] =	vst v14;
	v14 =	vimm.s32 $0x0;
	v1 =	vsel vm3, v18, v1;
	vm4 =	vgt.f32 v17, v15  }
0xdf: {  	v14 =	vsel vm1, $0xFFFFFFFF, v14;
	vm0 =	vgt.f32 v20, v1;
	v15 =	vsel vm4, v17, v15  }
0xe0: {  	[tilespmem:$0x1FA40] =	vst v14;
	v14 =	vimm.s32 $0x0;
	v1 =	vsel vm0, v20, v1;
	vm1 =	vgt.f32 v19, v15  }
0xe1: {  	v14 =	vsel vm2, $0xFFFFFFFF, v14;
	[tilespmem:$0x1FDE0] =	vst v1;
	vm2 =	vgt.f32 v21, v2;
	v1 =	vsel vm1, v19, v15  }
0xe2: {  	[tilespmem:$0x1FB80] =	vst v1;
	v1 =	vsel vm2, v21, v2;
	v2 =	vld [tilespmem:$0x1F9D0]  }
0xe3: {  	v15 =	vld [tilespmem:$0x1F9E0]  }
0xe4: {  	v19 =	vld [tilespmem:$0x1F9F0]  }
0xe5: {  	v21 =	vld [tilespmem:$0x1FA00];
	_ =	sdelay $0x1  }
0xe6: {  	vm15 =	vnez.u8 v2  }
0xe7: {  	v2 =	vsel vm15, v8, v22;
	vm15 =	vnez.u8 v15  }
0xe8: {  	v15 =	vsel vm15, v8, v23;
	vm15 =	vnez.u8 v19  }
0xe9: {  	v19 =	vsel vm15, v8, v25;
	vm15 =	vnez.u8 v21;
	v21 =	vld [tilespmem:$0x1FA10];
	_ =	sdelay $0x3  }
0xea: {  	[tilespmem:$0x1FA20] =	vst v3  }
0xeb: {  	v2 =	vsel vm15, v48, v2;
	vm15 =	vnez.u8 v21;
	v21 =	vld [tilespmem:$0x1FA20]  }
0xec: {  	v22 =	vld [tilespmem:$0x1FA30];
	_ =	sdelay $0x3  }
0xed: {  	v15 =	vsel vm15, v48, v15;
	vm15 =	vnez.u8 v21  }
0xee: {  	v19 =	vsel vm15, v48, v19;
	vm15 =	vnez.u8 v22;
	v22 =	vld [tilespmem:$0x1FA40];
	_ =	sdelay $0x3  }
0xef: {  	[tilespmem:$0x1FA50] =	vst v14  }
0xf0: {  	v2 =	vsel vm15, v47, v2;
	vm15 =	vnez.u8 v22;
	v22 =	vld [tilespmem:$0x1FA50];
	_ =	sdelay $0x4  }
0xf1: {  	v15 =	vsel vm15, v47, v15;
	vm15 =	vnez.u8 v22  }
0xf2: {  	v15 =	vsel vm13, v36, v15;
	v19 =	vsel vm15, v47, v19  }
0xf3: {  	v2 =	vsel vm12, v36, v2;
	v15 =	vsel vm10, v35, v15;
	v19 =	vsel vm14, v36, v19  }
0xf4: {  	v25 =	vsel vm9, v35, v2;
	v15 =	vsel vm7, v38, v15;
	v19 =	vsel vm11, v35, v19  }
0xf5: {  	v25 =	vsel vm6, v38, v25;
	v15 =	vsel vm4, v46, v15;
	v19 =	vsel vm8, v38, v19  }
0xf6: {  	v25 =	vsel vm3, v46, v25;
	v15 =	vsel vm1, v51, v15;
	v19 =	vsel vm5, v46, v19  }
0xf7: {  	v23 =	vsel vm0, v51, v25;
	[tilespmem:$0x1FDC0] =	vst v15;
	v15 =	vsel vm2, v51, v19;
	v19 =	vld [tilespmem:$0x1FA60]  }
0xf8: {  	[tilespmem:$0x1FDD0] =	vst v23;
	v23 =	vld [tilespmem:$0x1FD30];
	_ =	sdelay $0x3  }
0xf9: {  	vm0 =	vnez.u8 v19  }
0xfa: {  	v19 =	vsel vm0, v8, v32;
	vm0 =	vnez.u8 v23;
	v23 =	vld [tilespmem:$0x1FA70];
	_ =	sdelay $0x4  }
0xfb: {  	v25 =	vsel vm0, v8, v31;
	vm0 =	vnez.u8 v23;
	v23 =	vld [tilespmem:$0x1FD40];
	_ =	sdelay $0x4  }
0xfc: {  	v8 =	vsel vm0, v8, v29;
	vm0 =	vnez.u8 v23;
	v23 =	vld [tilespmem:$0x1FD50];
	_ =	sdelay $0x4  }
0xfd: {  	v19 =	vsel vm0, v48, v19;
	vm0 =	vnez.u8 v23;
	v23 =	vld [tilespmem:$0x1FA80];
	_ =	sdelay $0x4  }
0xfe: {  	v25 =	vsel vm0, v48, v25;
	vm0 =	vnez.u8 v23;
	v23 =	vld [tilespmem:$0x1FD60];
	_ =	sdelay $0x4  }
0xff: {  	v8 =	vsel vm0, v48, v8;
	vm0 =	vnez.u8 v23;
	v23 =	vld [tilespmem:$0x1FD70];
	_ =	sdelay $0x4  }
0x100: {  	v19 =	vsel vm0, v47, v19;
	vm0 =	vnez.u8 v23;
	v23 =	vld [tilespmem:$0x1FD80];
	_ =	sdelay $0x4  }
0x101: {  	v25 =	vsel vm0, v47, v25;
	vm0 =	vnez.u8 v23;
	v23 =	vld [tilespmem:$0x1FD90];
	_ =	sdelay $0x4  }
0x102: {  	v8 =	vsel vm0, v47, v8;
	vm0 =	vnez.u8 v23;
	v23 =	vld [tilespmem:$0x1FA90];
	_ =	sdelay $0x4  }
0x103: {  	v19 =	vsel vm0, v36, v19;
	vm0 =	vnez.u8 v23;
	v23 =	vld [tilespmem:$0x1FDA0];
	_ =	sdelay $0x4  }
0x104: {  	v25 =	vsel vm0, v36, v25;
	vm0 =	vnez.u8 v23;
	v23 =	vld [tilespmem:$0x1FAA0];
	_ =	sdelay $0x4  }
0x105: {  	v8 =	vsel vm0, v36, v8;
	vm0 =	vnez.u8 v23;
	v23 =	vld [tilespmem:$0x1FAB0];
	_ =	sdelay $0x4  }
0x106: {  	v19 =	vsel vm0, v35, v19;
	vm0 =	vnez.u8 v23;
	v23 =	vld [tilespmem:$0x1FAC0];
	_ =	sdelay $0x4  }
0x107: {  	v25 =	vsel vm0, v35, v25;
	vm0 =	vnez.u8 v23;
	v23 =	vld [tilespmem:$0x1FAD0];
	_ =	sdelay $0x4  }
0x108: {  	v8 =	vsel vm0, v35, v8;
	vm0 =	vnez.u8 v23;
	v23 =	vld [tilespmem:$0x1FAE0]  }
0x109: {  	v54 =	vld [tilespmem:$0x1FE90]  }
0x10a: {  	v37 =	vld [tilespmem:$0x1FED0]  }
0x10b: {  	[tilespmem:$0x1FBC0] =	vst v42;
	v42 =	vld [tilespmem:$0x1FEF0]  }
0x10c: {  	v44 =	vld [tilespmem:$0x1FF00]  }
0x10d: {  	s29 =	sadd.s32 $0x400, s29;
	v19 =	vsel vm0, v38, v19;
	vm0 =	vnez.u8 v23;
	v23 =	vld [tilespmem:$0x1FAF0]  }
0x10e: {  	[tilespmem:$0x1FBA0] =	vst v30;
	v30 =	vld [tilespmem:s29+$0xD0]  }
0x10f: {  	v39 =	vld [tilespmem:s29+$0xFFFFFE40]  }
0x110: {  	v41 =	vld [tilespmem:s29+$0x40]  }
0x111: {  	v43 =	vld [tilespmem:s29+$0xC0]  }
0x112: {  	v25 =	vsel vm0, v38, v25;
	vm0 =	vnez.u8 v23;
	v23 =	vld [tilespmem:$0x1FB00]  }
0x113: {  	v45 =	vld [tilespmem:s29+$0x140]  }
0x114: {  	v49 =	vld [tilespmem:s29+$0xFFFFFE30]  }
0x115: {  	v53 =	vld [tilespmem:s29+$0x130]  }
0x116: {  	v60 =	vld [tilespmem:s29+$0x1B0]  }
0x117: {  	s28 =	sadd.s32 $0x80, s28;
	v33 =	vsel vm0, v38, v8;
	vm0 =	vnez.u8 v23;
	v23 =	vld [tilespmem:$0x1FB10]  }
0x118: {  	v4 =	vld [tilespmem:s28+$0x30]  }
0x119: {  	v26 =	vld [tilespmem:s29+$0xFFFFFE50]  }
0x11a: {  	v63 =	vld [tilespmem:$0x1FEB0]  }
0x11b: {  	v27 =	vld [tilespmem:s29+$0xFFFFFED0]  }
0x11c: {  	v19 =	vsel vm0, v46, v19;
	vm0 =	vnez.u8 v23;
	v23 =	vld [tilespmem:$0x1FB20]  }
0x11d: {  	v28 =	vld [tilespmem:s29+$0xFFFFFFD0]  }
0x11e: {  	v62 =	vld [tilespmem:$0x1FEA0]  }
0x11f: {  	v5 =	vld [tilespmem:s29+$0xFFFFFE70]  }
0x120: {  	v24 =	vld [tilespmem:s29+$0x1E0]  }
0x121: {  	v25 =	vsel vm0, v46, v25;
	vm0 =	vnez.u8 v23;
	v23 =	vld [tilespmem:$0x1FB30]  }
0x122: {  	v11 =	vld [tilespmem:s29+$0xFFFFFF70]  }
0x123: {  	v12 =	vld [tilespmem:s29+$0xFFFFFFF0]  }
0x124: {  	v3 =	vld [tilespmem:s28+$0x20]  }
0x125: {  	v6 =	vld [tilespmem:s29+$0x70]  }
0x126: {  	v9 =	vld [tilespmem:s29+$0x170];
	v33 =	vsel vm0, v46, v33;
	vm0 =	vnez.u8 v23  }
0x127: {  	v16 =	vld [tilespmem:s29+$0xFFFFFE60];
	v19 =	vsel vm0, v51, v19  }
0x128: {  	[tilespmem:$0x1FE30] =	vst v19;
	v19 =	vld [tilespmem:$0x1FB40]  }
0x129: {  	v14 =	vld [tilespmem:s29+$0xFFFFFEF0]  }
0x12a: {  	v13 =	vld [tilespmem:s29+$0xF0]  }
0x12b: {  	v10 =	vld [tilespmem:s29+$0x1F0]  }
0x12c: {  	v18 =	vld [tilespmem:s29+$0xFFFFFF60]  }
0x12d: {  	v6 =	vmul.f32 v6, v37;
	v20 =	vld [tilespmem:s29+$0x60];
	vm0 =	vnez.u8 v19  }
0x12e: {  	v9 =	vmul.f32 v9, v42;
	v0 =	vld [tilespmem:s28+$0x10];
	v19 =	vsel vm0, v51, v25  }
0x12f: {  	v6 =	vsub.f32 v6, v4;
	[tilespmem:$0x1FE10] =	vst v19;
	v19 =	vld [tilespmem:$0x1FB50]  }
0x130: {  	v9 =	vsub.f32 v9, v4;
	v23 =	vld [tilespmem:$0x1FB60]  }
0x131: {  	[tilespmem:$0x1FC60] =	vst v6;
	v6 =	vld [tilespmem:s29+$0xFFFFFF20]  }
0x132: {  	[tilespmem:$0x1FC80] =	vst v9;
	v9 =	vld [tilespmem:s29+$0xFFFFFFA0]  }
0x133: {  	v17 =	vld [tilespmem:s29+$0xFFFFFEE0]  }
0x134: {  	[tilespmem:$0x1FB70] =	vst v1;
	v1 =	vld [tilespmem:s29+$0xFFFFFFE0];
	vm0 =	vnez.u8 v19  }
0x135: {  	v21 =	vld [tilespmem:s29+$0xE0];
	v19 =	vsel vm0, v51, v33;
	vm0 =	vnez.u8 v23  }
0x136: {  	s9 =	sadd.s32 s6, s5;
	v2 =	vld [tilespmem:s28+$0x0];
	v7 =	vsel vm0, v51, v7  }
0x137: {  	v32 =	vld [tilespmem:s29+$0x1D0];
	[tilespmem:$0x1FBD0] =	vst v7;
	v7 =	vor.u32 s9, v50  }
0x138: {  	[tilespmem:$0x1FBF0] =	vst v7;
	v7 =	vld [tilespmem:$0x1FFE0]  }
0x139: {  	v22 =	vld [tilespmem:s29+$0x160]  }
0x13a: {  	[tilespmem:$0x1FDB0] =	vst v15;
	v15 =	vld [tilespmem:s29+$0xFFFFFF50]  }
0x13b: {  	v31 =	vld [tilespmem:s29+$0x150]  }
0x13c: {  	v29 =	vld [tilespmem:s29+$0x50]  }
0x13d: {  	v59 =	vmul.f32 v32, v44;
	v32 =	vld [tilespmem:s29+$0xB0];
	v7 =	vor.u32 s9, v7  }
0x13e: {  	v56 =	vmul.f32 v45, v42;
	[tilespmem:$0x1FBE0] =	vst v7;
	v7 =	vld [tilespmem:$0x1FFD0]  }
0x13f: {  	v26 =	vmul.f32 v26, v54;
	v27 =	vmul.f32 v27, v62;
	v36 =	vld [tilespmem:$0x1FEC0]  }
0x140: {  	v5 =	vmul.f32 v5, v54;
	v24 =	vmul.f32 v24, v44;
	v38 =	vld [tilespmem:$0x1FEE0]  }
0x141: {  	v11 =	vmul.f32 v11, v63;
	v57 =	vmul.f32 v29, v37;
	v29 =	vld [tilespmem:s29+$0xFFFFFFB0]  }
0x142: {  	v16 =	vmul.f32 v16, v54;
	v48 =	vor.u32 s9, v52;
	v52 =	vmul.f32 v49, v54;
	v49 =	vld [tilespmem:s28+$0xFFFFFFC0]  }
0x143: {  	v14 =	vmul.f32 v14, v62;
	v10 =	vmul.f32 v10, v44;
	v8 =	vld [tilespmem:s28+$0xFFFFFFF0];
	v7 =	vor.u32 s9, v7  }
0x144: {  	v18 =	vmul.f32 v18, v63;
	v1 =	vmul.f32 v1, v36;
	[tilespmem:$0x1FB90] =	vst v7;
	v7 =	vld [tilespmem:$0x1FFC0]  }
0x145: {  	v20 =	vmul.f32 v20, v37;
	v58 =	vmul.f32 v30, v38;
	v30 =	vld [tilespmem:s29+$0x30]  }
0x146: {  	v17 =	vmul.f32 v17, v62;
	v22 =	vmul.f32 v22, v42;
	v1 =	vsub.f32 v1, v3;
	v46 =	vld [tilespmem:s29+$0x1C0]  }
0x147: {  	v15 =	vmul.f32 v15, v63;
	v31 =	vmul.f32 v31, v42;
	v33 =	vld [tilespmem:s29+$0xFFFFFFC0]  }
0x148: {  	v59 =	vsub.f32 v59, v0;
	v57 =	vsub.f32 v57, v0;
	v12 =	vmul.f32 v12, v36;
	[tilespmem:$0x1FCB0] =	vst v1;
	v25 =	vld [tilespmem:s29+$0xFFFFFF40]  }
0x149: {  	v47 =	vor.u32 s9, v55;
	v28 =	vmul.f32 v28, v36;
	[tilespmem:$0x1FDF0] =	vst v19;
	v19 =	vld [tilespmem:s29+$0xFFFFFEC0];
	v7 =	vor.u32 s9, v7  }
0x14a: {  	v12 =	vsub.f32 v12, v4;
	v1 =	vsub.f32 v20, v3;
	v20 =	vmul.f32 v60, v44;
	[tilespmem:$0x1FC00] =	vst v7;
	v7 =	vld [tilespmem:$0x1FFB0]  }
0x14b: {  	v60 =	vsub.f32 v28, v0;
	v40 =	vmul.f32 v13, v38;
	v21 =	vmul.f32 v21, v38;
	v50 =	vld [tilespmem:s29+$0xFFFFFEB0]  }
0x14c: {  	v55 =	vmul.f32 v43, v38;
	v35 =	vmul.f32 v33, v36;
	v33 =	vsub.f32 v5, v4;
	v5 =	vld [tilespmem:s29+$0xFFFFFE20]  }
0x14d: {  	[tilespmem:$0x1FC50] =	vst v12;
	v28 =	vld [tilespmem:s29+$0x10];
	v43 =	vsub.f32 v52, v8;
	v58 =	vsub.f32 v58, v0;
	v12 =	vmul.f32 v30, v37  }
0x14e: {  	[tilespmem:$0x1FCC0] =	vst v1;
	v1 =	vld [tilespmem:s29+$0xA0];
	v30 =	vsub.f32 v17, v3;
	v61 =	vmul.f32 v25, v63;
	v25 =	vsub.f32 v14, v4  }
0x14f: {  	v13 =	vld [tilespmem:s28+$0xFFFFFFE0];
	v23 =	vmul.f32 v39, v54;
	v39 =	vmul.f32 v41, v37;
	v7 =	vor.u32 s9, v7  }
0x150: {  	v34 =	vmul.f32 v19, v62;
	v45 =	vmul.f32 v50, v62;
	v50 =	vld [tilespmem:s29+$0xFFFFFE00];
	[tilespmem:$0x1FBB0] =	vst v7;
	v7 =	vsub.f32 v11, v4  }
0x151: {  	v41 =	vmul.f32 v46, v44;
	v51 =	vld [tilespmem:s29+$0xFFFFFF30];
	v46 =	vmul.f32 v5, v54;
	v5 =	vsub.f32 v21, v3  }
0x152: {  	v34 =	vsub.f32 v34, v2;
	v11 =	vld [tilespmem:s29+$0xFFFFFEA0];
	[tilespmem:$0x1FC40] =	vst v7;
	v7 =	vmul.f32 v29, v36;
	v29 =	vsub.f32 v40, v4  }
0x153: {  	v17 =	vld [tilespmem:s29+$0xFFFFFF10];
	v21 =	vsub.f32 v23, v2;
	v23 =	vmul.f32 v1, v38;
	[tilespmem:$0x1FCD0] =	vst v5;
	v4 =	vsub.f32 v10, v4  }
0x154: {  	v1 =	vsub.f32 v55, v2;
	v5 =	vld [tilespmem:s29+$0x120];
	v40 =	vmul.f32 v32, v38;
	v32 =	vsub.f32 v26, v0;
	[tilespmem:$0x1FC70] =	vst v29  }
0x155: {  	v19 =	vld [tilespmem:s28+$0xFFFFFFD0];
	v50 =	vmul.f32 v50, v54;
	v29 =	vsub.f32 v16, v3;
	[tilespmem:$0x1FC90] =	vst v4;
	v4 =	vsub.f32 v18, v3  }
0x156: {  	v14 =	vmul.f32 v51, v63;
	v26 =	vld [tilespmem:s29+$0xFFFFFF90];
	v16 =	vsub.f32 v22, v3;
	v3 =	vsub.f32 v24, v3  }
0x157: {  	v50 =	vsub.f32 v50, v49;
	v22 =	vmul.f32 v6, v63;
	v6 =	vld [tilespmem:s29+$0xFFFFFE10];
	v11 =	vmul.f32 v11, v62  }
0x158: {  	v10 =	vmul.f32 v53, v42;
	v53 =	vld [tilespmem:s29+$0x80];
	v18 =	vsub.f32 v27, v0;
	[tilespmem:$0x1FCF0] =	vst v3;
	v3 =	vsub.f32 v15, v0  }
0x159: {  	v27 =	vmul.f32 v5, v42;
	v5 =	vsub.f32 v39, v2;
	[tilespmem:$0x1FCA0] =	vst v4;
	v4 =	vld [tilespmem:s29+$0x20];
	v51 =	vsub.f32 v11, v13  }
0x15a: {  	v15 =	vmul.f32 v9, v36;
	v9 =	vld [tilespmem:s29+$0xFFFFFE90];
	v11 =	vsub.f32 v23, v13;
	[tilespmem:$0x1FD00] =	vst v3;
	v3 =	vsub.f32 v31, v0  }
0x15b: {  	v28 =	vmul.f32 v28, v37;
	[tilespmem:$0x1FCE0] =	vst v16;
	v16 =	vld [tilespmem:s29+$0x1A0];
	v0 =	vsub.f32 v56, v2;
	v31 =	vsub.f32 v14, v8  }
0x15c: {  	v56 =	vld [tilespmem:s29+$0x110];
	v39 =	vmul.f32 v6, v54;
	v6 =	vsub.f32 v10, v8;
	v10 =	vsub.f32 v20, v8  }
0x15d: {  	v26 =	vmul.f32 v26, v36;
	v14 =	vld [tilespmem:s29+$0x190];
	v20 =	vsub.f32 v22, v13;
	v22 =	vsub.f32 v15, v13  }
0x15e: {  	v15 =	vld [tilespmem:s29+$0x0];
	v54 =	vsub.f32 v28, v19;
	v28 =	vmul.f32 v53, v38;
	[tilespmem:$0x1FD10] =	vst v3;
	v3 =	vsub.f32 v61, v2  }
0x15f: {  	v55 =	vmul.f32 v9, v62;
	v9 =	vsub.f32 v40, v8;
	v40 =	vsub.f32 v46, v13;
	v46 =	vld [tilespmem:s29+$0xFFFFFF00]  }
0x160: {  	v61 =	vld [tilespmem:s29+$0x90];
	v24 =	vmul.f32 v4, v37;
	v4 =	vsub.f32 v35, v2;
	v2 =	vsub.f32 v41, v2  }
0x161: {  	v35 =	vmul.f32 v16, v44;
	v41 =	vsub.f32 v45, v8;
	v16 =	vsub.f32 v7, v8;
	v7 =	vld [tilespmem:s29+$0xFFFFFE80]  }
0x162: {  	v45 =	vmul.f32 v17, v63;
	v17 =	vsub.f32 v12, v8;
	v12 =	vsub.f32 v27, v13;
	v27 =	vld [tilespmem:s29+$0x100]  }
0x163: {  	v8 =	vld [tilespmem:s29+$0xFFFFFF80];
	v23 =	vsub.f32 v39, v19;
	v56 =	vmul.f32 v56, v42;
	v52 =	vsub.f32 v24, v13  }
0x164: {  	v13 =	vsub.f32 v35, v13;
	v35 =	vsub.f32 v55, v19;
	v39 =	vmul.f32 v46, v63;
	v46 =	vld [tilespmem:s29+$0x180]  }
0x165: {  	v24 =	vmul.f32 v14, v44;
	v45 =	vsub.f32 v45, v19;
	v55 =	vsub.f32 v26, v19  }
0x166: {  	v26 =	vmul.f32 v15, v37;
	v61 =	vmul.f32 v61, v38;
	v14 =	vsub.f32 v56, v19  }
0x167: {  	v24 =	vsub.f32 v24, v19;
	v7 =	vmul.f32 v7, v62;
	v42 =	vmul.f32 v27, v42  }
0x168: {  	v8 =	vmul.f32 v8, v36;
	v56 =	vsub.f32 v26, v49;
	v27 =	vsub.f32 v28, v49  }
0x169: {  	v15 =	vsub.f32 v61, v19;
	v26 =	vsub.f32 v42, v49;
	v42 =	vld [tilespmem:$0x1FD20];
	v46 =	vmul.f32 v46, v44  }
0x16a: {  	v7 =	vsub.f32 v7, v49;
	v19 =	vsub.f32 v39, v49;
	v44 =	vld [tilespmem:$0x1FBA0]  }
0x16b: {  	v53 =	vsub.f32 v8, v49;
	v28 =	vsub.f32 v46, v49;
	v49 =	vld [tilespmem:$0x1FBC0];
	_ =	sdelay $0x2  }
0x16c: {  	v61 =	vlaneseq.u32  }
0x16d: {  	v8 =	vor.u32 s9, v61;
	vm0 =	vgt.f32 v50, v42;
	vm1 =	vgt.f32 v7, v44  }
0x16e: {  	v39 =	vsel vm0, v50, v42;
	v42 =	vsel vm1, v8, v49;
	v49 =	vld [tilespmem:$0x1FBD0];
	_ =	sdelay $0x4  }
0x16f: {  	v37 =	vsel vm0, v8, v49;
	vm0 =	vgt.f32 v23, v39  }
0x170: {  	v23 =	vsel vm0, v23, v39  }
0x171: {  	v7 =	vsel vm1, v7, v44;
	v44 =	vsel vm0, v48, v37;
	vm0 =	vgt.f32 v40, v23  }
0x172: {  	v36 =	vld [tilespmem:$0x1FBB0];
	vm1 =	vgt.f32 v35, v7;
	v23 =	vsel vm0, v40, v23  }
0x173: {  	v7 =	vsel vm1, v35, v7;
	v39 =	vsel vm0, v47, v44;
	vm0 =	vgt.f32 v43, v23  }
0x174: {  	v42 =	vsel vm1, v48, v42;
	vm1 =	vgt.f32 v51, v7;
	v23 =	vsel vm0, v43, v23;
	v43 =	vld [tilespmem:$0x1FC00]  }
0x175: {  	v7 =	vsel vm1, v51, v7  }
0x176: {  	v38 =	vld [tilespmem:$0x1FB90];
	v35 =	vsel vm1, v47, v42;
	vm1 =	vgt.f32 v41, v7  }
0x177: {  	v7 =	vsel vm1, v41, v7;
	v42 =	vsel vm1, v36, v35  }
0x178: {  	v46 =	vld [tilespmem:$0x1FBE0];
	vm1 =	vgt.f32 v34, v7;
	v39 =	vsel vm0, v36, v39;
	vm0 =	vgt.f32 v21, v23  }
0x179: {  	v7 =	vsel vm1, v34, v7;
	v21 =	vsel vm0, v21, v23;
	v23 =	vsel vm1, v43, v42  }
0x17a: {  	v51 =	vld [tilespmem:$0x1FBF0];
	v34 =	vsel vm0, v43, v39;
	vm0 =	vgt.f32 v32, v21;
	vm1 =	vgt.f32 v18, v7  }
0x17b: {  	v21 =	vsel vm0, v32, v21;
	v7 =	vsel vm1, v18, v7;
	v18 =	vsel vm1, v38, v23  }
0x17c: {  	v23 =	vsel vm0, v38, v34;
	vm0 =	vgt.f32 v29, v21;
	vm1 =	vgt.f32 v30, v7  }
0x17d: {  	v21 =	vsel vm0, v29, v21;
	v29 =	vsel vm1, v30, v7;
	v18 =	vsel vm1, v46, v18  }
0x17e: {  	v7 =	vsel vm0, v46, v23;
	vm14 =	vgt.f32 v33, v21;
	vm0 =	vgt.f32 v25, v29  }
0x17f: {  	v21 =	vsel vm14, v33, v21;
	v42 =	vsel vm0, v51, v18;
	v18 =	vld [tilespmem:$0x1FC10]  }
0x180: {  	[tilespmem:$0x1FD20] =	vst v21;
	v21 =	vld [tilespmem:$0x1FC20]  }
0x181: {  	v44 =	vld [tilespmem:$0x1FC30];
	_ =	sdelay $0x2  }
0x182: {  	v30 =	vsel vm0, v25, v29;
	vm9 =	vgt.f32 v19, v18  }
0x183: {  	vm0 =	vgt.f32 v53, v21;
	v18 =	vsel vm9, v19, v18;
	v19 =	vimm.s32 $0x0  }
0x184: {  	vm15 =	vgt.f32 v56, v44;
	v19 =	vsel vm0, $0xFFFFFFFF, v19  }
0x185: {  	v49 =	vimm.s32 $0x0;
	[tilespmem:$0x1FD30] =	vst v19;
	v19 =	vsel vm0, v53, v21;
	v21 =	vsel vm15, v56, v44  }
0x186: {  	v62 =	vld [tilespmem:$0x1FB70];
	vm0 =	vgt.f32 v45, v18;
	v53 =	vimm.s32 $0x0;
	vm1 =	vgt.f32 v55, v19  }
0x187: {  	v63 =	vld [tilespmem:$0x1FB80];
	vm5 =	vgt.f32 v54, v21;
	v33 =	vsel vm0, $0xFFFFFFFF, v49;
	v18 =	vsel vm0, v45, v18  }
0x188: {  	v50 =	vld [tilespmem:$0x1FFF0];
	[tilespmem:$0x1FD40] =	vst v33;
	v33 =	vsel vm1, $0xFFFFFFFF, v53;
	v19 =	vsel vm1, v55, v19;
	vm1 =	vgt.f32 v20, v18  }
0x189: {  	v32 =	vld [tilespmem:$0x1FE30];
	vm0 =	vgt.f32 v22, v19;
	v18 =	vsel vm1, v20, v18;
	v20 =	vimm.s32 $0x0  }
0x18a: {  	v23 =	vld [tilespmem:$0x1FDC0];
	v21 =	vsel vm5, v54, v21;
	v20 =	vsel vm0, $0xFFFFFFFF, v20  }
0x18b: {  	v25 =	vld [tilespmem:$0x1FDB0];
	vm2 =	vgt.f32 v52, v21;
	[tilespmem:$0x1FD70] =	vst v20;
	v20 =	vimm.s32 $0x0  }
0x18c: {  	p0 =	sne.s32 s6, $0x780;
	v29 =	vld [tilespmem:$0x1FDF0];
	v56 =	vimm.s32 $0x0;
	v19 =	vsel vm0, v22, v19;
	v20 =	vsel vm2, $0xFFFFFFFF, v20  }
.Ltmp0:
0x18d: {  	v55 =	vld [tilespmem:$0x1FFA0];
	vm0 =	vgt.f32 v31, v18;
	[tilespmem:$0x1FD80] =	vst v20;
	v20 =	vsel vm2, v52, v21;
	v21 =	vimm.s32 $0x0;
	(pc) =	sbr.rel @p0 .LBB2_3-.Ltmp0, $4  }
0x18e: {  	[tilespmem:$0x1FD50] =	vst v33;
	v33 =	vsel vm1, $0xFFFFFFFF, v56;
	v22 =	vld [tilespmem:$0x1FDD0];
	vm12 =	vgt.f32 v16, v19;
	v21 =	vsel vm0, $0xFFFFFFFF, v21  }
0x18f: {  	v18 =	vsel vm0, v31, v18;
	v31 =	vld [tilespmem:$0x1FE10];
	vm1 =	vgt.f32 v17, v20;
	[tilespmem:$0x1FD90] =	vst v21;
	v21 =	vimm.s32 $0x0  }
0x190: {  	[tilespmem:$0x1FD60] =	vst v33;
	v16 =	vsel vm12, v16, v19;
	v19 =	vld [tilespmem:$0x1FDE0];
	v21 =	vsel vm1, $0xFFFFFFFF, v21  }
0x191: {  	s6 =	sadd.s32 $0x80, s6;
	v35 =	vmov v43;
	v52 =	vld [tilespmem:$0x1FF90];
	v17 =	vsel vm1, v17, v20;
	[tilespmem:$0x1FDA0] =	vst v21  }
0x192: {  	_ =	sdelay $0x1  }
0x193: {  	vm2 =	vgt.f32 v26, v63  }
0x194: {  	v21 =	vsel vm2, v26, v63;
	vm1 =	vgt.f32 v27, v19  }
0x195: {  	v19 =	vsel vm1, v27, v19;
	v20 =	vsel vm1, v8, v22;
	vm1 =	vgt.f32 v28, v62  }
0x196: {  	s6 =	sadd.s32 s1, s12;
	v23 =	vsel vm2, v8, v23;
	v63 =	vsel vm1, v28, v62;
	vm2 =	vgt.f32 v15, v19  }
0x197: {  	s28 =	simm.s32 $0x0;
	s9 =	sadd.s32 s6, s8;
	s6 =	sshrl.u32 s6, $0x3;
	v25 =	vsel vm1, v8, v25;
	vm1 =	vgt.f32 v14, v21;
	v15 =	vsel vm2, v15, v19  }
0x198: {  	[tilespmem:s28], [sflag:$0x1] =	stream.linear.gather [hbm4b:s9+s28], $0x4000, $0x38;
	v19 =	vsel vm2, v48, v20;
	vm2 =	vgt.f32 v24, v63;
	v14 =	vsel vm1, v14, v21;
	[tilespmem:$0x9880] =	vst v63  }
0x199: {  	s6 =	sadd.s32 s4, s6;
	v34 =	vsel vm1, v48, v23;
	v33 =	vsel vm2, v24, v63;
	vm1 =	vgt.f32 v11, v15  }
0x19a: {  	[tilespmem:s20], [sflag:$0x3] =	stream.linear.gather [hbm4b:s6+s28], $0x800, $0x38;
	v37 =	vsel vm2, v48, v25;
	vm2 =	vgt.f32 v12, v14;
	v11 =	vsel vm1, v11, v15;
	[tilespmem:$0x9880] =	vst v63  }
0x19b: {  	_ =	swait.ge [sflag:s25], $0x4000;
	v15 =	vsel vm1, v47, v19;
	vm1 =	vgt.f32 v13, v33;
	v12 =	vsel vm2, v12, v14  }
0x19c: {  	[sflag:s25] =	ssyncset.done $0x0;
	v14 =	vsel vm2, v47, v34;
	v13 =	vsel vm1, v13, v33;
	vm2 =	vgt.f32 v9, v11  }
0x19d: {  	[sflag:s25] =	ssyncadd.s32 $0xFFFFC000;
	v19 =	vsel vm1, v47, v37;
	vm1 =	vgt.f32 v6, v12;
	v9 =	vsel vm2, v9, v11  }
0x19e: {  	_ =	swait.ge [sflag:s26], $0x800;
	v11 =	vsel vm2, v36, v15;
	vm2 =	vgt.f32 v10, v13;
	v6 =	vsel vm1, v6, v12  }
0x19f: {  	v12 =	vsel vm1, v36, v14;
	v14 =	vld [tilespmem:$0x1FD10];
	v10 =	vsel vm2, v10, v13;
	vm1 =	vgt.f32 v1, v9  }
0x1a0: {  	v13 =	vsel vm2, v36, v19;
	vm2 =	vgt.f32 v0, v6;
	v19 =	vld [tilespmem:$0x1FCD0];
	v1 =	vsel vm1, v1, v9  }
0x1a1: {  	v39 =	vld [tilespmem:$0x1FCE0];
	v9 =	vsel vm1, v35, v11;
	vm1 =	vgt.f32 v2, v10;
	v0 =	vsel vm2, v0, v6  }
0x1a2: {  	v43 =	vld [tilespmem:$0x1FC70];
	v11 =	vsel vm2, v35, v12;
	v10 =	vsel vm1, v2, v10;
	vm2 =	vgt.f32 v58, v1  }
0x1a3: {  	v1 =	vsel vm2, v58, v1;
	v9 =	vsel vm2, v38, v9;
	vm2 =	vgt.f32 v59, v10  }
0x1a4: {  	v12 =	vsel vm1, v35, v13;
	vm1 =	vgt.f32 v14, v0;
	v10 =	vsel vm2, v59, v10  }
0x1a5: {  	v0 =	vsel vm1, v14, v0;
	v11 =	vsel vm1, v38, v11;
	vm1 =	vgt.f32 v19, v1  }
0x1a6: {  	v12 =	vsel vm2, v38, v12;
	vm2 =	vgt.f32 v39, v0;
	v1 =	vsel vm1, v19, v1  }
0x1a7: {  	v40 =	vld [tilespmem:$0x1FCF0];
	v0 =	vsel vm2, v39, v0;
	v11 =	vsel vm2, v46, v11;
	vm2 =	vgt.f32 v43, v1  }
0x1a8: {  	v45 =	vld [tilespmem:$0x1FC80];
	v9 =	vsel vm1, v46, v9;
	v1 =	vsel vm2, v43, v1  }
0x1a9: {  	[tilespmem:$0x1F850] =	vst v1;
	v1 =	vsel vm2, v51, v9  }
0x1aa: {  	[tilespmem:$0x1F860] =	vst v1;
	v1 =	vld [tilespmem:$0x1FC90]  }
0x1ab: {  	v24 =	vld [tilespmem:$0x1FCA0]  }
0x1ac: {  	v25 =	vld [tilespmem:$0x1FCB0];
	vm1 =	vgt.f32 v40, v10  }
0x1ad: {  	v26 =	vld [tilespmem:$0x1FCC0];
	v10 =	vsel vm1, v40, v10;
	v12 =	vsel vm1, v46, v12;
	vm1 =	vgt.f32 v45, v0  }
0x1ae: {  	[sflag:s26] =	ssyncset.done $0x0;
	v28 =	vld [tilespmem:$0x1FC40];
	v0 =	vsel vm1, v45, v0  }
0x1af: {  	s29 =	simm.s32 $0x4200;
	v37 =	vld [tilespmem:$0x1FEE0];
	[sflag:s26] =	ssyncadd.s32 $0xFFFFF800;
	[tilespmem:$0x1F870] =	vst v0;
	v0 =	vsel vm1, v51, v11;
	vm2 =	vgt.f32 v1, v10  }
0x1b0: {  	v15 =	vld [tilespmem:s29+$0xFFFFFF70];
	[tilespmem:$0x1F880] =	vst v0;
	v0 =	vsel vm2, v1, v10  }
0x1b1: {  	vm1 =	vgt.f32 v4, v16;
	v10 =	vld [tilespmem:$0x1FD30];
	[tilespmem:$0x1F890] =	vst v0;
	v0 =	vsel vm2, v51, v12;
	vm2 =	vgt.f32 v5, v17  }
0x1b2: {  	vm0 =	vgt.f32 v3, v18;
	v1 =	vsel vm1, v4, v16;
	v4 =	vsel vm2, v5, v17;
	v17 =	vld [tilespmem:$0x1FD40]  }
0x1b3: {  	[tilespmem:$0x1F8A0] =	vst v0;
	v0 =	vsel vm0, v3, v18;
	v18 =	vld [tilespmem:$0x1FD50]  }
0x1b4: {  	v41 =	vld [tilespmem:s29+$0x70]  }
0x1b5: {  	v44 =	vld [tilespmem:s29+$0xF0];
	vm6 =	vgt.f32 v60, v1  }
0x1b6: {  	v49 =	vld [tilespmem:s29+$0x170];
	v5 =	vsel vm9, v8, v32;
	v1 =	vsel vm6, v60, v1;
	vm3 =	vnez.u8 v10  }
0x1b7: {  	v53 =	vld [tilespmem:s29+$0x1F0];
	v10 =	vsel vm3, v8, v31;
	vm3 =	vgt.f32 v57, v4;
	vm4 =	vnez.u8 v17  }
0x1b8: {  	v33 =	vld [tilespmem:s29+$0xFFFFFFD0];
	v4 =	vsel vm3, v57, v4;
	v5 =	vsel vm4, v48, v5;
	vm4 =	vnez.u8 v18  }
0x1b9: {  	v34 =	vld [tilespmem:s29+$0x50];
	vm7 =	vgt.f32 v25, v1;
	v10 =	vsel vm4, v48, v10;
	vm4 =	vgt.f32 v26, v4  }
0x1ba: {  	v1 =	vsel vm7, v25, v1;
	v25 =	vsel vm4, v26, v4;
	v4 =	vld [tilespmem:$0x1FD60]  }
0x1bb: {  	v62 =	vld [tilespmem:s29+$0xD0]  }
0x1bc: {  	s28 =	simm.s32 $0x8840;
	v63 =	vld [tilespmem:s29+$0x1D0]  }
0x1bd: {  	v6 =	vld [tilespmem:s28+$0x30]  }
0x1be: {  	v2 =	vld [tilespmem:s28+$0x20];
	v8 =	vsel vm15, v8, v29  }
0x1bf: {  	v8 =	vsel vm5, v48, v8;
	vm5 =	vnez.u8 v4;
	v4 =	vld [tilespmem:$0x1FD70]  }
0x1c0: {  	v16 =	vld [tilespmem:$0x1FD00]  }
0x1c1: {  	v29 =	vld [tilespmem:$0x1FD80]  }
0x1c2: {  	v13 =	vld [tilespmem:s29+$0xFFFFFE70]  }
0x1c3: {  	v58 =	vld [tilespmem:s29+$0xC0]  }
0x1c4: {  	v59 =	vld [tilespmem:s29+$0x140];
	v5 =	vsel vm5, v47, v5;
	vm5 =	vnez.u8 v4  }
0x1c5: {  	vm9 =	vgt.f32 v16, v0;
	v27 =	vsel vm5, v47, v10;
	v10 =	vld [tilespmem:$0x1FC50]  }
0x1c6: {  	v0 =	vsel vm9, v16, v0;
	vm5 =	vnez.u8 v29;
	v29 =	vld [tilespmem:$0x1FC60]  }
0x1c7: {  	v14 =	vld [tilespmem:s29+$0xFFFFFEF0];
	vm10 =	vgt.f32 v24, v0  }
0x1c8: {  	v19 =	vld [tilespmem:s29+$0xFFFFFFF0];
	v0 =	vsel vm10, v24, v0  }
0x1c9: {  	v39 =	vld [tilespmem:s29+$0x150];
	vm11 =	vgt.f32 v28, v0  }
0x1ca: {  	v40 =	vld [tilespmem:$0x1FEF0];
	v56 =	vsel vm11, v28, v0;
	vm8 =	vgt.f32 v10, v1  }
0x1cb: {  	v43 =	vld [tilespmem:s28+$0xFFFFFFF0];
	v8 =	vsel vm5, v47, v8;
	vm5 =	vgt.f32 v29, v25;
	v0 =	vsel vm8, v10, v1  }
0x1cc: {  	v9 =	vld [tilespmem:s28+$0x10];
	[tilespmem:$0x1F9A0] =	vst v0;
	v0 =	vsel vm5, v29, v25  }
0x1cd: {  	[tilespmem:$0x1F9B0] =	vst v0;
	v0 =	vld [tilespmem:$0x1FD90]  }
0x1ce: {  	v11 =	vld [tilespmem:s29+$0xFFFFFEE0]  }
0x1cf: {  	v12 =	vld [tilespmem:s29+$0xFFFFFF60]  }
0x1d0: {  	v3 =	vld [tilespmem:s29+$0xFFFFFE60]  }
0x1d1: {  	v32 =	vld [tilespmem:$0x1FEC0]  }
0x1d2: {  	vm13 =	vnez.u8 v0;
	v0 =	vld [tilespmem:$0x1FDA0]  }
0x1d3: {  	v16 =	vld [tilespmem:s29+$0xFFFFFFE0]  }
0x1d4: {  	v31 =	vld [tilespmem:$0x1FEB0]  }
0x1d5: {  	v17 =	vld [tilespmem:s29+$0x60]  }
0x1d6: {  	v18 =	vld [tilespmem:s29+$0xE0];
	v27 =	vsel vm12, v36, v27  }
0x1d7: {  	v21 =	vmul.f32 v44, v37;
	v24 =	vld [tilespmem:s29+$0x160];
	v27 =	vsel vm1, v35, v27;
	vm12 =	vnez.u8 v0  }
0x1d8: {  	v27 =	vsel vm6, v38, v27;
	v5 =	vsel vm13, v36, v5;
	v8 =	vsel vm12, v36, v8;
	v36 =	vld [tilespmem:$0x1FED0]  }
0x1d9: {  	v15 =	vmul.f32 v15, v31;
	v44 =	vmul.f32 v16, v32;
	v16 =	vsel vm7, v46, v27;
	v1 =	vld [tilespmem:$0x1FEA0]  }
0x1da: {  	v10 =	vsel vm8, v51, v16;
	v25 =	vld [tilespmem:s29+$0xFFFFFED0]  }
0x1db: {  	v19 =	vmul.f32 v19, v32;
	v29 =	vld [tilespmem:s29+$0xFFFFFF50];
	[tilespmem:$0x1F8B0] =	vst v10;
	v10 =	vsub.f32 v15, v6  }
0x1dc: {  	v22 =	vmul.f32 v49, v40;
	v26 =	vld [tilespmem:s29+$0x1E0]  }
0x1dd: {  	v33 =	vmul.f32 v33, v32;
	[tilespmem:$0x1F8D0] =	vst v10;
	v10 =	vsub.f32 v19, v6;
	v19 =	vld [tilespmem:s29+$0xFFFFFEB0];
	v20 =	vmul.f32 v41, v36  }
0x1de: {  	v60 =	vsub.f32 v21, v6;
	v28 =	vld [tilespmem:s29+$0xFFFFFE50];
	v12 =	vmul.f32 v12, v31;
	v14 =	vmul.f32 v14, v1  }
0x1df: {  	v18 =	vmul.f32 v18, v37;
	v11 =	vmul.f32 v11, v1;
	[tilespmem:$0x1F8E0] =	vst v10;
	v0 =	vld [tilespmem:$0x1FE90];
	v10 =	vsub.f32 v20, v6  }
0x1e0: {  	v4 =	vld [tilespmem:s28+$0x0];
	v49 =	vmul.f32 v25, v1;
	v29 =	vmul.f32 v29, v31;
	v25 =	vsub.f32 v14, v6  }
0x1e1: {  	v5 =	vsel vm0, v35, v5;
	v45 =	vmul.f32 v17, v36;
	v17 =	vld [tilespmem:s29+$0xFFFFFEC0];
	[tilespmem:$0x1F8F0] =	vst v10;
	v10 =	vsub.f32 v22, v6  }
0x1e2: {  	v47 =	vld [tilespmem:s29+$0xFFFFFE80];
	v54 =	vsub.f32 v11, v2;
	v19 =	vmul.f32 v19, v1;
	v5 =	vsel vm9, v38, v5  }
0x1e3: {  	v27 =	vld [tilespmem:s29+$0xFFFFFE40];
	v5 =	vsel vm10, v46, v5;
	v8 =	vsel vm2, v35, v8;
	[tilespmem:$0x1F900] =	vst v10;
	v10 =	vsub.f32 v12, v2  }
0x1e4: {  	v57 =	vsel vm11, v51, v5;
	v8 =	vsel vm3, v38, v8;
	v3 =	vmul.f32 v3, v0;
	v41 =	vld [tilespmem:$0x1FF00]  }
0x1e5: {  	v16 =	vld [tilespmem:s29+$0xFFFFFFC0];
	v8 =	vsel vm4, v46, v8;
	v46 =	vmul.f32 v24, v40;
	[tilespmem:$0x1F920] =	vst v10;
	v10 =	vsub.f32 v44, v2  }
0x1e6: {  	v13 =	vmul.f32 v13, v0;
	v14 =	vmul.f32 v17, v1;
	v17 =	vsub.f32 v3, v2;
	v3 =	vld [tilespmem:s29+$0xFFFFFF30]  }
0x1e7: {  	v15 =	vld [tilespmem:s29+$0xFFFFFE30];
	v24 =	vsel vm14, v51, v7;
	v8 =	vsel vm5, v51, v8;
	[tilespmem:$0x1F930] =	vst v10;
	v10 =	vsub.f32 v45, v2  }
0x1e8: {  	v11 =	vld [tilespmem:s29+$0xFFFFFE00];
	v27 =	vmul.f32 v27, v0;
	v34 =	vmul.f32 v34, v36;
	v7 =	vsub.f32 v13, v6  }
0x1e9: {  	v5 =	vld [tilespmem:s29+$0xFFFFFF40];
	v23 =	vmul.f32 v53, v41;
	v53 =	vmul.f32 v39, v40;
	[tilespmem:$0x1F940] =	vst v10;
	v10 =	vsub.f32 v29, v9  }
0x1ea: {  	[tilespmem:$0x1F8C0] =	vst v8;
	v8 =	vld [tilespmem:s29+$0x40];
	v38 =	vmul.f32 v63, v41;
	v12 =	vmul.f32 v59, v40;
	v59 =	vsub.f32 v34, v9  }
0x1eb: {  	v13 =	vld [tilespmem:s29+$0x1C0];
	[tilespmem:$0x1F950] =	vst v10;
	v10 =	vsub.f32 v33, v9;
	v33 =	vmul.f32 v3, v31;
	v3 =	vsub.f32 v53, v9  }
0x1ec: {  	v26 =	vmul.f32 v26, v41;
	v6 =	vsub.f32 v23, v6;
	v45 =	vsub.f32 v18, v2;
	v18 =	vld [tilespmem:s28+$0xFFFFFFC0]  }
0x1ed: {  	v35 =	vmul.f32 v62, v37;
	v34 =	vsub.f32 v27, v4;
	v27 =	vld [tilespmem:s29+$0x30];
	[tilespmem:$0x1F980] =	vst v3;
	v3 =	vsub.f32 v38, v9  }
0x1ee: {  	v28 =	vmul.f32 v28, v0;
	[tilespmem:$0x1F910] =	vst v6;
	v6 =	vmul.f32 v58, v37;
	v58 =	vsub.f32 v26, v2;
	v26 =	vld [tilespmem:s29+$0xFFFFFFB0]  }
0x1ef: {  	v5 =	vmul.f32 v5, v31;
	v48 =	vsub.f32 v46, v2;
	v2 =	vld [tilespmem:s29+$0xFFFFFE10];
	[tilespmem:$0x1F990] =	vst v3;
	v3 =	vmul.f32 v47, v1  }
0x1f0: {  	v15 =	vmul.f32 v15, v0;
	v11 =	vmul.f32 v11, v0;
	v29 =	vld [tilespmem:s28+$0xFFFFFFD0]  }
0x1f1: {  	v39 =	vmul.f32 v16, v32;
	v23 =	vsub.f32 v49, v9;
	v49 =	vsub.f32 v3, v18;
	v3 =	vld [tilespmem:$0x1FD20]  }
0x1f2: {  	v51 =	vld [tilespmem:s29+$0xFFFFFE90];
	v21 =	vsub.f32 v28, v9;
	v5 =	vsub.f32 v5, v4;
	v8 =	vmul.f32 v8, v36  }
0x1f3: {  	v13 =	vmul.f32 v13, v41;
	v62 =	vsub.f32 v39, v4;
	v53 =	vld [tilespmem:s29+$0x130];
	v39 =	vmul.f32 v26, v32  }
0x1f4: {  	v2 =	vmul.f32 v2, v0;
	[tilespmem:$0x1F960] =	vst v10;
	v10 =	vsub.f32 v35, v9;
	v9 =	vsub.f32 v11, v18;
	v11 =	vld [tilespmem:s29+$0xB0]  }
0x1f5: {  	v22 =	vsub.f32 v14, v4;
	v14 =	vld [tilespmem:s29+$0xFFFFFE20];
	v63 =	vsub.f32 v8, v4;
	v27 =	vmul.f32 v27, v36  }
0x1f6: {  	v28 =	vld [tilespmem:s28+$0xFFFFFFE0];
	v26 =	vsub.f32 v39, v43;
	v8 =	vsub.f32 v2, v29;
	vm0 =	vgt.f32 v9, v3  }
0x1f7: {  	v39 =	vsub.f32 v27, v43;
	v9 =	vsel vm0, v9, v3;
	v3 =	vsub.f32 v6, v4;
	v6 =	vld [tilespmem:s29+$0xFFFFFEA0]  }
0x1f8: {  	v2 =	vsub.f32 v12, v4;
	v4 =	vsub.f32 v13, v4;
	v13 =	vld [tilespmem:s29+$0x1B0];
	vm1 =	vgt.f32 v8, v9  }
0x1f9: {  	v46 =	vld [tilespmem:s29+$0xFFFFFF20];
	v35 =	vmul.f32 v53, v40;
	v44 =	vsel vm1, v8, v9;
	v8 =	vmul.f32 v11, v37  }
0x1fa: {  	v53 =	vld [tilespmem:s29+$0xA0];
	v9 =	vmul.f32 v14, v0;
	v14 =	vsub.f32 v15, v43;
	v11 =	vmul.f32 v51, v1  }
0x1fb: {  	vm2 =	vgt.f32 v49, v30;
	v15 =	vsub.f32 v19, v43;
	v19 =	vsub.f32 v33, v43;
	v33 =	vld [tilespmem:s29+$0xFFFFFFA0]  }
0x1fc: {  	v12 =	vsel vm2, v49, v30;
	v0 =	vld [tilespmem:s29+$0x100];
	v47 =	vsub.f32 v9, v28;
	v11 =	vsub.f32 v11, v29  }
0x1fd: {  	v8 =	vsub.f32 v8, v43;
	v38 =	vmul.f32 v6, v1;
	v9 =	vmul.f32 v13, v41  }
0x1fe: {  	v20 =	vld [tilespmem:s29+$0x20];
	v6 =	vsub.f32 v35, v43;
	vm5 =	vgt.f32 v11, v12;
	vm3 =	vgt.f32 v47, v44  }
0x1ff: {  	v13 =	vld [tilespmem:s29+$0x120];
	v51 =	vsub.f32 v38, v28;
	v9 =	vsub.f32 v9, v43;
	v11 =	vsel vm5, v11, v12  }
0x200: {  	v49 =	vld [tilespmem:s29+$0x10];
	v43 =	vsel vm3, v47, v44;
	v12 =	vmul.f32 v46, v31;
	v33 =	vmul.f32 v33, v32  }
0x201: {  	v53 =	vmul.f32 v53, v37;
	v38 =	vld [tilespmem:s29+$0x1A0];
	v0 =	vmul.f32 v0, v40;
	vm6 =	vgt.f32 v14, v43  }
0x202: {  	v46 =	vld [tilespmem:s29+$0xFFFFFF90];
	vm4 =	vgt.f32 v51, v11;
	v30 =	vsub.f32 v12, v28;
	v1 =	vsub.f32 v33, v28  }
0x203: {  	v47 =	vld [tilespmem:s29+$0x90];
	v12 =	vsub.f32 v53, v28;
	v14 =	vsel vm6, v14, v43;
	v35 =	vsel vm4, v51, v11  }
0x204: {  	v44 =	vld [tilespmem:s29+$0xFFFFFF10];
	v11 =	vmul.f32 v20, v36;
	v13 =	vmul.f32 v13, v40;
	vm7 =	vgt.f32 v34, v14  }
0x205: {  	v53 =	vld [tilespmem:s29+$0x190];
	vm8 =	vgt.f32 v15, v35;
	v34 =	vsel vm7, v34, v14;
	v14 =	vmul.f32 v49, v36  }
0x206: {  	[tilespmem:$0x1F970] =	vst v10;
	v20 =	vld [tilespmem:s29+$0x110];
	v49 =	vimm.s32 $0x0;
	v38 =	vmul.f32 v38, v41;
	v10 =	vsub.f32 v11, v28  }
0x207: {  	v11 =	vsub.f32 v13, v28;
	v51 =	vmul.f32 v46, v32;
	vm9 =	vgt.f32 v21, v34  }
0x208: {  	v33 =	vmul.f32 v47, v37;
	v16 =	vsub.f32 v14, v29;
	v21 =	vsel vm9, v21, v34  }
0x209: {  	v43 =	vld [tilespmem:s29+$0xFFFFFF80];
	v13 =	vsub.f32 v38, v28;
	v28 =	vsel vm8, v15, v35;
	v15 =	vmul.f32 v44, v31  }
0x20a: {  	v47 =	vld [tilespmem:s29+$0x80];
	v38 =	vsub.f32 v51, v29;
	v53 =	vmul.f32 v53, v41;
	vm11 =	vgt.f32 v17, v21  }
0x20b: {  	s9 =	sadd.s32 $0x0, s31;
	v35 =	vld [tilespmem:s29+$0xFFFFFF00];
	v20 =	vmul.f32 v20, v40;
	vm10 =	vgt.f32 v22, v28;
	v17 =	vsel vm11, v17, v21  }
0x20c: {  	v44 =	vld [tilespmem:s29+$0x0];
	v40 =	vor.u32 s9, v50;
	v46 =	vsub.f32 v15, v29;
	v15 =	vsub.f32 v33, v29  }
0x20d: {  	v51 =	vld [tilespmem:s29+$0x180];
	v33 =	vsub.f32 v53, v29;
	v22 =	vsel vm10, v22, v28;
	vm14 =	vgt.f32 v7, v17  }
0x20e: {  	v53 =	vor.u32 s9, v55;
	v14 =	vsub.f32 v20, v29;
	v29 =	vmul.f32 v43, v32  }
0x20f: {  	vm12 =	vgt.f32 v23, v22;
	v27 =	vsel vm14, v7, v17;
	v7 =	vor.u32 s9, v61  }
0x210: {  	v37 =	vmul.f32 v47, v37;
	v22 =	vsel vm12, v23, v22;
	v17 =	vsel vm2, v7, v42  }
0x211: {  	v47 =	vld [tilespmem:$0x1F9B0];
	v28 =	vmul.f32 v35, v31;
	v36 =	vmul.f32 v44, v36;
	v43 =	vsub.f32 v29, v18  }
0x212: {  	v20 =	vmul.f32 v51, v41;
	v35 =	vsub.f32 v37, v18;
	vm13 =	vgt.f32 v54, v22;
	v44 =	vld [tilespmem:$0x1F9A0]  }
0x213: {  	v29 =	vsub.f32 v0, v18;
	v0 =	vsel vm13, v54, v22;
	v54 =	vor.u32 s9, v52  }
0x214: {  	v51 =	vld [tilespmem:$0x1FFB0];
	v28 =	vsub.f32 v28, v18;
	v23 =	vsub.f32 v36, v18;
	vm2 =	vgt.f32 v25, v0  }
0x215: {  	v55 =	vld [tilespmem:$0x1FFE0];
	v34 =	vsub.f32 v20, v18;
	v17 =	vsel vm5, v54, v17;
	v25 =	vsel vm2, v25, v0  }
0x216: {  	v52 =	vld [tilespmem:$0x1FFC0];
	v0 =	vsel vm0, v7, v24;
	v17 =	vsel vm4, v53, v17;
	vm5 =	vgt.f32 v28, v56  }
0x217: {  	vm0 =	vgt.f32 v23, v47;
	v0 =	vsel vm1, v54, v0;
	vm15 =	vgt.f32 v43, v44  }
0x218: {  	v18 =	vsel vm5, v28, v56;
	v22 =	vsel vm0, $0xFFFFFFFF, v49;
	v21 =	vsel vm0, v23, v47  }
0x219: {  	v56 =	vor.u32 s9, v51;
	v0 =	vsel vm3, v53, v0;
	v20 =	vsel vm15, v43, v44  }
0x21a: {  	v51 =	vld [tilespmem:$0x1FFD0];
	vm1 =	vgt.f32 v46, v18;
	v17 =	vsel vm8, v56, v17;
	v0 =	vsel vm6, v56, v0  }
0x21b: {  	v47 =	vor.u32 s9, v52;
	vm4 =	vgt.f32 v16, v21;
	v43 =	vor.u32 s9, v55  }
0x21c: {  	v18 =	vsel vm1, v46, v18;
	vm3 =	vgt.f32 v38, v20;
	v17 =	vsel vm10, v47, v17  }
0x21d: {  	v16 =	vsel vm4, v16, v21;
	v0 =	vsel vm7, v47, v0;
	v20 =	vsel vm3, v38, v20  }
0x21e: {  	vm6 =	vgt.f32 v30, v18;
	vm8 =	vgt.f32 v10, v16;
	vm7 =	vgt.f32 v1, v20  }
0x21f: {  	v18 =	vsel vm6, v30, v18;
	v61 =	vsel vm8, v10, v16;
	v44 =	vor.u32 s9, v51  }
0x220: {  	v1 =	vsel vm7, v1, v20;
	vm10 =	vgt.f32 v39, v61;
	v17 =	vsel vm12, v44, v17  }
0x221: {  	v0 =	vsel vm9, v44, v0;
	vm9 =	vgt.f32 v26, v1;
	v17 =	vsel vm13, v43, v17  }
0x222: {  	v10 =	vsel vm11, v43, v0;
	v46 =	vsel vm2, v40, v17;
	vm2 =	vgt.f32 v19, v18  }
0x223: {  	s6 =	simm.s32 $0x80;
	[tilespmem:$0x1F9C0] =	vst v22;
	v1 =	vsel vm9, v26, v1;
	v0 =	vsel vm10, v39, v61;
	v16 =	vsel vm2, v19, v18  }
.LBB2_5:
0x224: {  	v17 =	vimm.s32 $0x0  }
0x225: {  	v17 =	vsel vm1, $0xFFFFFFFF, v17  }
0x226: {  	[tilespmem:$0x1F610] =	vst v17;
	v17 =	vimm.s32 $0x0  }
0x227: {  	v17 =	vsel vm5, $0xFFFFFFFF, v17  }
0x228: {  	[tilespmem:$0x1F5F0] =	vst v17;
	v17 =	vimm.s32 $0x0  }
0x229: {  	v17 =	vsel vm2, $0xFFFFFFFF, v17  }
0x22a: {  	[tilespmem:$0x1F670] =	vst v17;
	v17 =	vimm.s32 $0x0  }
0x22b: {  	v17 =	vsel vm4, $0xFFFFFFFF, v17  }
0x22c: {  	[tilespmem:$0x1F630] =	vst v17;
	v17 =	vimm.s32 $0x0  }
0x22d: {  	v17 =	vsel vm3, $0xFFFFFFFF, v17  }
0x22e: {  	[tilespmem:$0x1F620] =	vst v17;
	v17 =	vimm.s32 $0x0  }
0x22f: {  	v17 =	vsel vm7, $0xFFFFFFFF, v17  }
0x230: {  	[tilespmem:$0x1F650] =	vst v17;
	v17 =	vimm.s32 $0x0  }
0x231: {  	v17 =	vsel vm6, $0xFFFFFFFF, v17  }
0x232: {  	[tilespmem:$0x1F640] =	vst v17;
	v17 =	vimm.s32 $0x0  }
0x233: {  	v17 =	vsel vm15, $0xFFFFFFFF, v17  }
0x234: {  	[tilespmem:$0x1F600] =	vst v17;
	v17 =	vimm.s32 $0x0  }
0x235: {  	v17 =	vsel vm10, $0xFFFFFFFF, v17  }
0x236: {  	[tilespmem:$0x1F690] =	vst v17;
	v17 =	vimm.s32 $0x0  }
0x237: {  	v17 =	vsel vm9, $0xFFFFFFFF, v17  }
0x238: {  	[tilespmem:$0x1F680] =	vst v17;
	v17 =	vimm.s32 $0x0  }
0x239: {  	v17 =	vsel vm8, $0xFFFFFFFF, v17  }
0x23a: {  	[tilespmem:$0x1F660] =	vst v17;
	v17 =	vimm.s32 $0x0  }
0x23b: {  	v17 =	vsel vm14, $0xFFFFFFFF, v17  }
0x23c: {  	vm0 =	vgt.f32 v5, v16;
	[tilespmem:$0x1F760] =	vst v17;
	v17 =	vimm.s32 $0x0  }
0x23d: {  	v5 =	vsel vm0, v5, v16;
	v16 =	vld [tilespmem:$0x1F950];
	v17 =	vsel vm0, $0xFFFFFFFF, v17  }
0x23e: {  	vm11 =	vgt.f32 v62, v1;
	[tilespmem:$0x1F6A0] =	vst v17;
	v17 =	vimm.s32 $0x0  }
0x23f: {  	v17 =	vsel vm11, $0xFFFFFFFF, v17  }
0x240: {  	vm12 =	vgt.f32 v63, v0;
	[tilespmem:$0x1F6B0] =	vst v17;
	v17 =	vimm.s32 $0x0  }
0x241: {  	v17 =	vsel vm12, $0xFFFFFFFF, v17  }
0x242: {  	vm0 =	vgt.f32 v16, v5;
	[tilespmem:$0x1F6C0] =	vst v17;
	v17 =	vimm.s32 $0x0  }
0x243: {  	v17 =	vsel vm0, $0xFFFFFFFF, v17  }
0x244: {  	[tilespmem:$0x1F6D0] =	vst v17;
	v17 =	vld [tilespmem:$0x1F960]  }
0x245: {  	v5 =	vsel vm0, v16, v5;
	v16 =	vld [tilespmem:$0x1F920];
	_ =	sdelay $0x2  }
0x246: {  	v1 =	vsel vm11, v62, v1  }
0x247: {  	vm11 =	vgt.f32 v17, v1  }
0x248: {  	vm0 =	vgt.f32 v16, v5;
	v1 =	vsel vm11, v17, v1;
	v17 =	vimm.s32 $0x0  }
0x249: {  	v17 =	vsel vm0, $0xFFFFFFFF, v17  }
0x24a: {  	[tilespmem:$0x1F700] =	vst v17;
	v17 =	vld [tilespmem:$0x1F930]  }
0x24b: {  	v18 =	vimm.s32 $0x0  }
0x24c: {  	v0 =	vsel vm12, v63, v0;
	v18 =	vsel vm11, $0xFFFFFFFF, v18  }
0x24d: {  	vm12 =	vgt.f32 v59, v0;
	[tilespmem:$0x1F6E0] =	vst v18;
	v18 =	vimm.s32 $0x0  }
0x24e: {  	v18 =	vsel vm12, $0xFFFFFFFF, v18  }
0x24f: {  	[tilespmem:$0x1F6F0] =	vst v18;
	v18 =	vimm.s32 $0x0;
	vm11 =	vgt.f32 v17, v1  }
0x250: {  	v18 =	vsel vm11, $0xFFFFFFFF, v18  }
0x251: {  	[tilespmem:$0x1F710] =	vst v18;
	v18 =	vld [tilespmem:$0x1F940];
	_ =	sdelay $0x3  }
0x252: {  	v0 =	vsel vm12, v59, v0  }
0x253: {  	vm12 =	vgt.f32 v18, v0  }
0x254: {  	v5 =	vsel vm0, v16, v5;
	v16 =	vsel vm12, v18, v0;
	v0 =	vld [tilespmem:$0x1F8D0];
	_ =	sdelay $0x1  }
0x255: {  	v18 =	vld [tilespmem:$0x1F8E0];
	_ =	sdelay $0x2  }
0x256: {  	v1 =	vsel vm11, v17, v1;
	v17 =	vimm.s32 $0x0;
	vm0 =	vgt.f32 v0, v5  }
0x257: {  	v17 =	vsel vm0, $0xFFFFFFFF, v17  }
0x258: {  	vm11 =	vgt.f32 v18, v1;
	[tilespmem:$0x1F730] =	vst v17;
	v17 =	vimm.s32 $0x0  }
0x259: {  	v17 =	vsel vm11, $0xFFFFFFFF, v17  }
0x25a: {  	[tilespmem:$0x1F740] =	vst v17;
	v17 =	vld [tilespmem:$0x1F8F0];
	_ =	sdelay $0x3  }
0x25b: {  	v19 =	vimm.s32 $0x0;
	v0 =	vsel vm0, v0, v5  }
0x25c: {  	v19 =	vsel vm12, $0xFFFFFFFF, v19;
	[tilespmem:$0x1F810] =	vst v0;
	v0 =	vsel vm11, v18, v1;
	vm12 =	vgt.f32 v17, v16  }
0x25d: {  	[tilespmem:$0x1F820] =	vst v0;
	v0 =	vsel vm12, v17, v16  }
0x25e: {  	[tilespmem:$0x1F830] =	vst v0;
	v0 =	vld [tilespmem:$0x1F850];
	_ =	sdelay $0x4  }
0x25f: {  	v1 =	vimm.s32 $0x0;
	vm0 =	vgt.f32 v35, v0  }
0x260: {  	v1 =	vsel vm0, $0xFFFFFFFF, v1  }
0x261: {  	[tilespmem:$0x1F560] =	vst v1;
	v1 =	vld [tilespmem:$0x1F870];
	_ =	sdelay $0x4  }
0x262: {  	v5 =	vimm.s32 $0x0;
	vm7 =	vgt.f32 v29, v1  }
0x263: {  	v5 =	vsel vm7, $0xFFFFFFFF, v5  }
0x264: {  	[tilespmem:$0x1F570] =	vst v5;
	v5 =	vld [tilespmem:$0x1F890];
	_ =	sdelay $0x4  }
0x265: {  	v16 =	vimm.s32 $0x0;
	vm6 =	vgt.f32 v34, v5  }
0x266: {  	v16 =	vsel vm6, $0xFFFFFFFF, v16  }
0x267: {  	[tilespmem:$0x1F580] =	vst v16;
	v16 =	vsel vm0, v35, v0  }
0x268: {  	v0 =	vimm.s32 $0x0;
	vm0 =	vgt.f32 v15, v16  }
0x269: {  	v17 =	vsel vm7, v29, v1;
	v0 =	vsel vm0, $0xFFFFFFFF, v0  }
0x26a: {  	v18 =	vsel vm6, v34, v5;
	vm6 =	vgt.f32 v14, v17;
	[tilespmem:$0x1F590] =	vst v0;
	v0 =	vimm.s32 $0x0  }
0x26b: {  	v0 =	vsel vm6, $0xFFFFFFFF, v0  }
0x26c: {  	vm7 =	vgt.f32 v33, v18;
	[tilespmem:$0x1F5A0] =	vst v0;
	v0 =	vimm.s32 $0x0  }
0x26d: {  	v16 =	vsel vm0, v15, v16;
	v0 =	vsel vm7, $0xFFFFFFFF, v0  }
0x26e: {  	vm0 =	vgt.f32 v12, v16;
	[tilespmem:$0x1F5B0] =	vst v0;
	v0 =	vimm.s32 $0x0  }
0x26f: {  	v17 =	vsel vm6, v14, v17;
	v0 =	vsel vm0, $0xFFFFFFFF, v0  }
0x270: {  	vm3 =	vgt.f32 v11, v17;
	[tilespmem:$0x1F5C0] =	vst v0;
	v0 =	vimm.s32 $0x0  }
0x271: {  	v18 =	vsel vm7, v33, v18;
	v0 =	vsel vm3, $0xFFFFFFFF, v0  }
0x272: {  	vm4 =	vgt.f32 v13, v18;
	[tilespmem:$0x1F5D0] =	vst v0;
	v0 =	vimm.s32 $0x0  }
0x273: {  	v1 =	vld [tilespmem:$0x1F980];
	v17 =	vsel vm3, v11, v17;
	v16 =	vsel vm0, v12, v16;
	v0 =	vsel vm4, $0xFFFFFFFF, v0  }
0x274: {  	vm13 =	vgt.f32 v6, v17;
	vm15 =	vgt.f32 v8, v16;
	[tilespmem:$0x1F5E0] =	vst v0;
	v0 =	vld [tilespmem:$0x1F970]  }
0x275: {  	[tilespmem:$0x1F720] =	vst v19;
	v19 =	vimm.s32 $0x0;
	v8 =	vsel vm15, v8, v16;
	v16 =	vsel vm13, v6, v17  }
0x276: {  	v19 =	vsel vm12, $0xFFFFFFFF, v19;
	v13 =	vsel vm4, v13, v18;
	v17 =	vld [tilespmem:$0x1F990];
	vm10 =	vgt.f32 v2, v16  }
0x277: {  	vm8 =	vgt.f32 v9, v13;
	vm9 =	vgt.f32 v3, v8;
	v2 =	vsel vm10, v2, v16  }
0x278: {  	v9 =	vsel vm8, v9, v13;
	v3 =	vsel vm9, v3, v8;
	vm6 =	vgt.f32 v1, v2  }
0x279: {  	vm11 =	vgt.f32 v4, v9;
	v16 =	vsel vm6, v1, v2;
	v1 =	vld [tilespmem:$0x1F900];
	vm12 =	vgt.f32 v0, v3  }
0x27a: {  	v20 =	vld [tilespmem:$0x1F910];
	v4 =	vsel vm11, v4, v9;
	v3 =	vsel vm12, v0, v3  }
0x27b: {  	vm7 =	vgt.f32 v17, v4;
	vm3 =	vgt.f32 v45, v3  }
0x27c: {  	v4 =	vsel vm7, v17, v4;
	vm4 =	vgt.f32 v48, v16;
	v3 =	vsel vm3, v45, v3  }
0x27d: {  	vm5 =	vgt.f32 v58, v4;
	v16 =	vsel vm4, v48, v16;
	vm0 =	vgt.f32 v60, v3  }
0x27e: {  	v4 =	vsel vm5, v58, v4;
	vm1 =	vgt.f32 v1, v16;
	v0 =	vsel vm0, v60, v3  }
0x27f: {  	vm2 =	vgt.f32 v20, v4;
	[tilespmem:$0x1F850] =	vst v0;
	v0 =	vsel vm1, v1, v16  }
0x280: {  	v1 =	vld [tilespmem:$0x1F560];
	[tilespmem:$0x1F870] =	vst v0;
	v0 =	vsel vm2, v20, v4  }
0x281: {  	[tilespmem:$0x1F890] =	vst v0;
	v0 =	vld [tilespmem:$0x1F860];
	_ =	sdelay $0x3  }
0x282: {  	vm14 =	vnez.u8 v1;
	v1 =	vld [tilespmem:$0x1F570]  }
0x283: {  	v4 =	vsel vm14, v7, v0;
	v0 =	vld [tilespmem:$0x1F880];
	_ =	sdelay $0x3  }
0x284: {  	vm14 =	vnez.u8 v1;
	v1 =	vld [tilespmem:$0x1F580]  }
0x285: {  	v16 =	vsel vm14, v7, v0;
	v0 =	vld [tilespmem:$0x1F8A0];
	_ =	sdelay $0x3  }
0x286: {  	vm14 =	vnez.u8 v1  }
0x287: {  	v39 =	vsel vm14, v7, v0;
	v0 =	vld [tilespmem:$0x1F590];
	_ =	sdelay $0x4  }
0x288: {  	vm14 =	vnez.u8 v0;
	v0 =	vld [tilespmem:$0x1F5A0];
	_ =	sdelay $0x4  }
0x289: {  	v4 =	vsel vm14, v54, v4;
	vm14 =	vnez.u8 v0;
	v0 =	vld [tilespmem:$0x1F5B0];
	_ =	sdelay $0x4  }
0x28a: {  	v16 =	vsel vm14, v54, v16;
	vm14 =	vnez.u8 v0;
	v0 =	vld [tilespmem:$0x1F5C0];
	_ =	sdelay $0x4  }
0x28b: {  	v20 =	vsel vm14, v54, v39;
	vm14 =	vnez.u8 v0;
	v0 =	vld [tilespmem:$0x1F5D0];
	_ =	sdelay $0x4  }
0x28c: {  	v4 =	vsel vm14, v53, v4;
	vm14 =	vnez.u8 v0;
	v0 =	vld [tilespmem:$0x1F5E0];
	_ =	sdelay $0x4  }
0x28d: {  	v4 =	vsel vm15, v56, v4;
	v16 =	vsel vm14, v53, v16;
	vm14 =	vnez.u8 v0  }
0x28e: {  	[tilespmem:$0x1FE60] =	vst v25;
	v25 =	vsel vm9, v47, v4;
	v16 =	vsel vm13, v56, v16;
	v20 =	vsel vm14, v53, v20  }
0x28f: {  	v25 =	vsel vm12, v44, v25;
	v16 =	vsel vm10, v47, v16;
	v20 =	vsel vm8, v56, v20  }
0x290: {  	v25 =	vsel vm3, v43, v25;
	v16 =	vsel vm6, v44, v16;
	v20 =	vsel vm11, v47, v20  }
0x291: {  	v1 =	vsel vm0, v40, v25;
	v16 =	vsel vm4, v43, v16;
	v20 =	vsel vm7, v44, v20  }
0x292: {  	[tilespmem:$0x1F860] =	vst v1;
	v1 =	vsel vm1, v40, v16;
	v20 =	vsel vm5, v43, v20  }
0x293: {  	[tilespmem:$0x1F880] =	vst v1;
	v1 =	vsel vm2, v40, v20  }
0x294: {  	[tilespmem:$0x1F8A0] =	vst v1;
	v1 =	vld [tilespmem:$0x1F5F0];
	_ =	sdelay $0x3  }
0x295: {  	v25 =	vld [tilespmem:$0x1F600]  }
0x296: {  	vm0 =	vnez.u8 v1;
	v1 =	vld [tilespmem:$0x1F8B0];
	_ =	sdelay $0x3  }
0x297: {  	[tilespmem:$0x1FE80] =	vst v27;
	v27 =	vld [tilespmem:$0x1F9C0];
	v41 =	vsel vm0, v7, v57;
	vm0 =	vnez.u8 v25  }
0x298: {  	v25 =	vsel vm0, v7, v1;
	v1 =	vld [tilespmem:$0x1F8C0];
	_ =	sdelay $0x3  }
0x299: {  	vm0 =	vnez.u8 v27  }
0x29a: {  	v7 =	vsel vm0, v7, v1;
	v1 =	vld [tilespmem:$0x1F610];
	_ =	sdelay $0x4  }
0x29b: {  	vm0 =	vnez.u8 v1;
	v1 =	vld [tilespmem:$0x1F620];
	_ =	sdelay $0x4  }
0x29c: {  	v20 =	vsel vm0, v54, v41;
	vm0 =	vnez.u8 v1;
	v1 =	vld [tilespmem:$0x1F630];
	_ =	sdelay $0x4  }
0x29d: {  	v25 =	vsel vm0, v54, v25;
	vm0 =	vnez.u8 v1;
	v1 =	vld [tilespmem:$0x1F640];
	_ =	sdelay $0x4  }
0x29e: {  	v7 =	vsel vm0, v54, v7;
	vm0 =	vnez.u8 v1;
	v1 =	vld [tilespmem:$0x1F650];
	_ =	sdelay $0x4  }
0x29f: {  	v20 =	vsel vm0, v53, v20;
	vm0 =	vnez.u8 v1;
	v1 =	vld [tilespmem:$0x1F660];
	_ =	sdelay $0x4  }
0x2a0: {  	v25 =	vsel vm0, v53, v25;
	vm0 =	vnez.u8 v1;
	v1 =	vld [tilespmem:$0x1F670];
	_ =	sdelay $0x4  }
0x2a1: {  	v7 =	vsel vm0, v53, v7;
	vm0 =	vnez.u8 v1;
	v1 =	vld [tilespmem:$0x1F680];
	_ =	sdelay $0x4  }
0x2a2: {  	v20 =	vsel vm0, v56, v20;
	vm0 =	vnez.u8 v1;
	v1 =	vld [tilespmem:$0x1F690];
	_ =	sdelay $0x4  }
0x2a3: {  	v25 =	vsel vm0, v56, v25;
	vm0 =	vnez.u8 v1;
	v1 =	vld [tilespmem:$0x1F6A0];
	_ =	sdelay $0x2  }
0x2a4: {  	v38 =	vld [tilespmem:$0x1FEA0]  }
0x2a5: {  	[tilespmem:$0x1FE50] =	vst v46;
	v46 =	vld [tilespmem:$0x1FED0]  }
0x2a6: {  	v7 =	vsel vm0, v56, v7;
	vm0 =	vnez.u8 v1;
	v1 =	vld [tilespmem:$0x1F6B0]  }
0x2a7: {  	s28 =	sadd.s32 $0x80, s28;
	v49 =	vld [tilespmem:$0x1FEF0]  }
0x2a8: {  	s29 =	sadd.s32 $0x400, s29;
	v50 =	vld [tilespmem:s28+$0x30]  }
0x2a9: {  	v21 =	vld [tilespmem:s29+$0x60]  }
0x2aa: {  	v22 =	vld [tilespmem:s29+$0xE0]  }
0x2ab: {  	v20 =	vsel vm0, v47, v20;
	vm0 =	vnez.u8 v1;
	v1 =	vld [tilespmem:$0x1F6C0]  }
0x2ac: {  	v23 =	vld [tilespmem:s29+$0x160]  }
0x2ad: {  	v24 =	vld [tilespmem:s29+$0x1E0]  }
0x2ae: {  	v26 =	vld [tilespmem:s29+$0xFFFFFE50]  }
0x2af: {  	v28 =	vld [tilespmem:s29+$0xFFFFFFD0]  }
0x2b0: {  	v25 =	vsel vm0, v47, v25;
	vm0 =	vnez.u8 v1;
	v1 =	vld [tilespmem:$0x1F6D0]  }
0x2b1: {  	v42 =	vld [tilespmem:s29+$0x140]  }
0x2b2: {  	v37 =	vld [tilespmem:s29+$0xFFFFFE40]  }
0x2b3: {  	v29 =	vld [tilespmem:s29+$0x50]  }
0x2b4: {  	v52 =	vld [tilespmem:s29+$0x130]  }
0x2b5: {  	v7 =	vsel vm0, v47, v7;
	vm0 =	vnez.u8 v1;
	v1 =	vld [tilespmem:$0x1F6E0]  }
0x2b6: {  	v61 =	vmul.f32 v42, v49;
	v42 =	vld [tilespmem:s29+$0x1B0]  }
0x2b7: {  	[tilespmem:$0x1F750] =	vst v19;
	v19 =	vld [tilespmem:s29+$0xFFFFFF60]  }
0x2b8: {  	v59 =	vmul.f32 v29, v46;
	v29 =	vld [tilespmem:$0x1FF90]  }
0x2b9: {  	v5 =	vld [tilespmem:s28+$0x20]  }
0x2ba: {  	v20 =	vsel vm0, v44, v20;
	vm0 =	vnez.u8 v1;
	v1 =	vld [tilespmem:$0x1F6F0]  }
0x2bb: {  	v34 =	vld [tilespmem:s29+$0x150]  }
0x2bc: {  	v14 =	vld [tilespmem:s29+$0xFFFFFE70]  }
0x2bd: {  	v35 =	vld [tilespmem:s29+$0x1D0]  }
0x2be: {  	v33 =	vld [tilespmem:s29+$0xD0]  }
0x2bf: {  	v25 =	vsel vm0, v44, v25;
	vm0 =	vnez.u8 v1;
	v1 =	vld [tilespmem:$0x1F700]  }
0x2c0: {  	v15 =	vld [tilespmem:s29+$0xFFFFFEF0]  }
0x2c1: {  	v11 =	vld [tilespmem:s29+$0xFFFFFF70]  }
0x2c2: {  	v18 =	vld [tilespmem:s29+$0xFFFFFEE0]  }
0x2c3: {  	v6 =	vld [tilespmem:s29+$0x70]  }
0x2c4: {  	v36 =	vsel vm0, v44, v7;
	vm0 =	vnez.u8 v1;
	v1 =	vld [tilespmem:$0x1F710]  }
0x2c5: {  	v12 =	vld [tilespmem:s29+$0xFFFFFFF0]  }
0x2c6: {  	v13 =	vld [tilespmem:s29+$0xF0]  }
0x2c7: {  	v8 =	vld [tilespmem:s29+$0x170]  }
0x2c8: {  	v17 =	vld [tilespmem:s29+$0xFFFFFE60]  }
0x2c9: {  	v6 =	vmul.f32 v6, v46;
	v20 =	vsel vm0, v43, v20;
	vm0 =	vnez.u8 v1;
	v1 =	vld [tilespmem:$0x1F720]  }
0x2ca: {  	v60 =	vld [tilespmem:$0x1FE90]  }
0x2cb: {  	v9 =	vld [tilespmem:s29+$0x1F0];
	v6 =	vsub.f32 v6, v50  }
0x2cc: {  	v2 =	vld [tilespmem:s28+$0x10]  }
0x2cd: {  	v8 =	vmul.f32 v8, v49;
	[tilespmem:$0x1F8F0] =	vst v6;
	v6 =	vld [tilespmem:s29+$0xFFFFFF20]  }
0x2ce: {  	v25 =	vsel vm0, v43, v25;
	vm0 =	vnez.u8 v1;
	v1 =	vld [tilespmem:$0x1F730]  }
0x2cf: {  	v8 =	vsub.f32 v8, v50;
	v45 =	vld [tilespmem:s29+$0x1C0];
	v17 =	vmul.f32 v17, v60  }
0x2d0: {  	v3 =	vld [tilespmem:s29+$0xFFFFFFE0]  }
0x2d1: {  	[tilespmem:$0x1F900] =	vst v8;
	v62 =	vmul.f32 v37, v60;
	v37 =	vld [tilespmem:s29+$0x30];
	v8 =	vsub.f32 v17, v5  }
0x2d2: {  	v17 =	vld [tilespmem:s29+$0x120]  }
0x2d3: {  	[tilespmem:$0x1F7D0] =	vst v8;
	v8 =	vld [tilespmem:s29+$0xFFFFFFA0];
	v36 =	vsel vm0, v43, v36;
	vm0 =	vnez.u8 v1  }
0x2d4: {  	v0 =	vld [tilespmem:s29+$0xFFFFFED0];
	v1 =	vsel vm0, v40, v20  }
0x2d5: {  	[tilespmem:$0x1F790] =	vst v1;
	v1 =	vld [tilespmem:$0x1F740]  }
0x2d6: {  	v57 =	vld [tilespmem:$0x1FEE0]  }
0x2d7: {  	v4 =	vld [tilespmem:s28+$0x0]  }
0x2d8: {  	v27 =	vld [tilespmem:$0x1FF00]  }
0x2d9: {  	v16 =	vld [tilespmem:s29+$0xFFFFFF50]  }
0x2da: {  	v55 =	vmul.f32 v0, v38;
	v0 =	vld [tilespmem:$0x1FFF0];
	vm0 =	vnez.u8 v1  }
0x2db: {  	v39 =	vmul.f32 v13, v57;
	v13 =	vld [tilespmem:s28+$0xFFFFFFE0];
	v1 =	vsel vm0, v40, v25  }
0x2dc: {  	[tilespmem:$0x1F8B0] =	vst v1;
	v1 =	vld [tilespmem:$0x1F750]  }
0x2dd: {  	v9 =	vmul.f32 v9, v27;
	v48 =	vmul.f32 v24, v27;
	v24 =	vld [tilespmem:s29+$0xFFFFFE30]  }
0x2de: {  	v31 =	vmul.f32 v45, v27;
	v45 =	vld [tilespmem:s29+$0xFFFFFE20]  }
0x2df: {  	v18 =	vmul.f32 v18, v38;
	v9 =	vsub.f32 v9, v50;
	v44 =	vld [tilespmem:$0x1FEC0]  }
0x2e0: {  	v15 =	vmul.f32 v15, v38;
	v58 =	vsub.f32 v48, v5;
	v48 =	vld [tilespmem:s29+$0x90]  }
0x2e1: {  	v14 =	vmul.f32 v14, v60;
	[tilespmem:$0x1F910] =	vst v9;
	v9 =	vsub.f32 v18, v5;
	v18 =	vld [tilespmem:s29+$0x1A0];
	vm0 =	vnez.u8 v1  }
0x2e2: {  	v15 =	vsub.f32 v15, v50;
	v43 =	vld [tilespmem:$0x1FEB0];
	v1 =	vsel vm0, v40, v36  }
0x2e3: {  	v14 =	vsub.f32 v14, v50;
	[tilespmem:$0x1F8C0] =	vst v1;
	v1 =	vld [tilespmem:$0x1F760]  }
0x2e4: {  	s9 =	sadd.s32 s6, s31;
	v21 =	vmul.f32 v21, v46;
	[tilespmem:$0x1F800] =	vst v15;
	v41 =	vld [tilespmem:s29+$0xC0];
	v12 =	vmul.f32 v12, v44  }
0x2e5: {  	v23 =	vmul.f32 v23, v49;
	[tilespmem:$0x1F7F0] =	vst v14;
	v0 =	vor.u32 s9, v0;
	v47 =	vld [tilespmem:s29+$0xFFFFFEB0];
	v3 =	vmul.f32 v3, v44  }
0x2e6: {  	v34 =	vmul.f32 v34, v49;
	v59 =	vsub.f32 v59, v2;
	[tilespmem:$0x1F7B0] =	vst v0;
	v7 =	vld [tilespmem:s28+$0xFFFFFFF0];
	v12 =	vsub.f32 v12, v50  }
0x2e7: {  	v26 =	vmul.f32 v26, v60;
	[tilespmem:$0x1F7E0] =	vst v9;
	v3 =	vsub.f32 v3, v5;
	v0 =	vmul.f32 v16, v43;
	v16 =	vld [tilespmem:s29+$0xFFFFFF30]  }
0x2e8: {  	v22 =	vmul.f32 v22, v57;
	[tilespmem:$0x1F8E0] =	vst v12;
	v20 =	vld [tilespmem:s29+$0xFFFFFEC0];
	v11 =	vmul.f32 v11, v43;
	vm0 =	vnez.u8 v1  }
0x2e9: {  	[tilespmem:$0x1F930] =	vst v3;
	v3 =	vsub.f32 v21, v5;
	v19 =	vmul.f32 v19, v43;
	v25 =	vld [tilespmem:s29+$0xFFFFFF40];
	v1 =	vsel vm0, v40, v10  }
0x2ea: {  	v33 =	vmul.f32 v33, v57;
	v35 =	vmul.f32 v35, v27;
	v11 =	vsub.f32 v11, v50;
	[tilespmem:$0x1F7A0] =	vst v1;
	v1 =	vld [tilespmem:$0x1FFE0]  }
0x2eb: {  	[tilespmem:$0x1F940] =	vst v3;
	v3 =	vld [tilespmem:s29+$0xA0];
	v9 =	vsub.f32 v19, v5;
	v0 =	vsub.f32 v0, v2;
	v10 =	vmul.f32 v28, v44  }
0x2ec: {  	v19 =	vsub.f32 v55, v2;
	v55 =	vld [tilespmem:s29+$0xFFFFFE00];
	[tilespmem:$0x1F8D0] =	vst v11;
	v15 =	vmul.f32 v16, v43;
	v16 =	vsub.f32 v22, v5  }
0x2ed: {  	v32 =	vmul.f32 v24, v60;
	v24 =	vsub.f32 v39, v50;
	v11 =	vld [tilespmem:s29+$0xFFFFFEA0];
	[tilespmem:$0x1F950] =	vst v0;
	v0 =	vsub.f32 v10, v2  }
0x2ee: {  	v39 =	vmul.f32 v52, v49;
	v54 =	vor.u32 s9, v29;
	[tilespmem:$0x1F840] =	vst v16;
	v63 =	vmul.f32 v25, v43;
	v25 =	vld [tilespmem:s29+$0xB0]  }
0x2ef: {  	v14 =	vmul.f32 v47, v38;
	v20 =	vmul.f32 v20, v38;
	v40 =	vld [tilespmem:s29+$0x40];
	[tilespmem:$0x1F960] =	vst v0;
	v1 =	vor.u32 s9, v1  }
0x2f0: {  	v21 =	vsub.f32 v62, v4;
	v28 =	vld [tilespmem:$0x1FFA0];
	v0 =	vsub.f32 v33, v2;
	[tilespmem:$0x1F770] =	vst v1;
	v1 =	vor.u32 s9, v51  }
0x2f1: {  	v22 =	vmul.f32 v6, v43;
	v16 =	vsub.f32 v26, v2;
	v47 =	vsub.f32 v20, v4;
	[tilespmem:$0x1F780] =	vst v1;
	v1 =	vld [tilespmem:$0x1FFC0]  }
0x2f2: {  	v29 =	vld [tilespmem:s28+$0xFFFFFFD0];
	v12 =	vmul.f32 v37, v46;
	v26 =	vsub.f32 v15, v7;
	[tilespmem:$0x1F970] =	vst v0;
	v0 =	vsub.f32 v34, v2  }
0x2f3: {  	[tilespmem:$0x1F920] =	vst v9;
	v9 =	vld [tilespmem:s29+$0x20];
	v20 =	vsub.f32 v22, v13;
	v50 =	vmul.f32 v55, v60;
	v11 =	vmul.f32 v11, v38  }
0x2f4: {  	v6 =	vld [tilespmem:s29+$0xFFFFFE10];
	v37 =	vmul.f32 v25, v57;
	v25 =	vsub.f32 v23, v5;
	[tilespmem:$0x1F980] =	vst v0;
	v0 =	vsub.f32 v35, v2  }
0x2f5: {  	v36 =	vld [tilespmem:s29+$0xFFFFFFC0];
	v33 =	vmul.f32 v3, v57;
	v53 =	vor.u32 s9, v28;
	v30 =	vmul.f32 v40, v46  }
0x2f6: {  	v28 =	vmul.f32 v41, v57;
	v40 =	vmul.f32 v42, v27;
	[tilespmem:$0x1F990] =	vst v0;
	v0 =	vld [tilespmem:s29+$0x10];
	v1 =	vor.u32 s9, v1  }
0x2f7: {  	v5 =	vsub.f32 v63, v4;
	v41 =	vmul.f32 v45, v60;
	v42 =	vmul.f32 v8, v44;
	[tilespmem:$0x1F7C0] =	vst v1;
	v1 =	vld [tilespmem:$0x1FFB0]  }
0x2f8: {  	v45 =	vmul.f32 v9, v46;
	v51 =	vld [tilespmem:s29+$0xFFFFFFB0];
	v63 =	vsub.f32 v30, v4;
	v3 =	vsub.f32 v28, v4  }
0x2f9: {  	v52 =	vld [tilespmem:s29+$0xFFFFFF90];
	v30 =	vmul.f32 v18, v27;
	v18 =	vsub.f32 v12, v7;
	v22 =	vsub.f32 v42, v13  }
0x2fa: {  	v8 =	vld [tilespmem:s29+$0xFFFFFE90];
	v34 =	vmul.f32 v17, v49;
	v45 =	vsub.f32 v45, v13;
	v12 =	vsub.f32 v33, v13  }
0x2fb: {  	v9 =	vld [tilespmem:s29+$0xFFFFFF10];
	v35 =	vmul.f32 v6, v60;
	v2 =	vsub.f32 v61, v4;
	v0 =	vmul.f32 v0, v46  }
0x2fc: {  	v15 =	vld [tilespmem:s29+$0x190];
	v6 =	vsub.f32 v39, v7;
	v56 =	vor.u32 s9, v1;
	v1 =	vmul.f32 v36, v44  }
0x2fd: {  	v61 =	vld [tilespmem:s29+$0x110];
	v55 =	vsub.f32 v35, v29;
	v0 =	vsub.f32 v0, v29;
	v36 =	vmul.f32 v51, v44  }
0x2fe: {  	v23 =	vld [tilespmem:s28+$0xFFFFFFC0];
	v51 =	vmul.f32 v52, v44;
	v62 =	vsub.f32 v1, v4;
	v1 =	vsub.f32 v32, v7  }
0x2ff: {  	v52 =	vld [tilespmem:s29+$0x80];
	v32 =	vmul.f32 v8, v38;
	v4 =	vsub.f32 v31, v4;
	v31 =	vsub.f32 v14, v7  }
0x300: {  	v14 =	vmul.f32 v9, v43;
	v17 =	vsub.f32 v36, v7;
	v36 =	vld [tilespmem:s29+$0xFFFFFE80];
	v8 =	vsub.f32 v37, v7  }
0x301: {  	v35 =	vld [tilespmem:s29+$0x100];
	v37 =	vsub.f32 v41, v13;
	v41 =	vmul.f32 v48, v57;
	v9 =	vsub.f32 v40, v7  }
0x302: {  	v40 =	vsub.f32 v11, v13;
	v48 =	vmul.f32 v61, v49;
	v11 =	vsub.f32 v34, v13  }
0x303: {  	v61 =	vmul.f32 v15, v27;
	v13 =	vsub.f32 v30, v13;
	v51 =	vsub.f32 v51, v29  }
0x304: {  	v30 =	vsub.f32 v32, v29;
	v15 =	vsub.f32 v41, v29;
	v10 =	vmul.f32 v52, v57  }
0x305: {  	v39 =	vld [tilespmem:s29+$0xFFFFFF00];
	v33 =	vsub.f32 v61, v29;
	v34 =	vmul.f32 v36, v38;
	v36 =	vsub.f32 v14, v29  }
0x306: {  	v14 =	vsub.f32 v48, v29;
	v29 =	vmul.f32 v35, v49;
	v35 =	vsub.f32 v10, v23;
	v10 =	vld [tilespmem:$0x1FE60];
	_ =	sdelay $0x1  }
0x307: {  	v42 =	vld [tilespmem:s29+$0x0]  }
0x308: {  	v7 =	vld [tilespmem:s29+$0xFFFFFF80];
	v38 =	vsub.f32 v34, v23  }
0x309: {  	v32 =	vmul.f32 v39, v43;
	v39 =	vld [tilespmem:s29+$0x180]  }
0x30a: {  	vm1 =	vgt.f32 v38, v10  }
0x30b: {  	v41 =	vsub.f32 v50, v23;
	v50 =	vsel vm1, v38, v10;
	v10 =	vld [tilespmem:$0x1FE50];
	_ =	sdelay $0x1  }
0x30c: {  	v7 =	vmul.f32 v7, v44  }
0x30d: {  	v60 =	vmovc v24;
	v24 =	vld [tilespmem:$0x1FE80];
	v42 =	vmul.f32 v42, v46;
	v61 =	vlaneseq.u32;
	v46 =	vmul.f32 v39, v27  }
0x30e: {  	v52 =	vsub.f32 v7, v23;
	v7 =	vor.u32 s9, v61  }
0x30f: {  	v34 =	vsub.f32 v46, v23;
	v46 =	vsel vm1, v7, v10;
	v10 =	vld [tilespmem:$0x1F7A0];
	_ =	sdelay $0x2  }
0x310: {  	v42 =	vsub.f32 v42, v23;
	v32 =	vsub.f32 v32, v23;
	vm0 =	vgt.f32 v41, v24  }
0x311: {  	v49 =	vsel vm0, v41, v24;
	v29 =	vsub.f32 v29, v23;
	vm1 =	vgt.f32 v30, v50  }
0x312: {  	v30 =	vsel vm1, v30, v50;
	v10 =	vsel vm0, v7, v10;
	vm0 =	vgt.f32 v55, v49  }
0x313: {  	v23 =	vsel vm0, v55, v49;
	v49 =	vsel vm1, v54, v46;
	vm1 =	vgt.f32 v40, v30  }
0x314: {  	v30 =	vsel vm1, v40, v30  }
0x315: {  	v50 =	vsel vm1, v53, v49;
	vm1 =	vgt.f32 v31, v30  }
0x316: {  	v10 =	vsel vm0, v54, v10;
	v55 =	vsel vm1, v31, v30  }
0x317: {  	v43 =	vld [tilespmem:$0x1F770];
	vm0 =	vgt.f32 v37, v23;
	v30 =	vsel vm1, v56, v50;
	vm1 =	vgt.f32 v47, v55  }
0x318: {  	v23 =	vsel vm0, v37, v23;
	v38 =	vsel vm1, v47, v55;
	v47 =	vld [tilespmem:$0x1F7C0]  }
0x319: {  	v44 =	vld [tilespmem:$0x1F780];
	v10 =	vsel vm0, v53, v10;
	vm0 =	vgt.f32 v1, v23  }
0x31a: {  	v41 =	vld [tilespmem:$0x1F7D0];
	v1 =	vsel vm0, v1, v23  }
0x31b: {  	v46 =	vld [tilespmem:$0x1F7E0];
	v10 =	vsel vm0, v56, v10;
	vm0 =	vgt.f32 v21, v1  }
0x31c: {  	v49 =	vld [tilespmem:$0x1F7F0];
	v1 =	vsel vm0, v21, v1  }
0x31d: {  	v50 =	vld [tilespmem:$0x1F800];
	v10 =	vsel vm0, v47, v10;
	vm0 =	vgt.f32 v16, v1  }
0x31e: {  	v39 =	vsel vm1, v47, v30;
	vm1 =	vgt.f32 v19, v38;
	v1 =	vsel vm0, v16, v1  }
0x31f: {  	v40 =	vld [tilespmem:$0x1F7B0];
	v16 =	vsel vm1, v19, v38;
	v10 =	vsel vm0, v44, v10;
	vm0 =	vgt.f32 v41, v1  }
0x320: {  	v19 =	vsel vm1, v44, v39;
	vm1 =	vgt.f32 v46, v16;
	v1 =	vsel vm0, v41, v1  }
0x321: {  	v16 =	vsel vm1, v46, v16;
	vm14 =	vgt.f32 v49, v1  }
0x322: {  	v10 =	vsel vm0, v43, v10;
	vm0 =	vgt.f32 v50, v16;
	v27 =	vsel vm14, v49, v1;
	v1 =	vld [tilespmem:$0x1F810]  }
0x323: {  	v48 =	vmov v25;
	v19 =	vsel vm1, v43, v19;
	v25 =	vsel vm0, v50, v16;
	v16 =	vld [tilespmem:$0x1F820]  }
0x324: {  	v46 =	vsel vm0, v40, v19;
	v19 =	vld [tilespmem:$0x1F830];
	_ =	sdelay $0x3  }
0x325: {  	v55 =	vimm.s32 $0x0;
	vm5 =	vgt.f32 v32, v1  }
0x326: {  	vm15 =	vgt.f32 v52, v16;
	vm0 =	vgt.f32 v42, v19;
	v1 =	vsel vm5, v32, v1  }
0x327: {  	v16 =	vsel vm15, v52, v16;
	v21 =	vsel vm0, $0xFFFFFFFF, v55;
	v19 =	vsel vm0, v42, v19  }
0x328: {  	p0 =	sne.s32 s6, $0x780;
	vm1 =	vgt.f32 v36, v1;
	vm3 =	vgt.f32 v51, v16;
	vm4 =	vgt.f32 v0, v19  }
.Ltmp1:
0x329: {  	v1 =	vsel vm1, v36, v1;
	v16 =	vsel vm3, v51, v16;
	v0 =	vsel vm4, v0, v19;
	(pc) =	sbr.rel @p0 .LBB2_5-.Ltmp1, $4  }
0x32a: {  	vm6 =	vgt.f32 v20, v1;
	vm7 =	vgt.f32 v22, v16;
	vm8 =	vgt.f32 v45, v0  }
0x32b: {  	v57 =	vld [tilespmem:$0x1F790];
	v1 =	vsel vm6, v20, v1;
	v19 =	vsel vm7, v22, v16;
	v0 =	vsel vm8, v45, v0  }
0x32c: {  	v51 =	vld [tilespmem:$0x1FFD0];
	vm2 =	vgt.f32 v26, v1;
	vm9 =	vgt.f32 v17, v19;
	vm10 =	vgt.f32 v18, v0  }
0x32d: {  	s6 =	sadd.s32 $0x80, s6;
	[tilespmem:$0x1F9C0] =	vst v21;
	v45 =	vld [tilespmem:$0x1F840];
	v16 =	vsel vm2, v26, v1;
	v1 =	vsel vm9, v17, v19;
	v0 =	vsel vm10, v18, v0  }
0x32e: {  	v17 =	vld [tilespmem:$0x1F850]  }
0x32f: {  	v18 =	vld [tilespmem:$0x1F860]  }
0x330: {  	v19 =	vld [tilespmem:$0x1F870]  }
0x331: {  	v21 =	vld [tilespmem:$0x1F890]  }
0x332: {  	v20 =	vld [tilespmem:$0x1F880]  }
0x333: {  	v22 =	vld [tilespmem:$0x1F8A0];
	_ =	sdelay $0x2  }
0x334: {  	vm0 =	vgt.f32 v35, v17;
	vm11 =	vgt.f32 v29, v19;
	vm12 =	vgt.f32 v34, v21  }
0x335: {  	v17 =	vsel vm0, v35, v17;
	v18 =	vsel vm0, v7, v18;
	v19 =	vsel vm11, v29, v19  }
0x336: {  	v20 =	vsel vm11, v7, v20;
	v21 =	vsel vm12, v34, v21;
	v22 =	vsel vm12, v7, v22  }
0x337: {  	vm13 =	vgt.f32 v15, v17;
	vm11 =	vgt.f32 v14, v19;
	vm12 =	vgt.f32 v33, v21  }
0x338: {  	v15 =	vsel vm13, v15, v17;
	v17 =	vsel vm13, v54, v18;
	v14 =	vsel vm11, v14, v19  }
0x339: {  	v18 =	vsel vm11, v54, v20;
	v19 =	vsel vm12, v33, v21;
	v20 =	vsel vm12, v54, v22  }
0x33a: {  	vm13 =	vgt.f32 v12, v15;
	vm11 =	vgt.f32 v11, v14;
	vm12 =	vgt.f32 v13, v19  }
0x33b: {  	v12 =	vsel vm13, v12, v15;
	v42 =	vsel vm13, v53, v17;
	v11 =	vsel vm11, v11, v14  }
0x33c: {  	v33 =	vld [tilespmem:$0x1F990];
	v49 =	vsel vm11, v53, v18;
	v13 =	vsel vm12, v13, v19;
	v17 =	vsel vm12, v53, v20  }
0x33d: {  	vm13 =	vgt.f32 v8, v12;
	vm11 =	vgt.f32 v6, v11;
	vm12 =	vgt.f32 v9, v13  }
0x33e: {  	v6 =	vsel vm11, v6, v11;
	v52 =	vsel vm11, v56, v49;
	v9 =	vsel vm12, v9, v13  }
0x33f: {  	v22 =	vld [tilespmem:$0x1F970];
	v55 =	vsel vm12, v56, v17;
	vm11 =	vgt.f32 v2, v6;
	vm12 =	vgt.f32 v4, v9  }
0x340: {  	v2 =	vsel vm11, v2, v6;
	v6 =	vsel vm11, v47, v52;
	v4 =	vsel vm12, v4, v9;
	v52 =	vld [tilespmem:$0x1F910]  }
0x341: {  	v8 =	vsel vm13, v8, v12;
	v21 =	vsel vm12, v47, v55;
	vm12 =	vgt.f32 v33, v4  }
0x342: {  	v50 =	vsel vm13, v56, v42;
	vm13 =	vgt.f32 v3, v8;
	v4 =	vsel vm12, v33, v4  }
0x343: {  	v23 =	vld [tilespmem:$0x1F980];
	v3 =	vsel vm13, v3, v8;
	v9 =	vsel vm12, v44, v21;
	vm12 =	vgt.f32 v58, v4  }
0x344: {  	v8 =	vsel vm13, v47, v50;
	v55 =	vsel vm5, v7, v57;
	v57 =	vld [tilespmem:$0x1F8B0];
	v4 =	vsel vm12, v58, v4  }
0x345: {  	vm13 =	vgt.f32 v22, v3;
	v9 =	vsel vm12, v43, v9;
	v58 =	vld [tilespmem:$0x1F9C0];
	vm12 =	vgt.f32 v52, v4  }
0x346: {  	v3 =	vsel vm13, v22, v3;
	v38 =	vsel vm12, v52, v4;
	v4 =	vld [tilespmem:$0x1F8C0]  }
0x347: {  	v8 =	vsel vm13, v44, v8;
	vm13 =	vgt.f32 v45, v3  }
0x348: {  	v3 =	vsel vm13, v45, v3  }
0x349: {  	v50 =	vld [tilespmem:$0x1F900];
	vm11 =	vgt.f32 v23, v2;
	v8 =	vsel vm13, v43, v8;
	vm13 =	vgt.f32 v60, v3  }
0x34a: {  	v34 =	vsel vm13, v60, v3;
	v35 =	vsel vm13, v40, v8;
	vm13 =	vnez.u8 v58  }
0x34b: {  	v2 =	vsel vm11, v23, v2;
	v3 =	vsel vm15, v7, v57;
	v4 =	vsel vm13, v7, v4;
	v7 =	vld [tilespmem:$0x1F950]  }
0x34c: {  	v6 =	vsel vm11, v44, v6;
	vm11 =	vgt.f32 v48, v2  }
0x34d: {  	v2 =	vsel vm11, v48, v2  }
0x34e: {  	v6 =	vsel vm11, v43, v6;
	vm11 =	vgt.f32 v50, v2;
	vm15 =	vgt.f32 v5, v16  }
0x34f: {  	v18 =	vsel vm11, v50, v2;
	v2 =	vsel vm1, v54, v55;
	v5 =	vsel vm15, v5, v16  }
0x350: {  	v2 =	vsel vm6, v53, v2;
	vm6 =	vgt.f32 v7, v5  }
0x351: {  	v5 =	vsel vm6, v7, v5;
	v7 =	vld [tilespmem:$0x1F960];
	_ =	sdelay $0x2  }
0x352: {  	v4 =	vsel vm4, v54, v4;
	vm4 =	vgt.f32 v62, v1  }
0x353: {  	v3 =	vsel vm3, v54, v3;
	v1 =	vsel vm4, v62, v1  }
0x354: {  	v3 =	vsel vm7, v53, v3;
	vm7 =	vgt.f32 v7, v1  }
0x355: {  	v1 =	vsel vm7, v7, v1;
	v7 =	vld [tilespmem:$0x1F920];
	_ =	sdelay $0x4  }
0x356: {  	v3 =	vsel vm9, v56, v3;
	vm9 =	vgt.f32 v7, v5  }
0x357: {  	v5 =	vsel vm9, v7, v5;
	v7 =	vld [tilespmem:$0x1F930];
	_ =	sdelay $0x3  }
0x358: {  	v4 =	vsel vm8, v53, v4  }
0x359: {  	v4 =	vsel vm10, v56, v4;
	vm10 =	vgt.f32 v7, v1  }
0x35a: {  	v1 =	vsel vm10, v7, v1;
	v7 =	vld [tilespmem:$0x1F940]  }
0x35b: {  	vm5 =	vgt.f32 v63, v0  }
0x35c: {  	v0 =	vsel vm5, v63, v0  }
0x35d: {  	vm8 =	vgt.f32 v59, v0  }
0x35e: {  	v60 =	vld [tilespmem:$0x1F8E0];
	v0 =	vsel vm8, v59, v0  }
0x35f: {  	v8 =	vsel vm11, v40, v6;
	v62 =	vld [tilespmem:$0x1F8F0];
	vm11 =	vgt.f32 v7, v0  }
0x360: {  	v63 =	vsel vm14, v40, v10;
	v0 =	vsel vm11, v7, v0;
	v7 =	vld [tilespmem:$0x1F8D0]  }
0x361: {  	v41 =	vld [tilespmem:$0x1FF00];
	[tilespmem:$0x1FE70] =	vst v63;
	v6 =	vsel vm12, v40, v9;
	v2 =	vsel vm2, v56, v2  }
0x362: {  	v37 =	vld [tilespmem:$0x1FEF0];
	p0 =	seq.s32 s2, $0x1D;
	[tilespmem:$0x1FDC0] =	vst v8;
	v2 =	vsel vm15, v47, v2;
	v3 =	vsel vm4, v47, v3;
	v4 =	vsel vm5, v47, v4  }
.Ltmp2:
0x363: {  	v36 =	vld [tilespmem:$0x1FEE0];
	[tilespmem:$0x1FDD0] =	vst v35;
	v4 =	vsel vm8, v44, v4;
	v2 =	vsel vm6, v44, v2;
	vm13 =	vgt.f32 v60, v1;
	(pc) =	sbr.rel @p0 .LBB2_8-.Ltmp2, $4  }
0x364: {  	v32 =	vld [tilespmem:$0x1FED0];
	[tilespmem:$0x1FDE0] =	vst v34;
	v3 =	vsel vm7, v44, v3;
	v1 =	vsel vm13, v60, v1;
	vm15 =	vgt.f32 v62, v0  }
0x365: {  	v31 =	vld [tilespmem:$0x1FEC0];
	v2 =	vsel vm9, v43, v2;
	[tilespmem:$0x1FE20] =	vst v1;
	v0 =	vsel vm15, v62, v0;
	vm12 =	vgt.f32 v7, v5  }
0x366: {  	v30 =	vld [tilespmem:$0x1FEB0];
	v3 =	vsel vm10, v43, v3;
	v4 =	vsel vm11, v43, v4;
	[tilespmem:$0x1FE00] =	vst v0;
	v5 =	vsel vm12, v7, v5  }
0x367: {  	v28 =	vld [tilespmem:$0x1FEA0];
	v48 =	vsel vm13, v40, v3;
	v44 =	vsel vm15, v40, v4;
	v52 =	vsel vm12, v40, v2;
	[tilespmem:$0x1FE40] =	vst v5  }
0x368: {  	[tilespmem:$0x1FE80] =	vst v27  }
0x369: {  	[tilespmem:$0x1FE60] =	vst v25  }
0x36a: {  	[tilespmem:$0x1FE30] =	vst v52;
	v52 =	vld [tilespmem:$0x1FF90]  }
0x36b: {  	[tilespmem:$0x1FE50] =	vst v46;
	v55 =	vld [tilespmem:$0x1FFA0]  }
.Ltmp3:
0x36c: {  	[tilespmem:$0x1FDB0] =	vst v6;
	s1 =	sadd.s32 s1, s13;
	v43 =	vld [tilespmem:$0x1FFB0];
	(pc) =	sbr.rel .LBB2_2-.Ltmp3, $4  }
0x36d: {  	[tilespmem:$0x1FE10] =	vst v48;
	s2 =	sadd.s32 $0x1, s2;
	v42 =	vld [tilespmem:$0x1FFC0];
	s6 =	sadd.s32 s1, s8;
	s1 =	sshrl.u32 s1, $0x3  }
0x36e: {  	v45 =	vld [tilespmem:$0x1FFE0];
	[tilespmem:s21], [sflag:$0x2] =	stream.linear.gather [hbm4b:s6+s3], $0x4000, $0x38  }
0x36f: {  	[tilespmem:$0x1FDF0] =	vst v44;
	s5 =	sadd.s32 $0x1000, s5;
	s31 =	sadd.s32 $0x1000, s31;
	v50 =	vld [tilespmem:$0x1FFF0];
	v54 =	vmovc v36;
	v56 =	vmov v37;
	v59 =	vmov v41;
	v62 =	vmov v38;
	s1 =	sadd.s32 s4, s1  }
0x370: {  	v23 =	vld [tilespmem:$0x1FE90];
	v63 =	vmovc v18;
	v53 =	vmovc v32;
	v47 =	vmov v31;
	v40 =	vmov v30;
	[tilespmem:s22], [sflag:$0x4] =	stream.linear.gather [hbm4b:s1+s3], $0x800, $0x38;
	v39 =	vmov v28  }
.LBB2_8:
0x371: {  	_ =	swait.ge [sflag:s23], $0x4000  }
0x372: {  	[sflag:s23] =	ssyncset.done $0x0  }
0x373: {  	[sflag:s23] =	ssyncadd.s32 $0xFFFFC000  }
0x374: {  	_ =	swait.ge [sflag:s24], $0x800  }
0x375: {  	[sflag:s24] =	ssyncset.done $0x0  }
0x376: {  	s1 =	simm.s32 $0x8040;
	v1 =	vld [tilespmem:$0x1FE90];
	[sflag:s24] =	ssyncadd.s32 $0xFFFFF800  }
0x377: {  	v0 =	vld [tilespmem:s1+$0x30]  }
0x378: {  	s2 =	simm.s32 $0x200;
	v2 =	vld [tilespmem:s1+$0x20]  }
0x379: {  	v29 =	vld [tilespmem:s2+$0xFFFFFE70]  }
0x37a: {  	v3 =	vld [tilespmem:s2+$0xFFFFFEF0]  }
0x37b: {  	v4 =	vld [tilespmem:s2+$0xFFFFFF70]  }
0x37c: {  	v5 =	vld [tilespmem:s2+$0xFFFFFFF0]  }
0x37d: {  	v57 =	vmov v6;
	v6 =	vld [tilespmem:s2+$0x70]  }
0x37e: {  	v7 =	vld [tilespmem:s2+$0xF0]  }
0x37f: {  	v8 =	vld [tilespmem:s2+$0x170]  }
0x380: {  	v9 =	vld [tilespmem:s2+$0x1F0]  }
0x381: {  	v10 =	vld [tilespmem:s1+$0x10]  }
0x382: {  	v11 =	vld [tilespmem:s2+$0xFFFFFE60]  }
0x383: {  	v12 =	vld [tilespmem:s2+$0xFFFFFEE0]  }
0x384: {  	v13 =	vld [tilespmem:s2+$0xFFFFFF60]  }
0x385: {  	v14 =	vld [tilespmem:s2+$0xFFFFFFE0]  }
0x386: {  	v15 =	vld [tilespmem:s2+$0x60]  }
0x387: {  	v16 =	vld [tilespmem:s2+$0xE0]  }
0x388: {  	v17 =	vld [tilespmem:s2+$0x160]  }
0x389: {  	v39 =	vld [tilespmem:s2+$0x1E0]  }
0x38a: {  	v19 =	vld [tilespmem:s1+$0x0]  }
0x38b: {  	v20 =	vld [tilespmem:s2+$0xFFFFFE50]  }
0x38c: {  	v21 =	vld [tilespmem:s2+$0xFFFFFED0]  }
0x38d: {  	v22 =	vld [tilespmem:s2+$0xFFFFFF50]  }
0x38e: {  	v23 =	vld [tilespmem:s2+$0xFFFFFFD0]  }
0x38f: {  	v24 =	vld [tilespmem:s2+$0x50]  }
0x390: {  	v45 =	vmov v25;
	v25 =	vld [tilespmem:s2+$0xD0]  }
0x391: {  	v26 =	vld [tilespmem:s2+$0x150]  }
0x392: {  	v54 =	vmov v27;
	v27 =	vld [tilespmem:s2+$0x1D0];
	v47 =	vmul.f32 v29, v1  }
0x393: {  	v59 =	vld [tilespmem:s2+$0xFFFFFFC0];
	v3 =	vmul.f32 v3, v28;
	v4 =	vmul.f32 v4, v30  }
0x394: {  	v33 =	vld [tilespmem:s2+$0x40];
	v5 =	vmul.f32 v5, v31;
	v6 =	vmul.f32 v6, v32  }
0x395: {  	v49 =	vld [tilespmem:s2+$0x1C0];
	v7 =	vmul.f32 v7, v36;
	v8 =	vmul.f32 v8, v37  }
0x396: {  	v62 =	vmovc v30;
	v53 =	vmov v28;
	v42 =	vld [tilespmem:s1+$0xFFFFFFE0];
	v9 =	vmul.f32 v9, v41;
	v11 =	vmul.f32 v11, v1  }
0x397: {  	v60 =	vmovc v32;
	v63 =	vmov v31;
	v55 =	vld [tilespmem:s2+$0xFFFFFE30];
	v12 =	vmul.f32 v12, v53;
	v13 =	vmul.f32 v13, v62  }
0x398: {  	v40 =	vld [tilespmem:s2+$0xFFFFFF30];
	v14 =	vmul.f32 v14, v63;
	v15 =	vmul.f32 v15, v60  }
0x399: {  	v56 =	vld [tilespmem:s2+$0xFFFFFFB0];
	v34 =	vmul.f32 v16, v36;
	v35 =	vmul.f32 v17, v37  }
0x39a: {  	v28 =	vld [tilespmem:s1+$0xFFFFFFF0];
	v50 =	vmul.f32 v39, v41;
	v20 =	vmul.f32 v20, v1  }
0x39b: {  	v29 =	vld [tilespmem:s2+$0xFFFFFE40];
	v43 =	vmul.f32 v25, v36;
	v25 =	vsub.f32 v47, v0;
	v5 =	vsub.f32 v5, v0  }
0x39c: {  	v30 =	vld [tilespmem:s2+$0xFFFFFEC0];
	v21 =	vmul.f32 v21, v53;
	v58 =	vsub.f32 v3, v0;
	v7 =	vsub.f32 v7, v0  }
0x39d: {  	v16 =	vld [tilespmem:s2+$0xC0];
	v22 =	vmul.f32 v22, v62;
	v3 =	vsub.f32 v4, v0;
	[tilespmem:$0x1F460] =	vst v5;
	v5 =	vsub.f32 v6, v0  }
0x39e: {  	v17 =	vld [tilespmem:s2+$0x140];
	v23 =	vmul.f32 v23, v63;
	[tilespmem:$0x1F480] =	vst v7;
	v7 =	vsub.f32 v8, v0;
	v0 =	vsub.f32 v9, v0  }
0x39f: {  	v24 =	vmul.f32 v24, v60;
	v26 =	vmul.f32 v26, v37;
	v39 =	vld [tilespmem:s2+$0xFFFFFEB0]  }
0x3a0: {  	v27 =	vmul.f32 v27, v41;
	v32 =	vmul.f32 v59, v63;
	v8 =	vld [tilespmem:s2+$0x1B0];
	[tilespmem:$0x1F4A0] =	vst v0;
	v0 =	vsub.f32 v13, v2  }
0x3a1: {  	[tilespmem:$0x1F450] =	vst v3;
	v6 =	vmul.f32 v49, v41;
	v49 =	vmul.f32 v55, v1;
	v55 =	vld [tilespmem:s2+$0x20]  }
0x3a2: {  	v33 =	vmul.f32 v33, v60;
	v21 =	vsub.f32 v21, v10;
	v3 =	vld [tilespmem:s2+$0x30];
	[tilespmem:$0x1F4B0] =	vst v0;
	v0 =	vsub.f32 v14, v2  }
0x3a3: {  	v31 =	vld [tilespmem:s2+$0xFFFFFF40];
	v59 =	vsub.f32 v24, v10;
	v29 =	vmul.f32 v29, v1;
	v47 =	vmul.f32 v16, v36  }
0x3a4: {  	v24 =	vld [tilespmem:s2+$0x120];
	v4 =	vmul.f32 v17, v37;
	v17 =	vsub.f32 v11, v2;
	[tilespmem:$0x1F4C0] =	vst v0;
	v0 =	vsub.f32 v15, v2  }
0x3a5: {  	v16 =	vsub.f32 v12, v2;
	v11 =	vld [tilespmem:s2+$0xFFFFFE20];
	v12 =	vmul.f32 v40, v62;
	[tilespmem:$0x1F470] =	vst v5;
	v40 =	vmul.f32 v8, v41  }
0x3a6: {  	v5 =	vld [tilespmem:s2+$0xB0];
	v8 =	vsub.f32 v33, v19;
	v33 =	vmul.f32 v55, v60;
	[tilespmem:$0x1F4D0] =	vst v0;
	v0 =	vsub.f32 v34, v2  }
0x3a7: {  	v9 =	vmul.f32 v39, v53;
	[tilespmem:$0x1F490] =	vst v7;
	v7 =	vld [tilespmem:s2+$0x130];
	v34 =	vmul.f32 v3, v60;
	v3 =	vsub.f32 v43, v10  }
0x3a8: {  	v30 =	vmul.f32 v30, v53;
	v13 =	vld [tilespmem:s2+$0xFFFFFEA0];
	v33 =	vsub.f32 v33, v42;
	[tilespmem:$0x1F4E0] =	vst v0;
	v0 =	vsub.f32 v35, v2  }
0x3a9: {  	v31 =	vmul.f32 v31, v62;
	v15 =	vld [tilespmem:s2+$0xFFFFFF20];
	v43 =	vsub.f32 v49, v28;
	v49 =	vsub.f32 v9, v28;
	[tilespmem:$0x1F520] =	vst v3  }
0x3aa: {  	v24 =	vmul.f32 v24, v37;
	v3 =	vsub.f32 v26, v10;
	[tilespmem:$0x1F4F0] =	vst v0;
	v0 =	vsub.f32 v50, v2;
	v2 =	vld [tilespmem:s2+$0xFFFFFFA0]  }
0x3ab: {  	v14 =	vmul.f32 v56, v63;
	v35 =	vsub.f32 v20, v10;
	v20 =	vld [tilespmem:s2+$0xA0];
	v26 =	vsub.f32 v29, v19  }
0x3ac: {  	v11 =	vmul.f32 v11, v1;
	v29 =	vld [tilespmem:s1+$0xFFFFFFC0];
	[tilespmem:$0x1F530] =	vst v3;
	v3 =	vsub.f32 v27, v10;
	v27 =	vsub.f32 v30, v19  }
0x3ad: {  	v50 =	vmul.f32 v5, v36;
	v5 =	vsub.f32 v31, v19;
	v31 =	vld [tilespmem:s2+$0xFFFFFE00];
	[tilespmem:$0x1F500] =	vst v0;
	v0 =	vsub.f32 v22, v10  }
0x3ae: {  	v22 =	vmul.f32 v7, v37;
	[tilespmem:$0x1F540] =	vst v3;
	v7 =	vsub.f32 v32, v19;
	v3 =	vsub.f32 v47, v19;
	v32 =	vld [tilespmem:s2+$0xFFFFFE10]  }
0x3af: {  	[tilespmem:$0x1F510] =	vst v0;
	v0 =	vsub.f32 v23, v10;
	v10 =	vld [tilespmem:s2+$0x1A0];
	v30 =	vmul.f32 v2, v63;
	v2 =	vsub.f32 v4, v19  }
0x3b0: {  	v13 =	vmul.f32 v13, v53;
	v4 =	vsub.f32 v6, v19;
	v19 =	vsub.f32 v12, v28;
	v12 =	vld [tilespmem:s2+$0xFFFFFE80]  }
0x3b1: {  	v56 =	vld [tilespmem:s2+$0xFFFFFE90];
	v39 =	vsub.f32 v34, v28;
	v15 =	vmul.f32 v15, v62;
	v9 =	vsub.f32 v50, v28  }
0x3b2: {  	v34 =	vld [tilespmem:s1+$0xFFFFFFD0];
	v6 =	vsub.f32 v22, v28;
	v22 =	vsub.f32 v11, v42;
	v11 =	vmul.f32 v31, v1  }
0x3b3: {  	v55 =	vmul.f32 v20, v36;
	v20 =	vsub.f32 v14, v28;
	v31 =	vsub.f32 v13, v42  }
0x3b4: {  	v30 =	vsub.f32 v30, v42;
	v50 =	vsub.f32 v11, v29;
	v14 =	vmul.f32 v10, v41  }
0x3b5: {  	v10 =	vsub.f32 v40, v28;
	v28 =	vmul.f32 v32, v1;
	v12 =	vmul.f32 v12, v53  }
0x3b6: {  	v23 =	vmovc v51;
	v51 =	vmul.f32 v56, v53;
	v11 =	vsub.f32 v55, v42;
	v32 =	vsub.f32 v15, v42  }
0x3b7: {  	v15 =	vld [tilespmem:s2+$0xFFFFFF90];
	vm1 =	vgt.f32 v50, v54;
	v28 =	vsub.f32 v28, v34;
	v53 =	vsub.f32 v12, v29  }
0x3b8: {  	v47 =	vld [tilespmem:s2+$0x10];
	v13 =	vsub.f32 v14, v42;
	v14 =	vsel vm1, v50, v54;
	v12 =	vsub.f32 v24, v42  }
0x3b9: {  	v55 =	vld [tilespmem:s2+$0x90];
	v42 =	vsub.f32 v51, v34;
	vm0 =	vgt.f32 v28, v14;
	vm6 =	vgt.f32 v53, v45  }
0x3ba: {  	v54 =	vld [tilespmem:s2+$0x190];
	v14 =	vsel vm0, v28, v14;
	v56 =	vsel vm6, v53, v45  }
0x3bb: {  	v24 =	vld [tilespmem:s2+$0x110];
	vm2 =	vgt.f32 v22, v14;
	vm9 =	vgt.f32 v42, v56  }
0x3bc: {  	v15 =	vmul.f32 v15, v63;
	v14 =	vsel vm2, v22, v14;
	v42 =	vsel vm9, v42, v56  }
0x3bd: {  	v28 =	vmul.f32 v47, v60;
	vm4 =	vgt.f32 v43, v14;
	vm5 =	vgt.f32 v31, v42  }
0x3be: {  	v47 =	vmul.f32 v55, v36;
	v43 =	vsel vm4, v43, v14;
	v31 =	vsel vm5, v31, v42  }
0x3bf: {  	v50 =	vmul.f32 v54, v41;
	v42 =	vld [tilespmem:s2+$0x0];
	vm3 =	vgt.f32 v26, v43;
	vm7 =	vgt.f32 v49, v31  }
0x3c0: {  	v40 =	vld [tilespmem:s2+$0xFFFFFF10];
	v24 =	vmul.f32 v24, v37;
	v26 =	vsel vm3, v26, v43;
	v31 =	vsel vm7, v49, v31  }
0x3c1: {  	v56 =	vsub.f32 v28, v34;
	v28 =	vld [tilespmem:s2+$0x180];
	vm8 =	vgt.f32 v35, v26;
	vm10 =	vgt.f32 v27, v31  }
0x3c2: {  	v51 =	vld [tilespmem:s2+$0xFFFFFF00];
	v55 =	vsub.f32 v15, v34;
	v26 =	vsel vm8, v35, v26;
	v27 =	vsel vm10, v27, v31  }
0x3c3: {  	v22 =	vld [tilespmem:s2+$0xFFFFFF80];
	v15 =	vsub.f32 v24, v34;
	vm11 =	vgt.f32 v17, v26;
	vm12 =	vgt.f32 v21, v27  }
0x3c4: {  	v53 =	vld [tilespmem:s2+$0x80];
	v17 =	vsel vm11, v17, v26;
	v21 =	vsel vm12, v21, v27;
	v27 =	vmul.f32 v42, v60  }
0x3c5: {  	v45 =	vld [tilespmem:s2+$0x100];
	v24 =	vsub.f32 v50, v34;
	vm14 =	vgt.f32 v25, v17;
	vm13 =	vgt.f32 v16, v21  }
0x3c6: {  	v50 =	vsub.f32 v27, v29;
	v27 =	vmul.f32 v28, v41;
	v41 =	vsel vm14, v25, v17;
	v17 =	vld [tilespmem:$0x1FF90]  }
0x3c7: {  	v40 =	vmul.f32 v40, v62;
	v16 =	vsel vm13, v16, v21;
	v21 =	vld [tilespmem:$0x1FE20]  }
0x3c8: {  	v22 =	vmul.f32 v22, v63;
	v25 =	vld [tilespmem:$0x1FE00]  }
0x3c9: {  	s5 =	sadd.s32 $0x0, s14;
	v40 =	vsub.f32 v40, v34;
	v14 =	vsub.f32 v47, v34  }
0x3ca: {  	v43 =	vmul.f32 v53, v36;
	v63 =	vor.u32 s5, v61;
	v22 =	vsub.f32 v22, v29  }
0x3cb: {  	v34 =	vmovc v1;
	v1 =	vld [tilespmem:$0x1FE70];
	v53 =	vor.u32 s5, v17;
	v17 =	vsel vm6, v63, v46;
	vm6 =	vgt.f32 v58, v16  }
0x3cc: {  	v49 =	vmul.f32 v45, v37;
	v37 =	vsel vm6, v58, v16;
	v16 =	vsel vm9, v53, v17;
	v17 =	vld [tilespmem:$0x1FE40]  }
0x3cd: {  	v31 =	vmul.f32 v51, v62;
	v42 =	vld [tilespmem:$0x1FFC0];
	vm15 =	vgt.f32 v50, v25;
	vm9 =	vgt.f32 v22, v21  }
0x3ce: {  	v21 =	vsel vm9, v22, v21;
	v22 =	vsel vm15, v50, v25;
	v25 =	vld [tilespmem:$0x1FFA0]  }
0x3cf: {  	v31 =	vsub.f32 v31, v29;
	v28 =	vsub.f32 v43, v29;
	v43 =	vld [tilespmem:$0x1FFB0]  }
0x3d0: {  	v36 =	vor.u32 s5, v23  }
0x3d1: {  	v26 =	vsub.f32 v49, v29;
	v1 =	vsel vm1, v63, v1;
	vm1 =	vgt.f32 v31, v17  }
0x3d2: {  	v27 =	vsub.f32 v27, v29;
	v1 =	vsel vm0, v53, v1;
	v17 =	vsel vm1, v31, v17  }
0x3d3: {  	v58 =	vor.u32 s5, v42;
	v51 =	vor.u32 s5, v25;
	vm0 =	vgt.f32 v40, v17  }
0x3d4: {  	v50 =	vor.u32 s5, v43;
	v1 =	vsel vm2, v51, v1;
	v17 =	vsel vm0, v40, v17  }
0x3d5: {  	v25 =	vimm.s32 $0x0;
	v1 =	vsel vm4, v50, v1;
	vm4 =	vgt.f32 v32, v17  }
0x3d6: {  	v25 =	vsel vm0, $0xFFFFFFFF, v25;
	v1 =	vsel vm3, v58, v1;
	v17 =	vsel vm4, v32, v17  }
0x3d7: {  	v45 =	vld [tilespmem:$0x1FFE0];
	v16 =	vsel vm5, v51, v16;
	[tilespmem:$0x1F550] =	vst v25;
	v25 =	vsel vm8, v36, v1;
	vm8 =	vgt.f32 v19, v17  }
0x3d8: {  	vm2 =	vgt.f32 v55, v21;
	vm5 =	vgt.f32 v56, v22;
	v1 =	vsel vm8, v19, v17;
	v17 =	vld [tilespmem:$0x1FFF0]  }
0x3d9: {  	v21 =	vsel vm2, v55, v21;
	v22 =	vsel vm5, v56, v22;
	v16 =	vsel vm7, v50, v16  }
0x3da: {  	vm7 =	vgt.f32 v30, v21;
	v16 =	vsel vm10, v58, v16;
	vm10 =	vgt.f32 v33, v22  }
0x3db: {  	v21 =	vsel vm7, v30, v21;
	v22 =	vsel vm10, v33, v22;
	v29 =	vsel vm12, v36, v16  }
0x3dc: {  	v32 =	vor.u32 s5, v45;
	vm3 =	vgt.f32 v20, v21;
	vm12 =	vgt.f32 v39, v22  }
0x3dd: {  	v33 =	vsel vm11, v32, v25;
	v19 =	vsel vm13, v32, v29;
	v35 =	vor.u32 s5, v17  }
0x3de: {  	v16 =	vsel vm3, v20, v21;
	v20 =	vmovc v18;
	v17 =	vsel vm12, v39, v22;
	s5 =	simm.s32 $0x80;
	v25 =	vsel vm6, v35, v19  }
.LBB2_9:
0x3df: {  	v18 =	vimm.s32 $0x0  }
0x3e0: {  	v18 =	vsel vm1, $0xFFFFFFFF, v18  }
0x3e1: {  	[tilespmem:$0x1F230] =	vst v18;
	v18 =	vimm.s32 $0x0  }
0x3e2: {  	v18 =	vsel vm2, $0xFFFFFFFF, v18  }
0x3e3: {  	[tilespmem:$0x1F260] =	vst v18;
	v18 =	vimm.s32 $0x0  }
0x3e4: {  	v18 =	vsel vm5, $0xFFFFFFFF, v18  }
0x3e5: {  	[tilespmem:$0x1F270] =	vst v18;
	v18 =	vimm.s32 $0x0  }
0x3e6: {  	v18 =	vsel vm4, $0xFFFFFFFF, v18  }
0x3e7: {  	[tilespmem:$0x1F280] =	vst v18;
	v18 =	vimm.s32 $0x0  }
0x3e8: {  	v18 =	vsel vm3, $0xFFFFFFFF, v18  }
0x3e9: {  	[tilespmem:$0x1F2C0] =	vst v18;
	v18 =	vimm.s32 $0x0  }
0x3ea: {  	v18 =	vsel vm7, $0xFFFFFFFF, v18  }
0x3eb: {  	[tilespmem:$0x1F290] =	vst v18;
	v18 =	vimm.s32 $0x0  }
0x3ec: {  	v18 =	vsel vm9, $0xFFFFFFFF, v18  }
0x3ed: {  	[tilespmem:$0x1F240] =	vst v18;
	v18 =	vimm.s32 $0x0  }
0x3ee: {  	v18 =	vsel vm12, $0xFFFFFFFF, v18  }
0x3ef: {  	[tilespmem:$0x1F2D0] =	vst v18;
	v18 =	vimm.s32 $0x0  }
0x3f0: {  	v18 =	vsel vm10, $0xFFFFFFFF, v18  }
0x3f1: {  	vm0 =	vgt.f32 v5, v1;
	vm6 =	vgt.f32 v7, v16;
	[tilespmem:$0x1F2A0] =	vst v18;
	v18 =	vimm.s32 $0x0  }
0x3f2: {  	vm11 =	vgt.f32 v8, v17;
	v1 =	vsel vm0, v5, v1;
	v18 =	vsel vm15, $0xFFFFFFFF, v18  }
0x3f3: {  	v5 =	vsel vm6, v7, v16;
	v7 =	vsel vm11, v8, v17;
	v8 =	vld [tilespmem:$0x1F510];
	[tilespmem:$0x1F250] =	vst v18;
	v18 =	vimm.s32 $0x0  }
0x3f4: {  	v18 =	vsel vm8, $0xFFFFFFFF, v18  }
0x3f5: {  	[tilespmem:$0x1F2B0] =	vst v18;
	v18 =	vimm.s32 $0x0  }
0x3f6: {  	v18 =	vsel vm14, $0xFFFFFFFF, v18  }
0x3f7: {  	[tilespmem:$0x1F3A0] =	vst v18;
	v18 =	vimm.s32 $0x0  }
0x3f8: {  	v16 =	vimm.s32 $0x0;
	v18 =	vsel vm0, $0xFFFFFFFF, v18;
	vm0 =	vgt.f32 v8, v1  }
0x3f9: {  	[tilespmem:$0x1F2E0] =	vst v18;
	v18 =	vimm.s32 $0x0;
	v16 =	vsel vm0, $0xFFFFFFFF, v16  }
0x3fa: {  	v18 =	vsel vm6, $0xFFFFFFFF, v18;
	[tilespmem:$0x1F310] =	vst v16;
	vm6 =	vgt.f32 v0, v5;
	v16 =	vimm.s32 $0x0  }
0x3fb: {  	[tilespmem:$0x1F2F0] =	vst v18;
	v18 =	vimm.s32 $0x0;
	v16 =	vsel vm6, $0xFFFFFFFF, v16  }
0x3fc: {  	v18 =	vsel vm11, $0xFFFFFFFF, v18;
	[tilespmem:$0x1F320] =	vst v16;
	vm11 =	vgt.f32 v59, v7;
	v16 =	vimm.s32 $0x0  }
0x3fd: {  	v16 =	vsel vm11, $0xFFFFFFFF, v16  }
0x3fe: {  	[tilespmem:$0x1F330] =	vst v16;
	v16 =	vld [tilespmem:$0x1F4C0];
	_ =	sdelay $0x2  }
0x3ff: {  	v0 =	vsel vm6, v0, v5;
	v5 =	vsel vm11, v59, v7;
	v7 =	vld [tilespmem:$0x1F4B0];
	_ =	sdelay $0x1  }
0x400: {  	vm6 =	vgt.f32 v16, v0  }
0x401: {  	v0 =	vsel vm6, v16, v0;
	v16 =	vld [tilespmem:$0x1F450]  }
0x402: {  	v1 =	vsel vm0, v8, v1  }
0x403: {  	v8 =	vimm.s32 $0x0;
	vm0 =	vgt.f32 v7, v1  }
0x404: {  	v8 =	vsel vm0, $0xFFFFFFFF, v8  }
0x405: {  	v1 =	vsel vm0, v7, v1;
	[tilespmem:$0x1F340] =	vst v8;
	v8 =	vimm.s32 $0x0  }
0x406: {  	v7 =	vimm.s32 $0x0;
	v8 =	vsel vm6, $0xFFFFFFFF, v8;
	vm0 =	vgt.f32 v16, v1  }
0x407: {  	[tilespmem:$0x1F350] =	vst v8;
	v8 =	vld [tilespmem:$0x1F4D0];
	v7 =	vsel vm0, $0xFFFFFFFF, v7  }
0x408: {  	[tilespmem:$0x1F370] =	vst v7;
	v7 =	vld [tilespmem:$0x1F460];
	_ =	sdelay $0x3  }
0x409: {  	vm11 =	vgt.f32 v8, v5  }
0x40a: {  	v5 =	vsel vm11, v8, v5;
	v8 =	vimm.s32 $0x0;
	vm6 =	vgt.f32 v7, v0  }
0x40b: {  	v8 =	vsel vm6, $0xFFFFFFFF, v8  }
0x40c: {  	[tilespmem:$0x1F380] =	vst v8;
	v8 =	vld [tilespmem:$0x1F470];
	_ =	sdelay $0x3  }
0x40d: {  	v17 =	vimm.s32 $0x0  }
0x40e: {  	v17 =	vsel vm11, $0xFFFFFFFF, v17;
	v0 =	vsel vm6, v7, v0;
	vm11 =	vgt.f32 v8, v5  }
0x40f: {  	[tilespmem:$0x1F430] =	vst v0;
	v0 =	vsel vm11, v8, v5  }
0x410: {  	[tilespmem:$0x1F440] =	vst v0;
	v0 =	vld [tilespmem:$0x1FDE0];
	_ =	sdelay $0x3  }
0x411: {  	v1 =	vsel vm0, v16, v1  }
0x412: {  	[tilespmem:$0x1F420] =	vst v1;
	v1 =	vimm.s32 $0x0;
	vm0 =	vgt.f32 v28, v0  }
0x413: {  	v1 =	vsel vm0, $0xFFFFFFFF, v1  }
0x414: {  	vm6 =	vgt.f32 v26, v20;
	[tilespmem:$0x1F1A0] =	vst v1;
	v1 =	vimm.s32 $0x0  }
0x415: {  	v1 =	vsel vm6, $0xFFFFFFFF, v1  }
0x416: {  	vm3 =	vgt.f32 v27, v38;
	[tilespmem:$0x1F1B0] =	vst v1;
	v1 =	vimm.s32 $0x0  }
0x417: {  	[tilespmem:$0x1F360] =	vst v17;
	v17 =	vimm.s32 $0x0;
	v8 =	vsel vm3, v27, v38;
	v1 =	vsel vm3, $0xFFFFFFFF, v1  }
0x418: {  	v7 =	vsel vm6, v26, v20;
	vm6 =	vgt.f32 v24, v8;
	[tilespmem:$0x1F1C0] =	vst v1;
	v1 =	vsel vm0, v28, v0  }
0x419: {  	v8 =	vsel vm6, v24, v8;
	v0 =	vimm.s32 $0x0;
	vm0 =	vgt.f32 v14, v1  }
0x41a: {  	vm3 =	vgt.f32 v15, v7;
	vm4 =	vgt.f32 v13, v8;
	v0 =	vsel vm0, $0xFFFFFFFF, v0  }
0x41b: {  	v15 =	vsel vm3, v15, v7;
	v14 =	vsel vm0, v14, v1;
	[tilespmem:$0x1F1D0] =	vst v0;
	v0 =	vimm.s32 $0x0  }
0x41c: {  	vm0 =	vgt.f32 v11, v14;
	v0 =	vsel vm3, $0xFFFFFFFF, v0;
	vm3 =	vgt.f32 v12, v15  }
0x41d: {  	v13 =	vsel vm4, v13, v8;
	v14 =	vsel vm0, v11, v14;
	v12 =	vsel vm3, v12, v15;
	v15 =	vld [tilespmem:$0x1F520]  }
0x41e: {  	v17 =	vsel vm11, $0xFFFFFFFF, v17;
	vm8 =	vgt.f32 v10, v13;
	vm13 =	vgt.f32 v9, v14  }
0x41f: {  	[tilespmem:$0x1F390] =	vst v17;
	v17 =	vld [tilespmem:$0x1F4E0];
	v10 =	vsel vm8, v10, v13;
	v9 =	vsel vm13, v9, v14  }
0x420: {  	v19 =	vld [tilespmem:$0x1F480];
	vm11 =	vgt.f32 v4, v10;
	vm9 =	vgt.f32 v3, v9  }
0x421: {  	v7 =	vimm.s32 $0x0;
	v4 =	vsel vm11, v4, v10;
	v10 =	vld [tilespmem:$0x1F530];
	v3 =	vsel vm9, v3, v9  }
0x422: {  	v16 =	vld [tilespmem:$0x1F4F0];
	v7 =	vsel vm0, $0xFFFFFFFF, v7;
	vm14 =	vgt.f32 v6, v12;
	vm12 =	vgt.f32 v15, v3  }
0x423: {  	[tilespmem:$0x1F200] =	vst v7;
	v7 =	vimm.s32 $0x0;
	v14 =	vld [tilespmem:$0x1F540];
	v12 =	vsel vm14, v6, v12;
	v3 =	vsel vm12, v15, v3  }
0x424: {  	v7 =	vsel vm3, $0xFFFFFFFF, v7;
	vm10 =	vgt.f32 v2, v12;
	v15 =	vld [tilespmem:$0x1F500];
	vm3 =	vgt.f32 v17, v3  }
0x425: {  	[tilespmem:$0x1F1E0] =	vst v0;
	v0 =	vimm.s32 $0x0;
	v2 =	vsel vm10, v2, v12;
	v3 =	vsel vm3, v17, v3;
	v17 =	vld [tilespmem:$0x1F490]  }
0x426: {  	[tilespmem:$0x1F300] =	vst v18;
	v0 =	vsel vm6, $0xFFFFFFFF, v0;
	vm6 =	vgt.f32 v10, v2  }
0x427: {  	v18 =	vld [tilespmem:$0x1F4A0];
	[tilespmem:$0x1F210] =	vst v7;
	v7 =	vimm.s32 $0x0;
	v10 =	vsel vm6, v10, v2  }
0x428: {  	v7 =	vsel vm4, $0xFFFFFFFF, v7;
	vm7 =	vgt.f32 v14, v4;
	vm4 =	vgt.f32 v16, v10  }
0x429: {  	v4 =	vsel vm7, v14, v4;
	v10 =	vsel vm4, v16, v10;
	vm0 =	vgt.f32 v19, v3  }
0x42a: {  	v3 =	vsel vm0, v19, v3;
	vm5 =	vgt.f32 v15, v4;
	vm1 =	vgt.f32 v17, v10  }
0x42b: {  	[tilespmem:$0x1FDE0] =	vst v3;
	v4 =	vsel vm5, v15, v4;
	v3 =	vsel vm1, v17, v10;
	v10 =	vld [tilespmem:$0x1F1A0]  }
0x42c: {  	vm2 =	vgt.f32 v18, v4;
	v17 =	vld [tilespmem:$0x1F1B0]  }
0x42d: {  	[tilespmem:$0x1FB80] =	vst v3;
	v3 =	vsel vm2, v18, v4;
	v4 =	vld [tilespmem:$0x1FDD0];
	_ =	sdelay $0x3  }
0x42e: {  	vm15 =	vnez.u8 v10;
	v10 =	vld [tilespmem:$0x1FDC0]  }
0x42f: {  	v4 =	vsel vm15, v63, v4;
	vm15 =	vnez.u8 v17;
	v17 =	vld [tilespmem:$0x1F1C0]  }
0x430: {  	v19 =	vld [tilespmem:$0x1F1D0];
	_ =	sdelay $0x3  }
0x431: {  	v10 =	vsel vm15, v63, v10;
	vm15 =	vnez.u8 v17  }
0x432: {  	v17 =	vsel vm15, v63, v57;
	vm15 =	vnez.u8 v19;
	v19 =	vld [tilespmem:$0x1F1E0];
	_ =	sdelay $0x3  }
0x433: {  	[tilespmem:$0x1F1F0] =	vst v0  }
0x434: {  	v4 =	vsel vm15, v53, v4;
	vm15 =	vnez.u8 v19;
	v19 =	vld [tilespmem:$0x1F1F0]  }
0x435: {  	v20 =	vld [tilespmem:$0x1F200];
	_ =	sdelay $0x3  }
0x436: {  	v10 =	vsel vm15, v53, v10;
	vm15 =	vnez.u8 v19  }
0x437: {  	v17 =	vsel vm15, v53, v17;
	vm15 =	vnez.u8 v20;
	v20 =	vld [tilespmem:$0x1F210];
	_ =	sdelay $0x3  }
0x438: {  	[tilespmem:$0x1F220] =	vst v7  }
0x439: {  	v4 =	vsel vm15, v51, v4;
	vm15 =	vnez.u8 v20;
	v20 =	vld [tilespmem:$0x1F220];
	_ =	sdelay $0x4  }
0x43a: {  	v10 =	vsel vm15, v51, v10;
	vm15 =	vnez.u8 v20  }
0x43b: {  	v10 =	vsel vm14, v50, v10;
	v17 =	vsel vm15, v51, v17  }
0x43c: {  	v10 =	vsel vm10, v58, v10;
	v17 =	vsel vm8, v50, v17  }
0x43d: {  	v4 =	vsel vm13, v50, v4;
	v10 =	vsel vm6, v36, v10;
	v17 =	vsel vm11, v58, v17  }
0x43e: {  	v22 =	vsel vm9, v58, v4;
	v10 =	vsel vm4, v32, v10;
	v17 =	vsel vm7, v36, v17  }
0x43f: {  	v22 =	vsel vm12, v36, v22;
	v10 =	vsel vm1, v35, v10;
	v17 =	vsel vm5, v32, v17  }
0x440: {  	v22 =	vsel vm3, v32, v22;
	[tilespmem:$0x1FDC0] =	vst v10;
	v10 =	vsel vm2, v35, v17  }
0x441: {  	v22 =	vsel vm0, v35, v22;
	[tilespmem:$0x1FDB0] =	vst v10;
	v10 =	vld [tilespmem:$0x1F230]  }
0x442: {  	[tilespmem:$0x1FDD0] =	vst v22;
	v22 =	vld [tilespmem:$0x1F240]  }
0x443: {  	[tilespmem:$0x1F3E0] =	vst v25;
	v25 =	vld [tilespmem:$0x1F250]  }
0x444: {  	v27 =	vld [tilespmem:$0x1F550];
	_ =	sdelay $0x1  }
0x445: {  	vm0 =	vnez.u8 v10  }
0x446: {  	v10 =	vsel vm0, v63, v52;
	vm0 =	vnez.u8 v22  }
0x447: {  	v22 =	vsel vm0, v63, v48;
	vm0 =	vnez.u8 v25  }
0x448: {  	v25 =	vsel vm0, v63, v44;
	vm0 =	vnez.u8 v27;
	v27 =	vld [tilespmem:$0x1F260];
	_ =	sdelay $0x4  }
0x449: {  	v10 =	vsel vm0, v53, v10;
	vm0 =	vnez.u8 v27;
	v27 =	vld [tilespmem:$0x1F270]  }
0x44a: {  	v28 =	vld [tilespmem:$0x1F280];
	_ =	sdelay $0x3  }
0x44b: {  	v22 =	vsel vm0, v53, v22;
	vm0 =	vnez.u8 v27  }
0x44c: {  	v25 =	vsel vm0, v53, v25;
	vm0 =	vnez.u8 v28;
	v28 =	vld [tilespmem:$0x1F290];
	_ =	sdelay $0x3  }
0x44d: {  	v62 =	vld [tilespmem:$0x1FEA0]  }
0x44e: {  	v10 =	vsel vm0, v51, v10;
	vm0 =	vnez.u8 v28;
	v28 =	vld [tilespmem:$0x1F2A0]  }
0x44f: {  	v29 =	vld [tilespmem:$0x1F2B0]  }
0x450: {  	v60 =	vld [tilespmem:$0x1FEC0]  }
0x451: {  	v61 =	vld [tilespmem:$0x1FEE0]  }
0x452: {  	s2 =	sadd.s32 $0x400, s2;
	v49 =	vld [tilespmem:$0x1FEF0]  }
0x453: {  	v21 =	vld [tilespmem:s2+$0x1E0];
	v22 =	vsel vm0, v51, v22;
	vm0 =	vnez.u8 v28  }
0x454: {  	v25 =	vsel vm0, v51, v25;
	vm0 =	vnez.u8 v29;
	v29 =	vld [tilespmem:$0x1F2C0]  }
0x455: {  	v23 =	vld [tilespmem:s2+$0xFFFFFE50]  }
0x456: {  	[tilespmem:$0x1F3D0] =	vst v37;
	v37 =	vld [tilespmem:s2+$0x40]  }
0x457: {  	v39 =	vld [tilespmem:s2+$0x140]  }
0x458: {  	v40 =	vld [tilespmem:s2+$0x1C0]  }
0x459: {  	v10 =	vsel vm0, v50, v10;
	vm0 =	vnez.u8 v29;
	v29 =	vld [tilespmem:$0x1F2D0]  }
0x45a: {  	v30 =	vld [tilespmem:$0x1F2E0]  }
0x45b: {  	v54 =	vld [tilespmem:s2+$0x130]  }
0x45c: {  	v31 =	vld [tilespmem:$0x1F310]  }
0x45d: {  	v59 =	vld [tilespmem:s2+$0xFFFFFE20]  }
0x45e: {  	[tilespmem:$0x1F3C0] =	vst v41;
	v41 =	vld [tilespmem:$0x1F340];
	v22 =	vsel vm0, v50, v22;
	vm0 =	vnez.u8 v29  }
0x45f: {  	v25 =	vsel vm0, v50, v25;
	vm0 =	vnez.u8 v30;
	v30 =	vld [tilespmem:$0x1F2F0]  }
0x460: {  	v47 =	vld [tilespmem:$0x1F370]  }
0x461: {  	v46 =	vld [tilespmem:$0x1F360]  }
0x462: {  	s1 =	sadd.s32 $0x80, s1;
	v26 =	vld [tilespmem:s2+$0xFFFFFFD0]  }
0x463: {  	v5 =	vld [tilespmem:s1+$0x30]  }
0x464: {  	v10 =	vsel vm0, v58, v10;
	vm0 =	vnez.u8 v30;
	v30 =	vld [tilespmem:$0x1F300]  }
0x465: {  	v38 =	vld [tilespmem:s2+$0xC0]  }
0x466: {  	v24 =	vld [tilespmem:s2+$0xFFFFFED0]  }
0x467: {  	v8 =	vld [tilespmem:s2+$0xFFFFFF70]  }
0x468: {  	v1 =	vld [tilespmem:s2+$0xFFFFFE70]  }
0x469: {  	v13 =	vld [tilespmem:s2+$0xF0];
	v22 =	vsel vm0, v58, v22;
	vm0 =	vnez.u8 v30  }
0x46a: {  	v11 =	vld [tilespmem:s2+$0xFFFFFFF0];
	v25 =	vsel vm0, v58, v25;
	vm0 =	vnez.u8 v31  }
0x46b: {  	v31 =	vsel vm0, v36, v10;
	v10 =	vld [tilespmem:$0x1F320]  }
0x46c: {  	v0 =	vld [tilespmem:s1+$0x20]  }
0x46d: {  	v6 =	vld [tilespmem:s2+$0x70]  }
0x46e: {  	v9 =	vld [tilespmem:s2+$0x170]  }
0x46f: {  	v7 =	vld [tilespmem:s2+$0xFFFFFEF0]  }
0x470: {  	vm0 =	vnez.u8 v10;
	v10 =	vld [tilespmem:$0x1F330]  }
0x471: {  	v48 =	vmul.f32 v24, v62;
	v24 =	vld [tilespmem:$0x1FFF0]  }
0x472: {  	v44 =	vld [tilespmem:$0x1F350]  }
0x473: {  	v12 =	vld [tilespmem:s2+$0x1F0]  }
0x474: {  	v2 =	vld [tilespmem:s1+$0x10]  }
0x475: {  	v14 =	vld [tilespmem:s2+$0xFFFFFE60];
	v22 =	vsel vm0, v36, v22;
	vm0 =	vnez.u8 v10  }
0x476: {  	s6 =	sadd.s32 s5, s14;
	v16 =	vld [tilespmem:s2+$0xFFFFFF60];
	v25 =	vsel vm0, v36, v25;
	vm0 =	vnez.u8 v41  }
0x477: {  	v15 =	vld [tilespmem:s2+$0xFFFFFEE0];
	v24 =	vor.u32 s6, v24;
	v31 =	vsel vm0, v32, v31;
	vm0 =	vnez.u8 v44  }
0x478: {  	v18 =	vld [tilespmem:s2+$0x60];
	[tilespmem:$0x1F3B0] =	vst v24;
	v24 =	vor.u32 s6, v45;
	v22 =	vsel vm0, v32, v22;
	vm0 =	vnez.u8 v46  }
0x479: {  	[tilespmem:$0x1F410] =	vst v24;
	v24 =	vld [tilespmem:$0x1FFD0];
	v25 =	vsel vm0, v32, v25;
	vm0 =	vnez.u8 v47  }
0x47a: {  	[tilespmem:$0x1FB70] =	vst v3;
	v3 =	vld [tilespmem:s2+$0xFFFFFFE0];
	v31 =	vsel vm0, v35, v31  }
0x47b: {  	[tilespmem:$0x1FE30] =	vst v31;
	v31 =	vld [tilespmem:$0x1F380]  }
0x47c: {  	v57 =	vld [tilespmem:$0x1FEB0]  }
0x47d: {  	v19 =	vld [tilespmem:s2+$0xE0]  }
0x47e: {  	v4 =	vld [tilespmem:s1+$0x0];
	v24 =	vor.u32 s6, v24  }
0x47f: {  	[tilespmem:$0x1F400] =	vst v24;
	v24 =	vld [tilespmem:$0x1FFA0]  }
0x480: {  	v20 =	vld [tilespmem:s2+$0x160];
	vm0 =	vnez.u8 v31  }
0x481: {  	v17 =	vld [tilespmem:s2+$0xFFFFFF50];
	v22 =	vsel vm0, v35, v22  }
0x482: {  	[tilespmem:$0x1FE10] =	vst v22;
	v22 =	vld [tilespmem:$0x1F390]  }
0x483: {  	v52 =	vld [tilespmem:s2+$0xFFFFFFB0]  }
0x484: {  	v51 =	vor.u32 s6, v24;
	v24 =	vld [tilespmem:$0x1FF90]  }
0x485: {  	v45 =	vld [tilespmem:s2+$0xFFFFFF30]  }
0x486: {  	v27 =	vld [tilespmem:s2+$0x50]  }
0x487: {  	v28 =	vld [tilespmem:s2+$0xD0];
	vm0 =	vnez.u8 v22  }
0x488: {  	v23 =	vmul.f32 v23, v34;
	v22 =	vsel vm0, v35, v25;
	v25 =	vld [tilespmem:$0x1F3A0]  }
0x489: {  	v26 =	vmul.f32 v26, v60;
	v56 =	vmul.f32 v38, v61;
	v53 =	vor.u32 s6, v24;
	v24 =	vld [tilespmem:s1+$0xFFFFFFD0]  }
0x48a: {  	v1 =	vmul.f32 v1, v34;
	v11 =	vmul.f32 v11, v60;
	v29 =	vld [tilespmem:s2+$0x150]  }
0x48b: {  	v9 =	vmul.f32 v9, v49;
	v50 =	vor.u32 s6, v43;
	v43 =	vmul.f32 v52, v60;
	v52 =	vld [tilespmem:s2+$0x90]  }
0x48c: {  	v7 =	vmul.f32 v7, v62;
	v14 =	vmul.f32 v14, v34;
	v32 =	vld [tilespmem:s2+$0xFFFFFE40]  }
0x48d: {  	v15 =	vmul.f32 v15, v62;
	v3 =	vmul.f32 v3, v60;
	v31 =	vld [tilespmem:s2+$0xFFFFFFC0];
	vm0 =	vnez.u8 v25  }
0x48e: {  	v8 =	vmul.f32 v8, v57;
	v16 =	vmul.f32 v16, v57;
	[tilespmem:$0x1FDF0] =	vst v22;
	v22 =	vld [tilespmem:s2+$0xFFFFFEC0];
	v25 =	vsel vm0, v35, v33  }
0x48f: {  	v19 =	vmul.f32 v19, v61;
	v20 =	vmul.f32 v20, v49;
	[tilespmem:$0x1F3F0] =	vst v25;
	v25 =	vld [tilespmem:s2+$0xFFFFFF40]  }
0x490: {  	v17 =	vmul.f32 v17, v57;
	v28 =	vmul.f32 v28, v61;
	v33 =	vld [tilespmem:$0x1FED0]  }
0x491: {  	v58 =	vor.u32 s6, v42;
	v42 =	vmul.f32 v45, v57;
	v45 =	vmul.f32 v52, v61;
	v35 =	vld [tilespmem:$0x1FF00]  }
0x492: {  	v30 =	vld [tilespmem:s2+$0x1D0];
	v36 =	vmul.f32 v13, v61;
	v46 =	vmul.f32 v29, v49  }
0x493: {  	v3 =	vsub.f32 v3, v0;
	v10 =	vld [tilespmem:s1+$0xFFFFFFF0];
	v32 =	vmul.f32 v32, v34;
	v31 =	vmul.f32 v31, v60  }
0x494: {  	v13 =	vld [tilespmem:s1+$0xFFFFFFE0];
	v22 =	vmul.f32 v22, v62;
	v47 =	vmul.f32 v25, v57;
	v25 =	vsub.f32 v7, v5  }
0x495: {  	v41 =	vld [tilespmem:s2+$0xFFFFFE30];
	v6 =	vmul.f32 v6, v33;
	v7 =	vsub.f32 v8, v5;
	v8 =	vsub.f32 v11, v5  }
0x496: {  	v1 =	vsub.f32 v1, v5;
	[tilespmem:$0x1F4C0] =	vst v3;
	v29 =	vld [tilespmem:s2+$0x30];
	v12 =	vmul.f32 v12, v35;
	v18 =	vmul.f32 v18, v33  }
0x497: {  	v21 =	vmul.f32 v21, v35;
	v63 =	vmul.f32 v30, v35;
	v30 =	vld [tilespmem:s2+$0xB0];
	[tilespmem:$0x1F460] =	vst v8;
	v8 =	vsub.f32 v36, v5  }
0x498: {  	v44 =	vld [tilespmem:s2+$0xFFFFFEB0];
	v27 =	vmul.f32 v27, v33;
	v55 =	vmul.f32 v37, v33;
	v6 =	vsub.f32 v6, v5;
	[tilespmem:$0x1F450] =	vst v7  }
0x499: {  	v37 =	vmul.f32 v39, v49;
	v39 =	vld [tilespmem:s2+$0x1B0];
	[tilespmem:$0x1F480] =	vst v8;
	v8 =	vsub.f32 v9, v5;
	v5 =	vsub.f32 v12, v5  }
0x49a: {  	v38 =	vmul.f32 v40, v35;
	v40 =	vmul.f32 v41, v34;
	v3 =	vsub.f32 v18, v0;
	v18 =	vld [tilespmem:s2+$0x120];
	[tilespmem:$0x1F470] =	vst v6  }
0x49b: {  	v11 =	vmul.f32 v29, v33;
	v29 =	vsub.f32 v14, v0;
	v7 =	vld [tilespmem:s2+$0xFFFFFEA0];
	[tilespmem:$0x1F4A0] =	vst v5;
	v5 =	vsub.f32 v16, v0  }
0x49c: {  	v6 =	vld [tilespmem:s2+$0xFFFFFF20];
	[tilespmem:$0x1F4D0] =	vst v3;
	v9 =	vmul.f32 v30, v61;
	v30 =	vsub.f32 v15, v0;
	v16 =	vsub.f32 v19, v0  }
0x49d: {  	v15 =	vmul.f32 v59, v34;
	v59 =	vsub.f32 v27, v2;
	v19 =	vsub.f32 v48, v2;
	[tilespmem:$0x1F4B0] =	vst v5;
	v5 =	vld [tilespmem:s2+$0x20]  }
0x49e: {  	v41 =	vmul.f32 v44, v62;
	v3 =	vld [tilespmem:s2+$0xA0];
	[tilespmem:$0x1F4E0] =	vst v16;
	v16 =	vsub.f32 v20, v0;
	v0 =	vsub.f32 v21, v0  }
0x49f: {  	v14 =	vmul.f32 v39, v35;
	[tilespmem:$0x1F490] =	vst v8;
	v8 =	vld [tilespmem:s2+$0xFFFFFFA0];
	v9 =	vsub.f32 v9, v10;
	v21 =	vsub.f32 v32, v4  }
0x4a0: {  	v27 =	vld [tilespmem:s2+$0xFFFFFF10];
	v20 =	vmul.f32 v7, v62;
	v32 =	vsub.f32 v22, v4;
	[tilespmem:$0x1F500] =	vst v0;
	v0 =	vsub.f32 v17, v2  }
0x4a1: {  	v39 =	vmul.f32 v6, v57;
	v6 =	vld [tilespmem:s2+$0xFFFFFE10];
	v7 =	vsub.f32 v31, v4;
	v31 =	vsub.f32 v42, v10  }
0x4a2: {  	v48 =	vld [tilespmem:s2+$0x10];
	[tilespmem:$0x1F510] =	vst v0;
	v0 =	vsub.f32 v26, v2;
	v26 =	vmul.f32 v5, v33;
	v5 =	vsub.f32 v28, v2  }
0x4a3: {  	v12 =	vmul.f32 v54, v49;
	[tilespmem:$0x1F4F0] =	vst v16;
	v16 =	vsub.f32 v23, v2;
	v17 =	vld [tilespmem:s2+$0xFFFFFE90];
	v52 =	vsub.f32 v20, v13  }
0x4a4: {  	v22 =	vld [tilespmem:s2+$0xFFFFFF90];
	v20 =	vsub.f32 v39, v13;
	v44 =	vmul.f32 v8, v60;
	[tilespmem:$0x1F520] =	vst v5;
	v5 =	vsub.f32 v46, v2  }
0x4a5: {  	v42 =	vld [tilespmem:s2+$0xFFFFFE00];
	v8 =	vsub.f32 v55, v4;
	v28 =	vmul.f32 v3, v61;
	v2 =	vsub.f32 v63, v2  }
0x4a6: {  	v23 =	vld [tilespmem:s2+$0x1A0];
	v55 =	vmul.f32 v6, v34;
	v3 =	vsub.f32 v56, v4;
	v6 =	vsub.f32 v12, v10;
	[tilespmem:$0x1F530] =	vst v5  }
0x4a7: {  	v27 =	vmul.f32 v27, v57;
	v56 =	vld [tilespmem:s2+$0x110];
	[tilespmem:$0x1F540] =	vst v2;
	v5 =	vsub.f32 v47, v4;
	v2 =	vsub.f32 v37, v4  }
0x4a8: {  	v37 =	vsub.f32 v40, v10;
	v40 =	vmul.f32 v17, v62;
	v17 =	vsub.f32 v43, v10;
	v43 =	vld [tilespmem:s2+$0xFFFFFE80]  }
0x4a9: {  	v46 =	vmul.f32 v22, v60;
	v4 =	vsub.f32 v38, v4;
	v38 =	vsub.f32 v41, v10;
	v41 =	vld [tilespmem:s2+$0x190]  }
0x4aa: {  	v36 =	vld [tilespmem:s1+$0xFFFFFFC0];
	v63 =	vmul.f32 v48, v33;
	v48 =	vsub.f32 v15, v13;
	v22 =	vsub.f32 v44, v13  }
0x4ab: {  	v15 =	vld [tilespmem:s2+$0xFFFFFF00];
	v47 =	vmul.f32 v18, v49;
	v18 =	vsub.f32 v11, v10;
	v10 =	vsub.f32 v14, v10  }
0x4ac: {  	v23 =	vmul.f32 v23, v35;
	v14 =	vld [tilespmem:s2+$0xFFFFFF80];
	v11 =	vsub.f32 v28, v13;
	v46 =	vsub.f32 v46, v24  }
0x4ad: {  	v39 =	vmul.f32 v56, v49;
	v56 =	vsub.f32 v26, v13;
	v28 =	vmul.f32 v43, v62;
	v62 =	vld [tilespmem:s2+$0x100]  }
0x4ae: {  	v12 =	vsub.f32 v47, v13;
	v26 =	vmul.f32 v41, v35;
	v41 =	vmul.f32 v42, v34;
	v42 =	vld [tilespmem:s2+$0x80]  }
0x4af: {  	v47 =	vsub.f32 v55, v24;
	v13 =	vsub.f32 v23, v13  }
0x4b0: {  	v23 =	vsub.f32 v40, v24;
	v55 =	vsub.f32 v27, v24;
	v34 =	vmul.f32 v15, v57  }
0x4b1: {  	v60 =	vmul.f32 v14, v60;
	v57 =	vsub.f32 v63, v24;
	v14 =	vsub.f32 v45, v24  }
0x4b2: {  	v15 =	vsub.f32 v39, v24;
	v24 =	vsub.f32 v26, v24;
	v26 =	vmul.f32 v62, v49;
	v62 =	vld [tilespmem:$0x1F3C0]  }
0x4b3: {  	v44 =	vld [tilespmem:s2+$0x0];
	v39 =	vsub.f32 v41, v36;
	v41 =	vmul.f32 v42, v61  }
0x4b4: {  	v27 =	vld [tilespmem:s2+$0x180];
	v42 =	vsub.f32 v28, v36;
	v28 =	vlaneseq.u32  }
0x4b5: {  	v63 =	vor.u32 s6, v28;
	v28 =	vsub.f32 v41, v36;
	v41 =	vld [tilespmem:$0x1F3D0];
	_ =	sdelay $0x1  }
0x4b6: {  	v43 =	vsub.f32 v60, v36;
	v60 =	vld [tilespmem:$0x1F3E0];
	vm0 =	vgt.f32 v39, v62  }
0x4b7: {  	v44 =	vmul.f32 v44, v33;
	v49 =	vsel vm0, v39, v62;
	v62 =	vld [tilespmem:$0x1F3F0]  }
0x4b8: {  	v27 =	vmul.f32 v27, v35  }
0x4b9: {  	v44 =	vsub.f32 v44, v36;
	vm1 =	vgt.f32 v42, v41  }
0x4ba: {  	v40 =	vsub.f32 v34, v36;
	v27 =	vsub.f32 v27, v36;
	v54 =	vsel vm1, v42, v41  }
0x4bb: {  	v26 =	vsub.f32 v26, v36;
	v61 =	vsel vm1, v63, v60;
	vm1 =	vgt.f32 v23, v54  }
0x4bc: {  	v23 =	vsel vm1, v23, v54;
	v33 =	vsel vm0, v63, v62;
	vm0 =	vgt.f32 v47, v49  }
0x4bd: {  	v34 =	vsel vm1, v53, v61;
	vm1 =	vgt.f32 v52, v23;
	v36 =	vsel vm0, v47, v49  }
0x4be: {  	v47 =	vsel vm0, v53, v33;
	v23 =	vsel vm1, v52, v23;
	vm0 =	vgt.f32 v48, v36  }
0x4bf: {  	v39 =	vsel vm1, v51, v34;
	vm1 =	vgt.f32 v38, v23;
	v36 =	vsel vm0, v48, v36  }
0x4c0: {  	v62 =	vld [tilespmem:$0x1F400];
	v41 =	vsel vm0, v51, v47;
	v23 =	vsel vm1, v38, v23;
	vm0 =	vgt.f32 v37, v36  }
0x4c1: {  	v49 =	vsel vm1, v50, v39;
	vm1 =	vgt.f32 v32, v23;
	v36 =	vsel vm0, v37, v36  }
0x4c2: {  	v54 =	vsel vm0, v50, v41;
	v23 =	vsel vm1, v32, v23;
	v32 =	vld [tilespmem:$0x1F410];
	vm0 =	vgt.f32 v21, v36  }
0x4c3: {  	v60 =	vsel vm1, v58, v49;
	vm1 =	vgt.f32 v19, v23;
	v21 =	vsel vm0, v21, v36  }
0x4c4: {  	v61 =	vsel vm0, v58, v54;
	v19 =	vsel vm1, v19, v23;
	vm0 =	vgt.f32 v16, v21  }
0x4c5: {  	v16 =	vsel vm0, v16, v21;
	v21 =	vsel vm1, v62, v60;
	vm1 =	vgt.f32 v30, v19  }
0x4c6: {  	v23 =	vsel vm0, v62, v61;
	vm0 =	vgt.f32 v29, v16;
	v19 =	vsel vm1, v30, v19  }
0x4c7: {  	v35 =	vld [tilespmem:$0x1F3B0];
	v16 =	vsel vm0, v29, v16;
	v33 =	vsel vm0, v32, v23;
	vm0 =	vgt.f32 v25, v19  }
0x4c8: {  	vm14 =	vgt.f32 v1, v16;
	v37 =	vsel vm0, v25, v19;
	v19 =	vld [tilespmem:$0x1F440]  }
0x4c9: {  	v41 =	vsel vm14, v1, v16;
	v1 =	vld [tilespmem:$0x1F420]  }
0x4ca: {  	v16 =	vld [tilespmem:$0x1F430];
	_ =	sdelay $0x2  }
0x4cb: {  	v45 =	vld [tilespmem:$0x1FFE0];
	v21 =	vsel vm1, v32, v21  }
0x4cc: {  	v42 =	vld [tilespmem:$0x1FFC0];
	v25 =	vsel vm0, v35, v21;
	v21 =	vimm.s32 $0x0;
	vm15 =	vgt.f32 v44, v19  }
0x4cd: {  	v52 =	vld [tilespmem:$0x1FE30];
	vm1 =	vgt.f32 v40, v1;
	vm9 =	vgt.f32 v43, v16;
	v19 =	vsel vm15, v44, v19  }
0x4ce: {  	v34 =	vld [tilespmem:$0x1FE90];
	v1 =	vsel vm1, v40, v1;
	v16 =	vsel vm9, v43, v16;
	vm5 =	vgt.f32 v57, v19  }
0x4cf: {  	p0 =	sne.s32 s5, $0x780;
	v48 =	vld [tilespmem:$0x1FE10];
	vm0 =	vgt.f32 v55, v1;
	vm2 =	vgt.f32 v46, v16;
	v19 =	vsel vm5, v57, v19  }
.Ltmp4:
0x4d0: {  	v38 =	vld [tilespmem:$0x1FB70];
	v21 =	vsel vm0, $0xFFFFFFFF, v21;
	v1 =	vsel vm0, v55, v1;
	v16 =	vsel vm2, v46, v16;
	(pc) =	sbr.rel @p0 .LBB2_9-.Ltmp4, $4  }
0x4d1: {  	v44 =	vld [tilespmem:$0x1FDF0];
	vm10 =	vgt.f32 v56, v19;
	vm4 =	vgt.f32 v20, v1;
	vm7 =	vgt.f32 v22, v16  }
0x4d2: {  	v43 =	vld [tilespmem:$0x1FFB0];
	v19 =	vsel vm10, v56, v19;
	v1 =	vsel vm4, v20, v1;
	v16 =	vsel vm7, v22, v16  }
0x4d3: {  	v36 =	vmovc v62;
	v57 =	vld [tilespmem:$0x1FDB0];
	vm12 =	vgt.f32 v18, v19;
	vm8 =	vgt.f32 v31, v1;
	vm3 =	vgt.f32 v17, v16  }
0x4d4: {  	s5 =	sadd.s32 $0x80, s5;
	[tilespmem:$0x1F550] =	vst v21;
	v20 =	vld [tilespmem:$0x1FB80];
	v1 =	vsel vm8, v31, v1;
	v16 =	vsel vm3, v17, v16;
	v17 =	vsel vm12, v18, v19  }
0x4d5: {  	v18 =	vld [tilespmem:$0x1FDE0]  }
0x4d6: {  	v21 =	vld [tilespmem:$0x1FDC0];
	vm6 =	vgt.f32 v27, v38  }
0x4d7: {  	v19 =	vld [tilespmem:$0x1FDD0];
	v22 =	vsel vm6, v27, v38  }
0x4d8: {  	v23 =	vsel vm6, v63, v57;
	vm6 =	vgt.f32 v24, v22  }
0x4d9: {  	v34 =	vsel vm14, v35, v33;
	vm13 =	vgt.f32 v26, v20;
	v40 =	vsel vm6, v24, v22  }
0x4da: {  	v46 =	vsel vm6, v53, v23;
	vm0 =	vgt.f32 v28, v18;
	v20 =	vsel vm13, v26, v20  }
0x4db: {  	v21 =	vsel vm13, v63, v21;
	vm6 =	vgt.f32 v13, v40;
	v18 =	vsel vm0, v28, v18  }
0x4dc: {  	v19 =	vsel vm0, v63, v19;
	vm13 =	vgt.f32 v15, v20;
	v13 =	vsel vm6, v13, v40  }
0x4dd: {  	v54 =	vsel vm6, v51, v46;
	vm11 =	vgt.f32 v14, v18;
	v15 =	vsel vm13, v15, v20  }
0x4de: {  	v39 =	vsel vm13, v53, v21;
	vm6 =	vgt.f32 v10, v13;
	v20 =	vsel vm15, v63, v44  }
0x4df: {  	v14 =	vsel vm11, v14, v18;
	v38 =	vsel vm11, v53, v19;
	vm13 =	vgt.f32 v12, v15  }
0x4e0: {  	v10 =	vsel vm6, v10, v13;
	v57 =	vsel vm6, v50, v54;
	v18 =	vsel vm1, v63, v52  }
0x4e1: {  	v19 =	vsel vm9, v63, v48;
	v13 =	vsel vm5, v53, v20;
	vm9 =	vgt.f32 v8, v17  }
0x4e2: {  	vm11 =	vgt.f32 v11, v14;
	v12 =	vsel vm13, v12, v15;
	v49 =	vsel vm13, v51, v39  }
0x4e3: {  	vm6 =	vgt.f32 v4, v10;
	v13 =	vsel vm10, v51, v13;
	v23 =	vsel vm9, v8, v17  }
0x4e4: {  	v21 =	vld [tilespmem:$0x1F550];
	v11 =	vsel vm11, v11, v14;
	v47 =	vsel vm11, v51, v38;
	vm13 =	vgt.f32 v6, v12  }
0x4e5: {  	v4 =	vsel vm6, v4, v10;
	v62 =	vsel vm6, v58, v57;
	v13 =	vsel vm12, v50, v13  }
0x4e6: {  	v26 =	vld [tilespmem:$0x1F510];
	vm12 =	vgt.f32 v59, v23;
	vm11 =	vgt.f32 v9, v11;
	v6 =	vsel vm13, v6, v12  }
0x4e7: {  	v15 =	vld [tilespmem:$0x1F530];
	v56 =	vsel vm13, v50, v49;
	v12 =	vsel vm2, v53, v19;
	v28 =	vsel vm9, v58, v13  }
0x4e8: {  	v39 =	vld [tilespmem:$0x1F4D0];
	v29 =	vsel vm12, v59, v23;
	v9 =	vsel vm11, v9, v11;
	v55 =	vsel vm11, v50, v47  }
0x4e9: {  	v14 =	vld [tilespmem:$0x1F520];
	vm13 =	vgt.f32 v2, v6;
	vm6 =	vnez.u8 v21;
	v12 =	vsel vm7, v51, v12  }
0x4ea: {  	vm7 =	vgt.f32 v5, v1;
	v40 =	vsel vm12, v36, v28;
	vm11 =	vgt.f32 v3, v9  }
0x4eb: {  	v2 =	vsel vm13, v2, v6;
	v61 =	vsel vm13, v58, v56;
	v11 =	vsel vm6, v53, v18  }
0x4ec: {  	v31 =	vld [tilespmem:$0x1F4B0];
	v12 =	vsel vm3, v50, v12;
	v1 =	vsel vm7, v5, v1;
	v3 =	vsel vm11, v3, v9  }
0x4ed: {  	v46 =	vld [tilespmem:$0x1F470];
	v60 =	vsel vm11, v58, v55;
	vm13 =	vgt.f32 v15, v2;
	v11 =	vsel vm4, v51, v11  }
0x4ee: {  	v49 =	vld [tilespmem:$0x1F540];
	vm10 =	vgt.f32 v26, v1;
	vm15 =	vgt.f32 v39, v29;
	vm11 =	vgt.f32 v14, v3  }
0x4ef: {  	v2 =	vsel vm13, v15, v2;
	v6 =	vsel vm13, v36, v61;
	v11 =	vsel vm8, v50, v11  }
0x4f0: {  	[tilespmem:$0x9080] =	vst v41;
	v41 =	vld [tilespmem:$0x1F450];
	vm8 =	vgt.f32 v7, v16;
	v1 =	vsel vm10, v26, v1;
	v5 =	vsel vm15, v39, v29  }
0x4f1: {  	v38 =	vld [tilespmem:$0x1F4C0];
	v52 =	vsel vm15, v32, v40;
	v3 =	vsel vm11, v14, v3;
	v9 =	vsel vm11, v36, v60  }
0x4f2: {  	v53 =	vld [tilespmem:$0x1F4F0];
	v22 =	vsel vm8, v7, v16;
	v24 =	vsel vm7, v58, v11;
	v27 =	vsel vm8, v58, v12  }
0x4f3: {  	vm13 =	vgt.f32 v31, v1;
	vm8 =	vgt.f32 v46, v5;
	vm9 =	vgt.f32 v49, v4  }
0x4f4: {  	[tilespmem:$0x9100] =	vst v37;
	v59 =	vld [tilespmem:$0x1F490];
	vm11 =	vgt.f32 v0, v22;
	v30 =	vsel vm10, v36, v24;
	v1 =	vsel vm13, v31, v1  }
0x4f5: {  	[tilespmem:$0x9500] =	vst v25;
	v44 =	vld [tilespmem:$0x1F460];
	v47 =	vsel vm8, v46, v5;
	v51 =	vsel vm9, v49, v4;
	v4 =	vsel vm8, v35, v52  }
0x4f6: {  	[tilespmem:$0x9480] =	vst v34;
	v50 =	vld [tilespmem:$0x1F4E0];
	v0 =	vsel vm11, v0, v22;
	v11 =	vsel vm11, v36, v27;
	vm6 =	vgt.f32 v41, v1  }
0x4f7: {  	v54 =	vld [tilespmem:$0x1F480];
	v7 =	vsel vm13, v32, v30;
	vm11 =	vgt.f32 v53, v2;
	[tilespmem:$0x9280] =	vst v47;
	vm14 =	vgt.f32 v38, v0  }
0x4f8: {  	v58 =	vld [tilespmem:$0x1F500];
	[tilespmem:$0x9680] =	vst v4;
	v1 =	vsel vm6, v41, v1;
	v7 =	vsel vm6, v35, v7;
	v55 =	vsel vm11, v53, v2  }
0x4f9: {  	v0 =	vsel vm14, v38, v0;
	[tilespmem:$0x9180] =	vst v1;
	v48 =	vsel vm14, v32, v11;
	vm14 =	vgt.f32 v59, v55  }
0x4fa: {  	v61 =	vsel vm9, v36, v62;
	v62 =	vld [tilespmem:$0x1F4A0];
	v60 =	vsel vm11, v32, v6;
	[tilespmem:$0x9580] =	vst v7;
	v1 =	vsel vm14, v59, v55  }
0x4fb: {  	vm10 =	vgt.f32 v50, v3;
	vm7 =	vgt.f32 v44, v0;
	v2 =	vsel vm14, v35, v60;
	[tilespmem:$0x9380] =	vst v1  }
0x4fc: {  	v3 =	vsel vm10, v50, v3;
	v0 =	vsel vm7, v44, v0;
	[tilespmem:$0x9780] =	vst v2  }
0x4fd: {  	vm13 =	vgt.f32 v58, v51;
	v5 =	vsel vm7, v35, v48;
	vm12 =	vgt.f32 v54, v3;
	[tilespmem:$0x9200] =	vst v0  }
0x4fe: {  	v57 =	vsel vm10, v32, v9;
	[tilespmem:$0x9600] =	vst v5;
	v56 =	vsel vm12, v54, v3;
	v0 =	vsel vm13, v58, v51  }
0x4ff: {  	v3 =	vsel vm12, v35, v57;
	[tilespmem:$0x9300] =	vst v56;
	vm15 =	vgt.f32 v62, v0  }
0x500: {  	v63 =	vsel vm13, v32, v61;
	[tilespmem:$0x9700] =	vst v3;
	v0 =	vsel vm15, v62, v0  }
0x501: {  	v1 =	vsel vm15, v35, v63;
	[tilespmem:$0x9400] =	vst v0  }
0x502: {  	s1 =	simm.s32 $0x9080;
	[tilespmem:$0x9800] =	vst v1  }
0x503: {  	[hbm4b:s15+s3] =	stream.linear.scatter [tilespmem:s1], [sflag:$0x5], $0x400, $0x38;
	[tilespmem:$0x9880] =	vst v63  }
0x504: {  	_ =	swait.ge [sflag:s19], $0x400  }
0x505: {  	s30 =	sadd.s32 $0x1, s30;
	[sflag:s19] =	ssyncset.done $0x0  }
0x506: {  	s31 =	simm.s32 $0x9480;
	p0 =	sne.s32 s30, s17;
	[sflag:s19] =	ssyncadd.s32 $0xFFFFFC00  }
0x507: {  	[hbm4b:s16+s3] =	stream.linear.scatter [tilespmem:s31], [sflag:$0x5], $0x400, $0x38;
	[tilespmem:$0x9880] =	vst v63  }
.Ltmp5:
0x508: {  	_ =	swait.ge [sflag:s19], $0x400;
	(pc) =	sbr.rel @p0 .LBB2_1-.Ltmp5, $4  }
0x509: {  	v52 =	vld [tilespmem:$0x1FF90]  }
0x50a: {  	v55 =	vld [tilespmem:$0x1FFA0]  }
0x50b: {  	[sflag:s19] =	ssyncset.done $0x0;
	v51 =	vld [tilespmem:$0x1FFD0]  }
0x50c: {  	v50 =	vld [tilespmem:$0x1FFF0];
	[sflag:s19] =	ssyncadd.s32 $0xFFFFFC00  }
0x50d: {  	_ =	sfence.sel $0x180000  }
0x50e: {  	[bflag:$0x0] =	sbarrier.arrive $0xFFFF  }
0x50f: {  	_ =	strace $0x90000047  }
0x510: {  	s0 =	stileid.u32;
	[bflag:$0x2] =	sbarrier.arrive $0xFFFF  }
0x511: {  	p0 =	sne.s32 s0, $0x0;
	s0 =	rddreg [dreg:$0x3]  }
0x512: {  	s0 =	sadd.s32 @!p0 $0x100000, s0  }
0x513: {  	[sflag:s0] =	ssyncadd.tile.s32 @!p0 $0x1;
	_ =	shalt  }
.Lfunc_end2:
_tile_overlayer_lowered:
.L_overlay_start_2:
0x514: {  	(tag) =	ssettag $0x2  }
0x515: {  	s0 =	rddreg [dreg:$0x0];
	s2 =	stileid.u32  }
0x516: {  	s1 =	rddreg [dreg:$0x1];
	p0 =	sne.s32 s2, $0x0  }
0x517: {  	s3 =	rddreg [dreg:$0x2];
	[bflag:$0x3] =	sbarrier.arrive $0xFFFF;
	s2 =	simm.s32 @!p0 $0x1C05  }
0x518: {  	[timem:s3], [sflag:s2] =	dma.local @!p0 [hbm:s0], s1  }
0x519: {  	s0 =	simm.s32 @!p0 $0x5  }
0x51a: {  	_ =	swait.ge @!p0 [sflag:s0], s1  }
0x51b: {  	s1 =	ssub.s32 @!p0 $0x0, s1;
	[sflag:s0] =	ssyncset.done @!p0 $0x0  }
0x51c: {  	[sflag:s0] =	ssyncadd.s32 @!p0 s1  }
0x51d: {  	[bflag:$0x3] =	sbarrier.arrive $0xFFFF  }
0x51e: {  	_ =	shalt  }

</sc_bundles>
